<compile_context>
chip_gen: v7x
topology: tpu7x:2x2x1
jax: 0.10.2.dev20260603
libtpu: 0.0.44.dev20260713+nightly
codegen_flags: <defaults>
</compile_context>

<pallas_src>
import functools

import jax
import jax.numpy as jnp
from jax import lax
from jax.experimental import pallas as pl
from jax.experimental.pallas import tpu as pltpu
from jax.experimental.pallas import tpu_sc as plsc

NC = 2
NS = 16
NW = NC * NS
CHUNK = 112
NBUF = 3



def _make_deg_kernel(n_pad, steps):
    mesh = plsc.VectorSubcoreMesh(core_axis_name="c", subcore_axis_name="s")
    rows_per_tile = n_pad // NS
    zsteps = rows_per_tile // CHUNK

    @functools.partial(
        pl.kernel,
        out_type=jax.ShapeDtypeStruct((NC, n_pad, 16), jnp.float32),
        mesh=mesh,
        compiler_params=pltpu.CompilerParams(use_tc_tiling_on_sc=False),
        scratch_types=[
            pltpu.VMEM((steps, 2, CHUNK), jnp.int32),
            pltpu.VMEM((CHUNK, 16), jnp.float32),
            pltpu.VMEM((CHUNK, 16), jnp.float32),
            pltpu.VMEM_SHARED((n_pad, 16), jnp.float32),
        ],
    )
    def deg_kernel(ei_hbm, ones_hbm, zeros_hbm, out_hbm,
                   ei_v, ones_v, zeros_v, acc_sh):
        cid = lax.axis_index("c")
        sid = lax.axis_index("s")
        wid = cid * NS + sid
        pltpu.sync_copy(ones_hbm, ones_v)
        pltpu.sync_copy(zeros_hbm, zeros_v)
        pltpu.sync_copy(ei_hbm.at[pl.ds(wid * steps, steps)], ei_v)
        base = sid * rows_per_tile
        for j in range(zsteps):
            pltpu.sync_copy(zeros_v, acc_sh.at[pl.ds(base + j * CHUNK, CHUNK)])
        zrem = rows_per_tile % CHUNK
        if zrem:
            pltpu.sync_copy(
                zeros_v.at[pl.ds(0, zrem)],
                acc_sh.at[pl.ds(base + zsteps * CHUNK, zrem)])
        plsc.subcore_barrier()

        def body(k, _):
            pltpu.sync_copy(ones_v, acc_sh.at[ei_v.at[k, 1]], add=True)
            return ()

        lax.fori_loop(0, steps, body, ())
        plsc.subcore_barrier()
        pltpu.sync_copy(
            acc_sh.at[pl.ds(base, rows_per_tile)],
            out_hbm.at[cid, pl.ds(base, rows_per_tile)],
        )

    return deg_kernel


def _make_prop_kernel(n_pad, d, n0, n1):
    M = 2 * NBUF
    assert n0 % M == 0 and n1 % M == 0
    mesh = plsc.VectorSubcoreMesh(core_axis_name="c", subcore_axis_name="s")
    rows_per_tile = n_pad // NS
    zsteps = rows_per_tile // CHUNK

    @functools.partial(
        pl.kernel,
        out_type=jax.ShapeDtypeStruct((NC, n_pad, d), jnp.float32),
        mesh=mesh,
        compiler_params=pltpu.CompilerParams(use_tc_tiling_on_sc=False),
        scratch_types=[
            [pltpu.VMEM((2, CHUNK), jnp.int32)] * M,
            [pltpu.VMEM((CHUNK, d), jnp.float32)] * NBUF,
            pltpu.VMEM_SHARED((n_pad, d), jnp.float32),
            [pltpu.SemaphoreType.DMA] * M,
            [pltpu.SemaphoreType.DMA] * NBUF,
        ],
    )
    def prop_kernel(ei_hbm, g_hbm, zeros_hbm, out_hbm,
                    idx_v, rows_v, acc_sh, isems, gsems):
        cid = lax.axis_index("c")
        sid = lax.axis_index("s")
        nc = jnp.where(cid == 0, n0, n1)
        iters = jnp.where(cid == 0, n0 // M, n1 // M)
        erow = jnp.where(cid == 0, sid * n0, NS * n0 + sid * n1)
        pltpu.sync_copy(zeros_hbm, rows_v[0])
        base = sid * rows_per_tile
        for j in range(zsteps):
            pltpu.sync_copy(rows_v[0],
                            acc_sh.at[pl.ds(base + j * CHUNK, CHUNK)])
        zrem = rows_per_tile % CHUNK
        if zrem:
            pltpu.sync_copy(
                rows_v[0].at[pl.ds(0, zrem)],
                acc_sh.at[pl.ds(base + zsteps * CHUNK, zrem)])
        plsc.subcore_barrier()

        for j in range(M):
            pltpu.async_copy(ei_hbm.at[erow + j], idx_v[j], isems[j])
        for b in range(NBUF):
            pltpu.make_async_copy(ei_hbm.at[0], idx_v[b], isems[b]).wait()
            pltpu.async_copy(g_hbm.at[idx_v[b].at[0]], rows_v[b], gsems[b])

        def body(i, _):
            for s in range(M):
                b = s % NBUF
                k = i * M + s
                pltpu.make_async_copy(g_hbm.at[pl.ds(0, CHUNK)],
                                      rows_v[b], gsems[b]).wait()
                pltpu.sync_copy(rows_v[b], acc_sh.at[idx_v[s].at[1]],
                                add=True)
                nk = lax.rem(k + M, nc)
                pltpu.async_copy(ei_hbm.at[erow + nk], idx_v[s], isems[s])
                s2 = (s + NBUF) % M
                pltpu.make_async_copy(ei_hbm.at[0], idx_v[s2],
                                      isems[s2]).wait()
                pltpu.async_copy(g_hbm.at[idx_v[s2].at[0]], rows_v[b],
                                 gsems[b])
            return ()

        lax.fori_loop(0, iters, body, ())
        for b in range(NBUF):
            pltpu.make_async_copy(g_hbm.at[pl.ds(0, CHUNK)],
                                  rows_v[b], gsems[b]).wait()
        for s in range(M - NBUF, M):
            pltpu.make_async_copy(ei_hbm.at[0], idx_v[s], isems[s]).wait()
        plsc.subcore_barrier()
        pltpu.sync_copy(
            acc_sh.at[pl.ds(base, rows_per_tile)],
            out_hbm.at[cid, pl.ds(base, rows_per_tile)],
        )

    return prop_kernel



def _dis_from_deg(da, db):
    deg = da[:, :1] + db[:, :1] + 1.0
    return lax.rsqrt(deg)


def _tc_h1(x, w1, n_pad, d_in, d_hid, blk):
    def body(x_ref, w_ref, h_ref):
        h_ref[...] = jnp.dot(x_ref[...], w_ref[...],
                             preferred_element_type=jnp.float32)

    return pl.pallas_call(
        body,
        grid=(n_pad // blk,),
        in_specs=[
            pl.BlockSpec((blk, d_in), lambda i: (i, 0)),
            pl.BlockSpec((d_in, d_hid), lambda i: (0, 0)),
        ],
        out_specs=pl.BlockSpec((blk, d_hid), lambda i: (i, 0)),
        out_shape=jax.ShapeDtypeStruct((n_pad, d_hid), jnp.float32),
    )(x, w1)


def _tc_scale(dega, degb, h1, n_pad, d_hid, blk):
    def body(da_ref, db_ref, h_ref, g_ref):
        dis = _dis_from_deg(da_ref[...], db_ref[...])
        g_ref[...] = dis * h_ref[...]

    return pl.pallas_call(
        body,
        grid=(n_pad // blk,),
        in_specs=[
            pl.BlockSpec((blk, 16), lambda i: (i, 0)),
            pl.BlockSpec((blk, 16), lambda i: (i, 0)),
            pl.BlockSpec((blk, d_hid), lambda i: (i, 0)),
        ],
        out_specs=pl.BlockSpec((blk, d_hid), lambda i: (i, 0)),
        out_shape=jax.ShapeDtypeStruct((n_pad, d_hid), jnp.float32),
    )(dega, degb, h1)


def _tc_mid(u1, dega, degb, g1, b1, w2, n_pad, d_hid, d_out, blk):
    def body(ua_ref, ub_ref, da_ref, db_ref, g_ref, b_ref, w_ref, o_ref):
        dis = _dis_from_deg(da_ref[...], db_ref[...])
        z = jax.nn.relu(dis * (ua_ref[0] + ub_ref[0] + g_ref[...])
                        + b_ref[...])
        o_ref[...] = dis * jnp.dot(z, w_ref[...],
                                   preferred_element_type=jnp.float32)

    return pl.pallas_call(
        body,
        grid=(n_pad // blk,),
        in_specs=[
            pl.BlockSpec((1, blk, d_hid), lambda i: (0, i, 0)),
            pl.BlockSpec((1, blk, d_hid), lambda i: (1, i, 0)),
            pl.BlockSpec((blk, 16), lambda i: (i, 0)),
            pl.BlockSpec((blk, 16), lambda i: (i, 0)),
            pl.BlockSpec((blk, d_hid), lambda i: (i, 0)),
            pl.BlockSpec((1, d_hid), lambda i: (0, 0)),
            pl.BlockSpec((d_hid, d_out), lambda i: (0, 0)),
        ],
        out_specs=pl.BlockSpec((blk, d_out), lambda i: (i, 0)),
        out_shape=jax.ShapeDtypeStruct((n_pad, d_out), jnp.float32),
    )(u1, u1, dega, degb, g1, b1, w2)


def _tc_out(u2, dega, degb, g2, b2, n_pad, d_out, blk):
    def body(ua_ref, ub_ref, da_ref, db_ref, g_ref, b_ref, o_ref):
        dis = _dis_from_deg(da_ref[...], db_ref[...])
        o_ref[...] = jax.nn.sigmoid(
            dis * (ua_ref[0] + ub_ref[0] + g_ref[...]) + b_ref[...])

    return pl.pallas_call(
        body,
        grid=(n_pad // blk,),
        in_specs=[
            pl.BlockSpec((1, blk, d_out), lambda i: (0, i, 0)),
            pl.BlockSpec((1, blk, d_out), lambda i: (1, i, 0)),
            pl.BlockSpec((blk, 16), lambda i: (i, 0)),
            pl.BlockSpec((blk, 16), lambda i: (i, 0)),
            pl.BlockSpec((blk, d_out), lambda i: (i, 0)),
            pl.BlockSpec((1, d_out), lambda i: (0, 0)),
        ],
        out_specs=pl.BlockSpec((blk, d_out), lambda i: (i, 0)),
        out_shape=jax.ShapeDtypeStruct((n_pad, d_out), jnp.float32),
    )(u2, u2, dega, degb, g2, b2)



def kernel(x, edge_index, W1, b1, W2, b2):
    n, d_in = x.shape
    d_hid = W1.shape[1]
    d_out = W2.shape[1]
    e = edge_index.shape[1]

    n_pad = ((n + 128 * NS - 1) // (128 * NS)) * (128 * NS)
    m = 2 * NBUF
    steps = (e + NW * CHUNK - 1) // (NW * CHUNK)
    steps = ((steps + m - 1) // m) * m
    e_pad = NW * CHUNK * steps
    t_pair = 2 * steps
    n0 = t_pair // 2
    n1 = t_pair - n0

    src = edge_index[0]
    dst = edge_index[1]
    pad_e = e_pad - e
    dump = n + (jnp.arange(pad_e, dtype=jnp.int32) % (n_pad - n))
    src_p = jnp.concatenate([src, dump]).reshape(e_pad // CHUNK, 1, CHUNK)
    dst_p = jnp.concatenate([dst, dump]).reshape(e_pad // CHUNK, 1, CHUNK)
    ei_p = jnp.concatenate([src_p, dst_p], axis=1)

    x_p = jnp.zeros((n_pad, d_in), x.dtype).at[:n].set(x)
    ones_rows = jnp.ones((CHUNK, 16), jnp.float32)
    zeros16 = jnp.zeros((CHUNK, 16), jnp.float32)
    zeros_hid = jnp.zeros((CHUNK, d_hid), jnp.float32)
    zeros_out = jnp.zeros((CHUNK, d_out), jnp.float32)

    blk = 1024
    deg16 = _make_deg_kernel(n_pad, steps)(ei_p, ones_rows, zeros16)
    h1 = _tc_h1(x_p, W1, n_pad, d_in, d_hid, blk)
    dega, degb = deg16[0], deg16[1]
    g1 = _tc_scale(dega, degb, h1, n_pad, d_hid, blk)

    u1 = _make_prop_kernel(n_pad, d_hid, n0, n1)(ei_p, g1, zeros_hid)

    g2 = _tc_mid(u1, dega, degb, g1, b1.reshape(1, d_hid), W2,
                 n_pad, d_hid, d_out, blk)

    u2 = _make_prop_kernel(n_pad, d_out, n0, n1)(ei_p, g2, zeros_out)

    out = _tc_out(u2, dega, degb, g2, b2.reshape(1, d_out), n_pad, d_out, blk)
    return out[:n]

# --- scband reference (transcript-rebuilt; emitter-appended) ---
"""Pipeline reference for scband-gcn-9929964388353 (READ-ONLY COPY).

The authoritative reference and input builder live on the scoring server;
editing this copy changes nothing except your own understanding.
"""

import jax, jax.numpy as jnp
import numpy as np

N = 10000
E = 320000
D_IN = 128
D_HID = 128
D_OUT = 64


def setup_inputs(seed: int = 0) -> dict:
    key = jax.random.key(seed)
    k1, k2, k3, k4 = jax.random.split(key, 4)
    x = jax.random.normal(k1, (N, D_IN), dtype=jnp.float32)
    edge_index = jax.random.randint(k2, (2, E), 0, N, dtype=jnp.int32)
    W1 = jax.random.normal(k3, (D_IN, D_HID), dtype=jnp.float32) * (1.0 / np.sqrt(D_IN))
    b1 = jnp.zeros((D_HID,), dtype=jnp.float32)
    W2 = jax.random.normal(k4, (D_HID, D_OUT), dtype=jnp.float32) * (1.0 / np.sqrt(D_HID))
    b2 = jnp.zeros((D_OUT,), dtype=jnp.float32)
    return {"x": x, "edge_index": edge_index, "W1": W1, "b1": b1, "W2": W2, "b2": b2}


def gcn_conv(x, edge_index, W, b):
    # Faithful PyG GCNConv: linear transform, add self-loops, symmetric deg normalization,
    # gather messages from src, scatter-add to dst.
    n = x.shape[0]
    h = x @ W
    loop = jnp.arange(n, dtype=edge_index.dtype)
    src = jnp.concatenate([edge_index[0], loop])
    dst = jnp.concatenate([edge_index[1], loop])
    deg = jax.ops.segment_sum(jnp.ones_like(dst, dtype=h.dtype), dst, num_segments=n)
    deg_inv_sqrt = jnp.where(deg > 0, jax.lax.rsqrt(jnp.maximum(deg, 1e-12)), 0.0)
    norm = deg_inv_sqrt[src] * deg_inv_sqrt[dst]
    msgs = h[src] * norm[:, None]
    out = jax.ops.segment_sum(msgs, dst, num_segments=n)
    return out + b


def reference(x, edge_index, W1, b1, W2, b2):
    h = jax.nn.relu(gcn_conv(x, edge_index, W1, b1))
    out = gcn_conv(h, edge_index, W2, b2)
    return jax.nn.sigmoid(out)

if __name__ == "__main__":
    import jax
    _d = setup_inputs()
    print(jax.jit(kernel)(*tuple(_d.values())))

</pallas_src>

<mosaic_0001>
#map = affine_map<(d0, d1) -> (0, 0, 0)>
#map1 = affine_map<(d0, d1) -> (0, 0)>
module attributes {stable_mosaic.version = 14 : i64} {
  func.func @prop_kernel(%arg0: i32, %arg1: i32, %arg2: memref<2880x2x112xi32, #tpu.memory_space<hbm>>, %arg3: memref<10240x128xf32, #tpu.memory_space<hbm>>, %arg4: memref<112x128xf32, #tpu.memory_space<hbm>>, %arg5: memref<2x10240x128xf32, #tpu.memory_space<hbm>>, %arg6: memref<2x112xi32, #tpu.memory_space<vmem>>, %arg7: memref<2x112xi32, #tpu.memory_space<vmem>>, %arg8: memref<2x112xi32, #tpu.memory_space<vmem>>, %arg9: memref<2x112xi32, #tpu.memory_space<vmem>>, %arg10: memref<2x112xi32, #tpu.memory_space<vmem>>, %arg11: memref<2x112xi32, #tpu.memory_space<vmem>>, %arg12: memref<112x128xf32, #tpu.memory_space<vmem>>, %arg13: memref<112x128xf32, #tpu.memory_space<vmem>>, %arg14: memref<112x128xf32, #tpu.memory_space<vmem>>, %arg15: memref<10240x128xf32, #tpu.memory_space<vmem_shared>>, %arg16: memref<!tpu.dma_semaphore, #tpu.memory_space<semaphore_mem>>, %arg17: memref<!tpu.dma_semaphore, #tpu.memory_space<semaphore_mem>>, %arg18: memref<!tpu.dma_semaphore, #tpu.memory_space<semaphore_mem>>, %arg19: memref<!tpu.dma_semaphore, #tpu.memory_space<semaphore_mem>>, %arg20: memref<!tpu.dma_semaphore, #tpu.memory_space<semaphore_mem>>, %arg21: memref<!tpu.dma_semaphore, #tpu.memory_space<semaphore_mem>>, %arg22: memref<!tpu.dma_semaphore, #tpu.memory_space<semaphore_mem>>, %arg23: memref<!tpu.dma_semaphore, #tpu.memory_space<semaphore_mem>>, %arg24: memref<!tpu.dma_semaphore, #tpu.memory_space<semaphore_mem>>) attributes {dimension_semantics = [#tpu.dimension_semantics<core_parallel>, #tpu.dimension_semantics<subcore_parallel>], iteration_bounds = array<i64: 2, 16>, scalar_prefetch = 0 : i64, scratch_operands = 19 : i64, tpu.core_type = #tpu.core_type<sc_vector_subcore>, window_params = [{transform_indices = #map}, {transform_indices = #map1}, {transform_indices = #map1}, {transform_indices = #map}]} {
    %eq3A = arith.constant 0 : i32
    %eq3A_0 = arith.cmpi eq, %arg0, %eq3A : i32
    %jit3A = arith.constant 90 : i32
    %jit3A_1 = arith.constant 90 : i32
    %select_n3A = arith.select %eq3A_0, %jit3A, %jit3A_1 : i32
    %eq3A_2 = arith.constant 0 : i32
    %eq3A_3 = arith.cmpi eq, %arg0, %eq3A_2 : i32
    %jit3A_4 = arith.constant 15 : i32
    %jit3A_5 = arith.constant 15 : i32
    %select_n3A_6 = arith.select %eq3A_3, %jit3A_4, %jit3A_5 : i32
    %eq3A_7 = arith.constant 0 : i32
    %eq3A_8 = arith.cmpi eq, %arg0, %eq3A_7 : i32
    %mul3A = arith.constant 90 : i32
    %mul3A_9 = arith.muli %arg1, %mul3A : i32
    %mul3A_10 = arith.constant 90 : i32
    %mul3A_11 = arith.muli %arg1, %mul3A_10 : i32
    %add3A = arith.constant 1440 : i32
    %add3A_12 = arith.addi %add3A, %mul3A_11 : i32
    %select_n3A_13 = arith.select %eq3A_8, %mul3A_9, %add3A_12 : i32
    "tpu.region"() ({
      %run_scoped3A = tpu.sem_alloc : memref<!tpu.dma_semaphore, #tpu.memory_space<semaphore_mem>>
      tpu.enqueue_dma source(%arg4 : memref<112x128xf32, #tpu.memory_space<hbm>>) target(%arg12 : memref<112x128xf32, #tpu.memory_space<vmem>>) target_semaphore(%run_scoped3A : memref<!tpu.dma_semaphore, #tpu.memory_space<semaphore_mem>>)
      tpu.wait_dma2 semaphore(%run_scoped3A : memref<!tpu.dma_semaphore, #tpu.memory_space<semaphore_mem>>) src(%arg4 : memref<112x128xf32, #tpu.memory_space<hbm>>) dst(%arg12 : memref<112x128xf32, #tpu.memory_space<vmem>>)
      tpu.yield
    }) : () -> ()
    %mul3A_14 = arith.constant 640 : i32
    %mul3A_15 = arith.muli %arg1, %mul3A_14 : i32
    %add3A_16 = arith.constant 0 : i32
    %add3A_17 = arith.addi %mul3A_15, %add3A_16 : i32
    "tpu.region"() ({
      %run_scoped3A = tpu.sem_alloc : memref<!tpu.dma_semaphore, #tpu.memory_space<semaphore_mem>>
      %dma_start3A_188 = arith.constant 0 : i32
      %dma_start3A_189 = tpu.memref_slice %arg15[%add3A_17, %dma_start3A_188] : memref<10240x128xf32, #tpu.memory_space<vmem_shared>> -> memref<112x128xf32, #tpu.memory_space<vmem_shared>>
      %dma_start3A_190 = arith.constant 0 : i32
      %dma_start3A_191 = tpu.memref_slice %arg15[%add3A_17, %dma_start3A_190] : memref<10240x128xf32, #tpu.memory_space<vmem_shared>> -> memref<112x128xf32, #tpu.memory_space<vmem_shared>>
      tpu.enqueue_dma source(%arg12 : memref<112x128xf32, #tpu.memory_space<vmem>>) target(%dma_start3A_191 : memref<112x128xf32, #tpu.memory_space<vmem_shared>>) target_semaphore(%run_scoped3A : memref<!tpu.dma_semaphore, #tpu.memory_space<semaphore_mem>>)
      %dma_wait3A_192 = arith.constant 0 : i32
      %dma_wait3A_193 = tpu.memref_slice %arg15[%add3A_17, %dma_wait3A_192] : memref<10240x128xf32, #tpu.memory_space<vmem_shared>> -> memref<112x128xf32, #tpu.memory_space<vmem_shared>>
      %dma_wait3A_194 = arith.constant 0 : i32
      %dma_wait3A_195 = tpu.memref_slice %arg15[%add3A_17, %dma_wait3A_194] : memref<10240x128xf32, #tpu.memory_space<vmem_shared>> -> memref<112x128xf32, #tpu.memory_space<vmem_shared>>
      tpu.wait_dma2 semaphore(%run_scoped3A : memref<!tpu.dma_semaphore, #tpu.memory_space<semaphore_mem>>) src(%arg12 : memref<112x128xf32, #tpu.memory_space<vmem>>) dst(%dma_wait3A_195 : memref<112x128xf32, #tpu.memory_space<vmem_shared>>)
      tpu.yield
    }) : () -> ()
    %add3A_18 = arith.constant 112 : i32
    %add3A_19 = arith.addi %mul3A_15, %add3A_18 : i32
    "tpu.region"() ({
      %run_scoped3A = tpu.sem_alloc : memref<!tpu.dma_semaphore, #tpu.memory_space<semaphore_mem>>
      %dma_start3A_188 = arith.constant 0 : i32
      %dma_start3A_189 = tpu.memref_slice %arg15[%add3A_19, %dma_start3A_188] : memref<10240x128xf32, #tpu.memory_space<vmem_shared>> -> memref<112x128xf32, #tpu.memory_space<vmem_shared>>
      %dma_start3A_190 = arith.constant 0 : i32
      %dma_start3A_191 = tpu.memref_slice %arg15[%add3A_19, %dma_start3A_190] : memref<10240x128xf32, #tpu.memory_space<vmem_shared>> -> memref<112x128xf32, #tpu.memory_space<vmem_shared>>
      tpu.enqueue_dma source(%arg12 : memref<112x128xf32, #tpu.memory_space<vmem>>) target(%dma_start3A_191 : memref<112x128xf32, #tpu.memory_space<vmem_shared>>) target_semaphore(%run_scoped3A : memref<!tpu.dma_semaphore, #tpu.memory_space<semaphore_mem>>)
      %dma_wait3A_192 = arith.constant 0 : i32
      %dma_wait3A_193 = tpu.memref_slice %arg15[%add3A_19, %dma_wait3A_192] : memref<10240x128xf32, #tpu.memory_space<vmem_shared>> -> memref<112x128xf32, #tpu.memory_space<vmem_shared>>
      %dma_wait3A_194 = arith.constant 0 : i32
      %dma_wait3A_195 = tpu.memref_slice %arg15[%add3A_19, %dma_wait3A_194] : memref<10240x128xf32, #tpu.memory_space<vmem_shared>> -> memref<112x128xf32, #tpu.memory_space<vmem_shared>>
      tpu.wait_dma2 semaphore(%run_scoped3A : memref<!tpu.dma_semaphore, #tpu.memory_space<semaphore_mem>>) src(%arg12 : memref<112x128xf32, #tpu.memory_space<vmem>>) dst(%dma_wait3A_195 : memref<112x128xf32, #tpu.memory_space<vmem_shared>>)
      tpu.yield
    }) : () -> ()
    %add3A_20 = arith.constant 224 : i32
    %add3A_21 = arith.addi %mul3A_15, %add3A_20 : i32
    "tpu.region"() ({
      %run_scoped3A = tpu.sem_alloc : memref<!tpu.dma_semaphore, #tpu.memory_space<semaphore_mem>>
      %dma_start3A_188 = arith.constant 0 : i32
      %dma_start3A_189 = tpu.memref_slice %arg15[%add3A_21, %dma_start3A_188] : memref<10240x128xf32, #tpu.memory_space<vmem_shared>> -> memref<112x128xf32, #tpu.memory_space<vmem_shared>>
      %dma_start3A_190 = arith.constant 0 : i32
      %dma_start3A_191 = tpu.memref_slice %arg15[%add3A_21, %dma_start3A_190] : memref<10240x128xf32, #tpu.memory_space<vmem_shared>> -> memref<112x128xf32, #tpu.memory_space<vmem_shared>>
      tpu.enqueue_dma source(%arg12 : memref<112x128xf32, #tpu.memory_space<vmem>>) target(%dma_start3A_191 : memref<112x128xf32, #tpu.memory_space<vmem_shared>>) target_semaphore(%run_scoped3A : memref<!tpu.dma_semaphore, #tpu.memory_space<semaphore_mem>>)
      %dma_wait3A_192 = arith.constant 0 : i32
      %dma_wait3A_193 = tpu.memref_slice %arg15[%add3A_21, %dma_wait3A_192] : memref<10240x128xf32, #tpu.memory_space<vmem_shared>> -> memref<112x128xf32, #tpu.memory_space<vmem_shared>>
      %dma_wait3A_194 = arith.constant 0 : i32
      %dma_wait3A_195 = tpu.memref_slice %arg15[%add3A_21, %dma_wait3A_194] : memref<10240x128xf32, #tpu.memory_space<vmem_shared>> -> memref<112x128xf32, #tpu.memory_space<vmem_shared>>
      tpu.wait_dma2 semaphore(%run_scoped3A : memref<!tpu.dma_semaphore, #tpu.memory_space<semaphore_mem>>) src(%arg12 : memref<112x128xf32, #tpu.memory_space<vmem>>) dst(%dma_wait3A_195 : memref<112x128xf32, #tpu.memory_space<vmem_shared>>)
      tpu.yield
    }) : () -> ()
    %add3A_22 = arith.constant 336 : i32
    %add3A_23 = arith.addi %mul3A_15, %add3A_22 : i32
    "tpu.region"() ({
      %run_scoped3A = tpu.sem_alloc : memref<!tpu.dma_semaphore, #tpu.memory_space<semaphore_mem>>
      %dma_start3A_188 = arith.constant 0 : i32
      %dma_start3A_189 = tpu.memref_slice %arg15[%add3A_23, %dma_start3A_188] : memref<10240x128xf32, #tpu.memory_space<vmem_shared>> -> memref<112x128xf32, #tpu.memory_space<vmem_shared>>
      %dma_start3A_190 = arith.constant 0 : i32
      %dma_start3A_191 = tpu.memref_slice %arg15[%add3A_23, %dma_start3A_190] : memref<10240x128xf32, #tpu.memory_space<vmem_shared>> -> memref<112x128xf32, #tpu.memory_space<vmem_shared>>
      tpu.enqueue_dma source(%arg12 : memref<112x128xf32, #tpu.memory_space<vmem>>) target(%dma_start3A_191 : memref<112x128xf32, #tpu.memory_space<vmem_shared>>) target_semaphore(%run_scoped3A : memref<!tpu.dma_semaphore, #tpu.memory_space<semaphore_mem>>)
      %dma_wait3A_192 = arith.constant 0 : i32
      %dma_wait3A_193 = tpu.memref_slice %arg15[%add3A_23, %dma_wait3A_192] : memref<10240x128xf32, #tpu.memory_space<vmem_shared>> -> memref<112x128xf32, #tpu.memory_space<vmem_shared>>
      %dma_wait3A_194 = arith.constant 0 : i32
      %dma_wait3A_195 = tpu.memref_slice %arg15[%add3A_23, %dma_wait3A_194] : memref<10240x128xf32, #tpu.memory_space<vmem_shared>> -> memref<112x128xf32, #tpu.memory_space<vmem_shared>>
      tpu.wait_dma2 semaphore(%run_scoped3A : memref<!tpu.dma_semaphore, #tpu.memory_space<semaphore_mem>>) src(%arg12 : memref<112x128xf32, #tpu.memory_space<vmem>>) dst(%dma_wait3A_195 : memref<112x128xf32, #tpu.memory_space<vmem_shared>>)
      tpu.yield
    }) : () -> ()
    %add3A_24 = arith.constant 448 : i32
    %add3A_25 = arith.addi %mul3A_15, %add3A_24 : i32
    "tpu.region"() ({
      %run_scoped3A = tpu.sem_alloc : memref<!tpu.dma_semaphore, #tpu.memory_space<semaphore_mem>>
      %dma_start3A_188 = arith.constant 0 : i32
      %dma_start3A_189 = tpu.memref_slice %arg15[%add3A_25, %dma_start3A_188] : memref<10240x128xf32, #tpu.memory_space<vmem_shared>> -> memref<112x128xf32, #tpu.memory_space<vmem_shared>>
      %dma_start3A_190 = arith.constant 0 : i32
      %dma_start3A_191 = tpu.memref_slice %arg15[%add3A_25, %dma_start3A_190] : memref<10240x128xf32, #tpu.memory_space<vmem_shared>> -> memref<112x128xf32, #tpu.memory_space<vmem_shared>>
      tpu.enqueue_dma source(%arg12 : memref<112x128xf32, #tpu.memory_space<vmem>>) target(%dma_start3A_191 : memref<112x128xf32, #tpu.memory_space<vmem_shared>>) target_semaphore(%run_scoped3A : memref<!tpu.dma_semaphore, #tpu.memory_space<semaphore_mem>>)
      %dma_wait3A_192 = arith.constant 0 : i32
      %dma_wait3A_193 = tpu.memref_slice %arg15[%add3A_25, %dma_wait3A_192] : memref<10240x128xf32, #tpu.memory_space<vmem_shared>> -> memref<112x128xf32, #tpu.memory_space<vmem_shared>>
      %dma_wait3A_194 = arith.constant 0 : i32
      %dma_wait3A_195 = tpu.memref_slice %arg15[%add3A_25, %dma_wait3A_194] : memref<10240x128xf32, #tpu.memory_space<vmem_shared>> -> memref<112x128xf32, #tpu.memory_space<vmem_shared>>
      tpu.wait_dma2 semaphore(%run_scoped3A : memref<!tpu.dma_semaphore, #tpu.memory_space<semaphore_mem>>) src(%arg12 : memref<112x128xf32, #tpu.memory_space<vmem>>) dst(%dma_wait3A_195 : memref<112x128xf32, #tpu.memory_space<vmem_shared>>)
      tpu.yield
    }) : () -> ()
    %add3A_26 = arith.constant 560 : i32
    %add3A_27 = arith.addi %mul3A_15, %add3A_26 : i32
    "tpu.region"() ({
      %run_scoped3A = tpu.sem_alloc : memref<!tpu.dma_semaphore, #tpu.memory_space<semaphore_mem>>
      %dma_start3A_188 = arith.constant 0 : i32
      %dma_start3A_189 = arith.constant 0 : i32
      %dma_start3A_190 = tpu.memref_slice %arg12[%dma_start3A_188, %dma_start3A_189] : memref<112x128xf32, #tpu.memory_space<vmem>> -> memref<80x128xf32, #tpu.memory_space<vmem>>
      %dma_start3A_191 = arith.constant 0 : i32
      %dma_start3A_192 = tpu.memref_slice %arg15[%add3A_27, %dma_start3A_191] : memref<10240x128xf32, #tpu.memory_space<vmem_shared>> -> memref<80x128xf32, #tpu.memory_space<vmem_shared>>
      %dma_start3A_193 = arith.constant 0 : i32
      %dma_start3A_194 = tpu.memref_slice %arg15[%add3A_27, %dma_start3A_193] : memref<10240x128xf32, #tpu.memory_space<vmem_shared>> -> memref<80x128xf32, #tpu.memory_space<vmem_shared>>
      %dma_start3A_195 = arith.constant 0 : i32
      %dma_start3A_196 = arith.constant 0 : i32
      %dma_start3A_197 = tpu.memref_slice %arg12[%dma_start3A_195, %dma_start3A_196] : memref<112x128xf32, #tpu.memory_space<vmem>> -> memref<80x128xf32, #tpu.memory_space<vmem>>
      tpu.enqueue_dma source(%dma_start3A_197 : memref<80x128xf32, #tpu.memory_space<vmem>>) target(%dma_start3A_194 : memref<80x128xf32, #tpu.memory_space<vmem_shared>>) target_semaphore(%run_scoped3A : memref<!tpu.dma_semaphore, #tpu.memory_space<semaphore_mem>>)
      %dma_wait3A_198 = arith.constant 0 : i32
      %dma_wait3A_199 = arith.constant 0 : i32
      %dma_wait3A_200 = tpu.memref_slice %arg12[%dma_wait3A_198, %dma_wait3A_199] : memref<112x128xf32, #tpu.memory_space<vmem>> -> memref<80x128xf32, #tpu.memory_space<vmem>>
      %dma_wait3A_201 = arith.constant 0 : i32
      %dma_wait3A_202 = tpu.memref_slice %arg15[%add3A_27, %dma_wait3A_201] : memref<10240x128xf32, #tpu.memory_space<vmem_shared>> -> memref<80x128xf32, #tpu.memory_space<vmem_shared>>
      %dma_wait3A_203 = arith.constant 0 : i32
      %dma_wait3A_204 = tpu.memref_slice %arg15[%add3A_27, %dma_wait3A_203] : memref<10240x128xf32, #tpu.memory_space<vmem_shared>> -> memref<80x128xf32, #tpu.memory_space<vmem_shared>>
      %dma_wait3A_205 = arith.constant 0 : i32
      %dma_wait3A_206 = arith.constant 0 : i32
      %dma_wait3A_207 = tpu.memref_slice %arg12[%dma_wait3A_205, %dma_wait3A_206] : memref<112x128xf32, #tpu.memory_space<vmem>> -> memref<80x128xf32, #tpu.memory_space<vmem>>
      tpu.wait_dma2 semaphore(%run_scoped3A : memref<!tpu.dma_semaphore, #tpu.memory_space<semaphore_mem>>) src(%dma_wait3A_207 : memref<80x128xf32, #tpu.memory_space<vmem>>) dst(%dma_wait3A_204 : memref<80x128xf32, #tpu.memory_space<vmem_shared>>)
      tpu.yield
    }) : () -> ()
    %barrier3A = arith.constant 0 : index
    tpu.barrier barrier_id(%barrier3A)
    %add3A_28 = arith.constant 0 : i32
    %add3A_29 = arith.addi %select_n3A_13, %add3A_28 : i32
    %dma_start3A = arith.constant 0 : i32
    %dma_start3A_30 = arith.constant 0 : i32
    %dma_start3A_31 = tpu.memref_slice %arg2[%add3A_29, %dma_start3A, %dma_start3A_30] : memref<2880x2x112xi32, #tpu.memory_space<hbm>> -> memref<1x2x112xi32, #tpu.memory_space<hbm>>
    %dma_start3A_32 = tpu.memref_squeeze %dma_start3A_31 : memref<1x2x112xi32, #tpu.memory_space<hbm>> -> memref<2x112xi32, #tpu.memory_space<hbm>>
    %dma_start3A_33 = arith.constant 0 : i32
    %dma_start3A_34 = arith.constant 0 : i32
    %dma_start3A_35 = tpu.memref_slice %arg2[%add3A_29, %dma_start3A_33, %dma_start3A_34] : memref<2880x2x112xi32, #tpu.memory_space<hbm>> -> memref<1x2x112xi32, #tpu.memory_space<hbm>>
    %dma_start3A_36 = tpu.memref_squeeze %dma_start3A_35 : memref<1x2x112xi32, #tpu.memory_space<hbm>> -> memref<2x112xi32, #tpu.memory_space<hbm>>
    tpu.enqueue_dma source(%dma_start3A_36 : memref<2x112xi32, #tpu.memory_space<hbm>>) target(%arg6 : memref<2x112xi32, #tpu.memory_space<vmem>>) target_semaphore(%arg16 : memref<!tpu.dma_semaphore, #tpu.memory_space<semaphore_mem>>)
    %add3A_37 = arith.constant 1 : i32
    %add3A_38 = arith.addi %select_n3A_13, %add3A_37 : i32
    %dma_start3A_39 = arith.constant 0 : i32
    %dma_start3A_40 = arith.constant 0 : i32
    %dma_start3A_41 = tpu.memref_slice %arg2[%add3A_38, %dma_start3A_39, %dma_start3A_40] : memref<2880x2x112xi32, #tpu.memory_space<hbm>> -> memref<1x2x112xi32, #tpu.memory_space<hbm>>
    %dma_start3A_42 = tpu.memref_squeeze %dma_start3A_41 : memref<1x2x112xi32, #tpu.memory_space<hbm>> -> memref<2x112xi32, #tpu.memory_space<hbm>>
    %dma_start3A_43 = arith.constant 0 : i32
    %dma_start3A_44 = arith.constant 0 : i32
    %dma_start3A_45 = tpu.memref_slice %arg2[%add3A_38, %dma_start3A_43, %dma_start3A_44] : memref<2880x2x112xi32, #tpu.memory_space<hbm>> -> memref<1x2x112xi32, #tpu.memory_space<hbm>>
    %dma_start3A_46 = tpu.memref_squeeze %dma_start3A_45 : memref<1x2x112xi32, #tpu.memory_space<hbm>> -> memref<2x112xi32, #tpu.memory_space<hbm>>
    tpu.enqueue_dma source(%dma_start3A_46 : memref<2x112xi32, #tpu.memory_space<hbm>>) target(%arg7 : memref<2x112xi32, #tpu.memory_space<vmem>>) target_semaphore(%arg17 : memref<!tpu.dma_semaphore, #tpu.memory_space<semaphore_mem>>)
    %add3A_47 = arith.constant 2 : i32
    %add3A_48 = arith.addi %select_n3A_13, %add3A_47 : i32
    %dma_start3A_49 = arith.constant 0 : i32
    %dma_start3A_50 = arith.constant 0 : i32
    %dma_start3A_51 = tpu.memref_slice %arg2[%add3A_48, %dma_start3A_49, %dma_start3A_50] : memref<2880x2x112xi32, #tpu.memory_space<hbm>> -> memref<1x2x112xi32, #tpu.memory_space<hbm>>
    %dma_start3A_52 = tpu.memref_squeeze %dma_start3A_51 : memref<1x2x112xi32, #tpu.memory_space<hbm>> -> memref<2x112xi32, #tpu.memory_space<hbm>>
    %dma_start3A_53 = arith.constant 0 : i32
    %dma_start3A_54 = arith.constant 0 : i32
    %dma_start3A_55 = tpu.memref_slice %arg2[%add3A_48, %dma_start3A_53, %dma_start3A_54] : memref<2880x2x112xi32, #tpu.memory_space<hbm>> -> memref<1x2x112xi32, #tpu.memory_space<hbm>>
    %dma_start3A_56 = tpu.memref_squeeze %dma_start3A_55 : memref<1x2x112xi32, #tpu.memory_space<hbm>> -> memref<2x112xi32, #tpu.memory_space<hbm>>
    tpu.enqueue_dma source(%dma_start3A_56 : memref<2x112xi32, #tpu.memory_space<hbm>>) target(%arg8 : memref<2x112xi32, #tpu.memory_space<vmem>>) target_semaphore(%arg18 : memref<!tpu.dma_semaphore, #tpu.memory_space<semaphore_mem>>)
    %add3A_57 = arith.constant 3 : i32
    %add3A_58 = arith.addi %select_n3A_13, %add3A_57 : i32
    %dma_start3A_59 = arith.constant 0 : i32
    %dma_start3A_60 = arith.constant 0 : i32
    %dma_start3A_61 = tpu.memref_slice %arg2[%add3A_58, %dma_start3A_59, %dma_start3A_60] : memref<2880x2x112xi32, #tpu.memory_space<hbm>> -> memref<1x2x112xi32, #tpu.memory_space<hbm>>
    %dma_start3A_62 = tpu.memref_squeeze %dma_start3A_61 : memref<1x2x112xi32, #tpu.memory_space<hbm>> -> memref<2x112xi32, #tpu.memory_space<hbm>>
    %dma_start3A_63 = arith.constant 0 : i32
    %dma_start3A_64 = arith.constant 0 : i32
    %dma_start3A_65 = tpu.memref_slice %arg2[%add3A_58, %dma_start3A_63, %dma_start3A_64] : memref<2880x2x112xi32, #tpu.memory_space<hbm>> -> memref<1x2x112xi32, #tpu.memory_space<hbm>>
    %dma_start3A_66 = tpu.memref_squeeze %dma_start3A_65 : memref<1x2x112xi32, #tpu.memory_space<hbm>> -> memref<2x112xi32, #tpu.memory_space<hbm>>
    tpu.enqueue_dma source(%dma_start3A_66 : memref<2x112xi32, #tpu.memory_space<hbm>>) target(%arg9 : memref<2x112xi32, #tpu.memory_space<vmem>>) target_semaphore(%arg19 : memref<!tpu.dma_semaphore, #tpu.memory_space<semaphore_mem>>)
    %add3A_67 = arith.constant 4 : i32
    %add3A_68 = arith.addi %select_n3A_13, %add3A_67 : i32
    %dma_start3A_69 = arith.constant 0 : i32
    %dma_start3A_70 = arith.constant 0 : i32
    %dma_start3A_71 = tpu.memref_slice %arg2[%add3A_68, %dma_start3A_69, %dma_start3A_70] : memref<2880x2x112xi32, #tpu.memory_space<hbm>> -> memref<1x2x112xi32, #tpu.memory_space<hbm>>
    %dma_start3A_72 = tpu.memref_squeeze %dma_start3A_71 : memref<1x2x112xi32, #tpu.memory_space<hbm>> -> memref<2x112xi32, #tpu.memory_space<hbm>>
    %dma_start3A_73 = arith.constant 0 : i32
    %dma_start3A_74 = arith.constant 0 : i32
    %dma_start3A_75 = tpu.memref_slice %arg2[%add3A_68, %dma_start3A_73, %dma_start3A_74] : memref<2880x2x112xi32, #tpu.memory_space<hbm>> -> memref<1x2x112xi32, #tpu.memory_space<hbm>>
    %dma_start3A_76 = tpu.memref_squeeze %dma_start3A_75 : memref<1x2x112xi32, #tpu.memory_space<hbm>> -> memref<2x112xi32, #tpu.memory_space<hbm>>
    tpu.enqueue_dma source(%dma_start3A_76 : memref<2x112xi32, #tpu.memory_space<hbm>>) target(%arg10 : memref<2x112xi32, #tpu.memory_space<vmem>>) target_semaphore(%arg20 : memref<!tpu.dma_semaphore, #tpu.memory_space<semaphore_mem>>)
    %add3A_77 = arith.constant 5 : i32
    %add3A_78 = arith.addi %select_n3A_13, %add3A_77 : i32
    %dma_start3A_79 = arith.constant 0 : i32
    %dma_start3A_80 = arith.constant 0 : i32
    %dma_start3A_81 = tpu.memref_slice %arg2[%add3A_78, %dma_start3A_79, %dma_start3A_80] : memref<2880x2x112xi32, #tpu.memory_space<hbm>> -> memref<1x2x112xi32, #tpu.memory_space<hbm>>
    %dma_start3A_82 = tpu.memref_squeeze %dma_start3A_81 : memref<1x2x112xi32, #tpu.memory_space<hbm>> -> memref<2x112xi32, #tpu.memory_space<hbm>>
    %dma_start3A_83 = arith.constant 0 : i32
    %dma_start3A_84 = arith.constant 0 : i32
    %dma_start3A_85 = tpu.memref_slice %arg2[%add3A_78, %dma_start3A_83, %dma_start3A_84] : memref<2880x2x112xi32, #tpu.memory_space<hbm>> -> memref<1x2x112xi32, #tpu.memory_space<hbm>>
    %dma_start3A_86 = tpu.memref_squeeze %dma_start3A_85 : memref<1x2x112xi32, #tpu.memory_space<hbm>> -> memref<2x112xi32, #tpu.memory_space<hbm>>
    tpu.enqueue_dma source(%dma_start3A_86 : memref<2x112xi32, #tpu.memory_space<hbm>>) target(%arg11 : memref<2x112xi32, #tpu.memory_space<vmem>>) target_semaphore(%arg21 : memref<!tpu.dma_semaphore, #tpu.memory_space<semaphore_mem>>)
    %dma_wait3A = arith.constant 0 : i32
    %dma_wait3A_87 = arith.constant 0 : i32
    %dma_wait3A_88 = arith.constant 0 : i32
    %dma_wait3A_89 = tpu.memref_slice %arg2[%dma_wait3A, %dma_wait3A_87, %dma_wait3A_88] : memref<2880x2x112xi32, #tpu.memory_space<hbm>> -> memref<1x2x112xi32, #tpu.memory_space<hbm>>
    %dma_wait3A_90 = tpu.memref_squeeze %dma_wait3A_89 : memref<1x2x112xi32, #tpu.memory_space<hbm>> -> memref<2x112xi32, #tpu.memory_space<hbm>>
    %dma_wait3A_91 = arith.constant 0 : i32
    %dma_wait3A_92 = arith.constant 0 : i32
    %dma_wait3A_93 = tpu.memref_slice %arg2[%dma_wait3A, %dma_wait3A_91, %dma_wait3A_92] : memref<2880x2x112xi32, #tpu.memory_space<hbm>> -> memref<1x2x112xi32, #tpu.memory_space<hbm>>
    %dma_wait3A_94 = tpu.memref_squeeze %dma_wait3A_93 : memref<1x2x112xi32, #tpu.memory_space<hbm>> -> memref<2x112xi32, #tpu.memory_space<hbm>>
    tpu.wait_dma2 semaphore(%arg16 : memref<!tpu.dma_semaphore, #tpu.memory_space<semaphore_mem>>) src(%dma_wait3A_94 : memref<2x112xi32, #tpu.memory_space<hbm>>) dst(%arg6 : memref<2x112xi32, #tpu.memory_space<vmem>>)
    %dma_start3A_95 = arith.constant 0 : i32
    %dma_start3A_96 = arith.constant 0 : i32
    %dma_start3A_97 = tpu.memref_slice %arg6[%dma_start3A_95, %dma_start3A_96] : memref<2x112xi32, #tpu.memory_space<vmem>> -> memref<1x112xi32, #tpu.memory_space<vmem>>
    %dma_start3A_98 = tpu.memref_squeeze %dma_start3A_97 : memref<1x112xi32, #tpu.memory_space<vmem>> -> memref<112xi32, #tpu.memory_space<vmem>>
    %dma_start3A_99 = arith.constant 0 : i32
    %dma_start3A_100 = arith.constant 0 : i32
    %dma_start3A_101 = tpu.memref_slice %arg3[%dma_start3A_99, %dma_start3A_100] : memref<10240x128xf32, #tpu.memory_space<hbm>> -> memref<10240x128xf32, #tpu.memory_space<hbm>>
    tpu.enqueue_indirect_dma source(%dma_start3A_101 : memref<10240x128xf32, #tpu.memory_space<hbm>>) target(%arg12 : memref<112x128xf32, #tpu.memory_space<vmem>>) offsets(%dma_start3A_98 : memref<112xi32, #tpu.memory_space<vmem>>) semaphore(%arg22 : memref<!tpu.dma_semaphore, #tpu.memory_space<semaphore_mem>>)
    %dma_wait3A_102 = arith.constant 0 : i32
    %dma_wait3A_103 = arith.constant 0 : i32
    %dma_wait3A_104 = arith.constant 0 : i32
    %dma_wait3A_105 = tpu.memref_slice %arg2[%dma_wait3A_102, %dma_wait3A_103, %dma_wait3A_104] : memref<2880x2x112xi32, #tpu.memory_space<hbm>> -> memref<1x2x112xi32, #tpu.memory_space<hbm>>
    %dma_wait3A_106 = tpu.memref_squeeze %dma_wait3A_105 : memref<1x2x112xi32, #tpu.memory_space<hbm>> -> memref<2x112xi32, #tpu.memory_space<hbm>>
    %dma_wait3A_107 = arith.constant 0 : i32
    %dma_wait3A_108 = arith.constant 0 : i32
    %dma_wait3A_109 = tpu.memref_slice %arg2[%dma_wait3A_102, %dma_wait3A_107, %dma_wait3A_108] : memref<2880x2x112xi32, #tpu.memory_space<hbm>> -> memref<1x2x112xi32, #tpu.memory_space<hbm>>
    %dma_wait3A_110 = tpu.memref_squeeze %dma_wait3A_109 : memref<1x2x112xi32, #tpu.memory_space<hbm>> -> memref<2x112xi32, #tpu.memory_space<hbm>>
    tpu.wait_dma2 semaphore(%arg17 : memref<!tpu.dma_semaphore, #tpu.memory_space<semaphore_mem>>) src(%dma_wait3A_110 : memref<2x112xi32, #tpu.memory_space<hbm>>) dst(%arg7 : memref<2x112xi32, #tpu.memory_space<vmem>>)
    %dma_start3A_111 = arith.constant 0 : i32
    %dma_start3A_112 = arith.constant 0 : i32
    %dma_start3A_113 = tpu.memref_slice %arg7[%dma_start3A_111, %dma_start3A_112] : memref<2x112xi32, #tpu.memory_space<vmem>> -> memref<1x112xi32, #tpu.memory_space<vmem>>
    %dma_start3A_114 = tpu.memref_squeeze %dma_start3A_113 : memref<1x112xi32, #tpu.memory_space<vmem>> -> memref<112xi32, #tpu.memory_space<vmem>>
    %dma_start3A_115 = arith.constant 0 : i32
    %dma_start3A_116 = arith.constant 0 : i32
    %dma_start3A_117 = tpu.memref_slice %arg3[%dma_start3A_115, %dma_start3A_116] : memref<10240x128xf32, #tpu.memory_space<hbm>> -> memref<10240x128xf32, #tpu.memory_space<hbm>>
    tpu.enqueue_indirect_dma source(%dma_start3A_117 : memref<10240x128xf32, #tpu.memory_space<hbm>>) target(%arg13 : memref<112x128xf32, #tpu.memory_space<vmem>>) offsets(%dma_start3A_114 : memref<112xi32, #tpu.memory_space<vmem>>) semaphore(%arg23 : memref<!tpu.dma_semaphore, #tpu.memory_space<semaphore_mem>>)
    %dma_wait3A_118 = arith.constant 0 : i32
    %dma_wait3A_119 = arith.constant 0 : i32
    %dma_wait3A_120 = arith.constant 0 : i32
    %dma_wait3A_121 = tpu.memref_slice %arg2[%dma_wait3A_118, %dma_wait3A_119, %dma_wait3A_120] : memref<2880x2x112xi32, #tpu.memory_space<hbm>> -> memref<1x2x112xi32, #tpu.memory_space<hbm>>
    %dma_wait3A_122 = tpu.memref_squeeze %dma_wait3A_121 : memref<1x2x112xi32, #tpu.memory_space<hbm>> -> memref<2x112xi32, #tpu.memory_space<hbm>>
    %dma_wait3A_123 = arith.constant 0 : i32
    %dma_wait3A_124 = arith.constant 0 : i32
    %dma_wait3A_125 = tpu.memref_slice %arg2[%dma_wait3A_118, %dma_wait3A_123, %dma_wait3A_124] : memref<2880x2x112xi32, #tpu.memory_space<hbm>> -> memref<1x2x112xi32, #tpu.memory_space<hbm>>
    %dma_wait3A_126 = tpu.memref_squeeze %dma_wait3A_125 : memref<1x2x112xi32, #tpu.memory_space<hbm>> -> memref<2x112xi32, #tpu.memory_space<hbm>>
    tpu.wait_dma2 semaphore(%arg18 : memref<!tpu.dma_semaphore, #tpu.memory_space<semaphore_mem>>) src(%dma_wait3A_126 : memref<2x112xi32, #tpu.memory_space<hbm>>) dst(%arg8 : memref<2x112xi32, #tpu.memory_space<vmem>>)
    %dma_start3A_127 = arith.constant 0 : i32
    %dma_start3A_128 = arith.constant 0 : i32
    %dma_start3A_129 = tpu.memref_slice %arg8[%dma_start3A_127, %dma_start3A_128] : memref<2x112xi32, #tpu.memory_space<vmem>> -> memref<1x112xi32, #tpu.memory_space<vmem>>
    %dma_start3A_130 = tpu.memref_squeeze %dma_start3A_129 : memref<1x112xi32, #tpu.memory_space<vmem>> -> memref<112xi32, #tpu.memory_space<vmem>>
    %dma_start3A_131 = arith.constant 0 : i32
    %dma_start3A_132 = arith.constant 0 : i32
    %dma_start3A_133 = tpu.memref_slice %arg3[%dma_start3A_131, %dma_start3A_132] : memref<10240x128xf32, #tpu.memory_space<hbm>> -> memref<10240x128xf32, #tpu.memory_space<hbm>>
    tpu.enqueue_indirect_dma source(%dma_start3A_133 : memref<10240x128xf32, #tpu.memory_space<hbm>>) target(%arg14 : memref<112x128xf32, #tpu.memory_space<vmem>>) offsets(%dma_start3A_130 : memref<112xi32, #tpu.memory_space<vmem>>) semaphore(%arg24 : memref<!tpu.dma_semaphore, #tpu.memory_space<semaphore_mem>>)
    %while3A = arith.constant 0 : i32
    %while3A_134 = arith.subi %select_n3A_6, %while3A : i32
    %while3A_135 = arith.addi %while3A, %while3A_134 : i32
    %while3A_136 = arith.constant 1 : i32
    %while3A_137 = arith.divsi %while3A_134, %while3A_136 : i32
    %while3A_138 = arith.muli %while3A_137, %while3A_136 : i32
    %while3A_139 = arith.addi %while3A, %while3A_138 : i32
    %while3A_140 = arith.constant 1 : i32
    scf.for %while3A_188 = %while3A to %while3A_139 step %while3A_140  : i32 {
      %mul3A_189 = arith.constant 6 : i32
      %mul3A_190 = arith.muli %while3A_188, %mul3A_189 : i32
      %add3A_191 = arith.constant 0 : i32
      %add3A_192 = arith.addi %mul3A_190, %add3A_191 : i32
      %dma_wait3A_193 = arith.constant 0 : i32
      %dma_wait3A_194 = arith.constant 0 : i32
      %dma_wait3A_195 = tpu.memref_slice %arg3[%dma_wait3A_193, %dma_wait3A_194] : memref<10240x128xf32, #tpu.memory_space<hbm>> -> memref<112x128xf32, #tpu.memory_space<hbm>>
      %dma_wait3A_196 = arith.constant 0 : i32
      %dma_wait3A_197 = arith.constant 0 : i32
      %dma_wait3A_198 = tpu.memref_slice %arg3[%dma_wait3A_196, %dma_wait3A_197] : memref<10240x128xf32, #tpu.memory_space<hbm>> -> memref<112x128xf32, #tpu.memory_space<hbm>>
      tpu.wait_dma2 semaphore(%arg22 : memref<!tpu.dma_semaphore, #tpu.memory_space<semaphore_mem>>) src(%dma_wait3A_198 : memref<112x128xf32, #tpu.memory_space<hbm>>) dst(%arg12 : memref<112x128xf32, #tpu.memory_space<vmem>>)
      %run_scoped3A = arith.constant 1 : i32
      "tpu.region"() ({
        %run_scoped3A_421 = tpu.sem_alloc : memref<!tpu.dma_semaphore, #tpu.memory_space<semaphore_mem>>
        %dma_start3A_422 = arith.constant 0 : i32
        %dma_start3A_423 = tpu.memref_slice %arg6[%run_scoped3A, %dma_start3A_422] : memref<2x112xi32, #tpu.memory_space<vmem>> -> memref<1x112xi32, #tpu.memory_space<vmem>>
        %dma_start3A_424 = tpu.memref_squeeze %dma_start3A_423 : memref<1x112xi32, #tpu.memory_space<vmem>> -> memref<112xi32, #tpu.memory_space<vmem>>
        %dma_start3A_425 = arith.constant 0 : i32
        %dma_start3A_426 = arith.constant 0 : i32
        %dma_start3A_427 = tpu.memref_slice %arg15[%dma_start3A_425, %dma_start3A_426] : memref<10240x128xf32, #tpu.memory_space<vmem_shared>> -> memref<10240x128xf32, #tpu.memory_space<vmem_shared>>
        tpu.enqueue_indirect_dma source(%arg12 : memref<112x128xf32, #tpu.memory_space<vmem>>) target(%dma_start3A_427 : memref<10240x128xf32, #tpu.memory_space<vmem_shared>>) offsets(%dma_start3A_424 : memref<112xi32, #tpu.memory_space<vmem>>) semaphore(%run_scoped3A_421 : memref<!tpu.dma_semaphore, #tpu.memory_space<semaphore_mem>>) {add = true}
        %dma_wait3A_428 = arith.constant 0 : i32
        %dma_wait3A_429 = tpu.memref_slice %arg6[%run_scoped3A, %dma_wait3A_428] : memref<2x112xi32, #tpu.memory_space<vmem>> -> memref<1x112xi32, #tpu.memory_space<vmem>>
        %dma_wait3A_430 = tpu.memref_squeeze %dma_wait3A_429 : memref<1x112xi32, #tpu.memory_space<vmem>> -> memref<112xi32, #tpu.memory_space<vmem>>
        %dma_wait3A_431 = arith.constant 0 : i32
        %dma_wait3A_432 = arith.constant 0 : i32
        %dma_wait3A_433 = tpu.memref_slice %arg15[%dma_wait3A_431, %dma_wait3A_432] : memref<10240x128xf32, #tpu.memory_space<vmem_shared>> -> memref<10240x128xf32, #tpu.memory_space<vmem_shared>>
        tpu.wait_indirect_dma semaphore(%run_scoped3A_421 : memref<!tpu.dma_semaphore, #tpu.memory_space<semaphore_mem>>) src(%arg12 : memref<112x128xf32, #tpu.memory_space<vmem>>) dst(%dma_wait3A_433 : memref<10240x128xf32, #tpu.memory_space<vmem_shared>>)
        tpu.yield
      }) : () -> ()
      %add3A_199 = arith.constant 6 : i32
      %add3A_200 = arith.addi %add3A_192, %add3A_199 : i32
      %rem3A = arith.remsi %add3A_200, %select_n3A : i32
      %add3A_201 = arith.addi %select_n3A_13, %rem3A : i32
      %dma_start3A_202 = arith.constant 0 : i32
      %dma_start3A_203 = arith.constant 0 : i32
      %dma_start3A_204 = tpu.memref_slice %arg2[%add3A_201, %dma_start3A_202, %dma_start3A_203] : memref<2880x2x112xi32, #tpu.memory_space<hbm>> -> memref<1x2x112xi32, #tpu.memory_space<hbm>>
      %dma_start3A_205 = tpu.memref_squeeze %dma_start3A_204 : memref<1x2x112xi32, #tpu.memory_space<hbm>> -> memref<2x112xi32, #tpu.memory_space<hbm>>
      %dma_start3A_206 = arith.constant 0 : i32
      %dma_start3A_207 = arith.constant 0 : i32
      %dma_start3A_208 = tpu.memref_slice %arg2[%add3A_201, %dma_start3A_206, %dma_start3A_207] : memref<2880x2x112xi32, #tpu.memory_space<hbm>> -> memref<1x2x112xi32, #tpu.memory_space<hbm>>
      %dma_start3A_209 = tpu.memref_squeeze %dma_start3A_208 : memref<1x2x112xi32, #tpu.memory_space<hbm>> -> memref<2x112xi32, #tpu.memory_space<hbm>>
      tpu.enqueue_dma source(%dma_start3A_209 : memref<2x112xi32, #tpu.memory_space<hbm>>) target(%arg6 : memref<2x112xi32, #tpu.memory_space<vmem>>) target_semaphore(%arg16 : memref<!tpu.dma_semaphore, #tpu.memory_space<semaphore_mem>>)
      %dma_wait3A_210 = arith.constant 0 : i32
      %dma_wait3A_211 = arith.constant 0 : i32
      %dma_wait3A_212 = arith.constant 0 : i32
      %dma_wait3A_213 = tpu.memref_slice %arg2[%dma_wait3A_210, %dma_wait3A_211, %dma_wait3A_212] : memref<2880x2x112xi32, #tpu.memory_space<hbm>> -> memref<1x2x112xi32, #tpu.memory_space<hbm>>
      %dma_wait3A_214 = tpu.memref_squeeze %dma_wait3A_213 : memref<1x2x112xi32, #tpu.memory_space<hbm>> -> memref<2x112xi32, #tpu.memory_space<hbm>>
      %dma_wait3A_215 = arith.constant 0 : i32
      %dma_wait3A_216 = arith.constant 0 : i32
      %dma_wait3A_217 = tpu.memref_slice %arg2[%dma_wait3A_210, %dma_wait3A_215, %dma_wait3A_216] : memref<2880x2x112xi32, #tpu.memory_space<hbm>> -> memref<1x2x112xi32, #tpu.memory_space<hbm>>
      %dma_wait3A_218 = tpu.memref_squeeze %dma_wait3A_217 : memref<1x2x112xi32, #tpu.memory_space<hbm>> -> memref<2x112xi32, #tpu.memory_space<hbm>>
      tpu.wait_dma2 semaphore(%arg19 : memref<!tpu.dma_semaphore, #tpu.memory_space<semaphore_mem>>) src(%dma_wait3A_218 : memref<2x112xi32, #tpu.memory_space<hbm>>) dst(%arg9 : memref<2x112xi32, #tpu.memory_space<vmem>>)
      %dma_start3A_219 = arith.constant 0 : i32
      %dma_start3A_220 = arith.constant 0 : i32
      %dma_start3A_221 = tpu.memref_slice %arg9[%dma_start3A_219, %dma_start3A_220] : memref<2x112xi32, #tpu.memory_space<vmem>> -> memref<1x112xi32, #tpu.memory_space<vmem>>
      %dma_start3A_222 = tpu.memref_squeeze %dma_start3A_221 : memref<1x112xi32, #tpu.memory_space<vmem>> -> memref<112xi32, #tpu.memory_space<vmem>>
      %dma_start3A_223 = arith.constant 0 : i32
      %dma_start3A_224 = arith.constant 0 : i32
      %dma_start3A_225 = tpu.memref_slice %arg3[%dma_start3A_223, %dma_start3A_224] : memref<10240x128xf32, #tpu.memory_space<hbm>> -> memref<10240x128xf32, #tpu.memory_space<hbm>>
      tpu.enqueue_indirect_dma source(%dma_start3A_225 : memref<10240x128xf32, #tpu.memory_space<hbm>>) target(%arg12 : memref<112x128xf32, #tpu.memory_space<vmem>>) offsets(%dma_start3A_222 : memref<112xi32, #tpu.memory_space<vmem>>) semaphore(%arg22 : memref<!tpu.dma_semaphore, #tpu.memory_space<semaphore_mem>>)
      %mul3A_226 = arith.constant 6 : i32
      %mul3A_227 = arith.muli %while3A_188, %mul3A_226 : i32
      %add3A_228 = arith.constant 1 : i32
      %add3A_229 = arith.addi %mul3A_227, %add3A_228 : i32
      %dma_wait3A_230 = arith.constant 0 : i32
      %dma_wait3A_231 = arith.constant 0 : i32
      %dma_wait3A_232 = tpu.memref_slice %arg3[%dma_wait3A_230, %dma_wait3A_231] : memref<10240x128xf32, #tpu.memory_space<hbm>> -> memref<112x128xf32, #tpu.memory_space<hbm>>
      %dma_wait3A_233 = arith.constant 0 : i32
      %dma_wait3A_234 = arith.constant 0 : i32
      %dma_wait3A_235 = tpu.memref_slice %arg3[%dma_wait3A_233, %dma_wait3A_234] : memref<10240x128xf32, #tpu.memory_space<hbm>> -> memref<112x128xf32, #tpu.memory_space<hbm>>
      tpu.wait_dma2 semaphore(%arg23 : memref<!tpu.dma_semaphore, #tpu.memory_space<semaphore_mem>>) src(%dma_wait3A_235 : memref<112x128xf32, #tpu.memory_space<hbm>>) dst(%arg13 : memref<112x128xf32, #tpu.memory_space<vmem>>)
      %run_scoped3A_236 = arith.constant 1 : i32
      "tpu.region"() ({
        %run_scoped3A_421 = tpu.sem_alloc : memref<!tpu.dma_semaphore, #tpu.memory_space<semaphore_mem>>
        %dma_start3A_422 = arith.constant 0 : i32
        %dma_start3A_423 = tpu.memref_slice %arg7[%run_scoped3A_236, %dma_start3A_422] : memref<2x112xi32, #tpu.memory_space<vmem>> -> memref<1x112xi32, #tpu.memory_space<vmem>>
        %dma_start3A_424 = tpu.memref_squeeze %dma_start3A_423 : memref<1x112xi32, #tpu.memory_space<vmem>> -> memref<112xi32, #tpu.memory_space<vmem>>
        %dma_start3A_425 = arith.constant 0 : i32
        %dma_start3A_426 = arith.constant 0 : i32
        %dma_start3A_427 = tpu.memref_slice %arg15[%dma_start3A_425, %dma_start3A_426] : memref<10240x128xf32, #tpu.memory_space<vmem_shared>> -> memref<10240x128xf32, #tpu.memory_space<vmem_shared>>
        tpu.enqueue_indirect_dma source(%arg13 : memref<112x128xf32, #tpu.memory_space<vmem>>) target(%dma_start3A_427 : memref<10240x128xf32, #tpu.memory_space<vmem_shared>>) offsets(%dma_start3A_424 : memref<112xi32, #tpu.memory_space<vmem>>) semaphore(%run_scoped3A_421 : memref<!tpu.dma_semaphore, #tpu.memory_space<semaphore_mem>>) {add = true}
        %dma_wait3A_428 = arith.constant 0 : i32
        %dma_wait3A_429 = tpu.memref_slice %arg7[%run_scoped3A_236, %dma_wait3A_428] : memref<2x112xi32, #tpu.memory_space<vmem>> -> memref<1x112xi32, #tpu.memory_space<vmem>>
        %dma_wait3A_430 = tpu.memref_squeeze %dma_wait3A_429 : memref<1x112xi32, #tpu.memory_space<vmem>> -> memref<112xi32, #tpu.memory_space<vmem>>
        %dma_wait3A_431 = arith.constant 0 : i32
        %dma_wait3A_432 = arith.constant 0 : i32
        %dma_wait3A_433 = tpu.memref_slice %arg15[%dma_wait3A_431, %dma_wait3A_432] : memref<10240x128xf32, #tpu.memory_space<vmem_shared>> -> memref<10240x128xf32, #tpu.memory_space<vmem_shared>>
        tpu.wait_indirect_dma semaphore(%run_scoped3A_421 : memref<!tpu.dma_semaphore, #tpu.memory_space<semaphore_mem>>) src(%arg13 : memref<112x128xf32, #tpu.memory_space<vmem>>) dst(%dma_wait3A_433 : memref<10240x128xf32, #tpu.memory_space<vmem_shared>>)
        tpu.yield
      }) : () -> ()
      %add3A_237 = arith.constant 6 : i32
      %add3A_238 = arith.addi %add3A_229, %add3A_237 : i32
      %rem3A_239 = arith.remsi %add3A_238, %select_n3A : i32
      %add3A_240 = arith.addi %select_n3A_13, %rem3A_239 : i32
      %dma_start3A_241 = arith.constant 0 : i32
      %dma_start3A_242 = arith.constant 0 : i32
      %dma_start3A_243 = tpu.memref_slice %arg2[%add3A_240, %dma_start3A_241, %dma_start3A_242] : memref<2880x2x112xi32, #tpu.memory_space<hbm>> -> memref<1x2x112xi32, #tpu.memory_space<hbm>>
      %dma_start3A_244 = tpu.memref_squeeze %dma_start3A_243 : memref<1x2x112xi32, #tpu.memory_space<hbm>> -> memref<2x112xi32, #tpu.memory_space<hbm>>
      %dma_start3A_245 = arith.constant 0 : i32
      %dma_start3A_246 = arith.constant 0 : i32
      %dma_start3A_247 = tpu.memref_slice %arg2[%add3A_240, %dma_start3A_245, %dma_start3A_246] : memref<2880x2x112xi32, #tpu.memory_space<hbm>> -> memref<1x2x112xi32, #tpu.memory_space<hbm>>
      %dma_start3A_248 = tpu.memref_squeeze %dma_start3A_247 : memref<1x2x112xi32, #tpu.memory_space<hbm>> -> memref<2x112xi32, #tpu.memory_space<hbm>>
      tpu.enqueue_dma source(%dma_start3A_248 : memref<2x112xi32, #tpu.memory_space<hbm>>) target(%arg7 : memref<2x112xi32, #tpu.memory_space<vmem>>) target_semaphore(%arg17 : memref<!tpu.dma_semaphore, #tpu.memory_space<semaphore_mem>>)
      %dma_wait3A_249 = arith.constant 0 : i32
      %dma_wait3A_250 = arith.constant 0 : i32
      %dma_wait3A_251 = arith.constant 0 : i32
      %dma_wait3A_252 = tpu.memref_slice %arg2[%dma_wait3A_249, %dma_wait3A_250, %dma_wait3A_251] : memref<2880x2x112xi32, #tpu.memory_space<hbm>> -> memref<1x2x112xi32, #tpu.memory_space<hbm>>
      %dma_wait3A_253 = tpu.memref_squeeze %dma_wait3A_252 : memref<1x2x112xi32, #tpu.memory_space<hbm>> -> memref<2x112xi32, #tpu.memory_space<hbm>>
      %dma_wait3A_254 = arith.constant 0 : i32
      %dma_wait3A_255 = arith.constant 0 : i32
      %dma_wait3A_256 = tpu.memref_slice %arg2[%dma_wait3A_249, %dma_wait3A_254, %dma_wait3A_255] : memref<2880x2x112xi32, #tpu.memory_space<hbm>> -> memref<1x2x112xi32, #tpu.memory_space<hbm>>
      %dma_wait3A_257 = tpu.memref_squeeze %dma_wait3A_256 : memref<1x2x112xi32, #tpu.memory_space<hbm>> -> memref<2x112xi32, #tpu.memory_space<hbm>>
      tpu.wait_dma2 semaphore(%arg20 : memref<!tpu.dma_semaphore, #tpu.memory_space<semaphore_mem>>) src(%dma_wait3A_257 : memref<2x112xi32, #tpu.memory_space<hbm>>) dst(%arg10 : memref<2x112xi32, #tpu.memory_space<vmem>>)
      %dma_start3A_258 = arith.constant 0 : i32
      %dma_start3A_259 = arith.constant 0 : i32
      %dma_start3A_260 = tpu.memref_slice %arg10[%dma_start3A_258, %dma_start3A_259] : memref<2x112xi32, #tpu.memory_space<vmem>> -> memref<1x112xi32, #tpu.memory_space<vmem>>
      %dma_start3A_261 = tpu.memref_squeeze %dma_start3A_260 : memref<1x112xi32, #tpu.memory_space<vmem>> -> memref<112xi32, #tpu.memory_space<vmem>>
      %dma_start3A_262 = arith.constant 0 : i32
      %dma_start3A_263 = arith.constant 0 : i32
      %dma_start3A_264 = tpu.memref_slice %arg3[%dma_start3A_262, %dma_start3A_263] : memref<10240x128xf32, #tpu.memory_space<hbm>> -> memref<10240x128xf32, #tpu.memory_space<hbm>>
      tpu.enqueue_indirect_dma source(%dma_start3A_264 : memref<10240x128xf32, #tpu.memory_space<hbm>>) target(%arg13 : memref<112x128xf32, #tpu.memory_space<vmem>>) offsets(%dma_start3A_261 : memref<112xi32, #tpu.memory_space<vmem>>) semaphore(%arg23 : memref<!tpu.dma_semaphore, #tpu.memory_space<semaphore_mem>>)
      %mul3A_265 = arith.constant 6 : i32
      %mul3A_266 = arith.muli %while3A_188, %mul3A_265 : i32
      %add3A_267 = arith.constant 2 : i32
      %add3A_268 = arith.addi %mul3A_266, %add3A_267 : i32
      %dma_wait3A_269 = arith.constant 0 : i32
      %dma_wait3A_270 = arith.constant 0 : i32
      %dma_wait3A_271 = tpu.memref_slice %arg3[%dma_wait3A_269, %dma_wait3A_270] : memref<10240x128xf32, #tpu.memory_space<hbm>> -> memref<112x128xf32, #tpu.memory_space<hbm>>
      %dma_wait3A_272 = arith.constant 0 : i32
      %dma_wait3A_273 = arith.constant 0 : i32
      %dma_wait3A_274 = tpu.memref_slice %arg3[%dma_wait3A_272, %dma_wait3A_273] : memref<10240x128xf32, #tpu.memory_space<hbm>> -> memref<112x128xf32, #tpu.memory_space<hbm>>
      tpu.wait_dma2 semaphore(%arg24 : memref<!tpu.dma_semaphore, #tpu.memory_space<semaphore_mem>>) src(%dma_wait3A_274 : memref<112x128xf32, #tpu.memory_space<hbm>>) dst(%arg14 : memref<112x128xf32, #tpu.memory_space<vmem>>)
      %run_scoped3A_275 = arith.constant 1 : i32
      "tpu.region"() ({
        %run_scoped3A_421 = tpu.sem_alloc : memref<!tpu.dma_semaphore, #tpu.memory_space<semaphore_mem>>
        %dma_start3A_422 = arith.constant 0 : i32
        %dma_start3A_423 = tpu.memref_slice %arg8[%run_scoped3A_275, %dma_start3A_422] : memref<2x112xi32, #tpu.memory_space<vmem>> -> memref<1x112xi32, #tpu.memory_space<vmem>>
        %dma_start3A_424 = tpu.memref_squeeze %dma_start3A_423 : memref<1x112xi32, #tpu.memory_space<vmem>> -> memref<112xi32, #tpu.memory_space<vmem>>
        %dma_start3A_425 = arith.constant 0 : i32
        %dma_start3A_426 = arith.constant 0 : i32
        %dma_start3A_427 = tpu.memref_slice %arg15[%dma_start3A_425, %dma_start3A_426] : memref<10240x128xf32, #tpu.memory_space<vmem_shared>> -> memref<10240x128xf32, #tpu.memory_space<vmem_shared>>
        tpu.enqueue_indirect_dma source(%arg14 : memref<112x128xf32, #tpu.memory_space<vmem>>) target(%dma_start3A_427 : memref<10240x128xf32, #tpu.memory_space<vmem_shared>>) offsets(%dma_start3A_424 : memref<112xi32, #tpu.memory_space<vmem>>) semaphore(%run_scoped3A_421 : memref<!tpu.dma_semaphore, #tpu.memory_space<semaphore_mem>>) {add = true}
        %dma_wait3A_428 = arith.constant 0 : i32
        %dma_wait3A_429 = tpu.memref_slice %arg8[%run_scoped3A_275, %dma_wait3A_428] : memref<2x112xi32, #tpu.memory_space<vmem>> -> memref<1x112xi32, #tpu.memory_space<vmem>>
        %dma_wait3A_430 = tpu.memref_squeeze %dma_wait3A_429 : memref<1x112xi32, #tpu.memory_space<vmem>> -> memref<112xi32, #tpu.memory_space<vmem>>
        %dma_wait3A_431 = arith.constant 0 : i32
        %dma_wait3A_432 = arith.constant 0 : i32
        %dma_wait3A_433 = tpu.memref_slice %arg15[%dma_wait3A_431, %dma_wait3A_432] : memref<10240x128xf32, #tpu.memory_space<vmem_shared>> -> memref<10240x128xf32, #tpu.memory_space<vmem_shared>>
        tpu.wait_indirect_dma semaphore(%run_scoped3A_421 : memref<!tpu.dma_semaphore, #tpu.memory_space<semaphore_mem>>) src(%arg14 : memref<112x128xf32, #tpu.memory_space<vmem>>) dst(%dma_wait3A_433 : memref<10240x128xf32, #tpu.memory_space<vmem_shared>>)
        tpu.yield
      }) : () -> ()
      %add3A_276 = arith.constant 6 : i32
      %add3A_277 = arith.addi %add3A_268, %add3A_276 : i32
      %rem3A_278 = arith.remsi %add3A_277, %select_n3A : i32
      %add3A_279 = arith.addi %select_n3A_13, %rem3A_278 : i32
      %dma_start3A_280 = arith.constant 0 : i32
      %dma_start3A_281 = arith.constant 0 : i32
      %dma_start3A_282 = tpu.memref_slice %arg2[%add3A_279, %dma_start3A_280, %dma_start3A_281] : memref<2880x2x112xi32, #tpu.memory_space<hbm>> -> memref<1x2x112xi32, #tpu.memory_space<hbm>>
      %dma_start3A_283 = tpu.memref_squeeze %dma_start3A_282 : memref<1x2x112xi32, #tpu.memory_space<hbm>> -> memref<2x112xi32, #tpu.memory_space<hbm>>
      %dma_start3A_284 = arith.constant 0 : i32
      %dma_start3A_285 = arith.constant 0 : i32
      %dma_start3A_286 = tpu.memref_slice %arg2[%add3A_279, %dma_start3A_284, %dma_start3A_285] : memref<2880x2x112xi32, #tpu.memory_space<hbm>> -> memref<1x2x112xi32, #tpu.memory_space<hbm>>
      %dma_start3A_287 = tpu.memref_squeeze %dma_start3A_286 : memref<1x2x112xi32, #tpu.memory_space<hbm>> -> memref<2x112xi32, #tpu.memory_space<hbm>>
      tpu.enqueue_dma source(%dma_start3A_287 : memref<2x112xi32, #tpu.memory_space<hbm>>) target(%arg8 : memref<2x112xi32, #tpu.memory_space<vmem>>) target_semaphore(%arg18 : memref<!tpu.dma_semaphore, #tpu.memory_space<semaphore_mem>>)
      %dma_wait3A_288 = arith.constant 0 : i32
      %dma_wait3A_289 = arith.constant 0 : i32
      %dma_wait3A_290 = arith.constant 0 : i32
      %dma_wait3A_291 = tpu.memref_slice %arg2[%dma_wait3A_288, %dma_wait3A_289, %dma_wait3A_290] : memref<2880x2x112xi32, #tpu.memory_space<hbm>> -> memref<1x2x112xi32, #tpu.memory_space<hbm>>
      %dma_wait3A_292 = tpu.memref_squeeze %dma_wait3A_291 : memref<1x2x112xi32, #tpu.memory_space<hbm>> -> memref<2x112xi32, #tpu.memory_space<hbm>>
      %dma_wait3A_293 = arith.constant 0 : i32
      %dma_wait3A_294 = arith.constant 0 : i32
      %dma_wait3A_295 = tpu.memref_slice %arg2[%dma_wait3A_288, %dma_wait3A_293, %dma_wait3A_294] : memref<2880x2x112xi32, #tpu.memory_space<hbm>> -> memref<1x2x112xi32, #tpu.memory_space<hbm>>
      %dma_wait3A_296 = tpu.memref_squeeze %dma_wait3A_295 : memref<1x2x112xi32, #tpu.memory_space<hbm>> -> memref<2x112xi32, #tpu.memory_space<hbm>>
      tpu.wait_dma2 semaphore(%arg21 : memref<!tpu.dma_semaphore, #tpu.memory_space<semaphore_mem>>) src(%dma_wait3A_296 : memref<2x112xi32, #tpu.memory_space<hbm>>) dst(%arg11 : memref<2x112xi32, #tpu.memory_space<vmem>>)
      %dma_start3A_297 = arith.constant 0 : i32
      %dma_start3A_298 = arith.constant 0 : i32
      %dma_start3A_299 = tpu.memref_slice %arg11[%dma_start3A_297, %dma_start3A_298] : memref<2x112xi32, #tpu.memory_space<vmem>> -> memref<1x112xi32, #tpu.memory_space<vmem>>
      %dma_start3A_300 = tpu.memref_squeeze %dma_start3A_299 : memref<1x112xi32, #tpu.memory_space<vmem>> -> memref<112xi32, #tpu.memory_space<vmem>>
      %dma_start3A_301 = arith.constant 0 : i32
      %dma_start3A_302 = arith.constant 0 : i32
      %dma_start3A_303 = tpu.memref_slice %arg3[%dma_start3A_301, %dma_start3A_302] : memref<10240x128xf32, #tpu.memory_space<hbm>> -> memref<10240x128xf32, #tpu.memory_space<hbm>>
      tpu.enqueue_indirect_dma source(%dma_start3A_303 : memref<10240x128xf32, #tpu.memory_space<hbm>>) target(%arg14 : memref<112x128xf32, #tpu.memory_space<vmem>>) offsets(%dma_start3A_300 : memref<112xi32, #tpu.memory_space<vmem>>) semaphore(%arg24 : memref<!tpu.dma_semaphore, #tpu.memory_space<semaphore_mem>>)
      %mul3A_304 = arith.constant 6 : i32
      %mul3A_305 = arith.muli %while3A_188, %mul3A_304 : i32
      %add3A_306 = arith.constant 3 : i32
      %add3A_307 = arith.addi %mul3A_305, %add3A_306 : i32
      %dma_wait3A_308 = arith.constant 0 : i32
      %dma_wait3A_309 = arith.constant 0 : i32
      %dma_wait3A_310 = tpu.memref_slice %arg3[%dma_wait3A_308, %dma_wait3A_309] : memref<10240x128xf32, #tpu.memory_space<hbm>> -> memref<112x128xf32, #tpu.memory_space<hbm>>
      %dma_wait3A_311 = arith.constant 0 : i32
      %dma_wait3A_312 = arith.constant 0 : i32
      %dma_wait3A_313 = tpu.memref_slice %arg3[%dma_wait3A_311, %dma_wait3A_312] : memref<10240x128xf32, #tpu.memory_space<hbm>> -> memref<112x128xf32, #tpu.memory_space<hbm>>
      tpu.wait_dma2 semaphore(%arg22 : memref<!tpu.dma_semaphore, #tpu.memory_space<semaphore_mem>>) src(%dma_wait3A_313 : memref<112x128xf32, #tpu.memory_space<hbm>>) dst(%arg12 : memref<112x128xf32, #tpu.memory_space<vmem>>)
      %run_scoped3A_314 = arith.constant 1 : i32
      "tpu.region"() ({
        %run_scoped3A_421 = tpu.sem_alloc : memref<!tpu.dma_semaphore, #tpu.memory_space<semaphore_mem>>
        %dma_start3A_422 = arith.constant 0 : i32
        %dma_start3A_423 = tpu.memref_slice %arg9[%run_scoped3A_314, %dma_start3A_422] : memref<2x112xi32, #tpu.memory_space<vmem>> -> memref<1x112xi32, #tpu.memory_space<vmem>>
        %dma_start3A_424 = tpu.memref_squeeze %dma_start3A_423 : memref<1x112xi32, #tpu.memory_space<vmem>> -> memref<112xi32, #tpu.memory_space<vmem>>
        %dma_start3A_425 = arith.constant 0 : i32
        %dma_start3A_426 = arith.constant 0 : i32
        %dma_start3A_427 = tpu.memref_slice %arg15[%dma_start3A_425, %dma_start3A_426] : memref<10240x128xf32, #tpu.memory_space<vmem_shared>> -> memref<10240x128xf32, #tpu.memory_space<vmem_shared>>
        tpu.enqueue_indirect_dma source(%arg12 : memref<112x128xf32, #tpu.memory_space<vmem>>) target(%dma_start3A_427 : memref<10240x128xf32, #tpu.memory_space<vmem_shared>>) offsets(%dma_start3A_424 : memref<112xi32, #tpu.memory_space<vmem>>) semaphore(%run_scoped3A_421 : memref<!tpu.dma_semaphore, #tpu.memory_space<semaphore_mem>>) {add = true}
        %dma_wait3A_428 = arith.constant 0 : i32
        %dma_wait3A_429 = tpu.memref_slice %arg9[%run_scoped3A_314, %dma_wait3A_428] : memref<2x112xi32, #tpu.memory_space<vmem>> -> memref<1x112xi32, #tpu.memory_space<vmem>>
        %dma_wait3A_430 = tpu.memref_squeeze %dma_wait3A_429 : memref<1x112xi32, #tpu.memory_space<vmem>> -> memref<112xi32, #tpu.memory_space<vmem>>
        %dma_wait3A_431 = arith.constant 0 : i32
        %dma_wait3A_432 = arith.constant 0 : i32
        %dma_wait3A_433 = tpu.memref_slice %arg15[%dma_wait3A_431, %dma_wait3A_432] : memref<10240x128xf32, #tpu.memory_space<vmem_shared>> -> memref<10240x128xf32, #tpu.memory_space<vmem_shared>>
        tpu.wait_indirect_dma semaphore(%run_scoped3A_421 : memref<!tpu.dma_semaphore, #tpu.memory_space<semaphore_mem>>) src(%arg12 : memref<112x128xf32, #tpu.memory_space<vmem>>) dst(%dma_wait3A_433 : memref<10240x128xf32, #tpu.memory_space<vmem_shared>>)
        tpu.yield
      }) : () -> ()
      %add3A_315 = arith.constant 6 : i32
      %add3A_316 = arith.addi %add3A_307, %add3A_315 : i32
      %rem3A_317 = arith.remsi %add3A_316, %select_n3A : i32
      %add3A_318 = arith.addi %select_n3A_13, %rem3A_317 : i32
      %dma_start3A_319 = arith.constant 0 : i32
      %dma_start3A_320 = arith.constant 0 : i32
      %dma_start3A_321 = tpu.memref_slice %arg2[%add3A_318, %dma_start3A_319, %dma_start3A_320] : memref<2880x2x112xi32, #tpu.memory_space<hbm>> -> memref<1x2x112xi32, #tpu.memory_space<hbm>>
      %dma_start3A_322 = tpu.memref_squeeze %dma_start3A_321 : memref<1x2x112xi32, #tpu.memory_space<hbm>> -> memref<2x112xi32, #tpu.memory_space<hbm>>
      %dma_start3A_323 = arith.constant 0 : i32
      %dma_start3A_324 = arith.constant 0 : i32
      %dma_start3A_325 = tpu.memref_slice %arg2[%add3A_318, %dma_start3A_323, %dma_start3A_324] : memref<2880x2x112xi32, #tpu.memory_space<hbm>> -> memref<1x2x112xi32, #tpu.memory_space<hbm>>
      %dma_start3A_326 = tpu.memref_squeeze %dma_start3A_325 : memref<1x2x112xi32, #tpu.memory_space<hbm>> -> memref<2x112xi32, #tpu.memory_space<hbm>>
      tpu.enqueue_dma source(%dma_start3A_326 : memref<2x112xi32, #tpu.memory_space<hbm>>) target(%arg9 : memref<2x112xi32, #tpu.memory_space<vmem>>) target_semaphore(%arg19 : memref<!tpu.dma_semaphore, #tpu.memory_space<semaphore_mem>>)
      %dma_wait3A_327 = arith.constant 0 : i32
      %dma_wait3A_328 = arith.constant 0 : i32
      %dma_wait3A_329 = arith.constant 0 : i32
      %dma_wait3A_330 = tpu.memref_slice %arg2[%dma_wait3A_327, %dma_wait3A_328, %dma_wait3A_329] : memref<2880x2x112xi32, #tpu.memory_space<hbm>> -> memref<1x2x112xi32, #tpu.memory_space<hbm>>
      %dma_wait3A_331 = tpu.memref_squeeze %dma_wait3A_330 : memref<1x2x112xi32, #tpu.memory_space<hbm>> -> memref<2x112xi32, #tpu.memory_space<hbm>>
      %dma_wait3A_332 = arith.constant 0 : i32
      %dma_wait3A_333 = arith.constant 0 : i32
      %dma_wait3A_334 = tpu.memref_slice %arg2[%dma_wait3A_327, %dma_wait3A_332, %dma_wait3A_333] : memref<2880x2x112xi32, #tpu.memory_space<hbm>> -> memref<1x2x112xi32, #tpu.memory_space<hbm>>
      %dma_wait3A_335 = tpu.memref_squeeze %dma_wait3A_334 : memref<1x2x112xi32, #tpu.memory_space<hbm>> -> memref<2x112xi32, #tpu.memory_space<hbm>>
      tpu.wait_dma2 semaphore(%arg16 : memref<!tpu.dma_semaphore, #tpu.memory_space<semaphore_mem>>) src(%dma_wait3A_335 : memref<2x112xi32, #tpu.memory_space<hbm>>) dst(%arg6 : memref<2x112xi32, #tpu.memory_space<vmem>>)
      %dma_start3A_336 = arith.constant 0 : i32
      %dma_start3A_337 = arith.constant 0 : i32
      %dma_start3A_338 = tpu.memref_slice %arg6[%dma_start3A_336, %dma_start3A_337] : memref<2x112xi32, #tpu.memory_space<vmem>> -> memref<1x112xi32, #tpu.memory_space<vmem>>
      %dma_start3A_339 = tpu.memref_squeeze %dma_start3A_338 : memref<1x112xi32, #tpu.memory_space<vmem>> -> memref<112xi32, #tpu.memory_space<vmem>>
      %dma_start3A_340 = arith.constant 0 : i32
      %dma_start3A_341 = arith.constant 0 : i32
      %dma_start3A_342 = tpu.memref_slice %arg3[%dma_start3A_340, %dma_start3A_341] : memref<10240x128xf32, #tpu.memory_space<hbm>> -> memref<10240x128xf32, #tpu.memory_space<hbm>>
      tpu.enqueue_indirect_dma source(%dma_start3A_342 : memref<10240x128xf32, #tpu.memory_space<hbm>>) target(%arg12 : memref<112x128xf32, #tpu.memory_space<vmem>>) offsets(%dma_start3A_339 : memref<112xi32, #tpu.memory_space<vmem>>) semaphore(%arg22 : memref<!tpu.dma_semaphore, #tpu.memory_space<semaphore_mem>>)
      %mul3A_343 = arith.constant 6 : i32
      %mul3A_344 = arith.muli %while3A_188, %mul3A_343 : i32
      %add3A_345 = arith.constant 4 : i32
      %add3A_346 = arith.addi %mul3A_344, %add3A_345 : i32
      %dma_wait3A_347 = arith.constant 0 : i32
      %dma_wait3A_348 = arith.constant 0 : i32
      %dma_wait3A_349 = tpu.memref_slice %arg3[%dma_wait3A_347, %dma_wait3A_348] : memref<10240x128xf32, #tpu.memory_space<hbm>> -> memref<112x128xf32, #tpu.memory_space<hbm>>
      %dma_wait3A_350 = arith.constant 0 : i32
      %dma_wait3A_351 = arith.constant 0 : i32
      %dma_wait3A_352 = tpu.memref_slice %arg3[%dma_wait3A_350, %dma_wait3A_351] : memref<10240x128xf32, #tpu.memory_space<hbm>> -> memref<112x128xf32, #tpu.memory_space<hbm>>
      tpu.wait_dma2 semaphore(%arg23 : memref<!tpu.dma_semaphore, #tpu.memory_space<semaphore_mem>>) src(%dma_wait3A_352 : memref<112x128xf32, #tpu.memory_space<hbm>>) dst(%arg13 : memref<112x128xf32, #tpu.memory_space<vmem>>)
      %run_scoped3A_353 = arith.constant 1 : i32
      "tpu.region"() ({
        %run_scoped3A_421 = tpu.sem_alloc : memref<!tpu.dma_semaphore, #tpu.memory_space<semaphore_mem>>
        %dma_start3A_422 = arith.constant 0 : i32
        %dma_start3A_423 = tpu.memref_slice %arg10[%run_scoped3A_353, %dma_start3A_422] : memref<2x112xi32, #tpu.memory_space<vmem>> -> memref<1x112xi32, #tpu.memory_space<vmem>>
        %dma_start3A_424 = tpu.memref_squeeze %dma_start3A_423 : memref<1x112xi32, #tpu.memory_space<vmem>> -> memref<112xi32, #tpu.memory_space<vmem>>
        %dma_start3A_425 = arith.constant 0 : i32
        %dma_start3A_426 = arith.constant 0 : i32
        %dma_start3A_427 = tpu.memref_slice %arg15[%dma_start3A_425, %dma_start3A_426] : memref<10240x128xf32, #tpu.memory_space<vmem_shared>> -> memref<10240x128xf32, #tpu.memory_space<vmem_shared>>
        tpu.enqueue_indirect_dma source(%arg13 : memref<112x128xf32, #tpu.memory_space<vmem>>) target(%dma_start3A_427 : memref<10240x128xf32, #tpu.memory_space<vmem_shared>>) offsets(%dma_start3A_424 : memref<112xi32, #tpu.memory_space<vmem>>) semaphore(%run_scoped3A_421 : memref<!tpu.dma_semaphore, #tpu.memory_space<semaphore_mem>>) {add = true}
        %dma_wait3A_428 = arith.constant 0 : i32
        %dma_wait3A_429 = tpu.memref_slice %arg10[%run_scoped3A_353, %dma_wait3A_428] : memref<2x112xi32, #tpu.memory_space<vmem>> -> memref<1x112xi32, #tpu.memory_space<vmem>>
        %dma_wait3A_430 = tpu.memref_squeeze %dma_wait3A_429 : memref<1x112xi32, #tpu.memory_space<vmem>> -> memref<112xi32, #tpu.memory_space<vmem>>
        %dma_wait3A_431 = arith.constant 0 : i32
        %dma_wait3A_432 = arith.constant 0 : i32
        %dma_wait3A_433 = tpu.memref_slice %arg15[%dma_wait3A_431, %dma_wait3A_432] : memref<10240x128xf32, #tpu.memory_space<vmem_shared>> -> memref<10240x128xf32, #tpu.memory_space<vmem_shared>>
        tpu.wait_indirect_dma semaphore(%run_scoped3A_421 : memref<!tpu.dma_semaphore, #tpu.memory_space<semaphore_mem>>) src(%arg13 : memref<112x128xf32, #tpu.memory_space<vmem>>) dst(%dma_wait3A_433 : memref<10240x128xf32, #tpu.memory_space<vmem_shared>>)
        tpu.yield
      }) : () -> ()
      %add3A_354 = arith.constant 6 : i32
      %add3A_355 = arith.addi %add3A_346, %add3A_354 : i32
      %rem3A_356 = arith.remsi %add3A_355, %select_n3A : i32
      %add3A_357 = arith.addi %select_n3A_13, %rem3A_356 : i32
      %dma_start3A_358 = arith.constant 0 : i32
      %dma_start3A_359 = arith.constant 0 : i32
      %dma_start3A_360 = tpu.memref_slice %arg2[%add3A_357, %dma_start3A_358, %dma_start3A_359] : memref<2880x2x112xi32, #tpu.memory_space<hbm>> -> memref<1x2x112xi32, #tpu.memory_space<hbm>>
      %dma_start3A_361 = tpu.memref_squeeze %dma_start3A_360 : memref<1x2x112xi32, #tpu.memory_space<hbm>> -> memref<2x112xi32, #tpu.memory_space<hbm>>
      %dma_start3A_362 = arith.constant 0 : i32
      %dma_start3A_363 = arith.constant 0 : i32
      %dma_start3A_364 = tpu.memref_slice %arg2[%add3A_357, %dma_start3A_362, %dma_start3A_363] : memref<2880x2x112xi32, #tpu.memory_space<hbm>> -> memref<1x2x112xi32, #tpu.memory_space<hbm>>
      %dma_start3A_365 = tpu.memref_squeeze %dma_start3A_364 : memref<1x2x112xi32, #tpu.memory_space<hbm>> -> memref<2x112xi32, #tpu.memory_space<hbm>>
      tpu.enqueue_dma source(%dma_start3A_365 : memref<2x112xi32, #tpu.memory_space<hbm>>) target(%arg10 : memref<2x112xi32, #tpu.memory_space<vmem>>) target_semaphore(%arg20 : memref<!tpu.dma_semaphore, #tpu.memory_space<semaphore_mem>>)
      %dma_wait3A_366 = arith.constant 0 : i32
      %dma_wait3A_367 = arith.constant 0 : i32
      %dma_wait3A_368 = arith.constant 0 : i32
      %dma_wait3A_369 = tpu.memref_slice %arg2[%dma_wait3A_366, %dma_wait3A_367, %dma_wait3A_368] : memref<2880x2x112xi32, #tpu.memory_space<hbm>> -> memref<1x2x112xi32, #tpu.memory_space<hbm>>
      %dma_wait3A_370 = tpu.memref_squeeze %dma_wait3A_369 : memref<1x2x112xi32, #tpu.memory_space<hbm>> -> memref<2x112xi32, #tpu.memory_space<hbm>>
      %dma_wait3A_371 = arith.constant 0 : i32
      %dma_wait3A_372 = arith.constant 0 : i32
      %dma_wait3A_373 = tpu.memref_slice %arg2[%dma_wait3A_366, %dma_wait3A_371, %dma_wait3A_372] : memref<2880x2x112xi32, #tpu.memory_space<hbm>> -> memref<1x2x112xi32, #tpu.memory_space<hbm>>
      %dma_wait3A_374 = tpu.memref_squeeze %dma_wait3A_373 : memref<1x2x112xi32, #tpu.memory_space<hbm>> -> memref<2x112xi32, #tpu.memory_space<hbm>>
      tpu.wait_dma2 semaphore(%arg17 : memref<!tpu.dma_semaphore, #tpu.memory_space<semaphore_mem>>) src(%dma_wait3A_374 : memref<2x112xi32, #tpu.memory_space<hbm>>) dst(%arg7 : memref<2x112xi32, #tpu.memory_space<vmem>>)
      %dma_start3A_375 = arith.constant 0 : i32
      %dma_start3A_376 = arith.constant 0 : i32
      %dma_start3A_377 = tpu.memref_slice %arg7[%dma_start3A_375, %dma_start3A_376] : memref<2x112xi32, #tpu.memory_space<vmem>> -> memref<1x112xi32, #tpu.memory_space<vmem>>
      %dma_start3A_378 = tpu.memref_squeeze %dma_start3A_377 : memref<1x112xi32, #tpu.memory_space<vmem>> -> memref<112xi32, #tpu.memory_space<vmem>>
      %dma_start3A_379 = arith.constant 0 : i32
      %dma_start3A_380 = arith.constant 0 : i32
      %dma_start3A_381 = tpu.memref_slice %arg3[%dma_start3A_379, %dma_start3A_380] : memref<10240x128xf32, #tpu.memory_space<hbm>> -> memref<10240x128xf32, #tpu.memory_space<hbm>>
      tpu.enqueue_indirect_dma source(%dma_start3A_381 : memref<10240x128xf32, #tpu.memory_space<hbm>>) target(%arg13 : memref<112x128xf32, #tpu.memory_space<vmem>>) offsets(%dma_start3A_378 : memref<112xi32, #tpu.memory_space<vmem>>) semaphore(%arg23 : memref<!tpu.dma_semaphore, #tpu.memory_space<semaphore_mem>>)
      %mul3A_382 = arith.constant 6 : i32
      %mul3A_383 = arith.muli %while3A_188, %mul3A_382 : i32
      %add3A_384 = arith.constant 5 : i32
      %add3A_385 = arith.addi %mul3A_383, %add3A_384 : i32
      %dma_wait3A_386 = arith.constant 0 : i32
      %dma_wait3A_387 = arith.constant 0 : i32
      %dma_wait3A_388 = tpu.memref_slice %arg3[%dma_wait3A_386, %dma_wait3A_387] : memref<10240x128xf32, #tpu.memory_space<hbm>> -> memref<112x128xf32, #tpu.memory_space<hbm>>
      %dma_wait3A_389 = arith.constant 0 : i32
      %dma_wait3A_390 = arith.constant 0 : i32
      %dma_wait3A_391 = tpu.memref_slice %arg3[%dma_wait3A_389, %dma_wait3A_390] : memref<10240x128xf32, #tpu.memory_space<hbm>> -> memref<112x128xf32, #tpu.memory_space<hbm>>
      tpu.wait_dma2 semaphore(%arg24 : memref<!tpu.dma_semaphore, #tpu.memory_space<semaphore_mem>>) src(%dma_wait3A_391 : memref<112x128xf32, #tpu.memory_space<hbm>>) dst(%arg14 : memref<112x128xf32, #tpu.memory_space<vmem>>)
      %run_scoped3A_392 = arith.constant 1 : i32
      "tpu.region"() ({
        %run_scoped3A_421 = tpu.sem_alloc : memref<!tpu.dma_semaphore, #tpu.memory_space<semaphore_mem>>
        %dma_start3A_422 = arith.constant 0 : i32
        %dma_start3A_423 = tpu.memref_slice %arg11[%run_scoped3A_392, %dma_start3A_422] : memref<2x112xi32, #tpu.memory_space<vmem>> -> memref<1x112xi32, #tpu.memory_space<vmem>>
        %dma_start3A_424 = tpu.memref_squeeze %dma_start3A_423 : memref<1x112xi32, #tpu.memory_space<vmem>> -> memref<112xi32, #tpu.memory_space<vmem>>
        %dma_start3A_425 = arith.constant 0 : i32
        %dma_start3A_426 = arith.constant 0 : i32
        %dma_start3A_427 = tpu.memref_slice %arg15[%dma_start3A_425, %dma_start3A_426] : memref<10240x128xf32, #tpu.memory_space<vmem_shared>> -> memref<10240x128xf32, #tpu.memory_space<vmem_shared>>
        tpu.enqueue_indirect_dma source(%arg14 : memref<112x128xf32, #tpu.memory_space<vmem>>) target(%dma_start3A_427 : memref<10240x128xf32, #tpu.memory_space<vmem_shared>>) offsets(%dma_start3A_424 : memref<112xi32, #tpu.memory_space<vmem>>) semaphore(%run_scoped3A_421 : memref<!tpu.dma_semaphore, #tpu.memory_space<semaphore_mem>>) {add = true}
        %dma_wait3A_428 = arith.constant 0 : i32
        %dma_wait3A_429 = tpu.memref_slice %arg11[%run_scoped3A_392, %dma_wait3A_428] : memref<2x112xi32, #tpu.memory_space<vmem>> -> memref<1x112xi32, #tpu.memory_space<vmem>>
        %dma_wait3A_430 = tpu.memref_squeeze %dma_wait3A_429 : memref<1x112xi32, #tpu.memory_space<vmem>> -> memref<112xi32, #tpu.memory_space<vmem>>
        %dma_wait3A_431 = arith.constant 0 : i32
        %dma_wait3A_432 = arith.constant 0 : i32
        %dma_wait3A_433 = tpu.memref_slice %arg15[%dma_wait3A_431, %dma_wait3A_432] : memref<10240x128xf32, #tpu.memory_space<vmem_shared>> -> memref<10240x128xf32, #tpu.memory_space<vmem_shared>>
        tpu.wait_indirect_dma semaphore(%run_scoped3A_421 : memref<!tpu.dma_semaphore, #tpu.memory_space<semaphore_mem>>) src(%arg14 : memref<112x128xf32, #tpu.memory_space<vmem>>) dst(%dma_wait3A_433 : memref<10240x128xf32, #tpu.memory_space<vmem_shared>>)
        tpu.yield
      }) : () -> ()
      %add3A_393 = arith.constant 6 : i32
      %add3A_394 = arith.addi %add3A_385, %add3A_393 : i32
      %rem3A_395 = arith.remsi %add3A_394, %select_n3A : i32
      %add3A_396 = arith.addi %select_n3A_13, %rem3A_395 : i32
      %dma_start3A_397 = arith.constant 0 : i32
      %dma_start3A_398 = arith.constant 0 : i32
      %dma_start3A_399 = tpu.memref_slice %arg2[%add3A_396, %dma_start3A_397, %dma_start3A_398] : memref<2880x2x112xi32, #tpu.memory_space<hbm>> -> memref<1x2x112xi32, #tpu.memory_space<hbm>>
      %dma_start3A_400 = tpu.memref_squeeze %dma_start3A_399 : memref<1x2x112xi32, #tpu.memory_space<hbm>> -> memref<2x112xi32, #tpu.memory_space<hbm>>
      %dma_start3A_401 = arith.constant 0 : i32
      %dma_start3A_402 = arith.constant 0 : i32
      %dma_start3A_403 = tpu.memref_slice %arg2[%add3A_396, %dma_start3A_401, %dma_start3A_402] : memref<2880x2x112xi32, #tpu.memory_space<hbm>> -> memref<1x2x112xi32, #tpu.memory_space<hbm>>
      %dma_start3A_404 = tpu.memref_squeeze %dma_start3A_403 : memref<1x2x112xi32, #tpu.memory_space<hbm>> -> memref<2x112xi32, #tpu.memory_space<hbm>>
      tpu.enqueue_dma source(%dma_start3A_404 : memref<2x112xi32, #tpu.memory_space<hbm>>) target(%arg11 : memref<2x112xi32, #tpu.memory_space<vmem>>) target_semaphore(%arg21 : memref<!tpu.dma_semaphore, #tpu.memory_space<semaphore_mem>>)
      %dma_wait3A_405 = arith.constant 0 : i32
      %dma_wait3A_406 = arith.constant 0 : i32
      %dma_wait3A_407 = arith.constant 0 : i32
      %dma_wait3A_408 = tpu.memref_slice %arg2[%dma_wait3A_405, %dma_wait3A_406, %dma_wait3A_407] : memref<2880x2x112xi32, #tpu.memory_space<hbm>> -> memref<1x2x112xi32, #tpu.memory_space<hbm>>
      %dma_wait3A_409 = tpu.memref_squeeze %dma_wait3A_408 : memref<1x2x112xi32, #tpu.memory_space<hbm>> -> memref<2x112xi32, #tpu.memory_space<hbm>>
      %dma_wait3A_410 = arith.constant 0 : i32
      %dma_wait3A_411 = arith.constant 0 : i32
      %dma_wait3A_412 = tpu.memref_slice %arg2[%dma_wait3A_405, %dma_wait3A_410, %dma_wait3A_411] : memref<2880x2x112xi32, #tpu.memory_space<hbm>> -> memref<1x2x112xi32, #tpu.memory_space<hbm>>
      %dma_wait3A_413 = tpu.memref_squeeze %dma_wait3A_412 : memref<1x2x112xi32, #tpu.memory_space<hbm>> -> memref<2x112xi32, #tpu.memory_space<hbm>>
      tpu.wait_dma2 semaphore(%arg18 : memref<!tpu.dma_semaphore, #tpu.memory_space<semaphore_mem>>) src(%dma_wait3A_413 : memref<2x112xi32, #tpu.memory_space<hbm>>) dst(%arg8 : memref<2x112xi32, #tpu.memory_space<vmem>>)
      %dma_start3A_414 = arith.constant 0 : i32
      %dma_start3A_415 = arith.constant 0 : i32
      %dma_start3A_416 = tpu.memref_slice %arg8[%dma_start3A_414, %dma_start3A_415] : memref<2x112xi32, #tpu.memory_space<vmem>> -> memref<1x112xi32, #tpu.memory_space<vmem>>
      %dma_start3A_417 = tpu.memref_squeeze %dma_start3A_416 : memref<1x112xi32, #tpu.memory_space<vmem>> -> memref<112xi32, #tpu.memory_space<vmem>>
      %dma_start3A_418 = arith.constant 0 : i32
      %dma_start3A_419 = arith.constant 0 : i32
      %dma_start3A_420 = tpu.memref_slice %arg3[%dma_start3A_418, %dma_start3A_419] : memref<10240x128xf32, #tpu.memory_space<hbm>> -> memref<10240x128xf32, #tpu.memory_space<hbm>>
      tpu.enqueue_indirect_dma source(%dma_start3A_420 : memref<10240x128xf32, #tpu.memory_space<hbm>>) target(%arg14 : memref<112x128xf32, #tpu.memory_space<vmem>>) offsets(%dma_start3A_417 : memref<112xi32, #tpu.memory_space<vmem>>) semaphore(%arg24 : memref<!tpu.dma_semaphore, #tpu.memory_space<semaphore_mem>>)
    }
    %while3A_141 = arith.constant 1 : i32
    scf.for %while3A_188 = %while3A_139 to %while3A_135 step %while3A_141  : i32 {
      %mul3A_189 = arith.constant 6 : i32
      %mul3A_190 = arith.muli %while3A_188, %mul3A_189 : i32
      %add3A_191 = arith.constant 0 : i32
      %add3A_192 = arith.addi %mul3A_190, %add3A_191 : i32
      %dma_wait3A_193 = arith.constant 0 : i32
      %dma_wait3A_194 = arith.constant 0 : i32
      %dma_wait3A_195 = tpu.memref_slice %arg3[%dma_wait3A_193, %dma_wait3A_194] : memref<10240x128xf32, #tpu.memory_space<hbm>> -> memref<112x128xf32, #tpu.memory_space<hbm>>
      %dma_wait3A_196 = arith.constant 0 : i32
      %dma_wait3A_197 = arith.constant 0 : i32
      %dma_wait3A_198 = tpu.memref_slice %arg3[%dma_wait3A_196, %dma_wait3A_197] : memref<10240x128xf32, #tpu.memory_space<hbm>> -> memref<112x128xf32, #tpu.memory_space<hbm>>
      tpu.wait_dma2 semaphore(%arg22 : memref<!tpu.dma_semaphore, #tpu.memory_space<semaphore_mem>>) src(%dma_wait3A_198 : memref<112x128xf32, #tpu.memory_space<hbm>>) dst(%arg12 : memref<112x128xf32, #tpu.memory_space<vmem>>)
      %run_scoped3A = arith.constant 1 : i32
      "tpu.region"() ({
        %run_scoped3A_421 = tpu.sem_alloc : memref<!tpu.dma_semaphore, #tpu.memory_space<semaphore_mem>>
        %dma_start3A_422 = arith.constant 0 : i32
        %dma_start3A_423 = tpu.memref_slice %arg6[%run_scoped3A, %dma_start3A_422] : memref<2x112xi32, #tpu.memory_space<vmem>> -> memref<1x112xi32, #tpu.memory_space<vmem>>
        %dma_start3A_424 = tpu.memref_squeeze %dma_start3A_423 : memref<1x112xi32, #tpu.memory_space<vmem>> -> memref<112xi32, #tpu.memory_space<vmem>>
        %dma_start3A_425 = arith.constant 0 : i32
        %dma_start3A_426 = arith.constant 0 : i32
        %dma_start3A_427 = tpu.memref_slice %arg15[%dma_start3A_425, %dma_start3A_426] : memref<10240x128xf32, #tpu.memory_space<vmem_shared>> -> memref<10240x128xf32, #tpu.memory_space<vmem_shared>>
        tpu.enqueue_indirect_dma source(%arg12 : memref<112x128xf32, #tpu.memory_space<vmem>>) target(%dma_start3A_427 : memref<10240x128xf32, #tpu.memory_space<vmem_shared>>) offsets(%dma_start3A_424 : memref<112xi32, #tpu.memory_space<vmem>>) semaphore(%run_scoped3A_421 : memref<!tpu.dma_semaphore, #tpu.memory_space<semaphore_mem>>) {add = true}
        %dma_wait3A_428 = arith.constant 0 : i32
        %dma_wait3A_429 = tpu.memref_slice %arg6[%run_scoped3A, %dma_wait3A_428] : memref<2x112xi32, #tpu.memory_space<vmem>> -> memref<1x112xi32, #tpu.memory_space<vmem>>
        %dma_wait3A_430 = tpu.memref_squeeze %dma_wait3A_429 : memref<1x112xi32, #tpu.memory_space<vmem>> -> memref<112xi32, #tpu.memory_space<vmem>>
        %dma_wait3A_431 = arith.constant 0 : i32
        %dma_wait3A_432 = arith.constant 0 : i32
        %dma_wait3A_433 = tpu.memref_slice %arg15[%dma_wait3A_431, %dma_wait3A_432] : memref<10240x128xf32, #tpu.memory_space<vmem_shared>> -> memref<10240x128xf32, #tpu.memory_space<vmem_shared>>
        tpu.wait_indirect_dma semaphore(%run_scoped3A_421 : memref<!tpu.dma_semaphore, #tpu.memory_space<semaphore_mem>>) src(%arg12 : memref<112x128xf32, #tpu.memory_space<vmem>>) dst(%dma_wait3A_433 : memref<10240x128xf32, #tpu.memory_space<vmem_shared>>)
        tpu.yield
      }) : () -> ()
      %add3A_199 = arith.constant 6 : i32
      %add3A_200 = arith.addi %add3A_192, %add3A_199 : i32
      %rem3A = arith.remsi %add3A_200, %select_n3A : i32
      %add3A_201 = arith.addi %select_n3A_13, %rem3A : i32
      %dma_start3A_202 = arith.constant 0 : i32
      %dma_start3A_203 = arith.constant 0 : i32
      %dma_start3A_204 = tpu.memref_slice %arg2[%add3A_201, %dma_start3A_202, %dma_start3A_203] : memref<2880x2x112xi32, #tpu.memory_space<hbm>> -> memref<1x2x112xi32, #tpu.memory_space<hbm>>
      %dma_start3A_205 = tpu.memref_squeeze %dma_start3A_204 : memref<1x2x112xi32, #tpu.memory_space<hbm>> -> memref<2x112xi32, #tpu.memory_space<hbm>>
      %dma_start3A_206 = arith.constant 0 : i32
      %dma_start3A_207 = arith.constant 0 : i32
      %dma_start3A_208 = tpu.memref_slice %arg2[%add3A_201, %dma_start3A_206, %dma_start3A_207] : memref<2880x2x112xi32, #tpu.memory_space<hbm>> -> memref<1x2x112xi32, #tpu.memory_space<hbm>>
      %dma_start3A_209 = tpu.memref_squeeze %dma_start3A_208 : memref<1x2x112xi32, #tpu.memory_space<hbm>> -> memref<2x112xi32, #tpu.memory_space<hbm>>
      tpu.enqueue_dma source(%dma_start3A_209 : memref<2x112xi32, #tpu.memory_space<hbm>>) target(%arg6 : memref<2x112xi32, #tpu.memory_space<vmem>>) target_semaphore(%arg16 : memref<!tpu.dma_semaphore, #tpu.memory_space<semaphore_mem>>)
      %dma_wait3A_210 = arith.constant 0 : i32
      %dma_wait3A_211 = arith.constant 0 : i32
      %dma_wait3A_212 = arith.constant 0 : i32
      %dma_wait3A_213 = tpu.memref_slice %arg2[%dma_wait3A_210, %dma_wait3A_211, %dma_wait3A_212] : memref<2880x2x112xi32, #tpu.memory_space<hbm>> -> memref<1x2x112xi32, #tpu.memory_space<hbm>>
      %dma_wait3A_214 = tpu.memref_squeeze %dma_wait3A_213 : memref<1x2x112xi32, #tpu.memory_space<hbm>> -> memref<2x112xi32, #tpu.memory_space<hbm>>
      %dma_wait3A_215 = arith.constant 0 : i32
      %dma_wait3A_216 = arith.constant 0 : i32
      %dma_wait3A_217 = tpu.memref_slice %arg2[%dma_wait3A_210, %dma_wait3A_215, %dma_wait3A_216] : memref<2880x2x112xi32, #tpu.memory_space<hbm>> -> memref<1x2x112xi32, #tpu.memory_space<hbm>>
      %dma_wait3A_218 = tpu.memref_squeeze %dma_wait3A_217 : memref<1x2x112xi32, #tpu.memory_space<hbm>> -> memref<2x112xi32, #tpu.memory_space<hbm>>
      tpu.wait_dma2 semaphore(%arg19 : memref<!tpu.dma_semaphore, #tpu.memory_space<semaphore_mem>>) src(%dma_wait3A_218 : memref<2x112xi32, #tpu.memory_space<hbm>>) dst(%arg9 : memref<2x112xi32, #tpu.memory_space<vmem>>)
      %dma_start3A_219 = arith.constant 0 : i32
      %dma_start3A_220 = arith.constant 0 : i32
      %dma_start3A_221 = tpu.memref_slice %arg9[%dma_start3A_219, %dma_start3A_220] : memref<2x112xi32, #tpu.memory_space<vmem>> -> memref<1x112xi32, #tpu.memory_space<vmem>>
      %dma_start3A_222 = tpu.memref_squeeze %dma_start3A_221 : memref<1x112xi32, #tpu.memory_space<vmem>> -> memref<112xi32, #tpu.memory_space<vmem>>
      %dma_start3A_223 = arith.constant 0 : i32
      %dma_start3A_224 = arith.constant 0 : i32
      %dma_start3A_225 = tpu.memref_slice %arg3[%dma_start3A_223, %dma_start3A_224] : memref<10240x128xf32, #tpu.memory_space<hbm>> -> memref<10240x128xf32, #tpu.memory_space<hbm>>
      tpu.enqueue_indirect_dma source(%dma_start3A_225 : memref<10240x128xf32, #tpu.memory_space<hbm>>) target(%arg12 : memref<112x128xf32, #tpu.memory_space<vmem>>) offsets(%dma_start3A_222 : memref<112xi32, #tpu.memory_space<vmem>>) semaphore(%arg22 : memref<!tpu.dma_semaphore, #tpu.memory_space<semaphore_mem>>)
      %mul3A_226 = arith.constant 6 : i32
      %mul3A_227 = arith.muli %while3A_188, %mul3A_226 : i32
      %add3A_228 = arith.constant 1 : i32
      %add3A_229 = arith.addi %mul3A_227, %add3A_228 : i32
      %dma_wait3A_230 = arith.constant 0 : i32
      %dma_wait3A_231 = arith.constant 0 : i32
      %dma_wait3A_232 = tpu.memref_slice %arg3[%dma_wait3A_230, %dma_wait3A_231] : memref<10240x128xf32, #tpu.memory_space<hbm>> -> memref<112x128xf32, #tpu.memory_space<hbm>>
      %dma_wait3A_233 = arith.constant 0 : i32
      %dma_wait3A_234 = arith.constant 0 : i32
      %dma_wait3A_235 = tpu.memref_slice %arg3[%dma_wait3A_233, %dma_wait3A_234] : memref<10240x128xf32, #tpu.memory_space<hbm>> -> memref<112x128xf32, #tpu.memory_space<hbm>>
      tpu.wait_dma2 semaphore(%arg23 : memref<!tpu.dma_semaphore, #tpu.memory_space<semaphore_mem>>) src(%dma_wait3A_235 : memref<112x128xf32, #tpu.memory_space<hbm>>) dst(%arg13 : memref<112x128xf32, #tpu.memory_space<vmem>>)
      %run_scoped3A_236 = arith.constant 1 : i32
      "tpu.region"() ({
        %run_scoped3A_421 = tpu.sem_alloc : memref<!tpu.dma_semaphore, #tpu.memory_space<semaphore_mem>>
        %dma_start3A_422 = arith.constant 0 : i32
        %dma_start3A_423 = tpu.memref_slice %arg7[%run_scoped3A_236, %dma_start3A_422] : memref<2x112xi32, #tpu.memory_space<vmem>> -> memref<1x112xi32, #tpu.memory_space<vmem>>
        %dma_start3A_424 = tpu.memref_squeeze %dma_start3A_423 : memref<1x112xi32, #tpu.memory_space<vmem>> -> memref<112xi32, #tpu.memory_space<vmem>>
        %dma_start3A_425 = arith.constant 0 : i32
        %dma_start3A_426 = arith.constant 0 : i32
        %dma_start3A_427 = tpu.memref_slice %arg15[%dma_start3A_425, %dma_start3A_426] : memref<10240x128xf32, #tpu.memory_space<vmem_shared>> -> memref<10240x128xf32, #tpu.memory_space<vmem_shared>>
        tpu.enqueue_indirect_dma source(%arg13 : memref<112x128xf32, #tpu.memory_space<vmem>>) target(%dma_start3A_427 : memref<10240x128xf32, #tpu.memory_space<vmem_shared>>) offsets(%dma_start3A_424 : memref<112xi32, #tpu.memory_space<vmem>>) semaphore(%run_scoped3A_421 : memref<!tpu.dma_semaphore, #tpu.memory_space<semaphore_mem>>) {add = true}
        %dma_wait3A_428 = arith.constant 0 : i32
        %dma_wait3A_429 = tpu.memref_slice %arg7[%run_scoped3A_236, %dma_wait3A_428] : memref<2x112xi32, #tpu.memory_space<vmem>> -> memref<1x112xi32, #tpu.memory_space<vmem>>
        %dma_wait3A_430 = tpu.memref_squeeze %dma_wait3A_429 : memref<1x112xi32, #tpu.memory_space<vmem>> -> memref<112xi32, #tpu.memory_space<vmem>>
        %dma_wait3A_431 = arith.constant 0 : i32
        %dma_wait3A_432 = arith.constant 0 : i32
        %dma_wait3A_433 = tpu.memref_slice %arg15[%dma_wait3A_431, %dma_wait3A_432] : memref<10240x128xf32, #tpu.memory_space<vmem_shared>> -> memref<10240x128xf32, #tpu.memory_space<vmem_shared>>
        tpu.wait_indirect_dma semaphore(%run_scoped3A_421 : memref<!tpu.dma_semaphore, #tpu.memory_space<semaphore_mem>>) src(%arg13 : memref<112x128xf32, #tpu.memory_space<vmem>>) dst(%dma_wait3A_433 : memref<10240x128xf32, #tpu.memory_space<vmem_shared>>)
        tpu.yield
      }) : () -> ()
      %add3A_237 = arith.constant 6 : i32
      %add3A_238 = arith.addi %add3A_229, %add3A_237 : i32
      %rem3A_239 = arith.remsi %add3A_238, %select_n3A : i32
      %add3A_240 = arith.addi %select_n3A_13, %rem3A_239 : i32
      %dma_start3A_241 = arith.constant 0 : i32
      %dma_start3A_242 = arith.constant 0 : i32
      %dma_start3A_243 = tpu.memref_slice %arg2[%add3A_240, %dma_start3A_241, %dma_start3A_242] : memref<2880x2x112xi32, #tpu.memory_space<hbm>> -> memref<1x2x112xi32, #tpu.memory_space<hbm>>
      %dma_start3A_244 = tpu.memref_squeeze %dma_start3A_243 : memref<1x2x112xi32, #tpu.memory_space<hbm>> -> memref<2x112xi32, #tpu.memory_space<hbm>>
      %dma_start3A_245 = arith.constant 0 : i32
      %dma_start3A_246 = arith.constant 0 : i32
      %dma_start3A_247 = tpu.memref_slice %arg2[%add3A_240, %dma_start3A_245, %dma_start3A_246] : memref<2880x2x112xi32, #tpu.memory_space<hbm>> -> memref<1x2x112xi32, #tpu.memory_space<hbm>>
      %dma_start3A_248 = tpu.memref_squeeze %dma_start3A_247 : memref<1x2x112xi32, #tpu.memory_space<hbm>> -> memref<2x112xi32, #tpu.memory_space<hbm>>
      tpu.enqueue_dma source(%dma_start3A_248 : memref<2x112xi32, #tpu.memory_space<hbm>>) target(%arg7 : memref<2x112xi32, #tpu.memory_space<vmem>>) target_semaphore(%arg17 : memref<!tpu.dma_semaphore, #tpu.memory_space<semaphore_mem>>)
      %dma_wait3A_249 = arith.constant 0 : i32
      %dma_wait3A_250 = arith.constant 0 : i32
      %dma_wait3A_251 = arith.constant 0 : i32
      %dma_wait3A_252 = tpu.memref_slice %arg2[%dma_wait3A_249, %dma_wait3A_250, %dma_wait3A_251] : memref<2880x2x112xi32, #tpu.memory_space<hbm>> -> memref<1x2x112xi32, #tpu.memory_space<hbm>>
      %dma_wait3A_253 = tpu.memref_squeeze %dma_wait3A_252 : memref<1x2x112xi32, #tpu.memory_space<hbm>> -> memref<2x112xi32, #tpu.memory_space<hbm>>
      %dma_wait3A_254 = arith.constant 0 : i32
      %dma_wait3A_255 = arith.constant 0 : i32
      %dma_wait3A_256 = tpu.memref_slice %arg2[%dma_wait3A_249, %dma_wait3A_254, %dma_wait3A_255] : memref<2880x2x112xi32, #tpu.memory_space<hbm>> -> memref<1x2x112xi32, #tpu.memory_space<hbm>>
      %dma_wait3A_257 = tpu.memref_squeeze %dma_wait3A_256 : memref<1x2x112xi32, #tpu.memory_space<hbm>> -> memref<2x112xi32, #tpu.memory_space<hbm>>
      tpu.wait_dma2 semaphore(%arg20 : memref<!tpu.dma_semaphore, #tpu.memory_space<semaphore_mem>>) src(%dma_wait3A_257 : memref<2x112xi32, #tpu.memory_space<hbm>>) dst(%arg10 : memref<2x112xi32, #tpu.memory_space<vmem>>)
      %dma_start3A_258 = arith.constant 0 : i32
      %dma_start3A_259 = arith.constant 0 : i32
      %dma_start3A_260 = tpu.memref_slice %arg10[%dma_start3A_258, %dma_start3A_259] : memref<2x112xi32, #tpu.memory_space<vmem>> -> memref<1x112xi32, #tpu.memory_space<vmem>>
      %dma_start3A_261 = tpu.memref_squeeze %dma_start3A_260 : memref<1x112xi32, #tpu.memory_space<vmem>> -> memref<112xi32, #tpu.memory_space<vmem>>
      %dma_start3A_262 = arith.constant 0 : i32
      %dma_start3A_263 = arith.constant 0 : i32
      %dma_start3A_264 = tpu.memref_slice %arg3[%dma_start3A_262, %dma_start3A_263] : memref<10240x128xf32, #tpu.memory_space<hbm>> -> memref<10240x128xf32, #tpu.memory_space<hbm>>
      tpu.enqueue_indirect_dma source(%dma_start3A_264 : memref<10240x128xf32, #tpu.memory_space<hbm>>) target(%arg13 : memref<112x128xf32, #tpu.memory_space<vmem>>) offsets(%dma_start3A_261 : memref<112xi32, #tpu.memory_space<vmem>>) semaphore(%arg23 : memref<!tpu.dma_semaphore, #tpu.memory_space<semaphore_mem>>)
      %mul3A_265 = arith.constant 6 : i32
      %mul3A_266 = arith.muli %while3A_188, %mul3A_265 : i32
      %add3A_267 = arith.constant 2 : i32
      %add3A_268 = arith.addi %mul3A_266, %add3A_267 : i32
      %dma_wait3A_269 = arith.constant 0 : i32
      %dma_wait3A_270 = arith.constant 0 : i32
      %dma_wait3A_271 = tpu.memref_slice %arg3[%dma_wait3A_269, %dma_wait3A_270] : memref<10240x128xf32, #tpu.memory_space<hbm>> -> memref<112x128xf32, #tpu.memory_space<hbm>>
      %dma_wait3A_272 = arith.constant 0 : i32
      %dma_wait3A_273 = arith.constant 0 : i32
      %dma_wait3A_274 = tpu.memref_slice %arg3[%dma_wait3A_272, %dma_wait3A_273] : memref<10240x128xf32, #tpu.memory_space<hbm>> -> memref<112x128xf32, #tpu.memory_space<hbm>>
      tpu.wait_dma2 semaphore(%arg24 : memref<!tpu.dma_semaphore, #tpu.memory_space<semaphore_mem>>) src(%dma_wait3A_274 : memref<112x128xf32, #tpu.memory_space<hbm>>) dst(%arg14 : memref<112x128xf32, #tpu.memory_space<vmem>>)
      %run_scoped3A_275 = arith.constant 1 : i32
      "tpu.region"() ({
        %run_scoped3A_421 = tpu.sem_alloc : memref<!tpu.dma_semaphore, #tpu.memory_space<semaphore_mem>>
        %dma_start3A_422 = arith.constant 0 : i32
        %dma_start3A_423 = tpu.memref_slice %arg8[%run_scoped3A_275, %dma_start3A_422] : memref<2x112xi32, #tpu.memory_space<vmem>> -> memref<1x112xi32, #tpu.memory_space<vmem>>
        %dma_start3A_424 = tpu.memref_squeeze %dma_start3A_423 : memref<1x112xi32, #tpu.memory_space<vmem>> -> memref<112xi32, #tpu.memory_space<vmem>>
        %dma_start3A_425 = arith.constant 0 : i32
        %dma_start3A_426 = arith.constant 0 : i32
        %dma_start3A_427 = tpu.memref_slice %arg15[%dma_start3A_425, %dma_start3A_426] : memref<10240x128xf32, #tpu.memory_space<vmem_shared>> -> memref<10240x128xf32, #tpu.memory_space<vmem_shared>>
        tpu.enqueue_indirect_dma source(%arg14 : memref<112x128xf32, #tpu.memory_space<vmem>>) target(%dma_start3A_427 : memref<10240x128xf32, #tpu.memory_space<vmem_shared>>) offsets(%dma_start3A_424 : memref<112xi32, #tpu.memory_space<vmem>>) semaphore(%run_scoped3A_421 : memref<!tpu.dma_semaphore, #tpu.memory_space<semaphore_mem>>) {add = true}
        %dma_wait3A_428 = arith.constant 0 : i32
        %dma_wait3A_429 = tpu.memref_slice %arg8[%run_scoped3A_275, %dma_wait3A_428] : memref<2x112xi32, #tpu.memory_space<vmem>> -> memref<1x112xi32, #tpu.memory_space<vmem>>
        %dma_wait3A_430 = tpu.memref_squeeze %dma_wait3A_429 : memref<1x112xi32, #tpu.memory_space<vmem>> -> memref<112xi32, #tpu.memory_space<vmem>>
        %dma_wait3A_431 = arith.constant 0 : i32
        %dma_wait3A_432 = arith.constant 0 : i32
        %dma_wait3A_433 = tpu.memref_slice %arg15[%dma_wait3A_431, %dma_wait3A_432] : memref<10240x128xf32, #tpu.memory_space<vmem_shared>> -> memref<10240x128xf32, #tpu.memory_space<vmem_shared>>
        tpu.wait_indirect_dma semaphore(%run_scoped3A_421 : memref<!tpu.dma_semaphore, #tpu.memory_space<semaphore_mem>>) src(%arg14 : memref<112x128xf32, #tpu.memory_space<vmem>>) dst(%dma_wait3A_433 : memref<10240x128xf32, #tpu.memory_space<vmem_shared>>)
        tpu.yield
      }) : () -> ()
      %add3A_276 = arith.constant 6 : i32
      %add3A_277 = arith.addi %add3A_268, %add3A_276 : i32
      %rem3A_278 = arith.remsi %add3A_277, %select_n3A : i32
      %add3A_279 = arith.addi %select_n3A_13, %rem3A_278 : i32
      %dma_start3A_280 = arith.constant 0 : i32
      %dma_start3A_281 = arith.constant 0 : i32
      %dma_start3A_282 = tpu.memref_slice %arg2[%add3A_279, %dma_start3A_280, %dma_start3A_281] : memref<2880x2x112xi32, #tpu.memory_space<hbm>> -> memref<1x2x112xi32, #tpu.memory_space<hbm>>
      %dma_start3A_283 = tpu.memref_squeeze %dma_start3A_282 : memref<1x2x112xi32, #tpu.memory_space<hbm>> -> memref<2x112xi32, #tpu.memory_space<hbm>>
      %dma_start3A_284 = arith.constant 0 : i32
      %dma_start3A_285 = arith.constant 0 : i32
      %dma_start3A_286 = tpu.memref_slice %arg2[%add3A_279, %dma_start3A_284, %dma_start3A_285] : memref<2880x2x112xi32, #tpu.memory_space<hbm>> -> memref<1x2x112xi32, #tpu.memory_space<hbm>>
      %dma_start3A_287 = tpu.memref_squeeze %dma_start3A_286 : memref<1x2x112xi32, #tpu.memory_space<hbm>> -> memref<2x112xi32, #tpu.memory_space<hbm>>
      tpu.enqueue_dma source(%dma_start3A_287 : memref<2x112xi32, #tpu.memory_space<hbm>>) target(%arg8 : memref<2x112xi32, #tpu.memory_space<vmem>>) target_semaphore(%arg18 : memref<!tpu.dma_semaphore, #tpu.memory_space<semaphore_mem>>)
      %dma_wait3A_288 = arith.constant 0 : i32
      %dma_wait3A_289 = arith.constant 0 : i32
      %dma_wait3A_290 = arith.constant 0 : i32
      %dma_wait3A_291 = tpu.memref_slice %arg2[%dma_wait3A_288, %dma_wait3A_289, %dma_wait3A_290] : memref<2880x2x112xi32, #tpu.memory_space<hbm>> -> memref<1x2x112xi32, #tpu.memory_space<hbm>>
      %dma_wait3A_292 = tpu.memref_squeeze %dma_wait3A_291 : memref<1x2x112xi32, #tpu.memory_space<hbm>> -> memref<2x112xi32, #tpu.memory_space<hbm>>
      %dma_wait3A_293 = arith.constant 0 : i32
      %dma_wait3A_294 = arith.constant 0 : i32
      %dma_wait3A_295 = tpu.memref_slice %arg2[%dma_wait3A_288, %dma_wait3A_293, %dma_wait3A_294] : memref<2880x2x112xi32, #tpu.memory_space<hbm>> -> memref<1x2x112xi32, #tpu.memory_space<hbm>>
      %dma_wait3A_296 = tpu.memref_squeeze %dma_wait3A_295 : memref<1x2x112xi32, #tpu.memory_space<hbm>> -> memref<2x112xi32, #tpu.memory_space<hbm>>
      tpu.wait_dma2 semaphore(%arg21 : memref<!tpu.dma_semaphore, #tpu.memory_space<semaphore_mem>>) src(%dma_wait3A_296 : memref<2x112xi32, #tpu.memory_space<hbm>>) dst(%arg11 : memref<2x112xi32, #tpu.memory_space<vmem>>)
      %dma_start3A_297 = arith.constant 0 : i32
      %dma_start3A_298 = arith.constant 0 : i32
      %dma_start3A_299 = tpu.memref_slice %arg11[%dma_start3A_297, %dma_start3A_298] : memref<2x112xi32, #tpu.memory_space<vmem>> -> memref<1x112xi32, #tpu.memory_space<vmem>>
      %dma_start3A_300 = tpu.memref_squeeze %dma_start3A_299 : memref<1x112xi32, #tpu.memory_space<vmem>> -> memref<112xi32, #tpu.memory_space<vmem>>
      %dma_start3A_301 = arith.constant 0 : i32
      %dma_start3A_302 = arith.constant 0 : i32
      %dma_start3A_303 = tpu.memref_slice %arg3[%dma_start3A_301, %dma_start3A_302] : memref<10240x128xf32, #tpu.memory_space<hbm>> -> memref<10240x128xf32, #tpu.memory_space<hbm>>
      tpu.enqueue_indirect_dma source(%dma_start3A_303 : memref<10240x128xf32, #tpu.memory_space<hbm>>) target(%arg14 : memref<112x128xf32, #tpu.memory_space<vmem>>) offsets(%dma_start3A_300 : memref<112xi32, #tpu.memory_space<vmem>>) semaphore(%arg24 : memref<!tpu.dma_semaphore, #tpu.memory_space<semaphore_mem>>)
      %mul3A_304 = arith.constant 6 : i32
      %mul3A_305 = arith.muli %while3A_188, %mul3A_304 : i32
      %add3A_306 = arith.constant 3 : i32
      %add3A_307 = arith.addi %mul3A_305, %add3A_306 : i32
      %dma_wait3A_308 = arith.constant 0 : i32
      %dma_wait3A_309 = arith.constant 0 : i32
      %dma_wait3A_310 = tpu.memref_slice %arg3[%dma_wait3A_308, %dma_wait3A_309] : memref<10240x128xf32, #tpu.memory_space<hbm>> -> memref<112x128xf32, #tpu.memory_space<hbm>>
      %dma_wait3A_311 = arith.constant 0 : i32
      %dma_wait3A_312 = arith.constant 0 : i32
      %dma_wait3A_313 = tpu.memref_slice %arg3[%dma_wait3A_311, %dma_wait3A_312] : memref<10240x128xf32, #tpu.memory_space<hbm>> -> memref<112x128xf32, #tpu.memory_space<hbm>>
      tpu.wait_dma2 semaphore(%arg22 : memref<!tpu.dma_semaphore, #tpu.memory_space<semaphore_mem>>) src(%dma_wait3A_313 : memref<112x128xf32, #tpu.memory_space<hbm>>) dst(%arg12 : memref<112x128xf32, #tpu.memory_space<vmem>>)
      %run_scoped3A_314 = arith.constant 1 : i32
      "tpu.region"() ({
        %run_scoped3A_421 = tpu.sem_alloc : memref<!tpu.dma_semaphore, #tpu.memory_space<semaphore_mem>>
        %dma_start3A_422 = arith.constant 0 : i32
        %dma_start3A_423 = tpu.memref_slice %arg9[%run_scoped3A_314, %dma_start3A_422] : memref<2x112xi32, #tpu.memory_space<vmem>> -> memref<1x112xi32, #tpu.memory_space<vmem>>
        %dma_start3A_424 = tpu.memref_squeeze %dma_start3A_423 : memref<1x112xi32, #tpu.memory_space<vmem>> -> memref<112xi32, #tpu.memory_space<vmem>>
        %dma_start3A_425 = arith.constant 0 : i32
        %dma_start3A_426 = arith.constant 0 : i32
        %dma_start3A_427 = tpu.memref_slice %arg15[%dma_start3A_425, %dma_start3A_426] : memref<10240x128xf32, #tpu.memory_space<vmem_shared>> -> memref<10240x128xf32, #tpu.memory_space<vmem_shared>>
        tpu.enqueue_indirect_dma source(%arg12 : memref<112x128xf32, #tpu.memory_space<vmem>>) target(%dma_start3A_427 : memref<10240x128xf32, #tpu.memory_space<vmem_shared>>) offsets(%dma_start3A_424 : memref<112xi32, #tpu.memory_space<vmem>>) semaphore(%run_scoped3A_421 : memref<!tpu.dma_semaphore, #tpu.memory_space<semaphore_mem>>) {add = true}
        %dma_wait3A_428 = arith.constant 0 : i32
        %dma_wait3A_429 = tpu.memref_slice %arg9[%run_scoped3A_314, %dma_wait3A_428] : memref<2x112xi32, #tpu.memory_space<vmem>> -> memref<1x112xi32, #tpu.memory_space<vmem>>
        %dma_wait3A_430 = tpu.memref_squeeze %dma_wait3A_429 : memref<1x112xi32, #tpu.memory_space<vmem>> -> memref<112xi32, #tpu.memory_space<vmem>>
        %dma_wait3A_431 = arith.constant 0 : i32
        %dma_wait3A_432 = arith.constant 0 : i32
        %dma_wait3A_433 = tpu.memref_slice %arg15[%dma_wait3A_431, %dma_wait3A_432] : memref<10240x128xf32, #tpu.memory_space<vmem_shared>> -> memref<10240x128xf32, #tpu.memory_space<vmem_shared>>
        tpu.wait_indirect_dma semaphore(%run_scoped3A_421 : memref<!tpu.dma_semaphore, #tpu.memory_space<semaphore_mem>>) src(%arg12 : memref<112x128xf32, #tpu.memory_space<vmem>>) dst(%dma_wait3A_433 : memref<10240x128xf32, #tpu.memory_space<vmem_shared>>)
        tpu.yield
      }) : () -> ()
      %add3A_315 = arith.constant 6 : i32
      %add3A_316 = arith.addi %add3A_307, %add3A_315 : i32
      %rem3A_317 = arith.remsi %add3A_316, %select_n3A : i32
      %add3A_318 = arith.addi %select_n3A_13, %rem3A_317 : i32
      %dma_start3A_319 = arith.constant 0 : i32
      %dma_start3A_320 = arith.constant 0 : i32
      %dma_start3A_321 = tpu.memref_slice %arg2[%add3A_318, %dma_start3A_319, %dma_start3A_320] : memref<2880x2x112xi32, #tpu.memory_space<hbm>> -> memref<1x2x112xi32, #tpu.memory_space<hbm>>
      %dma_start3A_322 = tpu.memref_squeeze %dma_start3A_321 : memref<1x2x112xi32, #tpu.memory_space<hbm>> -> memref<2x112xi32, #tpu.memory_space<hbm>>
      %dma_start3A_323 = arith.constant 0 : i32
      %dma_start3A_324 = arith.constant 0 : i32
      %dma_start3A_325 = tpu.memref_slice %arg2[%add3A_318, %dma_start3A_323, %dma_start3A_324] : memref<2880x2x112xi32, #tpu.memory_space<hbm>> -> memref<1x2x112xi32, #tpu.memory_space<hbm>>
      %dma_start3A_326 = tpu.memref_squeeze %dma_start3A_325 : memref<1x2x112xi32, #tpu.memory_space<hbm>> -> memref<2x112xi32, #tpu.memory_space<hbm>>
      tpu.enqueue_dma source(%dma_start3A_326 : memref<2x112xi32, #tpu.memory_space<hbm>>) target(%arg9 : memref<2x112xi32, #tpu.memory_space<vmem>>) target_semaphore(%arg19 : memref<!tpu.dma_semaphore, #tpu.memory_space<semaphore_mem>>)
      %dma_wait3A_327 = arith.constant 0 : i32
      %dma_wait3A_328 = arith.constant 0 : i32
      %dma_wait3A_329 = arith.constant 0 : i32
      %dma_wait3A_330 = tpu.memref_slice %arg2[%dma_wait3A_327, %dma_wait3A_328, %dma_wait3A_329] : memref<2880x2x112xi32, #tpu.memory_space<hbm>> -> memref<1x2x112xi32, #tpu.memory_space<hbm>>
      %dma_wait3A_331 = tpu.memref_squeeze %dma_wait3A_330 : memref<1x2x112xi32, #tpu.memory_space<hbm>> -> memref<2x112xi32, #tpu.memory_space<hbm>>
      %dma_wait3A_332 = arith.constant 0 : i32
      %dma_wait3A_333 = arith.constant 0 : i32
      %dma_wait3A_334 = tpu.memref_slice %arg2[%dma_wait3A_327, %dma_wait3A_332, %dma_wait3A_333] : memref<2880x2x112xi32, #tpu.memory_space<hbm>> -> memref<1x2x112xi32, #tpu.memory_space<hbm>>
      %dma_wait3A_335 = tpu.memref_squeeze %dma_wait3A_334 : memref<1x2x112xi32, #tpu.memory_space<hbm>> -> memref<2x112xi32, #tpu.memory_space<hbm>>
      tpu.wait_dma2 semaphore(%arg16 : memref<!tpu.dma_semaphore, #tpu.memory_space<semaphore_mem>>) src(%dma_wait3A_335 : memref<2x112xi32, #tpu.memory_space<hbm>>) dst(%arg6 : memref<2x112xi32, #tpu.memory_space<vmem>>)
      %dma_start3A_336 = arith.constant 0 : i32
      %dma_start3A_337 = arith.constant 0 : i32
      %dma_start3A_338 = tpu.memref_slice %arg6[%dma_start3A_336, %dma_start3A_337] : memref<2x112xi32, #tpu.memory_space<vmem>> -> memref<1x112xi32, #tpu.memory_space<vmem>>
      %dma_start3A_339 = tpu.memref_squeeze %dma_start3A_338 : memref<1x112xi32, #tpu.memory_space<vmem>> -> memref<112xi32, #tpu.memory_space<vmem>>
      %dma_start3A_340 = arith.constant 0 : i32
      %dma_start3A_341 = arith.constant 0 : i32
      %dma_start3A_342 = tpu.memref_slice %arg3[%dma_start3A_340, %dma_start3A_341] : memref<10240x128xf32, #tpu.memory_space<hbm>> -> memref<10240x128xf32, #tpu.memory_space<hbm>>
      tpu.enqueue_indirect_dma source(%dma_start3A_342 : memref<10240x128xf32, #tpu.memory_space<hbm>>) target(%arg12 : memref<112x128xf32, #tpu.memory_space<vmem>>) offsets(%dma_start3A_339 : memref<112xi32, #tpu.memory_space<vmem>>) semaphore(%arg22 : memref<!tpu.dma_semaphore, #tpu.memory_space<semaphore_mem>>)
      %mul3A_343 = arith.constant 6 : i32
      %mul3A_344 = arith.muli %while3A_188, %mul3A_343 : i32
      %add3A_345 = arith.constant 4 : i32
      %add3A_346 = arith.addi %mul3A_344, %add3A_345 : i32
      %dma_wait3A_347 = arith.constant 0 : i32
      %dma_wait3A_348 = arith.constant 0 : i32
      %dma_wait3A_349 = tpu.memref_slice %arg3[%dma_wait3A_347, %dma_wait3A_348] : memref<10240x128xf32, #tpu.memory_space<hbm>> -> memref<112x128xf32, #tpu.memory_space<hbm>>
      %dma_wait3A_350 = arith.constant 0 : i32
      %dma_wait3A_351 = arith.constant 0 : i32
      %dma_wait3A_352 = tpu.memref_slice %arg3[%dma_wait3A_350, %dma_wait3A_351] : memref<10240x128xf32, #tpu.memory_space<hbm>> -> memref<112x128xf32, #tpu.memory_space<hbm>>
      tpu.wait_dma2 semaphore(%arg23 : memref<!tpu.dma_semaphore, #tpu.memory_space<semaphore_mem>>) src(%dma_wait3A_352 : memref<112x128xf32, #tpu.memory_space<hbm>>) dst(%arg13 : memref<112x128xf32, #tpu.memory_space<vmem>>)
      %run_scoped3A_353 = arith.constant 1 : i32
      "tpu.region"() ({
        %run_scoped3A_421 = tpu.sem_alloc : memref<!tpu.dma_semaphore, #tpu.memory_space<semaphore_mem>>
        %dma_start3A_422 = arith.constant 0 : i32
        %dma_start3A_423 = tpu.memref_slice %arg10[%run_scoped3A_353, %dma_start3A_422] : memref<2x112xi32, #tpu.memory_space<vmem>> -> memref<1x112xi32, #tpu.memory_space<vmem>>
        %dma_start3A_424 = tpu.memref_squeeze %dma_start3A_423 : memref<1x112xi32, #tpu.memory_space<vmem>> -> memref<112xi32, #tpu.memory_space<vmem>>
        %dma_start3A_425 = arith.constant 0 : i32
        %dma_start3A_426 = arith.constant 0 : i32
        %dma_start3A_427 = tpu.memref_slice %arg15[%dma_start3A_425, %dma_start3A_426] : memref<10240x128xf32, #tpu.memory_space<vmem_shared>> -> memref<10240x128xf32, #tpu.memory_space<vmem_shared>>
        tpu.enqueue_indirect_dma source(%arg13 : memref<112x128xf32, #tpu.memory_space<vmem>>) target(%dma_start3A_427 : memref<10240x128xf32, #tpu.memory_space<vmem_shared>>) offsets(%dma_start3A_424 : memref<112xi32, #tpu.memory_space<vmem>>) semaphore(%run_scoped3A_421 : memref<!tpu.dma_semaphore, #tpu.memory_space<semaphore_mem>>) {add = true}
        %dma_wait3A_428 = arith.constant 0 : i32
        %dma_wait3A_429 = tpu.memref_slice %arg10[%run_scoped3A_353, %dma_wait3A_428] : memref<2x112xi32, #tpu.memory_space<vmem>> -> memref<1x112xi32, #tpu.memory_space<vmem>>
        %dma_wait3A_430 = tpu.memref_squeeze %dma_wait3A_429 : memref<1x112xi32, #tpu.memory_space<vmem>> -> memref<112xi32, #tpu.memory_space<vmem>>
        %dma_wait3A_431 = arith.constant 0 : i32
        %dma_wait3A_432 = arith.constant 0 : i32
        %dma_wait3A_433 = tpu.memref_slice %arg15[%dma_wait3A_431, %dma_wait3A_432] : memref<10240x128xf32, #tpu.memory_space<vmem_shared>> -> memref<10240x128xf32, #tpu.memory_space<vmem_shared>>
        tpu.wait_indirect_dma semaphore(%run_scoped3A_421 : memref<!tpu.dma_semaphore, #tpu.memory_space<semaphore_mem>>) src(%arg13 : memref<112x128xf32, #tpu.memory_space<vmem>>) dst(%dma_wait3A_433 : memref<10240x128xf32, #tpu.memory_space<vmem_shared>>)
        tpu.yield
      }) : () -> ()
      %add3A_354 = arith.constant 6 : i32
      %add3A_355 = arith.addi %add3A_346, %add3A_354 : i32
      %rem3A_356 = arith.remsi %add3A_355, %select_n3A : i32
      %add3A_357 = arith.addi %select_n3A_13, %rem3A_356 : i32
      %dma_start3A_358 = arith.constant 0 : i32
      %dma_start3A_359 = arith.constant 0 : i32
      %dma_start3A_360 = tpu.memref_slice %arg2[%add3A_357, %dma_start3A_358, %dma_start3A_359] : memref<2880x2x112xi32, #tpu.memory_space<hbm>> -> memref<1x2x112xi32, #tpu.memory_space<hbm>>
      %dma_start3A_361 = tpu.memref_squeeze %dma_start3A_360 : memref<1x2x112xi32, #tpu.memory_space<hbm>> -> memref<2x112xi32, #tpu.memory_space<hbm>>
      %dma_start3A_362 = arith.constant 0 : i32
      %dma_start3A_363 = arith.constant 0 : i32
      %dma_start3A_364 = tpu.memref_slice %arg2[%add3A_357, %dma_start3A_362, %dma_start3A_363] : memref<2880x2x112xi32, #tpu.memory_space<hbm>> -> memref<1x2x112xi32, #tpu.memory_space<hbm>>
      %dma_start3A_365 = tpu.memref_squeeze %dma_start3A_364 : memref<1x2x112xi32, #tpu.memory_space<hbm>> -> memref<2x112xi32, #tpu.memory_space<hbm>>
      tpu.enqueue_dma source(%dma_start3A_365 : memref<2x112xi32, #tpu.memory_space<hbm>>) target(%arg10 : memref<2x112xi32, #tpu.memory_space<vmem>>) target_semaphore(%arg20 : memref<!tpu.dma_semaphore, #tpu.memory_space<semaphore_mem>>)
      %dma_wait3A_366 = arith.constant 0 : i32
      %dma_wait3A_367 = arith.constant 0 : i32
      %dma_wait3A_368 = arith.constant 0 : i32
      %dma_wait3A_369 = tpu.memref_slice %arg2[%dma_wait3A_366, %dma_wait3A_367, %dma_wait3A_368] : memref<2880x2x112xi32, #tpu.memory_space<hbm>> -> memref<1x2x112xi32, #tpu.memory_space<hbm>>
      %dma_wait3A_370 = tpu.memref_squeeze %dma_wait3A_369 : memref<1x2x112xi32, #tpu.memory_space<hbm>> -> memref<2x112xi32, #tpu.memory_space<hbm>>
      %dma_wait3A_371 = arith.constant 0 : i32
      %dma_wait3A_372 = arith.constant 0 : i32
      %dma_wait3A_373 = tpu.memref_slice %arg2[%dma_wait3A_366, %dma_wait3A_371, %dma_wait3A_372] : memref<2880x2x112xi32, #tpu.memory_space<hbm>> -> memref<1x2x112xi32, #tpu.memory_space<hbm>>
      %dma_wait3A_374 = tpu.memref_squeeze %dma_wait3A_373 : memref<1x2x112xi32, #tpu.memory_space<hbm>> -> memref<2x112xi32, #tpu.memory_space<hbm>>
      tpu.wait_dma2 semaphore(%arg17 : memref<!tpu.dma_semaphore, #tpu.memory_space<semaphore_mem>>) src(%dma_wait3A_374 : memref<2x112xi32, #tpu.memory_space<hbm>>) dst(%arg7 : memref<2x112xi32, #tpu.memory_space<vmem>>)
      %dma_start3A_375 = arith.constant 0 : i32
      %dma_start3A_376 = arith.constant 0 : i32
      %dma_start3A_377 = tpu.memref_slice %arg7[%dma_start3A_375, %dma_start3A_376] : memref<2x112xi32, #tpu.memory_space<vmem>> -> memref<1x112xi32, #tpu.memory_space<vmem>>
      %dma_start3A_378 = tpu.memref_squeeze %dma_start3A_377 : memref<1x112xi32, #tpu.memory_space<vmem>> -> memref<112xi32, #tpu.memory_space<vmem>>
      %dma_start3A_379 = arith.constant 0 : i32
      %dma_start3A_380 = arith.constant 0 : i32
      %dma_start3A_381 = tpu.memref_slice %arg3[%dma_start3A_379, %dma_start3A_380] : memref<10240x128xf32, #tpu.memory_space<hbm>> -> memref<10240x128xf32, #tpu.memory_space<hbm>>
      tpu.enqueue_indirect_dma source(%dma_start3A_381 : memref<10240x128xf32, #tpu.memory_space<hbm>>) target(%arg13 : memref<112x128xf32, #tpu.memory_space<vmem>>) offsets(%dma_start3A_378 : memref<112xi32, #tpu.memory_space<vmem>>) semaphore(%arg23 : memref<!tpu.dma_semaphore, #tpu.memory_space<semaphore_mem>>)
      %mul3A_382 = arith.constant 6 : i32
      %mul3A_383 = arith.muli %while3A_188, %mul3A_382 : i32
      %add3A_384 = arith.constant 5 : i32
      %add3A_385 = arith.addi %mul3A_383, %add3A_384 : i32
      %dma_wait3A_386 = arith.constant 0 : i32
      %dma_wait3A_387 = arith.constant 0 : i32
      %dma_wait3A_388 = tpu.memref_slice %arg3[%dma_wait3A_386, %dma_wait3A_387] : memref<10240x128xf32, #tpu.memory_space<hbm>> -> memref<112x128xf32, #tpu.memory_space<hbm>>
      %dma_wait3A_389 = arith.constant 0 : i32
      %dma_wait3A_390 = arith.constant 0 : i32
      %dma_wait3A_391 = tpu.memref_slice %arg3[%dma_wait3A_389, %dma_wait3A_390] : memref<10240x128xf32, #tpu.memory_space<hbm>> -> memref<112x128xf32, #tpu.memory_space<hbm>>
      tpu.wait_dma2 semaphore(%arg24 : memref<!tpu.dma_semaphore, #tpu.memory_space<semaphore_mem>>) src(%dma_wait3A_391 : memref<112x128xf32, #tpu.memory_space<hbm>>) dst(%arg14 : memref<112x128xf32, #tpu.memory_space<vmem>>)
      %run_scoped3A_392 = arith.constant 1 : i32
      "tpu.region"() ({
        %run_scoped3A_421 = tpu.sem_alloc : memref<!tpu.dma_semaphore, #tpu.memory_space<semaphore_mem>>
        %dma_start3A_422 = arith.constant 0 : i32
        %dma_start3A_423 = tpu.memref_slice %arg11[%run_scoped3A_392, %dma_start3A_422] : memref<2x112xi32, #tpu.memory_space<vmem>> -> memref<1x112xi32, #tpu.memory_space<vmem>>
        %dma_start3A_424 = tpu.memref_squeeze %dma_start3A_423 : memref<1x112xi32, #tpu.memory_space<vmem>> -> memref<112xi32, #tpu.memory_space<vmem>>
        %dma_start3A_425 = arith.constant 0 : i32
        %dma_start3A_426 = arith.constant 0 : i32
        %dma_start3A_427 = tpu.memref_slice %arg15[%dma_start3A_425, %dma_start3A_426] : memref<10240x128xf32, #tpu.memory_space<vmem_shared>> -> memref<10240x128xf32, #tpu.memory_space<vmem_shared>>
        tpu.enqueue_indirect_dma source(%arg14 : memref<112x128xf32, #tpu.memory_space<vmem>>) target(%dma_start3A_427 : memref<10240x128xf32, #tpu.memory_space<vmem_shared>>) offsets(%dma_start3A_424 : memref<112xi32, #tpu.memory_space<vmem>>) semaphore(%run_scoped3A_421 : memref<!tpu.dma_semaphore, #tpu.memory_space<semaphore_mem>>) {add = true}
        %dma_wait3A_428 = arith.constant 0 : i32
        %dma_wait3A_429 = tpu.memref_slice %arg11[%run_scoped3A_392, %dma_wait3A_428] : memref<2x112xi32, #tpu.memory_space<vmem>> -> memref<1x112xi32, #tpu.memory_space<vmem>>
        %dma_wait3A_430 = tpu.memref_squeeze %dma_wait3A_429 : memref<1x112xi32, #tpu.memory_space<vmem>> -> memref<112xi32, #tpu.memory_space<vmem>>
        %dma_wait3A_431 = arith.constant 0 : i32
        %dma_wait3A_432 = arith.constant 0 : i32
        %dma_wait3A_433 = tpu.memref_slice %arg15[%dma_wait3A_431, %dma_wait3A_432] : memref<10240x128xf32, #tpu.memory_space<vmem_shared>> -> memref<10240x128xf32, #tpu.memory_space<vmem_shared>>
        tpu.wait_indirect_dma semaphore(%run_scoped3A_421 : memref<!tpu.dma_semaphore, #tpu.memory_space<semaphore_mem>>) src(%arg14 : memref<112x128xf32, #tpu.memory_space<vmem>>) dst(%dma_wait3A_433 : memref<10240x128xf32, #tpu.memory_space<vmem_shared>>)
        tpu.yield
      }) : () -> ()
      %add3A_393 = arith.constant 6 : i32
      %add3A_394 = arith.addi %add3A_385, %add3A_393 : i32
      %rem3A_395 = arith.remsi %add3A_394, %select_n3A : i32
      %add3A_396 = arith.addi %select_n3A_13, %rem3A_395 : i32
      %dma_start3A_397 = arith.constant 0 : i32
      %dma_start3A_398 = arith.constant 0 : i32
      %dma_start3A_399 = tpu.memref_slice %arg2[%add3A_396, %dma_start3A_397, %dma_start3A_398] : memref<2880x2x112xi32, #tpu.memory_space<hbm>> -> memref<1x2x112xi32, #tpu.memory_space<hbm>>
      %dma_start3A_400 = tpu.memref_squeeze %dma_start3A_399 : memref<1x2x112xi32, #tpu.memory_space<hbm>> -> memref<2x112xi32, #tpu.memory_space<hbm>>
      %dma_start3A_401 = arith.constant 0 : i32
      %dma_start3A_402 = arith.constant 0 : i32
      %dma_start3A_403 = tpu.memref_slice %arg2[%add3A_396, %dma_start3A_401, %dma_start3A_402] : memref<2880x2x112xi32, #tpu.memory_space<hbm>> -> memref<1x2x112xi32, #tpu.memory_space<hbm>>
      %dma_start3A_404 = tpu.memref_squeeze %dma_start3A_403 : memref<1x2x112xi32, #tpu.memory_space<hbm>> -> memref<2x112xi32, #tpu.memory_space<hbm>>
      tpu.enqueue_dma source(%dma_start3A_404 : memref<2x112xi32, #tpu.memory_space<hbm>>) target(%arg11 : memref<2x112xi32, #tpu.memory_space<vmem>>) target_semaphore(%arg21 : memref<!tpu.dma_semaphore, #tpu.memory_space<semaphore_mem>>)
      %dma_wait3A_405 = arith.constant 0 : i32
      %dma_wait3A_406 = arith.constant 0 : i32
      %dma_wait3A_407 = arith.constant 0 : i32
      %dma_wait3A_408 = tpu.memref_slice %arg2[%dma_wait3A_405, %dma_wait3A_406, %dma_wait3A_407] : memref<2880x2x112xi32, #tpu.memory_space<hbm>> -> memref<1x2x112xi32, #tpu.memory_space<hbm>>
      %dma_wait3A_409 = tpu.memref_squeeze %dma_wait3A_408 : memref<1x2x112xi32, #tpu.memory_space<hbm>> -> memref<2x112xi32, #tpu.memory_space<hbm>>
      %dma_wait3A_410 = arith.constant 0 : i32
      %dma_wait3A_411 = arith.constant 0 : i32
      %dma_wait3A_412 = tpu.memref_slice %arg2[%dma_wait3A_405, %dma_wait3A_410, %dma_wait3A_411] : memref<2880x2x112xi32, #tpu.memory_space<hbm>> -> memref<1x2x112xi32, #tpu.memory_space<hbm>>
      %dma_wait3A_413 = tpu.memref_squeeze %dma_wait3A_412 : memref<1x2x112xi32, #tpu.memory_space<hbm>> -> memref<2x112xi32, #tpu.memory_space<hbm>>
      tpu.wait_dma2 semaphore(%arg18 : memref<!tpu.dma_semaphore, #tpu.memory_space<semaphore_mem>>) src(%dma_wait3A_413 : memref<2x112xi32, #tpu.memory_space<hbm>>) dst(%arg8 : memref<2x112xi32, #tpu.memory_space<vmem>>)
      %dma_start3A_414 = arith.constant 0 : i32
      %dma_start3A_415 = arith.constant 0 : i32
      %dma_start3A_416 = tpu.memref_slice %arg8[%dma_start3A_414, %dma_start3A_415] : memref<2x112xi32, #tpu.memory_space<vmem>> -> memref<1x112xi32, #tpu.memory_space<vmem>>
      %dma_start3A_417 = tpu.memref_squeeze %dma_start3A_416 : memref<1x112xi32, #tpu.memory_space<vmem>> -> memref<112xi32, #tpu.memory_space<vmem>>
      %dma_start3A_418 = arith.constant 0 : i32
      %dma_start3A_419 = arith.constant 0 : i32
      %dma_start3A_420 = tpu.memref_slice %arg3[%dma_start3A_418, %dma_start3A_419] : memref<10240x128xf32, #tpu.memory_space<hbm>> -> memref<10240x128xf32, #tpu.memory_space<hbm>>
      tpu.enqueue_indirect_dma source(%dma_start3A_420 : memref<10240x128xf32, #tpu.memory_space<hbm>>) target(%arg14 : memref<112x128xf32, #tpu.memory_space<vmem>>) offsets(%dma_start3A_417 : memref<112xi32, #tpu.memory_space<vmem>>) semaphore(%arg24 : memref<!tpu.dma_semaphore, #tpu.memory_space<semaphore_mem>>)
    }
    %dma_wait3A_142 = arith.constant 0 : i32
    %dma_wait3A_143 = arith.constant 0 : i32
    %dma_wait3A_144 = tpu.memref_slice %arg3[%dma_wait3A_142, %dma_wait3A_143] : memref<10240x128xf32, #tpu.memory_space<hbm>> -> memref<112x128xf32, #tpu.memory_space<hbm>>
    %dma_wait3A_145 = arith.constant 0 : i32
    %dma_wait3A_146 = arith.constant 0 : i32
    %dma_wait3A_147 = tpu.memref_slice %arg3[%dma_wait3A_145, %dma_wait3A_146] : memref<10240x128xf32, #tpu.memory_space<hbm>> -> memref<112x128xf32, #tpu.memory_space<hbm>>
    tpu.wait_dma2 semaphore(%arg22 : memref<!tpu.dma_semaphore, #tpu.memory_space<semaphore_mem>>) src(%dma_wait3A_147 : memref<112x128xf32, #tpu.memory_space<hbm>>) dst(%arg12 : memref<112x128xf32, #tpu.memory_space<vmem>>)
    %dma_wait3A_148 = arith.constant 0 : i32
    %dma_wait3A_149 = arith.constant 0 : i32
    %dma_wait3A_150 = tpu.memref_slice %arg3[%dma_wait3A_148, %dma_wait3A_149] : memref<10240x128xf32, #tpu.memory_space<hbm>> -> memref<112x128xf32, #tpu.memory_space<hbm>>
    %dma_wait3A_151 = arith.constant 0 : i32
    %dma_wait3A_152 = arith.constant 0 : i32
    %dma_wait3A_153 = tpu.memref_slice %arg3[%dma_wait3A_151, %dma_wait3A_152] : memref<10240x128xf32, #tpu.memory_space<hbm>> -> memref<112x128xf32, #tpu.memory_space<hbm>>
    tpu.wait_dma2 semaphore(%arg23 : memref<!tpu.dma_semaphore, #tpu.memory_space<semaphore_mem>>) src(%dma_wait3A_153 : memref<112x128xf32, #tpu.memory_space<hbm>>) dst(%arg13 : memref<112x128xf32, #tpu.memory_space<vmem>>)
    %dma_wait3A_154 = arith.constant 0 : i32
    %dma_wait3A_155 = arith.constant 0 : i32
    %dma_wait3A_156 = tpu.memref_slice %arg3[%dma_wait3A_154, %dma_wait3A_155] : memref<10240x128xf32, #tpu.memory_space<hbm>> -> memref<112x128xf32, #tpu.memory_space<hbm>>
    %dma_wait3A_157 = arith.constant 0 : i32
    %dma_wait3A_158 = arith.constant 0 : i32
    %dma_wait3A_159 = tpu.memref_slice %arg3[%dma_wait3A_157, %dma_wait3A_158] : memref<10240x128xf32, #tpu.memory_space<hbm>> -> memref<112x128xf32, #tpu.memory_space<hbm>>
    tpu.wait_dma2 semaphore(%arg24 : memref<!tpu.dma_semaphore, #tpu.memory_space<semaphore_mem>>) src(%dma_wait3A_159 : memref<112x128xf32, #tpu.memory_space<hbm>>) dst(%arg14 : memref<112x128xf32, #tpu.memory_space<vmem>>)
    %dma_wait3A_160 = arith.constant 0 : i32
    %dma_wait3A_161 = arith.constant 0 : i32
    %dma_wait3A_162 = arith.constant 0 : i32
    %dma_wait3A_163 = tpu.memref_slice %arg2[%dma_wait3A_160, %dma_wait3A_161, %dma_wait3A_162] : memref<2880x2x112xi32, #tpu.memory_space<hbm>> -> memref<1x2x112xi32, #tpu.memory_space<hbm>>
    %dma_wait3A_164 = tpu.memref_squeeze %dma_wait3A_163 : memref<1x2x112xi32, #tpu.memory_space<hbm>> -> memref<2x112xi32, #tpu.memory_space<hbm>>
    %dma_wait3A_165 = arith.constant 0 : i32
    %dma_wait3A_166 = arith.constant 0 : i32
    %dma_wait3A_167 = tpu.memref_slice %arg2[%dma_wait3A_160, %dma_wait3A_165, %dma_wait3A_166] : memref<2880x2x112xi32, #tpu.memory_space<hbm>> -> memref<1x2x112xi32, #tpu.memory_space<hbm>>
    %dma_wait3A_168 = tpu.memref_squeeze %dma_wait3A_167 : memref<1x2x112xi32, #tpu.memory_space<hbm>> -> memref<2x112xi32, #tpu.memory_space<hbm>>
    tpu.wait_dma2 semaphore(%arg19 : memref<!tpu.dma_semaphore, #tpu.memory_space<semaphore_mem>>) src(%dma_wait3A_168 : memref<2x112xi32, #tpu.memory_space<hbm>>) dst(%arg9 : memref<2x112xi32, #tpu.memory_space<vmem>>)
    %dma_wait3A_169 = arith.constant 0 : i32
    %dma_wait3A_170 = arith.constant 0 : i32
    %dma_wait3A_171 = arith.constant 0 : i32
    %dma_wait3A_172 = tpu.memref_slice %arg2[%dma_wait3A_169, %dma_wait3A_170, %dma_wait3A_171] : memref<2880x2x112xi32, #tpu.memory_space<hbm>> -> memref<1x2x112xi32, #tpu.memory_space<hbm>>
    %dma_wait3A_173 = tpu.memref_squeeze %dma_wait3A_172 : memref<1x2x112xi32, #tpu.memory_space<hbm>> -> memref<2x112xi32, #tpu.memory_space<hbm>>
    %dma_wait3A_174 = arith.constant 0 : i32
    %dma_wait3A_175 = arith.constant 0 : i32
    %dma_wait3A_176 = tpu.memref_slice %arg2[%dma_wait3A_169, %dma_wait3A_174, %dma_wait3A_175] : memref<2880x2x112xi32, #tpu.memory_space<hbm>> -> memref<1x2x112xi32, #tpu.memory_space<hbm>>
    %dma_wait3A_177 = tpu.memref_squeeze %dma_wait3A_176 : memref<1x2x112xi32, #tpu.memory_space<hbm>> -> memref<2x112xi32, #tpu.memory_space<hbm>>
    tpu.wait_dma2 semaphore(%arg20 : memref<!tpu.dma_semaphore, #tpu.memory_space<semaphore_mem>>) src(%dma_wait3A_177 : memref<2x112xi32, #tpu.memory_space<hbm>>) dst(%arg10 : memref<2x112xi32, #tpu.memory_space<vmem>>)
    %dma_wait3A_178 = arith.constant 0 : i32
    %dma_wait3A_179 = arith.constant 0 : i32
    %dma_wait3A_180 = arith.constant 0 : i32
    %dma_wait3A_181 = tpu.memref_slice %arg2[%dma_wait3A_178, %dma_wait3A_179, %dma_wait3A_180] : memref<2880x2x112xi32, #tpu.memory_space<hbm>> -> memref<1x2x112xi32, #tpu.memory_space<hbm>>
    %dma_wait3A_182 = tpu.memref_squeeze %dma_wait3A_181 : memref<1x2x112xi32, #tpu.memory_space<hbm>> -> memref<2x112xi32, #tpu.memory_space<hbm>>
    %dma_wait3A_183 = arith.constant 0 : i32
    %dma_wait3A_184 = arith.constant 0 : i32
    %dma_wait3A_185 = tpu.memref_slice %arg2[%dma_wait3A_178, %dma_wait3A_183, %dma_wait3A_184] : memref<2880x2x112xi32, #tpu.memory_space<hbm>> -> memref<1x2x112xi32, #tpu.memory_space<hbm>>
    %dma_wait3A_186 = tpu.memref_squeeze %dma_wait3A_185 : memref<1x2x112xi32, #tpu.memory_space<hbm>> -> memref<2x112xi32, #tpu.memory_space<hbm>>
    tpu.wait_dma2 semaphore(%arg21 : memref<!tpu.dma_semaphore, #tpu.memory_space<semaphore_mem>>) src(%dma_wait3A_186 : memref<2x112xi32, #tpu.memory_space<hbm>>) dst(%arg11 : memref<2x112xi32, #tpu.memory_space<vmem>>)
    %barrier3A_187 = arith.constant 0 : index
    tpu.barrier barrier_id(%barrier3A_187)
    "tpu.region"() ({
      %run_scoped3A = tpu.sem_alloc : memref<!tpu.dma_semaphore, #tpu.memory_space<semaphore_mem>>
      %dma_start3A_188 = arith.constant 0 : i32
      %dma_start3A_189 = tpu.memref_slice %arg5[%arg0, %mul3A_15, %dma_start3A_188] : memref<2x10240x128xf32, #tpu.memory_space<hbm>> -> memref<1x640x128xf32, #tpu.memory_space<hbm>>
      %dma_start3A_190 = tpu.memref_squeeze %dma_start3A_189 : memref<1x640x128xf32, #tpu.memory_space<hbm>> -> memref<640x128xf32, #tpu.memory_space<hbm>>
      %dma_start3A_191 = arith.constant 0 : i32
      %dma_start3A_192 = tpu.memref_slice %arg15[%mul3A_15, %dma_start3A_191] : memref<10240x128xf32, #tpu.memory_space<vmem_shared>> -> memref<640x128xf32, #tpu.memory_space<vmem_shared>>
      tpu.enqueue_dma source(%dma_start3A_192 : memref<640x128xf32, #tpu.memory_space<vmem_shared>>) target(%dma_start3A_190 : memref<640x128xf32, #tpu.memory_space<hbm>>) target_semaphore(%run_scoped3A : memref<!tpu.dma_semaphore, #tpu.memory_space<semaphore_mem>>)
      %dma_wait3A_193 = arith.constant 0 : i32
      %dma_wait3A_194 = tpu.memref_slice %arg5[%arg0, %mul3A_15, %dma_wait3A_193] : memref<2x10240x128xf32, #tpu.memory_space<hbm>> -> memref<1x640x128xf32, #tpu.memory_space<hbm>>
      %dma_wait3A_195 = tpu.memref_squeeze %dma_wait3A_194 : memref<1x640x128xf32, #tpu.memory_space<hbm>> -> memref<640x128xf32, #tpu.memory_space<hbm>>
      %dma_wait3A_196 = arith.constant 0 : i32
      %dma_wait3A_197 = tpu.memref_slice %arg15[%mul3A_15, %dma_wait3A_196] : memref<10240x128xf32, #tpu.memory_space<vmem_shared>> -> memref<640x128xf32, #tpu.memory_space<vmem_shared>>
      tpu.wait_dma2 semaphore(%run_scoped3A : memref<!tpu.dma_semaphore, #tpu.memory_space<semaphore_mem>>) src(%dma_wait3A_197 : memref<640x128xf32, #tpu.memory_space<vmem_shared>>) dst(%dma_wait3A_195 : memref<640x128xf32, #tpu.memory_space<hbm>>)
      tpu.yield
    }) : () -> ()
    return
  }
}

#map = affine_map<(d0, d1) -> (0, 0, 0)>
#map1 = affine_map<(d0, d1) -> (0, 0)>
module attributes {stable_mosaic.version = 14 : i64} {
  func.func @deg_kernel(%arg0: i32, %arg1: i32, %arg2: memref<2880x2x112xi32, #tpu.memory_space<hbm>>, %arg3: memref<112x16xf32, #tpu.memory_space<hbm>>, %arg4: memref<112x16xf32, #tpu.memory_space<hbm>>, %arg5: memref<2x10240x16xf32, #tpu.memory_space<hbm>>, %arg6: memref<90x2x112xi32, #tpu.memory_space<vmem>>, %arg7: memref<112x16xf32, #tpu.memory_space<vmem>>, %arg8: memref<112x16xf32, #tpu.memory_space<vmem>>, %arg9: memref<10240x16xf32, #tpu.memory_space<vmem_shared>>) attributes {dimension_semantics = [#tpu.dimension_semantics<core_parallel>, #tpu.dimension_semantics<subcore_parallel>], iteration_bounds = array<i64: 2, 16>, scalar_prefetch = 0 : i64, scratch_operands = 4 : i64, tpu.core_type = #tpu.core_type<sc_vector_subcore>, window_params = [{transform_indices = #map}, {transform_indices = #map1}, {transform_indices = #map1}, {transform_indices = #map}]} {
    %mul3A = arith.constant 16 : i32
    %mul3A_0 = arith.muli %arg0, %mul3A : i32
    %add3A = arith.addi %mul3A_0, %arg1 : i32
    "tpu.region"() ({
      %run_scoped3A = tpu.sem_alloc : memref<!tpu.dma_semaphore, #tpu.memory_space<semaphore_mem>>
      tpu.enqueue_dma source(%arg3 : memref<112x16xf32, #tpu.memory_space<hbm>>) target(%arg7 : memref<112x16xf32, #tpu.memory_space<vmem>>) target_semaphore(%run_scoped3A : memref<!tpu.dma_semaphore, #tpu.memory_space<semaphore_mem>>)
      tpu.wait_dma2 semaphore(%run_scoped3A : memref<!tpu.dma_semaphore, #tpu.memory_space<semaphore_mem>>) src(%arg3 : memref<112x16xf32, #tpu.memory_space<hbm>>) dst(%arg7 : memref<112x16xf32, #tpu.memory_space<vmem>>)
      tpu.yield
    }) : () -> ()
    "tpu.region"() ({
      %run_scoped3A = tpu.sem_alloc : memref<!tpu.dma_semaphore, #tpu.memory_space<semaphore_mem>>
      tpu.enqueue_dma source(%arg4 : memref<112x16xf32, #tpu.memory_space<hbm>>) target(%arg8 : memref<112x16xf32, #tpu.memory_space<vmem>>) target_semaphore(%run_scoped3A : memref<!tpu.dma_semaphore, #tpu.memory_space<semaphore_mem>>)
      tpu.wait_dma2 semaphore(%run_scoped3A : memref<!tpu.dma_semaphore, #tpu.memory_space<semaphore_mem>>) src(%arg4 : memref<112x16xf32, #tpu.memory_space<hbm>>) dst(%arg8 : memref<112x16xf32, #tpu.memory_space<vmem>>)
      tpu.yield
    }) : () -> ()
    %mul3A_1 = arith.constant 90 : i32
    %mul3A_2 = arith.muli %add3A, %mul3A_1 : i32
    "tpu.region"() ({
      %run_scoped3A = tpu.sem_alloc : memref<!tpu.dma_semaphore, #tpu.memory_space<semaphore_mem>>
      %dma_start3A = arith.constant 0 : i32
      %dma_start3A_22 = arith.constant 0 : i32
      %dma_start3A_23 = tpu.memref_slice %arg2[%mul3A_2, %dma_start3A, %dma_start3A_22] : memref<2880x2x112xi32, #tpu.memory_space<hbm>> -> memref<90x2x112xi32, #tpu.memory_space<hbm>>
      %dma_start3A_24 = arith.constant 0 : i32
      %dma_start3A_25 = arith.constant 0 : i32
      %dma_start3A_26 = tpu.memref_slice %arg2[%mul3A_2, %dma_start3A_24, %dma_start3A_25] : memref<2880x2x112xi32, #tpu.memory_space<hbm>> -> memref<90x2x112xi32, #tpu.memory_space<hbm>>
      tpu.enqueue_dma source(%dma_start3A_26 : memref<90x2x112xi32, #tpu.memory_space<hbm>>) target(%arg6 : memref<90x2x112xi32, #tpu.memory_space<vmem>>) target_semaphore(%run_scoped3A : memref<!tpu.dma_semaphore, #tpu.memory_space<semaphore_mem>>)
      %dma_wait3A = arith.constant 0 : i32
      %dma_wait3A_27 = arith.constant 0 : i32
      %dma_wait3A_28 = tpu.memref_slice %arg2[%mul3A_2, %dma_wait3A, %dma_wait3A_27] : memref<2880x2x112xi32, #tpu.memory_space<hbm>> -> memref<90x2x112xi32, #tpu.memory_space<hbm>>
      %dma_wait3A_29 = arith.constant 0 : i32
      %dma_wait3A_30 = arith.constant 0 : i32
      %dma_wait3A_31 = tpu.memref_slice %arg2[%mul3A_2, %dma_wait3A_29, %dma_wait3A_30] : memref<2880x2x112xi32, #tpu.memory_space<hbm>> -> memref<90x2x112xi32, #tpu.memory_space<hbm>>
      tpu.wait_dma2 semaphore(%run_scoped3A : memref<!tpu.dma_semaphore, #tpu.memory_space<semaphore_mem>>) src(%dma_wait3A_31 : memref<90x2x112xi32, #tpu.memory_space<hbm>>) dst(%arg6 : memref<90x2x112xi32, #tpu.memory_space<vmem>>)
      tpu.yield
    }) : () -> ()
    %mul3A_3 = arith.constant 640 : i32
    %mul3A_4 = arith.muli %arg1, %mul3A_3 : i32
    %add3A_5 = arith.constant 0 : i32
    %add3A_6 = arith.addi %mul3A_4, %add3A_5 : i32
    "tpu.region"() ({
      %run_scoped3A = tpu.sem_alloc : memref<!tpu.dma_semaphore, #tpu.memory_space<semaphore_mem>>
      %dma_start3A = arith.constant 0 : i32
      %dma_start3A_22 = tpu.memref_slice %arg9[%add3A_6, %dma_start3A] : memref<10240x16xf32, #tpu.memory_space<vmem_shared>> -> memref<112x16xf32, #tpu.memory_space<vmem_shared>>
      %dma_start3A_23 = arith.constant 0 : i32
      %dma_start3A_24 = tpu.memref_slice %arg9[%add3A_6, %dma_start3A_23] : memref<10240x16xf32, #tpu.memory_space<vmem_shared>> -> memref<112x16xf32, #tpu.memory_space<vmem_shared>>
      tpu.enqueue_dma source(%arg8 : memref<112x16xf32, #tpu.memory_space<vmem>>) target(%dma_start3A_24 : memref<112x16xf32, #tpu.memory_space<vmem_shared>>) target_semaphore(%run_scoped3A : memref<!tpu.dma_semaphore, #tpu.memory_space<semaphore_mem>>)
      %dma_wait3A = arith.constant 0 : i32
      %dma_wait3A_25 = tpu.memref_slice %arg9[%add3A_6, %dma_wait3A] : memref<10240x16xf32, #tpu.memory_space<vmem_shared>> -> memref<112x16xf32, #tpu.memory_space<vmem_shared>>
      %dma_wait3A_26 = arith.constant 0 : i32
      %dma_wait3A_27 = tpu.memref_slice %arg9[%add3A_6, %dma_wait3A_26] : memref<10240x16xf32, #tpu.memory_space<vmem_shared>> -> memref<112x16xf32, #tpu.memory_space<vmem_shared>>
      tpu.wait_dma2 semaphore(%run_scoped3A : memref<!tpu.dma_semaphore, #tpu.memory_space<semaphore_mem>>) src(%arg8 : memref<112x16xf32, #tpu.memory_space<vmem>>) dst(%dma_wait3A_27 : memref<112x16xf32, #tpu.memory_space<vmem_shared>>)
      tpu.yield
    }) : () -> ()
    %add3A_7 = arith.constant 112 : i32
    %add3A_8 = arith.addi %mul3A_4, %add3A_7 : i32
    "tpu.region"() ({
      %run_scoped3A = tpu.sem_alloc : memref<!tpu.dma_semaphore, #tpu.memory_space<semaphore_mem>>
      %dma_start3A = arith.constant 0 : i32
      %dma_start3A_22 = tpu.memref_slice %arg9[%add3A_8, %dma_start3A] : memref<10240x16xf32, #tpu.memory_space<vmem_shared>> -> memref<112x16xf32, #tpu.memory_space<vmem_shared>>
      %dma_start3A_23 = arith.constant 0 : i32
      %dma_start3A_24 = tpu.memref_slice %arg9[%add3A_8, %dma_start3A_23] : memref<10240x16xf32, #tpu.memory_space<vmem_shared>> -> memref<112x16xf32, #tpu.memory_space<vmem_shared>>
      tpu.enqueue_dma source(%arg8 : memref<112x16xf32, #tpu.memory_space<vmem>>) target(%dma_start3A_24 : memref<112x16xf32, #tpu.memory_space<vmem_shared>>) target_semaphore(%run_scoped3A : memref<!tpu.dma_semaphore, #tpu.memory_space<semaphore_mem>>)
      %dma_wait3A = arith.constant 0 : i32
      %dma_wait3A_25 = tpu.memref_slice %arg9[%add3A_8, %dma_wait3A] : memref<10240x16xf32, #tpu.memory_space<vmem_shared>> -> memref<112x16xf32, #tpu.memory_space<vmem_shared>>
      %dma_wait3A_26 = arith.constant 0 : i32
      %dma_wait3A_27 = tpu.memref_slice %arg9[%add3A_8, %dma_wait3A_26] : memref<10240x16xf32, #tpu.memory_space<vmem_shared>> -> memref<112x16xf32, #tpu.memory_space<vmem_shared>>
      tpu.wait_dma2 semaphore(%run_scoped3A : memref<!tpu.dma_semaphore, #tpu.memory_space<semaphore_mem>>) src(%arg8 : memref<112x16xf32, #tpu.memory_space<vmem>>) dst(%dma_wait3A_27 : memref<112x16xf32, #tpu.memory_space<vmem_shared>>)
      tpu.yield
    }) : () -> ()
    %add3A_9 = arith.constant 224 : i32
    %add3A_10 = arith.addi %mul3A_4, %add3A_9 : i32
    "tpu.region"() ({
      %run_scoped3A = tpu.sem_alloc : memref<!tpu.dma_semaphore, #tpu.memory_space<semaphore_mem>>
      %dma_start3A = arith.constant 0 : i32
      %dma_start3A_22 = tpu.memref_slice %arg9[%add3A_10, %dma_start3A] : memref<10240x16xf32, #tpu.memory_space<vmem_shared>> -> memref<112x16xf32, #tpu.memory_space<vmem_shared>>
      %dma_start3A_23 = arith.constant 0 : i32
      %dma_start3A_24 = tpu.memref_slice %arg9[%add3A_10, %dma_start3A_23] : memref<10240x16xf32, #tpu.memory_space<vmem_shared>> -> memref<112x16xf32, #tpu.memory_space<vmem_shared>>
      tpu.enqueue_dma source(%arg8 : memref<112x16xf32, #tpu.memory_space<vmem>>) target(%dma_start3A_24 : memref<112x16xf32, #tpu.memory_space<vmem_shared>>) target_semaphore(%run_scoped3A : memref<!tpu.dma_semaphore, #tpu.memory_space<semaphore_mem>>)
      %dma_wait3A = arith.constant 0 : i32
      %dma_wait3A_25 = tpu.memref_slice %arg9[%add3A_10, %dma_wait3A] : memref<10240x16xf32, #tpu.memory_space<vmem_shared>> -> memref<112x16xf32, #tpu.memory_space<vmem_shared>>
      %dma_wait3A_26 = arith.constant 0 : i32
      %dma_wait3A_27 = tpu.memref_slice %arg9[%add3A_10, %dma_wait3A_26] : memref<10240x16xf32, #tpu.memory_space<vmem_shared>> -> memref<112x16xf32, #tpu.memory_space<vmem_shared>>
      tpu.wait_dma2 semaphore(%run_scoped3A : memref<!tpu.dma_semaphore, #tpu.memory_space<semaphore_mem>>) src(%arg8 : memref<112x16xf32, #tpu.memory_space<vmem>>) dst(%dma_wait3A_27 : memref<112x16xf32, #tpu.memory_space<vmem_shared>>)
      tpu.yield
    }) : () -> ()
    %add3A_11 = arith.constant 336 : i32
    %add3A_12 = arith.addi %mul3A_4, %add3A_11 : i32
    "tpu.region"() ({
      %run_scoped3A = tpu.sem_alloc : memref<!tpu.dma_semaphore, #tpu.memory_space<semaphore_mem>>
      %dma_start3A = arith.constant 0 : i32
      %dma_start3A_22 = tpu.memref_slice %arg9[%add3A_12, %dma_start3A] : memref<10240x16xf32, #tpu.memory_space<vmem_shared>> -> memref<112x16xf32, #tpu.memory_space<vmem_shared>>
      %dma_start3A_23 = arith.constant 0 : i32
      %dma_start3A_24 = tpu.memref_slice %arg9[%add3A_12, %dma_start3A_23] : memref<10240x16xf32, #tpu.memory_space<vmem_shared>> -> memref<112x16xf32, #tpu.memory_space<vmem_shared>>
      tpu.enqueue_dma source(%arg8 : memref<112x16xf32, #tpu.memory_space<vmem>>) target(%dma_start3A_24 : memref<112x16xf32, #tpu.memory_space<vmem_shared>>) target_semaphore(%run_scoped3A : memref<!tpu.dma_semaphore, #tpu.memory_space<semaphore_mem>>)
      %dma_wait3A = arith.constant 0 : i32
      %dma_wait3A_25 = tpu.memref_slice %arg9[%add3A_12, %dma_wait3A] : memref<10240x16xf32, #tpu.memory_space<vmem_shared>> -> memref<112x16xf32, #tpu.memory_space<vmem_shared>>
      %dma_wait3A_26 = arith.constant 0 : i32
      %dma_wait3A_27 = tpu.memref_slice %arg9[%add3A_12, %dma_wait3A_26] : memref<10240x16xf32, #tpu.memory_space<vmem_shared>> -> memref<112x16xf32, #tpu.memory_space<vmem_shared>>
      tpu.wait_dma2 semaphore(%run_scoped3A : memref<!tpu.dma_semaphore, #tpu.memory_space<semaphore_mem>>) src(%arg8 : memref<112x16xf32, #tpu.memory_space<vmem>>) dst(%dma_wait3A_27 : memref<112x16xf32, #tpu.memory_space<vmem_shared>>)
      tpu.yield
    }) : () -> ()
    %add3A_13 = arith.constant 448 : i32
    %add3A_14 = arith.addi %mul3A_4, %add3A_13 : i32
    "tpu.region"() ({
      %run_scoped3A = tpu.sem_alloc : memref<!tpu.dma_semaphore, #tpu.memory_space<semaphore_mem>>
      %dma_start3A = arith.constant 0 : i32
      %dma_start3A_22 = tpu.memref_slice %arg9[%add3A_14, %dma_start3A] : memref<10240x16xf32, #tpu.memory_space<vmem_shared>> -> memref<112x16xf32, #tpu.memory_space<vmem_shared>>
      %dma_start3A_23 = arith.constant 0 : i32
      %dma_start3A_24 = tpu.memref_slice %arg9[%add3A_14, %dma_start3A_23] : memref<10240x16xf32, #tpu.memory_space<vmem_shared>> -> memref<112x16xf32, #tpu.memory_space<vmem_shared>>
      tpu.enqueue_dma source(%arg8 : memref<112x16xf32, #tpu.memory_space<vmem>>) target(%dma_start3A_24 : memref<112x16xf32, #tpu.memory_space<vmem_shared>>) target_semaphore(%run_scoped3A : memref<!tpu.dma_semaphore, #tpu.memory_space<semaphore_mem>>)
      %dma_wait3A = arith.constant 0 : i32
      %dma_wait3A_25 = tpu.memref_slice %arg9[%add3A_14, %dma_wait3A] : memref<10240x16xf32, #tpu.memory_space<vmem_shared>> -> memref<112x16xf32, #tpu.memory_space<vmem_shared>>
      %dma_wait3A_26 = arith.constant 0 : i32
      %dma_wait3A_27 = tpu.memref_slice %arg9[%add3A_14, %dma_wait3A_26] : memref<10240x16xf32, #tpu.memory_space<vmem_shared>> -> memref<112x16xf32, #tpu.memory_space<vmem_shared>>
      tpu.wait_dma2 semaphore(%run_scoped3A : memref<!tpu.dma_semaphore, #tpu.memory_space<semaphore_mem>>) src(%arg8 : memref<112x16xf32, #tpu.memory_space<vmem>>) dst(%dma_wait3A_27 : memref<112x16xf32, #tpu.memory_space<vmem_shared>>)
      tpu.yield
    }) : () -> ()
    %add3A_15 = arith.constant 560 : i32
    %add3A_16 = arith.addi %mul3A_4, %add3A_15 : i32
    "tpu.region"() ({
      %run_scoped3A = tpu.sem_alloc : memref<!tpu.dma_semaphore, #tpu.memory_space<semaphore_mem>>
      %dma_start3A = arith.constant 0 : i32
      %dma_start3A_22 = arith.constant 0 : i32
      %dma_start3A_23 = tpu.memref_slice %arg8[%dma_start3A, %dma_start3A_22] : memref<112x16xf32, #tpu.memory_space<vmem>> -> memref<80x16xf32, #tpu.memory_space<vmem>>
      %dma_start3A_24 = arith.constant 0 : i32
      %dma_start3A_25 = tpu.memref_slice %arg9[%add3A_16, %dma_start3A_24] : memref<10240x16xf32, #tpu.memory_space<vmem_shared>> -> memref<80x16xf32, #tpu.memory_space<vmem_shared>>
      %dma_start3A_26 = arith.constant 0 : i32
      %dma_start3A_27 = tpu.memref_slice %arg9[%add3A_16, %dma_start3A_26] : memref<10240x16xf32, #tpu.memory_space<vmem_shared>> -> memref<80x16xf32, #tpu.memory_space<vmem_shared>>
      %dma_start3A_28 = arith.constant 0 : i32
      %dma_start3A_29 = arith.constant 0 : i32
      %dma_start3A_30 = tpu.memref_slice %arg8[%dma_start3A_28, %dma_start3A_29] : memref<112x16xf32, #tpu.memory_space<vmem>> -> memref<80x16xf32, #tpu.memory_space<vmem>>
      tpu.enqueue_dma source(%dma_start3A_30 : memref<80x16xf32, #tpu.memory_space<vmem>>) target(%dma_start3A_27 : memref<80x16xf32, #tpu.memory_space<vmem_shared>>) target_semaphore(%run_scoped3A : memref<!tpu.dma_semaphore, #tpu.memory_space<semaphore_mem>>)
      %dma_wait3A = arith.constant 0 : i32
      %dma_wait3A_31 = arith.constant 0 : i32
      %dma_wait3A_32 = tpu.memref_slice %arg8[%dma_wait3A, %dma_wait3A_31] : memref<112x16xf32, #tpu.memory_space<vmem>> -> memref<80x16xf32, #tpu.memory_space<vmem>>
      %dma_wait3A_33 = arith.constant 0 : i32
      %dma_wait3A_34 = tpu.memref_slice %arg9[%add3A_16, %dma_wait3A_33] : memref<10240x16xf32, #tpu.memory_space<vmem_shared>> -> memref<80x16xf32, #tpu.memory_space<vmem_shared>>
      %dma_wait3A_35 = arith.constant 0 : i32
      %dma_wait3A_36 = tpu.memref_slice %arg9[%add3A_16, %dma_wait3A_35] : memref<10240x16xf32, #tpu.memory_space<vmem_shared>> -> memref<80x16xf32, #tpu.memory_space<vmem_shared>>
      %dma_wait3A_37 = arith.constant 0 : i32
      %dma_wait3A_38 = arith.constant 0 : i32
      %dma_wait3A_39 = tpu.memref_slice %arg8[%dma_wait3A_37, %dma_wait3A_38] : memref<112x16xf32, #tpu.memory_space<vmem>> -> memref<80x16xf32, #tpu.memory_space<vmem>>
      tpu.wait_dma2 semaphore(%run_scoped3A : memref<!tpu.dma_semaphore, #tpu.memory_space<semaphore_mem>>) src(%dma_wait3A_39 : memref<80x16xf32, #tpu.memory_space<vmem>>) dst(%dma_wait3A_36 : memref<80x16xf32, #tpu.memory_space<vmem_shared>>)
      tpu.yield
    }) : () -> ()
    %barrier3A = arith.constant 0 : index
    tpu.barrier barrier_id(%barrier3A)
    %scan3A = arith.constant 0 : i32
    %scan3A_17 = arith.constant 90 : i32
    %scan3A_18 = arith.addi %scan3A, %scan3A_17 : i32
    %scan3A_19 = arith.constant 1 : i32
    scf.for %scan3A_22 = %scan3A to %scan3A_18 step %scan3A_19  : i32 {
      %run_scoped3A = arith.constant 1 : i32
      "tpu.region"() ({
        %run_scoped3A_23 = tpu.sem_alloc : memref<!tpu.dma_semaphore, #tpu.memory_space<semaphore_mem>>
        %dma_start3A = arith.constant 0 : i32
        %dma_start3A_24 = tpu.memref_slice %arg6[%scan3A_22, %run_scoped3A, %dma_start3A] : memref<90x2x112xi32, #tpu.memory_space<vmem>> -> memref<1x1x112xi32, #tpu.memory_space<vmem>>
        %dma_start3A_25 = tpu.memref_squeeze %dma_start3A_24 : memref<1x1x112xi32, #tpu.memory_space<vmem>> -> memref<112xi32, #tpu.memory_space<vmem>>
        %dma_start3A_26 = arith.constant 0 : i32
        %dma_start3A_27 = arith.constant 0 : i32
        %dma_start3A_28 = tpu.memref_slice %arg9[%dma_start3A_26, %dma_start3A_27] : memref<10240x16xf32, #tpu.memory_space<vmem_shared>> -> memref<10240x16xf32, #tpu.memory_space<vmem_shared>>
        tpu.enqueue_indirect_dma source(%arg7 : memref<112x16xf32, #tpu.memory_space<vmem>>) target(%dma_start3A_28 : memref<10240x16xf32, #tpu.memory_space<vmem_shared>>) offsets(%dma_start3A_25 : memref<112xi32, #tpu.memory_space<vmem>>) semaphore(%run_scoped3A_23 : memref<!tpu.dma_semaphore, #tpu.memory_space<semaphore_mem>>) {add = true}
        %dma_wait3A = arith.constant 0 : i32
        %dma_wait3A_29 = tpu.memref_slice %arg6[%scan3A_22, %run_scoped3A, %dma_wait3A] : memref<90x2x112xi32, #tpu.memory_space<vmem>> -> memref<1x1x112xi32, #tpu.memory_space<vmem>>
        %dma_wait3A_30 = tpu.memref_squeeze %dma_wait3A_29 : memref<1x1x112xi32, #tpu.memory_space<vmem>> -> memref<112xi32, #tpu.memory_space<vmem>>
        %dma_wait3A_31 = arith.constant 0 : i32
        %dma_wait3A_32 = arith.constant 0 : i32
        %dma_wait3A_33 = tpu.memref_slice %arg9[%dma_wait3A_31, %dma_wait3A_32] : memref<10240x16xf32, #tpu.memory_space<vmem_shared>> -> memref<10240x16xf32, #tpu.memory_space<vmem_shared>>
        tpu.wait_indirect_dma semaphore(%run_scoped3A_23 : memref<!tpu.dma_semaphore, #tpu.memory_space<semaphore_mem>>) src(%arg7 : memref<112x16xf32, #tpu.memory_space<vmem>>) dst(%dma_wait3A_33 : memref<10240x16xf32, #tpu.memory_space<vmem_shared>>)
        tpu.yield
      }) : () -> ()
    }
    %scan3A_20 = arith.constant 90 : i32
    %barrier3A_21 = arith.constant 0 : index
    tpu.barrier barrier_id(%barrier3A_21)
    "tpu.region"() ({
      %run_scoped3A = tpu.sem_alloc : memref<!tpu.dma_semaphore, #tpu.memory_space<semaphore_mem>>
      %dma_start3A = arith.constant 0 : i32
      %dma_start3A_22 = tpu.memref_slice %arg5[%arg0, %mul3A_4, %dma_start3A] : memref<2x10240x16xf32, #tpu.memory_space<hbm>> -> memref<1x640x16xf32, #tpu.memory_space<hbm>>
      %dma_start3A_23 = tpu.memref_squeeze %dma_start3A_22 : memref<1x640x16xf32, #tpu.memory_space<hbm>> -> memref<640x16xf32, #tpu.memory_space<hbm>>
      %dma_start3A_24 = arith.constant 0 : i32
      %dma_start3A_25 = tpu.memref_slice %arg9[%mul3A_4, %dma_start3A_24] : memref<10240x16xf32, #tpu.memory_space<vmem_shared>> -> memref<640x16xf32, #tpu.memory_space<vmem_shared>>
      tpu.enqueue_dma source(%dma_start3A_25 : memref<640x16xf32, #tpu.memory_space<vmem_shared>>) target(%dma_start3A_23 : memref<640x16xf32, #tpu.memory_space<hbm>>) target_semaphore(%run_scoped3A : memref<!tpu.dma_semaphore, #tpu.memory_space<semaphore_mem>>)
      %dma_wait3A = arith.constant 0 : i32
      %dma_wait3A_26 = tpu.memref_slice %arg5[%arg0, %mul3A_4, %dma_wait3A] : memref<2x10240x16xf32, #tpu.memory_space<hbm>> -> memref<1x640x16xf32, #tpu.memory_space<hbm>>
      %dma_wait3A_27 = tpu.memref_squeeze %dma_wait3A_26 : memref<1x640x16xf32, #tpu.memory_space<hbm>> -> memref<640x16xf32, #tpu.memory_space<hbm>>
      %dma_wait3A_28 = arith.constant 0 : i32
      %dma_wait3A_29 = tpu.memref_slice %arg9[%mul3A_4, %dma_wait3A_28] : memref<10240x16xf32, #tpu.memory_space<vmem_shared>> -> memref<640x16xf32, #tpu.memory_space<vmem_shared>>
      tpu.wait_dma2 semaphore(%run_scoped3A : memref<!tpu.dma_semaphore, #tpu.memory_space<semaphore_mem>>) src(%dma_wait3A_29 : memref<640x16xf32, #tpu.memory_space<vmem_shared>>) dst(%dma_wait3A_27 : memref<640x16xf32, #tpu.memory_space<hbm>>)
      tpu.yield
    }) : () -> ()
    return
  }
}

#map = affine_map<(d0, d1) -> (0, 0, 0)>
#map1 = affine_map<(d0, d1) -> (0, 0)>
module attributes {stable_mosaic.version = 14 : i64} {
  func.func @prop_kernel(%arg0: i32, %arg1: i32, %arg2: memref<2880x2x112xi32, #tpu.memory_space<hbm>>, %arg3: memref<10240x64xf32, #tpu.memory_space<hbm>>, %arg4: memref<112x64xf32, #tpu.memory_space<hbm>>, %arg5: memref<2x10240x64xf32, #tpu.memory_space<hbm>>, %arg6: memref<2x112xi32, #tpu.memory_space<vmem>>, %arg7: memref<2x112xi32, #tpu.memory_space<vmem>>, %arg8: memref<2x112xi32, #tpu.memory_space<vmem>>, %arg9: memref<2x112xi32, #tpu.memory_space<vmem>>, %arg10: memref<2x112xi32, #tpu.memory_space<vmem>>, %arg11: memref<2x112xi32, #tpu.memory_space<vmem>>, %arg12: memref<112x64xf32, #tpu.memory_space<vmem>>, %arg13: memref<112x64xf32, #tpu.memory_space<vmem>>, %arg14: memref<112x64xf32, #tpu.memory_space<vmem>>, %arg15: memref<10240x64xf32, #tpu.memory_space<vmem_shared>>, %arg16: memref<!tpu.dma_semaphore, #tpu.memory_space<semaphore_mem>>, %arg17: memref<!tpu.dma_semaphore, #tpu.memory_space<semaphore_mem>>, %arg18: memref<!tpu.dma_semaphore, #tpu.memory_space<semaphore_mem>>, %arg19: memref<!tpu.dma_semaphore, #tpu.memory_space<semaphore_mem>>, %arg20: memref<!tpu.dma_semaphore, #tpu.memory_space<semaphore_mem>>, %arg21: memref<!tpu.dma_semaphore, #tpu.memory_space<semaphore_mem>>, %arg22: memref<!tpu.dma_semaphore, #tpu.memory_space<semaphore_mem>>, %arg23: memref<!tpu.dma_semaphore, #tpu.memory_space<semaphore_mem>>, %arg24: memref<!tpu.dma_semaphore, #tpu.memory_space<semaphore_mem>>) attributes {dimension_semantics = [#tpu.dimension_semantics<core_parallel>, #tpu.dimension_semantics<subcore_parallel>], iteration_bounds = array<i64: 2, 16>, scalar_prefetch = 0 : i64, scratch_operands = 19 : i64, tpu.core_type = #tpu.core_type<sc_vector_subcore>, window_params = [{transform_indices = #map}, {transform_indices = #map1}, {transform_indices = #map1}, {transform_indices = #map}]} {
    %eq3A = arith.constant 0 : i32
    %eq3A_0 = arith.cmpi eq, %arg0, %eq3A : i32
    %jit3A = arith.constant 90 : i32
    %jit3A_1 = arith.constant 90 : i32
    %select_n3A = arith.select %eq3A_0, %jit3A, %jit3A_1 : i32
    %eq3A_2 = arith.constant 0 : i32
    %eq3A_3 = arith.cmpi eq, %arg0, %eq3A_2 : i32
    %jit3A_4 = arith.constant 15 : i32
    %jit3A_5 = arith.constant 15 : i32
    %select_n3A_6 = arith.select %eq3A_3, %jit3A_4, %jit3A_5 : i32
    %eq3A_7 = arith.constant 0 : i32
    %eq3A_8 = arith.cmpi eq, %arg0, %eq3A_7 : i32
    %mul3A = arith.constant 90 : i32
    %mul3A_9 = arith.muli %arg1, %mul3A : i32
    %mul3A_10 = arith.constant 90 : i32
    %mul3A_11 = arith.muli %arg1, %mul3A_10 : i32
    %add3A = arith.constant 1440 : i32
    %add3A_12 = arith.addi %add3A, %mul3A_11 : i32
    %select_n3A_13 = arith.select %eq3A_8, %mul3A_9, %add3A_12 : i32
    "tpu.region"() ({
      %run_scoped3A = tpu.sem_alloc : memref<!tpu.dma_semaphore, #tpu.memory_space<semaphore_mem>>
      tpu.enqueue_dma source(%arg4 : memref<112x64xf32, #tpu.memory_space<hbm>>) target(%arg12 : memref<112x64xf32, #tpu.memory_space<vmem>>) target_semaphore(%run_scoped3A : memref<!tpu.dma_semaphore, #tpu.memory_space<semaphore_mem>>)
      tpu.wait_dma2 semaphore(%run_scoped3A : memref<!tpu.dma_semaphore, #tpu.memory_space<semaphore_mem>>) src(%arg4 : memref<112x64xf32, #tpu.memory_space<hbm>>) dst(%arg12 : memref<112x64xf32, #tpu.memory_space<vmem>>)
      tpu.yield
    }) : () -> ()
    %mul3A_14 = arith.constant 640 : i32
    %mul3A_15 = arith.muli %arg1, %mul3A_14 : i32
    %add3A_16 = arith.constant 0 : i32
    %add3A_17 = arith.addi %mul3A_15, %add3A_16 : i32
    "tpu.region"() ({
      %run_scoped3A = tpu.sem_alloc : memref<!tpu.dma_semaphore, #tpu.memory_space<semaphore_mem>>
      %dma_start3A_188 = arith.constant 0 : i32
      %dma_start3A_189 = tpu.memref_slice %arg15[%add3A_17, %dma_start3A_188] : memref<10240x64xf32, #tpu.memory_space<vmem_shared>> -> memref<112x64xf32, #tpu.memory_space<vmem_shared>>
      %dma_start3A_190 = arith.constant 0 : i32
      %dma_start3A_191 = tpu.memref_slice %arg15[%add3A_17, %dma_start3A_190] : memref<10240x64xf32, #tpu.memory_space<vmem_shared>> -> memref<112x64xf32, #tpu.memory_space<vmem_shared>>
      tpu.enqueue_dma source(%arg12 : memref<112x64xf32, #tpu.memory_space<vmem>>) target(%dma_start3A_191 : memref<112x64xf32, #tpu.memory_space<vmem_shared>>) target_semaphore(%run_scoped3A : memref<!tpu.dma_semaphore, #tpu.memory_space<semaphore_mem>>)
      %dma_wait3A_192 = arith.constant 0 : i32
      %dma_wait3A_193 = tpu.memref_slice %arg15[%add3A_17, %dma_wait3A_192] : memref<10240x64xf32, #tpu.memory_space<vmem_shared>> -> memref<112x64xf32, #tpu.memory_space<vmem_shared>>
      %dma_wait3A_194 = arith.constant 0 : i32
      %dma_wait3A_195 = tpu.memref_slice %arg15[%add3A_17, %dma_wait3A_194] : memref<10240x64xf32, #tpu.memory_space<vmem_shared>> -> memref<112x64xf32, #tpu.memory_space<vmem_shared>>
      tpu.wait_dma2 semaphore(%run_scoped3A : memref<!tpu.dma_semaphore, #tpu.memory_space<semaphore_mem>>) src(%arg12 : memref<112x64xf32, #tpu.memory_space<vmem>>) dst(%dma_wait3A_195 : memref<112x64xf32, #tpu.memory_space<vmem_shared>>)
      tpu.yield
    }) : () -> ()
    %add3A_18 = arith.constant 112 : i32
    %add3A_19 = arith.addi %mul3A_15, %add3A_18 : i32
    "tpu.region"() ({
      %run_scoped3A = tpu.sem_alloc : memref<!tpu.dma_semaphore, #tpu.memory_space<semaphore_mem>>
      %dma_start3A_188 = arith.constant 0 : i32
      %dma_start3A_189 = tpu.memref_slice %arg15[%add3A_19, %dma_start3A_188] : memref<10240x64xf32, #tpu.memory_space<vmem_shared>> -> memref<112x64xf32, #tpu.memory_space<vmem_shared>>
      %dma_start3A_190 = arith.constant 0 : i32
      %dma_start3A_191 = tpu.memref_slice %arg15[%add3A_19, %dma_start3A_190] : memref<10240x64xf32, #tpu.memory_space<vmem_shared>> -> memref<112x64xf32, #tpu.memory_space<vmem_shared>>
      tpu.enqueue_dma source(%arg12 : memref<112x64xf32, #tpu.memory_space<vmem>>) target(%dma_start3A_191 : memref<112x64xf32, #tpu.memory_space<vmem_shared>>) target_semaphore(%run_scoped3A : memref<!tpu.dma_semaphore, #tpu.memory_space<semaphore_mem>>)
      %dma_wait3A_192 = arith.constant 0 : i32
      %dma_wait3A_193 = tpu.memref_slice %arg15[%add3A_19, %dma_wait3A_192] : memref<10240x64xf32, #tpu.memory_space<vmem_shared>> -> memref<112x64xf32, #tpu.memory_space<vmem_shared>>
      %dma_wait3A_194 = arith.constant 0 : i32
      %dma_wait3A_195 = tpu.memref_slice %arg15[%add3A_19, %dma_wait3A_194] : memref<10240x64xf32, #tpu.memory_space<vmem_shared>> -> memref<112x64xf32, #tpu.memory_space<vmem_shared>>
      tpu.wait_dma2 semaphore(%run_scoped3A : memref<!tpu.dma_semaphore, #tpu.memory_space<semaphore_mem>>) src(%arg12 : memref<112x64xf32, #tpu.memory_space<vmem>>) dst(%dma_wait3A_195 : memref<112x64xf32, #tpu.memory_space<vmem_shared>>)
      tpu.yield
    }) : () -> ()
    %add3A_20 = arith.constant 224 : i32
    %add3A_21 = arith.addi %mul3A_15, %add3A_20 : i32
    "tpu.region"() ({
      %run_scoped3A = tpu.sem_alloc : memref<!tpu.dma_semaphore, #tpu.memory_space<semaphore_mem>>
      %dma_start3A_188 = arith.constant 0 : i32
      %dma_start3A_189 = tpu.memref_slice %arg15[%add3A_21, %dma_start3A_188] : memref<10240x64xf32, #tpu.memory_space<vmem_shared>> -> memref<112x64xf32, #tpu.memory_space<vmem_shared>>
      %dma_start3A_190 = arith.constant 0 : i32
      %dma_start3A_191 = tpu.memref_slice %arg15[%add3A_21, %dma_start3A_190] : memref<10240x64xf32, #tpu.memory_space<vmem_shared>> -> memref<112x64xf32, #tpu.memory_space<vmem_shared>>
      tpu.enqueue_dma source(%arg12 : memref<112x64xf32, #tpu.memory_space<vmem>>) target(%dma_start3A_191 : memref<112x64xf32, #tpu.memory_space<vmem_shared>>) target_semaphore(%run_scoped3A : memref<!tpu.dma_semaphore, #tpu.memory_space<semaphore_mem>>)
      %dma_wait3A_192 = arith.constant 0 : i32
      %dma_wait3A_193 = tpu.memref_slice %arg15[%add3A_21, %dma_wait3A_192] : memref<10240x64xf32, #tpu.memory_space<vmem_shared>> -> memref<112x64xf32, #tpu.memory_space<vmem_shared>>
      %dma_wait3A_194 = arith.constant 0 : i32
      %dma_wait3A_195 = tpu.memref_slice %arg15[%add3A_21, %dma_wait3A_194] : memref<10240x64xf32, #tpu.memory_space<vmem_shared>> -> memref<112x64xf32, #tpu.memory_space<vmem_shared>>
      tpu.wait_dma2 semaphore(%run_scoped3A : memref<!tpu.dma_semaphore, #tpu.memory_space<semaphore_mem>>) src(%arg12 : memref<112x64xf32, #tpu.memory_space<vmem>>) dst(%dma_wait3A_195 : memref<112x64xf32, #tpu.memory_space<vmem_shared>>)
      tpu.yield
    }) : () -> ()
    %add3A_22 = arith.constant 336 : i32
    %add3A_23 = arith.addi %mul3A_15, %add3A_22 : i32
    "tpu.region"() ({
      %run_scoped3A = tpu.sem_alloc : memref<!tpu.dma_semaphore, #tpu.memory_space<semaphore_mem>>
      %dma_start3A_188 = arith.constant 0 : i32
      %dma_start3A_189 = tpu.memref_slice %arg15[%add3A_23, %dma_start3A_188] : memref<10240x64xf32, #tpu.memory_space<vmem_shared>> -> memref<112x64xf32, #tpu.memory_space<vmem_shared>>
      %dma_start3A_190 = arith.constant 0 : i32
      %dma_start3A_191 = tpu.memref_slice %arg15[%add3A_23, %dma_start3A_190] : memref<10240x64xf32, #tpu.memory_space<vmem_shared>> -> memref<112x64xf32, #tpu.memory_space<vmem_shared>>
      tpu.enqueue_dma source(%arg12 : memref<112x64xf32, #tpu.memory_space<vmem>>) target(%dma_start3A_191 : memref<112x64xf32, #tpu.memory_space<vmem_shared>>) target_semaphore(%run_scoped3A : memref<!tpu.dma_semaphore, #tpu.memory_space<semaphore_mem>>)
      %dma_wait3A_192 = arith.constant 0 : i32
      %dma_wait3A_193 = tpu.memref_slice %arg15[%add3A_23, %dma_wait3A_192] : memref<10240x64xf32, #tpu.memory_space<vmem_shared>> -> memref<112x64xf32, #tpu.memory_space<vmem_shared>>
      %dma_wait3A_194 = arith.constant 0 : i32
      %dma_wait3A_195 = tpu.memref_slice %arg15[%add3A_23, %dma_wait3A_194] : memref<10240x64xf32, #tpu.memory_space<vmem_shared>> -> memref<112x64xf32, #tpu.memory_space<vmem_shared>>
      tpu.wait_dma2 semaphore(%run_scoped3A : memref<!tpu.dma_semaphore, #tpu.memory_space<semaphore_mem>>) src(%arg12 : memref<112x64xf32, #tpu.memory_space<vmem>>) dst(%dma_wait3A_195 : memref<112x64xf32, #tpu.memory_space<vmem_shared>>)
      tpu.yield
    }) : () -> ()
    %add3A_24 = arith.constant 448 : i32
    %add3A_25 = arith.addi %mul3A_15, %add3A_24 : i32
    "tpu.region"() ({
      %run_scoped3A = tpu.sem_alloc : memref<!tpu.dma_semaphore, #tpu.memory_space<semaphore_mem>>
      %dma_start3A_188 = arith.constant 0 : i32
      %dma_start3A_189 = tpu.memref_slice %arg15[%add3A_25, %dma_start3A_188] : memref<10240x64xf32, #tpu.memory_space<vmem_shared>> -> memref<112x64xf32, #tpu.memory_space<vmem_shared>>
      %dma_start3A_190 = arith.constant 0 : i32
      %dma_start3A_191 = tpu.memref_slice %arg15[%add3A_25, %dma_start3A_190] : memref<10240x64xf32, #tpu.memory_space<vmem_shared>> -> memref<112x64xf32, #tpu.memory_space<vmem_shared>>
      tpu.enqueue_dma source(%arg12 : memref<112x64xf32, #tpu.memory_space<vmem>>) target(%dma_start3A_191 : memref<112x64xf32, #tpu.memory_space<vmem_shared>>) target_semaphore(%run_scoped3A : memref<!tpu.dma_semaphore, #tpu.memory_space<semaphore_mem>>)
      %dma_wait3A_192 = arith.constant 0 : i32
      %dma_wait3A_193 = tpu.memref_slice %arg15[%add3A_25, %dma_wait3A_192] : memref<10240x64xf32, #tpu.memory_space<vmem_shared>> -> memref<112x64xf32, #tpu.memory_space<vmem_shared>>
      %dma_wait3A_194 = arith.constant 0 : i32
      %dma_wait3A_195 = tpu.memref_slice %arg15[%add3A_25, %dma_wait3A_194] : memref<10240x64xf32, #tpu.memory_space<vmem_shared>> -> memref<112x64xf32, #tpu.memory_space<vmem_shared>>
      tpu.wait_dma2 semaphore(%run_scoped3A : memref<!tpu.dma_semaphore, #tpu.memory_space<semaphore_mem>>) src(%arg12 : memref<112x64xf32, #tpu.memory_space<vmem>>) dst(%dma_wait3A_195 : memref<112x64xf32, #tpu.memory_space<vmem_shared>>)
      tpu.yield
    }) : () -> ()
    %add3A_26 = arith.constant 560 : i32
    %add3A_27 = arith.addi %mul3A_15, %add3A_26 : i32
    "tpu.region"() ({
      %run_scoped3A = tpu.sem_alloc : memref<!tpu.dma_semaphore, #tpu.memory_space<semaphore_mem>>
      %dma_start3A_188 = arith.constant 0 : i32
      %dma_start3A_189 = arith.constant 0 : i32
      %dma_start3A_190 = tpu.memref_slice %arg12[%dma_start3A_188, %dma_start3A_189] : memref<112x64xf32, #tpu.memory_space<vmem>> -> memref<80x64xf32, #tpu.memory_space<vmem>>
      %dma_start3A_191 = arith.constant 0 : i32
      %dma_start3A_192 = tpu.memref_slice %arg15[%add3A_27, %dma_start3A_191] : memref<10240x64xf32, #tpu.memory_space<vmem_shared>> -> memref<80x64xf32, #tpu.memory_space<vmem_shared>>
      %dma_start3A_193 = arith.constant 0 : i32
      %dma_start3A_194 = tpu.memref_slice %arg15[%add3A_27, %dma_start3A_193] : memref<10240x64xf32, #tpu.memory_space<vmem_shared>> -> memref<80x64xf32, #tpu.memory_space<vmem_shared>>
      %dma_start3A_195 = arith.constant 0 : i32
      %dma_start3A_196 = arith.constant 0 : i32
      %dma_start3A_197 = tpu.memref_slice %arg12[%dma_start3A_195, %dma_start3A_196] : memref<112x64xf32, #tpu.memory_space<vmem>> -> memref<80x64xf32, #tpu.memory_space<vmem>>
      tpu.enqueue_dma source(%dma_start3A_197 : memref<80x64xf32, #tpu.memory_space<vmem>>) target(%dma_start3A_194 : memref<80x64xf32, #tpu.memory_space<vmem_shared>>) target_semaphore(%run_scoped3A : memref<!tpu.dma_semaphore, #tpu.memory_space<semaphore_mem>>)
      %dma_wait3A_198 = arith.constant 0 : i32
      %dma_wait3A_199 = arith.constant 0 : i32
      %dma_wait3A_200 = tpu.memref_slice %arg12[%dma_wait3A_198, %dma_wait3A_199] : memref<112x64xf32, #tpu.memory_space<vmem>> -> memref<80x64xf32, #tpu.memory_space<vmem>>
      %dma_wait3A_201 = arith.constant 0 : i32
      %dma_wait3A_202 = tpu.memref_slice %arg15[%add3A_27, %dma_wait3A_201] : memref<10240x64xf32, #tpu.memory_space<vmem_shared>> -> memref<80x64xf32, #tpu.memory_space<vmem_shared>>
      %dma_wait3A_203 = arith.constant 0 : i32
      %dma_wait3A_204 = tpu.memref_slice %arg15[%add3A_27, %dma_wait3A_203] : memref<10240x64xf32, #tpu.memory_space<vmem_shared>> -> memref<80x64xf32, #tpu.memory_space<vmem_shared>>
      %dma_wait3A_205 = arith.constant 0 : i32
      %dma_wait3A_206 = arith.constant 0 : i32
      %dma_wait3A_207 = tpu.memref_slice %arg12[%dma_wait3A_205, %dma_wait3A_206] : memref<112x64xf32, #tpu.memory_space<vmem>> -> memref<80x64xf32, #tpu.memory_space<vmem>>
      tpu.wait_dma2 semaphore(%run_scoped3A : memref<!tpu.dma_semaphore, #tpu.memory_space<semaphore_mem>>) src(%dma_wait3A_207 : memref<80x64xf32, #tpu.memory_space<vmem>>) dst(%dma_wait3A_204 : memref<80x64xf32, #tpu.memory_space<vmem_shared>>)
      tpu.yield
    }) : () -> ()
    %barrier3A = arith.constant 0 : index
    tpu.barrier barrier_id(%barrier3A)
    %add3A_28 = arith.constant 0 : i32
    %add3A_29 = arith.addi %select_n3A_13, %add3A_28 : i32
    %dma_start3A = arith.constant 0 : i32
    %dma_start3A_30 = arith.constant 0 : i32
    %dma_start3A_31 = tpu.memref_slice %arg2[%add3A_29, %dma_start3A, %dma_start3A_30] : memref<2880x2x112xi32, #tpu.memory_space<hbm>> -> memref<1x2x112xi32, #tpu.memory_space<hbm>>
    %dma_start3A_32 = tpu.memref_squeeze %dma_start3A_31 : memref<1x2x112xi32, #tpu.memory_space<hbm>> -> memref<2x112xi32, #tpu.memory_space<hbm>>
    %dma_start3A_33 = arith.constant 0 : i32
    %dma_start3A_34 = arith.constant 0 : i32
    %dma_start3A_35 = tpu.memref_slice %arg2[%add3A_29, %dma_start3A_33, %dma_start3A_34] : memref<2880x2x112xi32, #tpu.memory_space<hbm>> -> memref<1x2x112xi32, #tpu.memory_space<hbm>>
    %dma_start3A_36 = tpu.memref_squeeze %dma_start3A_35 : memref<1x2x112xi32, #tpu.memory_space<hbm>> -> memref<2x112xi32, #tpu.memory_space<hbm>>
    tpu.enqueue_dma source(%dma_start3A_36 : memref<2x112xi32, #tpu.memory_space<hbm>>) target(%arg6 : memref<2x112xi32, #tpu.memory_space<vmem>>) target_semaphore(%arg16 : memref<!tpu.dma_semaphore, #tpu.memory_space<semaphore_mem>>)
    %add3A_37 = arith.constant 1 : i32
    %add3A_38 = arith.addi %select_n3A_13, %add3A_37 : i32
    %dma_start3A_39 = arith.constant 0 : i32
    %dma_start3A_40 = arith.constant 0 : i32
    %dma_start3A_41 = tpu.memref_slice %arg2[%add3A_38, %dma_start3A_39, %dma_start3A_40] : memref<2880x2x112xi32, #tpu.memory_space<hbm>> -> memref<1x2x112xi32, #tpu.memory_space<hbm>>
    %dma_start3A_42 = tpu.memref_squeeze %dma_start3A_41 : memref<1x2x112xi32, #tpu.memory_space<hbm>> -> memref<2x112xi32, #tpu.memory_space<hbm>>
    %dma_start3A_43 = arith.constant 0 : i32
    %dma_start3A_44 = arith.constant 0 : i32
    %dma_start3A_45 = tpu.memref_slice %arg2[%add3A_38, %dma_start3A_43, %dma_start3A_44] : memref<2880x2x112xi32, #tpu.memory_space<hbm>> -> memref<1x2x112xi32, #tpu.memory_space<hbm>>
    %dma_start3A_46 = tpu.memref_squeeze %dma_start3A_45 : memref<1x2x112xi32, #tpu.memory_space<hbm>> -> memref<2x112xi32, #tpu.memory_space<hbm>>
    tpu.enqueue_dma source(%dma_start3A_46 : memref<2x112xi32, #tpu.memory_space<hbm>>) target(%arg7 : memref<2x112xi32, #tpu.memory_space<vmem>>) target_semaphore(%arg17 : memref<!tpu.dma_semaphore, #tpu.memory_space<semaphore_mem>>)
    %add3A_47 = arith.constant 2 : i32
    %add3A_48 = arith.addi %select_n3A_13, %add3A_47 : i32
    %dma_start3A_49 = arith.constant 0 : i32
    %dma_start3A_50 = arith.constant 0 : i32
    %dma_start3A_51 = tpu.memref_slice %arg2[%add3A_48, %dma_start3A_49, %dma_start3A_50] : memref<2880x2x112xi32, #tpu.memory_space<hbm>> -> memref<1x2x112xi32, #tpu.memory_space<hbm>>
    %dma_start3A_52 = tpu.memref_squeeze %dma_start3A_51 : memref<1x2x112xi32, #tpu.memory_space<hbm>> -> memref<2x112xi32, #tpu.memory_space<hbm>>
    %dma_start3A_53 = arith.constant 0 : i32
    %dma_start3A_54 = arith.constant 0 : i32
    %dma_start3A_55 = tpu.memref_slice %arg2[%add3A_48, %dma_start3A_53, %dma_start3A_54] : memref<2880x2x112xi32, #tpu.memory_space<hbm>> -> memref<1x2x112xi32, #tpu.memory_space<hbm>>
    %dma_start3A_56 = tpu.memref_squeeze %dma_start3A_55 : memref<1x2x112xi32, #tpu.memory_space<hbm>> -> memref<2x112xi32, #tpu.memory_space<hbm>>
    tpu.enqueue_dma source(%dma_start3A_56 : memref<2x112xi32, #tpu.memory_space<hbm>>) target(%arg8 : memref<2x112xi32, #tpu.memory_space<vmem>>) target_semaphore(%arg18 : memref<!tpu.dma_semaphore, #tpu.memory_space<semaphore_mem>>)
    %add3A_57 = arith.constant 3 : i32
    %add3A_58 = arith.addi %select_n3A_13, %add3A_57 : i32
    %dma_start3A_59 = arith.constant 0 : i32
    %dma_start3A_60 = arith.constant 0 : i32
    %dma_start3A_61 = tpu.memref_slice %arg2[%add3A_58, %dma_start3A_59, %dma_start3A_60] : memref<2880x2x112xi32, #tpu.memory_space<hbm>> -> memref<1x2x112xi32, #tpu.memory_space<hbm>>
    %dma_start3A_62 = tpu.memref_squeeze %dma_start3A_61 : memref<1x2x112xi32, #tpu.memory_space<hbm>> -> memref<2x112xi32, #tpu.memory_space<hbm>>
    %dma_start3A_63 = arith.constant 0 : i32
    %dma_start3A_64 = arith.constant 0 : i32
    %dma_start3A_65 = tpu.memref_slice %arg2[%add3A_58, %dma_start3A_63, %dma_start3A_64] : memref<2880x2x112xi32, #tpu.memory_space<hbm>> -> memref<1x2x112xi32, #tpu.memory_space<hbm>>
    %dma_start3A_66 = tpu.memref_squeeze %dma_start3A_65 : memref<1x2x112xi32, #tpu.memory_space<hbm>> -> memref<2x112xi32, #tpu.memory_space<hbm>>
    tpu.enqueue_dma source(%dma_start3A_66 : memref<2x112xi32, #tpu.memory_space<hbm>>) target(%arg9 : memref<2x112xi32, #tpu.memory_space<vmem>>) target_semaphore(%arg19 : memref<!tpu.dma_semaphore, #tpu.memory_space<semaphore_mem>>)
    %add3A_67 = arith.constant 4 : i32
    %add3A_68 = arith.addi %select_n3A_13, %add3A_67 : i32
    %dma_start3A_69 = arith.constant 0 : i32
    %dma_start3A_70 = arith.constant 0 : i32
    %dma_start3A_71 = tpu.memref_slice %arg2[%add3A_68, %dma_start3A_69, %dma_start3A_70] : memref<2880x2x112xi32, #tpu.memory_space<hbm>> -> memref<1x2x112xi32, #tpu.memory_space<hbm>>
    %dma_start3A_72 = tpu.memref_squeeze %dma_start3A_71 : memref<1x2x112xi32, #tpu.memory_space<hbm>> -> memref<2x112xi32, #tpu.memory_space<hbm>>
    %dma_start3A_73 = arith.constant 0 : i32
    %dma_start3A_74 = arith.constant 0 : i32
    %dma_start3A_75 = tpu.memref_slice %arg2[%add3A_68, %dma_start3A_73, %dma_start3A_74] : memref<2880x2x112xi32, #tpu.memory_space<hbm>> -> memref<1x2x112xi32, #tpu.memory_space<hbm>>
    %dma_start3A_76 = tpu.memref_squeeze %dma_start3A_75 : memref<1x2x112xi32, #tpu.memory_space<hbm>> -> memref<2x112xi32, #tpu.memory_space<hbm>>
    tpu.enqueue_dma source(%dma_start3A_76 : memref<2x112xi32, #tpu.memory_space<hbm>>) target(%arg10 : memref<2x112xi32, #tpu.memory_space<vmem>>) target_semaphore(%arg20 : memref<!tpu.dma_semaphore, #tpu.memory_space<semaphore_mem>>)
    %add3A_77 = arith.constant 5 : i32
    %add3A_78 = arith.addi %select_n3A_13, %add3A_77 : i32
    %dma_start3A_79 = arith.constant 0 : i32
    %dma_start3A_80 = arith.constant 0 : i32
    %dma_start3A_81 = tpu.memref_slice %arg2[%add3A_78, %dma_start3A_79, %dma_start3A_80] : memref<2880x2x112xi32, #tpu.memory_space<hbm>> -> memref<1x2x112xi32, #tpu.memory_space<hbm>>
    %dma_start3A_82 = tpu.memref_squeeze %dma_start3A_81 : memref<1x2x112xi32, #tpu.memory_space<hbm>> -> memref<2x112xi32, #tpu.memory_space<hbm>>
    %dma_start3A_83 = arith.constant 0 : i32
    %dma_start3A_84 = arith.constant 0 : i32
    %dma_start3A_85 = tpu.memref_slice %arg2[%add3A_78, %dma_start3A_83, %dma_start3A_84] : memref<2880x2x112xi32, #tpu.memory_space<hbm>> -> memref<1x2x112xi32, #tpu.memory_space<hbm>>
    %dma_start3A_86 = tpu.memref_squeeze %dma_start3A_85 : memref<1x2x112xi32, #tpu.memory_space<hbm>> -> memref<2x112xi32, #tpu.memory_space<hbm>>
    tpu.enqueue_dma source(%dma_start3A_86 : memref<2x112xi32, #tpu.memory_space<hbm>>) target(%arg11 : memref<2x112xi32, #tpu.memory_space<vmem>>) target_semaphore(%arg21 : memref<!tpu.dma_semaphore, #tpu.memory_space<semaphore_mem>>)
    %dma_wait3A = arith.constant 0 : i32
    %dma_wait3A_87 = arith.constant 0 : i32
    %dma_wait3A_88 = arith.constant 0 : i32
    %dma_wait3A_89 = tpu.memref_slice %arg2[%dma_wait3A, %dma_wait3A_87, %dma_wait3A_88] : memref<2880x2x112xi32, #tpu.memory_space<hbm>> -> memref<1x2x112xi32, #tpu.memory_space<hbm>>
    %dma_wait3A_90 = tpu.memref_squeeze %dma_wait3A_89 : memref<1x2x112xi32, #tpu.memory_space<hbm>> -> memref<2x112xi32, #tpu.memory_space<hbm>>
    %dma_wait3A_91 = arith.constant 0 : i32
    %dma_wait3A_92 = arith.constant 0 : i32
    %dma_wait3A_93 = tpu.memref_slice %arg2[%dma_wait3A, %dma_wait3A_91, %dma_wait3A_92] : memref<2880x2x112xi32, #tpu.memory_space<hbm>> -> memref<1x2x112xi32, #tpu.memory_space<hbm>>
    %dma_wait3A_94 = tpu.memref_squeeze %dma_wait3A_93 : memref<1x2x112xi32, #tpu.memory_space<hbm>> -> memref<2x112xi32, #tpu.memory_space<hbm>>
    tpu.wait_dma2 semaphore(%arg16 : memref<!tpu.dma_semaphore, #tpu.memory_space<semaphore_mem>>) src(%dma_wait3A_94 : memref<2x112xi32, #tpu.memory_space<hbm>>) dst(%arg6 : memref<2x112xi32, #tpu.memory_space<vmem>>)
    %dma_start3A_95 = arith.constant 0 : i32
    %dma_start3A_96 = arith.constant 0 : i32
    %dma_start3A_97 = tpu.memref_slice %arg6[%dma_start3A_95, %dma_start3A_96] : memref<2x112xi32, #tpu.memory_space<vmem>> -> memref<1x112xi32, #tpu.memory_space<vmem>>
    %dma_start3A_98 = tpu.memref_squeeze %dma_start3A_97 : memref<1x112xi32, #tpu.memory_space<vmem>> -> memref<112xi32, #tpu.memory_space<vmem>>
    %dma_start3A_99 = arith.constant 0 : i32
    %dma_start3A_100 = arith.constant 0 : i32
    %dma_start3A_101 = tpu.memref_slice %arg3[%dma_start3A_99, %dma_start3A_100] : memref<10240x64xf32, #tpu.memory_space<hbm>> -> memref<10240x64xf32, #tpu.memory_space<hbm>>
    tpu.enqueue_indirect_dma source(%dma_start3A_101 : memref<10240x64xf32, #tpu.memory_space<hbm>>) target(%arg12 : memref<112x64xf32, #tpu.memory_space<vmem>>) offsets(%dma_start3A_98 : memref<112xi32, #tpu.memory_space<vmem>>) semaphore(%arg22 : memref<!tpu.dma_semaphore, #tpu.memory_space<semaphore_mem>>)
    %dma_wait3A_102 = arith.constant 0 : i32
    %dma_wait3A_103 = arith.constant 0 : i32
    %dma_wait3A_104 = arith.constant 0 : i32
    %dma_wait3A_105 = tpu.memref_slice %arg2[%dma_wait3A_102, %dma_wait3A_103, %dma_wait3A_104] : memref<2880x2x112xi32, #tpu.memory_space<hbm>> -> memref<1x2x112xi32, #tpu.memory_space<hbm>>
    %dma_wait3A_106 = tpu.memref_squeeze %dma_wait3A_105 : memref<1x2x112xi32, #tpu.memory_space<hbm>> -> memref<2x112xi32, #tpu.memory_space<hbm>>
    %dma_wait3A_107 = arith.constant 0 : i32
    %dma_wait3A_108 = arith.constant 0 : i32
    %dma_wait3A_109 = tpu.memref_slice %arg2[%dma_wait3A_102, %dma_wait3A_107, %dma_wait3A_108] : memref<2880x2x112xi32, #tpu.memory_space<hbm>> -> memref<1x2x112xi32, #tpu.memory_space<hbm>>
    %dma_wait3A_110 = tpu.memref_squeeze %dma_wait3A_109 : memref<1x2x112xi32, #tpu.memory_space<hbm>> -> memref<2x112xi32, #tpu.memory_space<hbm>>
    tpu.wait_dma2 semaphore(%arg17 : memref<!tpu.dma_semaphore, #tpu.memory_space<semaphore_mem>>) src(%dma_wait3A_110 : memref<2x112xi32, #tpu.memory_space<hbm>>) dst(%arg7 : memref<2x112xi32, #tpu.memory_space<vmem>>)
    %dma_start3A_111 = arith.constant 0 : i32
    %dma_start3A_112 = arith.constant 0 : i32
    %dma_start3A_113 = tpu.memref_slice %arg7[%dma_start3A_111, %dma_start3A_112] : memref<2x112xi32, #tpu.memory_space<vmem>> -> memref<1x112xi32, #tpu.memory_space<vmem>>
    %dma_start3A_114 = tpu.memref_squeeze %dma_start3A_113 : memref<1x112xi32, #tpu.memory_space<vmem>> -> memref<112xi32, #tpu.memory_space<vmem>>
    %dma_start3A_115 = arith.constant 0 : i32
    %dma_start3A_116 = arith.constant 0 : i32
    %dma_start3A_117 = tpu.memref_slice %arg3[%dma_start3A_115, %dma_start3A_116] : memref<10240x64xf32, #tpu.memory_space<hbm>> -> memref<10240x64xf32, #tpu.memory_space<hbm>>
    tpu.enqueue_indirect_dma source(%dma_start3A_117 : memref<10240x64xf32, #tpu.memory_space<hbm>>) target(%arg13 : memref<112x64xf32, #tpu.memory_space<vmem>>) offsets(%dma_start3A_114 : memref<112xi32, #tpu.memory_space<vmem>>) semaphore(%arg23 : memref<!tpu.dma_semaphore, #tpu.memory_space<semaphore_mem>>)
    %dma_wait3A_118 = arith.constant 0 : i32
    %dma_wait3A_119 = arith.constant 0 : i32
    %dma_wait3A_120 = arith.constant 0 : i32
    %dma_wait3A_121 = tpu.memref_slice %arg2[%dma_wait3A_118, %dma_wait3A_119, %dma_wait3A_120] : memref<2880x2x112xi32, #tpu.memory_space<hbm>> -> memref<1x2x112xi32, #tpu.memory_space<hbm>>
    %dma_wait3A_122 = tpu.memref_squeeze %dma_wait3A_121 : memref<1x2x112xi32, #tpu.memory_space<hbm>> -> memref<2x112xi32, #tpu.memory_space<hbm>>
    %dma_wait3A_123 = arith.constant 0 : i32
    %dma_wait3A_124 = arith.constant 0 : i32
    %dma_wait3A_125 = tpu.memref_slice %arg2[%dma_wait3A_118, %dma_wait3A_123, %dma_wait3A_124] : memref<2880x2x112xi32, #tpu.memory_space<hbm>> -> memref<1x2x112xi32, #tpu.memory_space<hbm>>
    %dma_wait3A_126 = tpu.memref_squeeze %dma_wait3A_125 : memref<1x2x112xi32, #tpu.memory_space<hbm>> -> memref<2x112xi32, #tpu.memory_space<hbm>>
    tpu.wait_dma2 semaphore(%arg18 : memref<!tpu.dma_semaphore, #tpu.memory_space<semaphore_mem>>) src(%dma_wait3A_126 : memref<2x112xi32, #tpu.memory_space<hbm>>) dst(%arg8 : memref<2x112xi32, #tpu.memory_space<vmem>>)
    %dma_start3A_127 = arith.constant 0 : i32
    %dma_start3A_128 = arith.constant 0 : i32
    %dma_start3A_129 = tpu.memref_slice %arg8[%dma_start3A_127, %dma_start3A_128] : memref<2x112xi32, #tpu.memory_space<vmem>> -> memref<1x112xi32, #tpu.memory_space<vmem>>
    %dma_start3A_130 = tpu.memref_squeeze %dma_start3A_129 : memref<1x112xi32, #tpu.memory_space<vmem>> -> memref<112xi32, #tpu.memory_space<vmem>>
    %dma_start3A_131 = arith.constant 0 : i32
    %dma_start3A_132 = arith.constant 0 : i32
    %dma_start3A_133 = tpu.memref_slice %arg3[%dma_start3A_131, %dma_start3A_132] : memref<10240x64xf32, #tpu.memory_space<hbm>> -> memref<10240x64xf32, #tpu.memory_space<hbm>>
    tpu.enqueue_indirect_dma source(%dma_start3A_133 : memref<10240x64xf32, #tpu.memory_space<hbm>>) target(%arg14 : memref<112x64xf32, #tpu.memory_space<vmem>>) offsets(%dma_start3A_130 : memref<112xi32, #tpu.memory_space<vmem>>) semaphore(%arg24 : memref<!tpu.dma_semaphore, #tpu.memory_space<semaphore_mem>>)
    %while3A = arith.constant 0 : i32
    %while3A_134 = arith.subi %select_n3A_6, %while3A : i32
    %while3A_135 = arith.addi %while3A, %while3A_134 : i32
    %while3A_136 = arith.constant 1 : i32
    %while3A_137 = arith.divsi %while3A_134, %while3A_136 : i32
    %while3A_138 = arith.muli %while3A_137, %while3A_136 : i32
    %while3A_139 = arith.addi %while3A, %while3A_138 : i32
    %while3A_140 = arith.constant 1 : i32
    scf.for %while3A_188 = %while3A to %while3A_139 step %while3A_140  : i32 {
      %mul3A_189 = arith.constant 6 : i32
      %mul3A_190 = arith.muli %while3A_188, %mul3A_189 : i32
      %add3A_191 = arith.constant 0 : i32
      %add3A_192 = arith.addi %mul3A_190, %add3A_191 : i32
      %dma_wait3A_193 = arith.constant 0 : i32
      %dma_wait3A_194 = arith.constant 0 : i32
      %dma_wait3A_195 = tpu.memref_slice %arg3[%dma_wait3A_193, %dma_wait3A_194] : memref<10240x64xf32, #tpu.memory_space<hbm>> -> memref<112x64xf32, #tpu.memory_space<hbm>>
      %dma_wait3A_196 = arith.constant 0 : i32
      %dma_wait3A_197 = arith.constant 0 : i32
      %dma_wait3A_198 = tpu.memref_slice %arg3[%dma_wait3A_196, %dma_wait3A_197] : memref<10240x64xf32, #tpu.memory_space<hbm>> -> memref<112x64xf32, #tpu.memory_space<hbm>>
      tpu.wait_dma2 semaphore(%arg22 : memref<!tpu.dma_semaphore, #tpu.memory_space<semaphore_mem>>) src(%dma_wait3A_198 : memref<112x64xf32, #tpu.memory_space<hbm>>) dst(%arg12 : memref<112x64xf32, #tpu.memory_space<vmem>>)
      %run_scoped3A = arith.constant 1 : i32
      "tpu.region"() ({
        %run_scoped3A_421 = tpu.sem_alloc : memref<!tpu.dma_semaphore, #tpu.memory_space<semaphore_mem>>
        %dma_start3A_422 = arith.constant 0 : i32
        %dma_start3A_423 = tpu.memref_slice %arg6[%run_scoped3A, %dma_start3A_422] : memref<2x112xi32, #tpu.memory_space<vmem>> -> memref<1x112xi32, #tpu.memory_space<vmem>>
        %dma_start3A_424 = tpu.memref_squeeze %dma_start3A_423 : memref<1x112xi32, #tpu.memory_space<vmem>> -> memref<112xi32, #tpu.memory_space<vmem>>
        %dma_start3A_425 = arith.constant 0 : i32
        %dma_start3A_426 = arith.constant 0 : i32
        %dma_start3A_427 = tpu.memref_slice %arg15[%dma_start3A_425, %dma_start3A_426] : memref<10240x64xf32, #tpu.memory_space<vmem_shared>> -> memref<10240x64xf32, #tpu.memory_space<vmem_shared>>
        tpu.enqueue_indirect_dma source(%arg12 : memref<112x64xf32, #tpu.memory_space<vmem>>) target(%dma_start3A_427 : memref<10240x64xf32, #tpu.memory_space<vmem_shared>>) offsets(%dma_start3A_424 : memref<112xi32, #tpu.memory_space<vmem>>) semaphore(%run_scoped3A_421 : memref<!tpu.dma_semaphore, #tpu.memory_space<semaphore_mem>>) {add = true}
        %dma_wait3A_428 = arith.constant 0 : i32
        %dma_wait3A_429 = tpu.memref_slice %arg6[%run_scoped3A, %dma_wait3A_428] : memref<2x112xi32, #tpu.memory_space<vmem>> -> memref<1x112xi32, #tpu.memory_space<vmem>>
        %dma_wait3A_430 = tpu.memref_squeeze %dma_wait3A_429 : memref<1x112xi32, #tpu.memory_space<vmem>> -> memref<112xi32, #tpu.memory_space<vmem>>
        %dma_wait3A_431 = arith.constant 0 : i32
        %dma_wait3A_432 = arith.constant 0 : i32
        %dma_wait3A_433 = tpu.memref_slice %arg15[%dma_wait3A_431, %dma_wait3A_432] : memref<10240x64xf32, #tpu.memory_space<vmem_shared>> -> memref<10240x64xf32, #tpu.memory_space<vmem_shared>>
        tpu.wait_indirect_dma semaphore(%run_scoped3A_421 : memref<!tpu.dma_semaphore, #tpu.memory_space<semaphore_mem>>) src(%arg12 : memref<112x64xf32, #tpu.memory_space<vmem>>) dst(%dma_wait3A_433 : memref<10240x64xf32, #tpu.memory_space<vmem_shared>>)
        tpu.yield
      }) : () -> ()
      %add3A_199 = arith.constant 6 : i32
      %add3A_200 = arith.addi %add3A_192, %add3A_199 : i32
      %rem3A = arith.remsi %add3A_200, %select_n3A : i32
      %add3A_201 = arith.addi %select_n3A_13, %rem3A : i32
      %dma_start3A_202 = arith.constant 0 : i32
      %dma_start3A_203 = arith.constant 0 : i32
      %dma_start3A_204 = tpu.memref_slice %arg2[%add3A_201, %dma_start3A_202, %dma_start3A_203] : memref<2880x2x112xi32, #tpu.memory_space<hbm>> -> memref<1x2x112xi32, #tpu.memory_space<hbm>>
      %dma_start3A_205 = tpu.memref_squeeze %dma_start3A_204 : memref<1x2x112xi32, #tpu.memory_space<hbm>> -> memref<2x112xi32, #tpu.memory_space<hbm>>
      %dma_start3A_206 = arith.constant 0 : i32
      %dma_start3A_207 = arith.constant 0 : i32
      %dma_start3A_208 = tpu.memref_slice %arg2[%add3A_201, %dma_start3A_206, %dma_start3A_207] : memref<2880x2x112xi32, #tpu.memory_space<hbm>> -> memref<1x2x112xi32, #tpu.memory_space<hbm>>
      %dma_start3A_209 = tpu.memref_squeeze %dma_start3A_208 : memref<1x2x112xi32, #tpu.memory_space<hbm>> -> memref<2x112xi32, #tpu.memory_space<hbm>>
      tpu.enqueue_dma source(%dma_start3A_209 : memref<2x112xi32, #tpu.memory_space<hbm>>) target(%arg6 : memref<2x112xi32, #tpu.memory_space<vmem>>) target_semaphore(%arg16 : memref<!tpu.dma_semaphore, #tpu.memory_space<semaphore_mem>>)
      %dma_wait3A_210 = arith.constant 0 : i32
      %dma_wait3A_211 = arith.constant 0 : i32
      %dma_wait3A_212 = arith.constant 0 : i32
      %dma_wait3A_213 = tpu.memref_slice %arg2[%dma_wait3A_210, %dma_wait3A_211, %dma_wait3A_212] : memref<2880x2x112xi32, #tpu.memory_space<hbm>> -> memref<1x2x112xi32, #tpu.memory_space<hbm>>
      %dma_wait3A_214 = tpu.memref_squeeze %dma_wait3A_213 : memref<1x2x112xi32, #tpu.memory_space<hbm>> -> memref<2x112xi32, #tpu.memory_space<hbm>>
      %dma_wait3A_215 = arith.constant 0 : i32
      %dma_wait3A_216 = arith.constant 0 : i32
      %dma_wait3A_217 = tpu.memref_slice %arg2[%dma_wait3A_210, %dma_wait3A_215, %dma_wait3A_216] : memref<2880x2x112xi32, #tpu.memory_space<hbm>> -> memref<1x2x112xi32, #tpu.memory_space<hbm>>
      %dma_wait3A_218 = tpu.memref_squeeze %dma_wait3A_217 : memref<1x2x112xi32, #tpu.memory_space<hbm>> -> memref<2x112xi32, #tpu.memory_space<hbm>>
      tpu.wait_dma2 semaphore(%arg19 : memref<!tpu.dma_semaphore, #tpu.memory_space<semaphore_mem>>) src(%dma_wait3A_218 : memref<2x112xi32, #tpu.memory_space<hbm>>) dst(%arg9 : memref<2x112xi32, #tpu.memory_space<vmem>>)
      %dma_start3A_219 = arith.constant 0 : i32
      %dma_start3A_220 = arith.constant 0 : i32
      %dma_start3A_221 = tpu.memref_slice %arg9[%dma_start3A_219, %dma_start3A_220] : memref<2x112xi32, #tpu.memory_space<vmem>> -> memref<1x112xi32, #tpu.memory_space<vmem>>
      %dma_start3A_222 = tpu.memref_squeeze %dma_start3A_221 : memref<1x112xi32, #tpu.memory_space<vmem>> -> memref<112xi32, #tpu.memory_space<vmem>>
      %dma_start3A_223 = arith.constant 0 : i32
      %dma_start3A_224 = arith.constant 0 : i32
      %dma_start3A_225 = tpu.memref_slice %arg3[%dma_start3A_223, %dma_start3A_224] : memref<10240x64xf32, #tpu.memory_space<hbm>> -> memref<10240x64xf32, #tpu.memory_space<hbm>>
      tpu.enqueue_indirect_dma source(%dma_start3A_225 : memref<10240x64xf32, #tpu.memory_space<hbm>>) target(%arg12 : memref<112x64xf32, #tpu.memory_space<vmem>>) offsets(%dma_start3A_222 : memref<112xi32, #tpu.memory_space<vmem>>) semaphore(%arg22 : memref<!tpu.dma_semaphore, #tpu.memory_space<semaphore_mem>>)
      %mul3A_226 = arith.constant 6 : i32
      %mul3A_227 = arith.muli %while3A_188, %mul3A_226 : i32
      %add3A_228 = arith.constant 1 : i32
      %add3A_229 = arith.addi %mul3A_227, %add3A_228 : i32
      %dma_wait3A_230 = arith.constant 0 : i32
      %dma_wait3A_231 = arith.constant 0 : i32
      %dma_wait3A_232 = tpu.memref_slice %arg3[%dma_wait3A_230, %dma_wait3A_231] : memref<10240x64xf32, #tpu.memory_space<hbm>> -> memref<112x64xf32, #tpu.memory_space<hbm>>
      %dma_wait3A_233 = arith.constant 0 : i32
      %dma_wait3A_234 = arith.constant 0 : i32
      %dma_wait3A_235 = tpu.memref_slice %arg3[%dma_wait3A_233, %dma_wait3A_234] : memref<10240x64xf32, #tpu.memory_space<hbm>> -> memref<112x64xf32, #tpu.memory_space<hbm>>
      tpu.wait_dma2 semaphore(%arg23 : memref<!tpu.dma_semaphore, #tpu.memory_space<semaphore_mem>>) src(%dma_wait3A_235 : memref<112x64xf32, #tpu.memory_space<hbm>>) dst(%arg13 : memref<112x64xf32, #tpu.memory_space<vmem>>)
      %run_scoped3A_236 = arith.constant 1 : i32
      "tpu.region"() ({
        %run_scoped3A_421 = tpu.sem_alloc : memref<!tpu.dma_semaphore, #tpu.memory_space<semaphore_mem>>
        %dma_start3A_422 = arith.constant 0 : i32
        %dma_start3A_423 = tpu.memref_slice %arg7[%run_scoped3A_236, %dma_start3A_422] : memref<2x112xi32, #tpu.memory_space<vmem>> -> memref<1x112xi32, #tpu.memory_space<vmem>>
        %dma_start3A_424 = tpu.memref_squeeze %dma_start3A_423 : memref<1x112xi32, #tpu.memory_space<vmem>> -> memref<112xi32, #tpu.memory_space<vmem>>
        %dma_start3A_425 = arith.constant 0 : i32
        %dma_start3A_426 = arith.constant 0 : i32
        %dma_start3A_427 = tpu.memref_slice %arg15[%dma_start3A_425, %dma_start3A_426] : memref<10240x64xf32, #tpu.memory_space<vmem_shared>> -> memref<10240x64xf32, #tpu.memory_space<vmem_shared>>
        tpu.enqueue_indirect_dma source(%arg13 : memref<112x64xf32, #tpu.memory_space<vmem>>) target(%dma_start3A_427 : memref<10240x64xf32, #tpu.memory_space<vmem_shared>>) offsets(%dma_start3A_424 : memref<112xi32, #tpu.memory_space<vmem>>) semaphore(%run_scoped3A_421 : memref<!tpu.dma_semaphore, #tpu.memory_space<semaphore_mem>>) {add = true}
        %dma_wait3A_428 = arith.constant 0 : i32
        %dma_wait3A_429 = tpu.memref_slice %arg7[%run_scoped3A_236, %dma_wait3A_428] : memref<2x112xi32, #tpu.memory_space<vmem>> -> memref<1x112xi32, #tpu.memory_space<vmem>>
        %dma_wait3A_430 = tpu.memref_squeeze %dma_wait3A_429 : memref<1x112xi32, #tpu.memory_space<vmem>> -> memref<112xi32, #tpu.memory_space<vmem>>
        %dma_wait3A_431 = arith.constant 0 : i32
        %dma_wait3A_432 = arith.constant 0 : i32
        %dma_wait3A_433 = tpu.memref_slice %arg15[%dma_wait3A_431, %dma_wait3A_432] : memref<10240x64xf32, #tpu.memory_space<vmem_shared>> -> memref<10240x64xf32, #tpu.memory_space<vmem_shared>>
        tpu.wait_indirect_dma semaphore(%run_scoped3A_421 : memref<!tpu.dma_semaphore, #tpu.memory_space<semaphore_mem>>) src(%arg13 : memref<112x64xf32, #tpu.memory_space<vmem>>) dst(%dma_wait3A_433 : memref<10240x64xf32, #tpu.memory_space<vmem_shared>>)
        tpu.yield
      }) : () -> ()
      %add3A_237 = arith.constant 6 : i32
      %add3A_238 = arith.addi %add3A_229, %add3A_237 : i32
      %rem3A_239 = arith.remsi %add3A_238, %select_n3A : i32
      %add3A_240 = arith.addi %select_n3A_13, %rem3A_239 : i32
      %dma_start3A_241 = arith.constant 0 : i32
      %dma_start3A_242 = arith.constant 0 : i32
      %dma_start3A_243 = tpu.memref_slice %arg2[%add3A_240, %dma_start3A_241, %dma_start3A_242] : memref<2880x2x112xi32, #tpu.memory_space<hbm>> -> memref<1x2x112xi32, #tpu.memory_space<hbm>>
      %dma_start3A_244 = tpu.memref_squeeze %dma_start3A_243 : memref<1x2x112xi32, #tpu.memory_space<hbm>> -> memref<2x112xi32, #tpu.memory_space<hbm>>
      %dma_start3A_245 = arith.constant 0 : i32
      %dma_start3A_246 = arith.constant 0 : i32
      %dma_start3A_247 = tpu.memref_slice %arg2[%add3A_240, %dma_start3A_245, %dma_start3A_246] : memref<2880x2x112xi32, #tpu.memory_space<hbm>> -> memref<1x2x112xi32, #tpu.memory_space<hbm>>
      %dma_start3A_248 = tpu.memref_squeeze %dma_start3A_247 : memref<1x2x112xi32, #tpu.memory_space<hbm>> -> memref<2x112xi32, #tpu.memory_space<hbm>>
      tpu.enqueue_dma source(%dma_start3A_248 : memref<2x112xi32, #tpu.memory_space<hbm>>) target(%arg7 : memref<2x112xi32, #tpu.memory_space<vmem>>) target_semaphore(%arg17 : memref<!tpu.dma_semaphore, #tpu.memory_space<semaphore_mem>>)
      %dma_wait3A_249 = arith.constant 0 : i32
      %dma_wait3A_250 = arith.constant 0 : i32
      %dma_wait3A_251 = arith.constant 0 : i32
      %dma_wait3A_252 = tpu.memref_slice %arg2[%dma_wait3A_249, %dma_wait3A_250, %dma_wait3A_251] : memref<2880x2x112xi32, #tpu.memory_space<hbm>> -> memref<1x2x112xi32, #tpu.memory_space<hbm>>
      %dma_wait3A_253 = tpu.memref_squeeze %dma_wait3A_252 : memref<1x2x112xi32, #tpu.memory_space<hbm>> -> memref<2x112xi32, #tpu.memory_space<hbm>>
      %dma_wait3A_254 = arith.constant 0 : i32
      %dma_wait3A_255 = arith.constant 0 : i32
      %dma_wait3A_256 = tpu.memref_slice %arg2[%dma_wait3A_249, %dma_wait3A_254, %dma_wait3A_255] : memref<2880x2x112xi32, #tpu.memory_space<hbm>> -> memref<1x2x112xi32, #tpu.memory_space<hbm>>
      %dma_wait3A_257 = tpu.memref_squeeze %dma_wait3A_256 : memref<1x2x112xi32, #tpu.memory_space<hbm>> -> memref<2x112xi32, #tpu.memory_space<hbm>>
      tpu.wait_dma2 semaphore(%arg20 : memref<!tpu.dma_semaphore, #tpu.memory_space<semaphore_mem>>) src(%dma_wait3A_257 : memref<2x112xi32, #tpu.memory_space<hbm>>) dst(%arg10 : memref<2x112xi32, #tpu.memory_space<vmem>>)
      %dma_start3A_258 = arith.constant 0 : i32
      %dma_start3A_259 = arith.constant 0 : i32
      %dma_start3A_260 = tpu.memref_slice %arg10[%dma_start3A_258, %dma_start3A_259] : memref<2x112xi32, #tpu.memory_space<vmem>> -> memref<1x112xi32, #tpu.memory_space<vmem>>
      %dma_start3A_261 = tpu.memref_squeeze %dma_start3A_260 : memref<1x112xi32, #tpu.memory_space<vmem>> -> memref<112xi32, #tpu.memory_space<vmem>>
      %dma_start3A_262 = arith.constant 0 : i32
      %dma_start3A_263 = arith.constant 0 : i32
      %dma_start3A_264 = tpu.memref_slice %arg3[%dma_start3A_262, %dma_start3A_263] : memref<10240x64xf32, #tpu.memory_space<hbm>> -> memref<10240x64xf32, #tpu.memory_space<hbm>>
      tpu.enqueue_indirect_dma source(%dma_start3A_264 : memref<10240x64xf32, #tpu.memory_space<hbm>>) target(%arg13 : memref<112x64xf32, #tpu.memory_space<vmem>>) offsets(%dma_start3A_261 : memref<112xi32, #tpu.memory_space<vmem>>) semaphore(%arg23 : memref<!tpu.dma_semaphore, #tpu.memory_space<semaphore_mem>>)
      %mul3A_265 = arith.constant 6 : i32
      %mul3A_266 = arith.muli %while3A_188, %mul3A_265 : i32
      %add3A_267 = arith.constant 2 : i32
      %add3A_268 = arith.addi %mul3A_266, %add3A_267 : i32
      %dma_wait3A_269 = arith.constant 0 : i32
      %dma_wait3A_270 = arith.constant 0 : i32
      %dma_wait3A_271 = tpu.memref_slice %arg3[%dma_wait3A_269, %dma_wait3A_270] : memref<10240x64xf32, #tpu.memory_space<hbm>> -> memref<112x64xf32, #tpu.memory_space<hbm>>
      %dma_wait3A_272 = arith.constant 0 : i32
      %dma_wait3A_273 = arith.constant 0 : i32
      %dma_wait3A_274 = tpu.memref_slice %arg3[%dma_wait3A_272, %dma_wait3A_273] : memref<10240x64xf32, #tpu.memory_space<hbm>> -> memref<112x64xf32, #tpu.memory_space<hbm>>
      tpu.wait_dma2 semaphore(%arg24 : memref<!tpu.dma_semaphore, #tpu.memory_space<semaphore_mem>>) src(%dma_wait3A_274 : memref<112x64xf32, #tpu.memory_space<hbm>>) dst(%arg14 : memref<112x64xf32, #tpu.memory_space<vmem>>)
      %run_scoped3A_275 = arith.constant 1 : i32
      "tpu.region"() ({
        %run_scoped3A_421 = tpu.sem_alloc : memref<!tpu.dma_semaphore, #tpu.memory_space<semaphore_mem>>
        %dma_start3A_422 = arith.constant 0 : i32
        %dma_start3A_423 = tpu.memref_slice %arg8[%run_scoped3A_275, %dma_start3A_422] : memref<2x112xi32, #tpu.memory_space<vmem>> -> memref<1x112xi32, #tpu.memory_space<vmem>>
        %dma_start3A_424 = tpu.memref_squeeze %dma_start3A_423 : memref<1x112xi32, #tpu.memory_space<vmem>> -> memref<112xi32, #tpu.memory_space<vmem>>
        %dma_start3A_425 = arith.constant 0 : i32
        %dma_start3A_426 = arith.constant 0 : i32
        %dma_start3A_427 = tpu.memref_slice %arg15[%dma_start3A_425, %dma_start3A_426] : memref<10240x64xf32, #tpu.memory_space<vmem_shared>> -> memref<10240x64xf32, #tpu.memory_space<vmem_shared>>
        tpu.enqueue_indirect_dma source(%arg14 : memref<112x64xf32, #tpu.memory_space<vmem>>) target(%dma_start3A_427 : memref<10240x64xf32, #tpu.memory_space<vmem_shared>>) offsets(%dma_start3A_424 : memref<112xi32, #tpu.memory_space<vmem>>) semaphore(%run_scoped3A_421 : memref<!tpu.dma_semaphore, #tpu.memory_space<semaphore_mem>>) {add = true}
        %dma_wait3A_428 = arith.constant 0 : i32
        %dma_wait3A_429 = tpu.memref_slice %arg8[%run_scoped3A_275, %dma_wait3A_428] : memref<2x112xi32, #tpu.memory_space<vmem>> -> memref<1x112xi32, #tpu.memory_space<vmem>>
        %dma_wait3A_430 = tpu.memref_squeeze %dma_wait3A_429 : memref<1x112xi32, #tpu.memory_space<vmem>> -> memref<112xi32, #tpu.memory_space<vmem>>
        %dma_wait3A_431 = arith.constant 0 : i32
        %dma_wait3A_432 = arith.constant 0 : i32
        %dma_wait3A_433 = tpu.memref_slice %arg15[%dma_wait3A_431, %dma_wait3A_432] : memref<10240x64xf32, #tpu.memory_space<vmem_shared>> -> memref<10240x64xf32, #tpu.memory_space<vmem_shared>>
        tpu.wait_indirect_dma semaphore(%run_scoped3A_421 : memref<!tpu.dma_semaphore, #tpu.memory_space<semaphore_mem>>) src(%arg14 : memref<112x64xf32, #tpu.memory_space<vmem>>) dst(%dma_wait3A_433 : memref<10240x64xf32, #tpu.memory_space<vmem_shared>>)
        tpu.yield
      }) : () -> ()
      %add3A_276 = arith.constant 6 : i32
      %add3A_277 = arith.addi %add3A_268, %add3A_276 : i32
      %rem3A_278 = arith.remsi %add3A_277, %select_n3A : i32
      %add3A_279 = arith.addi %select_n3A_13, %rem3A_278 : i32
      %dma_start3A_280 = arith.constant 0 : i32
      %dma_start3A_281 = arith.constant 0 : i32
      %dma_start3A_282 = tpu.memref_slice %arg2[%add3A_279, %dma_start3A_280, %dma_start3A_281] : memref<2880x2x112xi32, #tpu.memory_space<hbm>> -> memref<1x2x112xi32, #tpu.memory_space<hbm>>
      %dma_start3A_283 = tpu.memref_squeeze %dma_start3A_282 : memref<1x2x112xi32, #tpu.memory_space<hbm>> -> memref<2x112xi32, #tpu.memory_space<hbm>>
      %dma_start3A_284 = arith.constant 0 : i32
      %dma_start3A_285 = arith.constant 0 : i32
      %dma_start3A_286 = tpu.memref_slice %arg2[%add3A_279, %dma_start3A_284, %dma_start3A_285] : memref<2880x2x112xi32, #tpu.memory_space<hbm>> -> memref<1x2x112xi32, #tpu.memory_space<hbm>>
      %dma_start3A_287 = tpu.memref_squeeze %dma_start3A_286 : memref<1x2x112xi32, #tpu.memory_space<hbm>> -> memref<2x112xi32, #tpu.memory_space<hbm>>
      tpu.enqueue_dma source(%dma_start3A_287 : memref<2x112xi32, #tpu.memory_space<hbm>>) target(%arg8 : memref<2x112xi32, #tpu.memory_space<vmem>>) target_semaphore(%arg18 : memref<!tpu.dma_semaphore, #tpu.memory_space<semaphore_mem>>)
      %dma_wait3A_288 = arith.constant 0 : i32
      %dma_wait3A_289 = arith.constant 0 : i32
      %dma_wait3A_290 = arith.constant 0 : i32
      %dma_wait3A_291 = tpu.memref_slice %arg2[%dma_wait3A_288, %dma_wait3A_289, %dma_wait3A_290] : memref<2880x2x112xi32, #tpu.memory_space<hbm>> -> memref<1x2x112xi32, #tpu.memory_space<hbm>>
      %dma_wait3A_292 = tpu.memref_squeeze %dma_wait3A_291 : memref<1x2x112xi32, #tpu.memory_space<hbm>> -> memref<2x112xi32, #tpu.memory_space<hbm>>
      %dma_wait3A_293 = arith.constant 0 : i32
      %dma_wait3A_294 = arith.constant 0 : i32
      %dma_wait3A_295 = tpu.memref_slice %arg2[%dma_wait3A_288, %dma_wait3A_293, %dma_wait3A_294] : memref<2880x2x112xi32, #tpu.memory_space<hbm>> -> memref<1x2x112xi32, #tpu.memory_space<hbm>>
      %dma_wait3A_296 = tpu.memref_squeeze %dma_wait3A_295 : memref<1x2x112xi32, #tpu.memory_space<hbm>> -> memref<2x112xi32, #tpu.memory_space<hbm>>
      tpu.wait_dma2 semaphore(%arg21 : memref<!tpu.dma_semaphore, #tpu.memory_space<semaphore_mem>>) src(%dma_wait3A_296 : memref<2x112xi32, #tpu.memory_space<hbm>>) dst(%arg11 : memref<2x112xi32, #tpu.memory_space<vmem>>)
      %dma_start3A_297 = arith.constant 0 : i32
      %dma_start3A_298 = arith.constant 0 : i32
      %dma_start3A_299 = tpu.memref_slice %arg11[%dma_start3A_297, %dma_start3A_298] : memref<2x112xi32, #tpu.memory_space<vmem>> -> memref<1x112xi32, #tpu.memory_space<vmem>>
      %dma_start3A_300 = tpu.memref_squeeze %dma_start3A_299 : memref<1x112xi32, #tpu.memory_space<vmem>> -> memref<112xi32, #tpu.memory_space<vmem>>
      %dma_start3A_301 = arith.constant 0 : i32
      %dma_start3A_302 = arith.constant 0 : i32
      %dma_start3A_303 = tpu.memref_slice %arg3[%dma_start3A_301, %dma_start3A_302] : memref<10240x64xf32, #tpu.memory_space<hbm>> -> memref<10240x64xf32, #tpu.memory_space<hbm>>
      tpu.enqueue_indirect_dma source(%dma_start3A_303 : memref<10240x64xf32, #tpu.memory_space<hbm>>) target(%arg14 : memref<112x64xf32, #tpu.memory_space<vmem>>) offsets(%dma_start3A_300 : memref<112xi32, #tpu.memory_space<vmem>>) semaphore(%arg24 : memref<!tpu.dma_semaphore, #tpu.memory_space<semaphore_mem>>)
      %mul3A_304 = arith.constant 6 : i32
      %mul3A_305 = arith.muli %while3A_188, %mul3A_304 : i32
      %add3A_306 = arith.constant 3 : i32
      %add3A_307 = arith.addi %mul3A_305, %add3A_306 : i32
      %dma_wait3A_308 = arith.constant 0 : i32
      %dma_wait3A_309 = arith.constant 0 : i32
      %dma_wait3A_310 = tpu.memref_slice %arg3[%dma_wait3A_308, %dma_wait3A_309] : memref<10240x64xf32, #tpu.memory_space<hbm>> -> memref<112x64xf32, #tpu.memory_space<hbm>>
      %dma_wait3A_311 = arith.constant 0 : i32
      %dma_wait3A_312 = arith.constant 0 : i32
      %dma_wait3A_313 = tpu.memref_slice %arg3[%dma_wait3A_311, %dma_wait3A_312] : memref<10240x64xf32, #tpu.memory_space<hbm>> -> memref<112x64xf32, #tpu.memory_space<hbm>>
      tpu.wait_dma2 semaphore(%arg22 : memref<!tpu.dma_semaphore, #tpu.memory_space<semaphore_mem>>) src(%dma_wait3A_313 : memref<112x64xf32, #tpu.memory_space<hbm>>) dst(%arg12 : memref<112x64xf32, #tpu.memory_space<vmem>>)
      %run_scoped3A_314 = arith.constant 1 : i32
      "tpu.region"() ({
        %run_scoped3A_421 = tpu.sem_alloc : memref<!tpu.dma_semaphore, #tpu.memory_space<semaphore_mem>>
        %dma_start3A_422 = arith.constant 0 : i32
        %dma_start3A_423 = tpu.memref_slice %arg9[%run_scoped3A_314, %dma_start3A_422] : memref<2x112xi32, #tpu.memory_space<vmem>> -> memref<1x112xi32, #tpu.memory_space<vmem>>
        %dma_start3A_424 = tpu.memref_squeeze %dma_start3A_423 : memref<1x112xi32, #tpu.memory_space<vmem>> -> memref<112xi32, #tpu.memory_space<vmem>>
        %dma_start3A_425 = arith.constant 0 : i32
        %dma_start3A_426 = arith.constant 0 : i32
        %dma_start3A_427 = tpu.memref_slice %arg15[%dma_start3A_425, %dma_start3A_426] : memref<10240x64xf32, #tpu.memory_space<vmem_shared>> -> memref<10240x64xf32, #tpu.memory_space<vmem_shared>>
        tpu.enqueue_indirect_dma source(%arg12 : memref<112x64xf32, #tpu.memory_space<vmem>>) target(%dma_start3A_427 : memref<10240x64xf32, #tpu.memory_space<vmem_shared>>) offsets(%dma_start3A_424 : memref<112xi32, #tpu.memory_space<vmem>>) semaphore(%run_scoped3A_421 : memref<!tpu.dma_semaphore, #tpu.memory_space<semaphore_mem>>) {add = true}
        %dma_wait3A_428 = arith.constant 0 : i32
        %dma_wait3A_429 = tpu.memref_slice %arg9[%run_scoped3A_314, %dma_wait3A_428] : memref<2x112xi32, #tpu.memory_space<vmem>> -> memref<1x112xi32, #tpu.memory_space<vmem>>
        %dma_wait3A_430 = tpu.memref_squeeze %dma_wait3A_429 : memref<1x112xi32, #tpu.memory_space<vmem>> -> memref<112xi32, #tpu.memory_space<vmem>>
        %dma_wait3A_431 = arith.constant 0 : i32
        %dma_wait3A_432 = arith.constant 0 : i32
        %dma_wait3A_433 = tpu.memref_slice %arg15[%dma_wait3A_431, %dma_wait3A_432] : memref<10240x64xf32, #tpu.memory_space<vmem_shared>> -> memref<10240x64xf32, #tpu.memory_space<vmem_shared>>
        tpu.wait_indirect_dma semaphore(%run_scoped3A_421 : memref<!tpu.dma_semaphore, #tpu.memory_space<semaphore_mem>>) src(%arg12 : memref<112x64xf32, #tpu.memory_space<vmem>>) dst(%dma_wait3A_433 : memref<10240x64xf32, #tpu.memory_space<vmem_shared>>)
        tpu.yield
      }) : () -> ()
      %add3A_315 = arith.constant 6 : i32
      %add3A_316 = arith.addi %add3A_307, %add3A_315 : i32
      %rem3A_317 = arith.remsi %add3A_316, %select_n3A : i32
      %add3A_318 = arith.addi %select_n3A_13, %rem3A_317 : i32
      %dma_start3A_319 = arith.constant 0 : i32
      %dma_start3A_320 = arith.constant 0 : i32
      %dma_start3A_321 = tpu.memref_slice %arg2[%add3A_318, %dma_start3A_319, %dma_start3A_320] : memref<2880x2x112xi32, #tpu.memory_space<hbm>> -> memref<1x2x112xi32, #tpu.memory_space<hbm>>
      %dma_start3A_322 = tpu.memref_squeeze %dma_start3A_321 : memref<1x2x112xi32, #tpu.memory_space<hbm>> -> memref<2x112xi32, #tpu.memory_space<hbm>>
      %dma_start3A_323 = arith.constant 0 : i32
      %dma_start3A_324 = arith.constant 0 : i32
      %dma_start3A_325 = tpu.memref_slice %arg2[%add3A_318, %dma_start3A_323, %dma_start3A_324] : memref<2880x2x112xi32, #tpu.memory_space<hbm>> -> memref<1x2x112xi32, #tpu.memory_space<hbm>>
      %dma_start3A_326 = tpu.memref_squeeze %dma_start3A_325 : memref<1x2x112xi32, #tpu.memory_space<hbm>> -> memref<2x112xi32, #tpu.memory_space<hbm>>
      tpu.enqueue_dma source(%dma_start3A_326 : memref<2x112xi32, #tpu.memory_space<hbm>>) target(%arg9 : memref<2x112xi32, #tpu.memory_space<vmem>>) target_semaphore(%arg19 : memref<!tpu.dma_semaphore, #tpu.memory_space<semaphore_mem>>)
      %dma_wait3A_327 = arith.constant 0 : i32
      %dma_wait3A_328 = arith.constant 0 : i32
      %dma_wait3A_329 = arith.constant 0 : i32
      %dma_wait3A_330 = tpu.memref_slice %arg2[%dma_wait3A_327, %dma_wait3A_328, %dma_wait3A_329] : memref<2880x2x112xi32, #tpu.memory_space<hbm>> -> memref<1x2x112xi32, #tpu.memory_space<hbm>>
      %dma_wait3A_331 = tpu.memref_squeeze %dma_wait3A_330 : memref<1x2x112xi32, #tpu.memory_space<hbm>> -> memref<2x112xi32, #tpu.memory_space<hbm>>
      %dma_wait3A_332 = arith.constant 0 : i32
      %dma_wait3A_333 = arith.constant 0 : i32
      %dma_wait3A_334 = tpu.memref_slice %arg2[%dma_wait3A_327, %dma_wait3A_332, %dma_wait3A_333] : memref<2880x2x112xi32, #tpu.memory_space<hbm>> -> memref<1x2x112xi32, #tpu.memory_space<hbm>>
      %dma_wait3A_335 = tpu.memref_squeeze %dma_wait3A_334 : memref<1x2x112xi32, #tpu.memory_space<hbm>> -> memref<2x112xi32, #tpu.memory_space<hbm>>
      tpu.wait_dma2 semaphore(%arg16 : memref<!tpu.dma_semaphore, #tpu.memory_space<semaphore_mem>>) src(%dma_wait3A_335 : memref<2x112xi32, #tpu.memory_space<hbm>>) dst(%arg6 : memref<2x112xi32, #tpu.memory_space<vmem>>)
      %dma_start3A_336 = arith.constant 0 : i32
      %dma_start3A_337 = arith.constant 0 : i32
      %dma_start3A_338 = tpu.memref_slice %arg6[%dma_start3A_336, %dma_start3A_337] : memref<2x112xi32, #tpu.memory_space<vmem>> -> memref<1x112xi32, #tpu.memory_space<vmem>>
      %dma_start3A_339 = tpu.memref_squeeze %dma_start3A_338 : memref<1x112xi32, #tpu.memory_space<vmem>> -> memref<112xi32, #tpu.memory_space<vmem>>
      %dma_start3A_340 = arith.constant 0 : i32
      %dma_start3A_341 = arith.constant 0 : i32
      %dma_start3A_342 = tpu.memref_slice %arg3[%dma_start3A_340, %dma_start3A_341] : memref<10240x64xf32, #tpu.memory_space<hbm>> -> memref<10240x64xf32, #tpu.memory_space<hbm>>
      tpu.enqueue_indirect_dma source(%dma_start3A_342 : memref<10240x64xf32, #tpu.memory_space<hbm>>) target(%arg12 : memref<112x64xf32, #tpu.memory_space<vmem>>) offsets(%dma_start3A_339 : memref<112xi32, #tpu.memory_space<vmem>>) semaphore(%arg22 : memref<!tpu.dma_semaphore, #tpu.memory_space<semaphore_mem>>)
      %mul3A_343 = arith.constant 6 : i32
      %mul3A_344 = arith.muli %while3A_188, %mul3A_343 : i32
      %add3A_345 = arith.constant 4 : i32
      %add3A_346 = arith.addi %mul3A_344, %add3A_345 : i32
      %dma_wait3A_347 = arith.constant 0 : i32
      %dma_wait3A_348 = arith.constant 0 : i32
      %dma_wait3A_349 = tpu.memref_slice %arg3[%dma_wait3A_347, %dma_wait3A_348] : memref<10240x64xf32, #tpu.memory_space<hbm>> -> memref<112x64xf32, #tpu.memory_space<hbm>>
      %dma_wait3A_350 = arith.constant 0 : i32
      %dma_wait3A_351 = arith.constant 0 : i32
      %dma_wait3A_352 = tpu.memref_slice %arg3[%dma_wait3A_350, %dma_wait3A_351] : memref<10240x64xf32, #tpu.memory_space<hbm>> -> memref<112x64xf32, #tpu.memory_space<hbm>>
      tpu.wait_dma2 semaphore(%arg23 : memref<!tpu.dma_semaphore, #tpu.memory_space<semaphore_mem>>) src(%dma_wait3A_352 : memref<112x64xf32, #tpu.memory_space<hbm>>) dst(%arg13 : memref<112x64xf32, #tpu.memory_space<vmem>>)
      %run_scoped3A_353 = arith.constant 1 : i32
      "tpu.region"() ({
        %run_scoped3A_421 = tpu.sem_alloc : memref<!tpu.dma_semaphore, #tpu.memory_space<semaphore_mem>>
        %dma_start3A_422 = arith.constant 0 : i32
        %dma_start3A_423 = tpu.memref_slice %arg10[%run_scoped3A_353, %dma_start3A_422] : memref<2x112xi32, #tpu.memory_space<vmem>> -> memref<1x112xi32, #tpu.memory_space<vmem>>
        %dma_start3A_424 = tpu.memref_squeeze %dma_start3A_423 : memref<1x112xi32, #tpu.memory_space<vmem>> -> memref<112xi32, #tpu.memory_space<vmem>>
        %dma_start3A_425 = arith.constant 0 : i32
        %dma_start3A_426 = arith.constant 0 : i32
        %dma_start3A_427 = tpu.memref_slice %arg15[%dma_start3A_425, %dma_start3A_426] : memref<10240x64xf32, #tpu.memory_space<vmem_shared>> -> memref<10240x64xf32, #tpu.memory_space<vmem_shared>>
        tpu.enqueue_indirect_dma source(%arg13 : memref<112x64xf32, #tpu.memory_space<vmem>>) target(%dma_start3A_427 : memref<10240x64xf32, #tpu.memory_space<vmem_shared>>) offsets(%dma_start3A_424 : memref<112xi32, #tpu.memory_space<vmem>>) semaphore(%run_scoped3A_421 : memref<!tpu.dma_semaphore, #tpu.memory_space<semaphore_mem>>) {add = true}
        %dma_wait3A_428 = arith.constant 0 : i32
        %dma_wait3A_429 = tpu.memref_slice %arg10[%run_scoped3A_353, %dma_wait3A_428] : memref<2x112xi32, #tpu.memory_space<vmem>> -> memref<1x112xi32, #tpu.memory_space<vmem>>
        %dma_wait3A_430 = tpu.memref_squeeze %dma_wait3A_429 : memref<1x112xi32, #tpu.memory_space<vmem>> -> memref<112xi32, #tpu.memory_space<vmem>>
        %dma_wait3A_431 = arith.constant 0 : i32
        %dma_wait3A_432 = arith.constant 0 : i32
        %dma_wait3A_433 = tpu.memref_slice %arg15[%dma_wait3A_431, %dma_wait3A_432] : memref<10240x64xf32, #tpu.memory_space<vmem_shared>> -> memref<10240x64xf32, #tpu.memory_space<vmem_shared>>
        tpu.wait_indirect_dma semaphore(%run_scoped3A_421 : memref<!tpu.dma_semaphore, #tpu.memory_space<semaphore_mem>>) src(%arg13 : memref<112x64xf32, #tpu.memory_space<vmem>>) dst(%dma_wait3A_433 : memref<10240x64xf32, #tpu.memory_space<vmem_shared>>)
        tpu.yield
      }) : () -> ()
      %add3A_354 = arith.constant 6 : i32
      %add3A_355 = arith.addi %add3A_346, %add3A_354 : i32
      %rem3A_356 = arith.remsi %add3A_355, %select_n3A : i32
      %add3A_357 = arith.addi %select_n3A_13, %rem3A_356 : i32
      %dma_start3A_358 = arith.constant 0 : i32
      %dma_start3A_359 = arith.constant 0 : i32
      %dma_start3A_360 = tpu.memref_slice %arg2[%add3A_357, %dma_start3A_358, %dma_start3A_359] : memref<2880x2x112xi32, #tpu.memory_space<hbm>> -> memref<1x2x112xi32, #tpu.memory_space<hbm>>
      %dma_start3A_361 = tpu.memref_squeeze %dma_start3A_360 : memref<1x2x112xi32, #tpu.memory_space<hbm>> -> memref<2x112xi32, #tpu.memory_space<hbm>>
      %dma_start3A_362 = arith.constant 0 : i32
      %dma_start3A_363 = arith.constant 0 : i32
      %dma_start3A_364 = tpu.memref_slice %arg2[%add3A_357, %dma_start3A_362, %dma_start3A_363] : memref<2880x2x112xi32, #tpu.memory_space<hbm>> -> memref<1x2x112xi32, #tpu.memory_space<hbm>>
      %dma_start3A_365 = tpu.memref_squeeze %dma_start3A_364 : memref<1x2x112xi32, #tpu.memory_space<hbm>> -> memref<2x112xi32, #tpu.memory_space<hbm>>
      tpu.enqueue_dma source(%dma_start3A_365 : memref<2x112xi32, #tpu.memory_space<hbm>>) target(%arg10 : memref<2x112xi32, #tpu.memory_space<vmem>>) target_semaphore(%arg20 : memref<!tpu.dma_semaphore, #tpu.memory_space<semaphore_mem>>)
      %dma_wait3A_366 = arith.constant 0 : i32
      %dma_wait3A_367 = arith.constant 0 : i32
      %dma_wait3A_368 = arith.constant 0 : i32
      %dma_wait3A_369 = tpu.memref_slice %arg2[%dma_wait3A_366, %dma_wait3A_367, %dma_wait3A_368] : memref<2880x2x112xi32, #tpu.memory_space<hbm>> -> memref<1x2x112xi32, #tpu.memory_space<hbm>>
      %dma_wait3A_370 = tpu.memref_squeeze %dma_wait3A_369 : memref<1x2x112xi32, #tpu.memory_space<hbm>> -> memref<2x112xi32, #tpu.memory_space<hbm>>
      %dma_wait3A_371 = arith.constant 0 : i32
      %dma_wait3A_372 = arith.constant 0 : i32
      %dma_wait3A_373 = tpu.memref_slice %arg2[%dma_wait3A_366, %dma_wait3A_371, %dma_wait3A_372] : memref<2880x2x112xi32, #tpu.memory_space<hbm>> -> memref<1x2x112xi32, #tpu.memory_space<hbm>>
      %dma_wait3A_374 = tpu.memref_squeeze %dma_wait3A_373 : memref<1x2x112xi32, #tpu.memory_space<hbm>> -> memref<2x112xi32, #tpu.memory_space<hbm>>
      tpu.wait_dma2 semaphore(%arg17 : memref<!tpu.dma_semaphore, #tpu.memory_space<semaphore_mem>>) src(%dma_wait3A_374 : memref<2x112xi32, #tpu.memory_space<hbm>>) dst(%arg7 : memref<2x112xi32, #tpu.memory_space<vmem>>)
      %dma_start3A_375 = arith.constant 0 : i32
      %dma_start3A_376 = arith.constant 0 : i32
      %dma_start3A_377 = tpu.memref_slice %arg7[%dma_start3A_375, %dma_start3A_376] : memref<2x112xi32, #tpu.memory_space<vmem>> -> memref<1x112xi32, #tpu.memory_space<vmem>>
      %dma_start3A_378 = tpu.memref_squeeze %dma_start3A_377 : memref<1x112xi32, #tpu.memory_space<vmem>> -> memref<112xi32, #tpu.memory_space<vmem>>
      %dma_start3A_379 = arith.constant 0 : i32
      %dma_start3A_380 = arith.constant 0 : i32
      %dma_start3A_381 = tpu.memref_slice %arg3[%dma_start3A_379, %dma_start3A_380] : memref<10240x64xf32, #tpu.memory_space<hbm>> -> memref<10240x64xf32, #tpu.memory_space<hbm>>
      tpu.enqueue_indirect_dma source(%dma_start3A_381 : memref<10240x64xf32, #tpu.memory_space<hbm>>) target(%arg13 : memref<112x64xf32, #tpu.memory_space<vmem>>) offsets(%dma_start3A_378 : memref<112xi32, #tpu.memory_space<vmem>>) semaphore(%arg23 : memref<!tpu.dma_semaphore, #tpu.memory_space<semaphore_mem>>)
      %mul3A_382 = arith.constant 6 : i32
      %mul3A_383 = arith.muli %while3A_188, %mul3A_382 : i32
      %add3A_384 = arith.constant 5 : i32
      %add3A_385 = arith.addi %mul3A_383, %add3A_384 : i32
      %dma_wait3A_386 = arith.constant 0 : i32
      %dma_wait3A_387 = arith.constant 0 : i32
      %dma_wait3A_388 = tpu.memref_slice %arg3[%dma_wait3A_386, %dma_wait3A_387] : memref<10240x64xf32, #tpu.memory_space<hbm>> -> memref<112x64xf32, #tpu.memory_space<hbm>>
      %dma_wait3A_389 = arith.constant 0 : i32
      %dma_wait3A_390 = arith.constant 0 : i32
      %dma_wait3A_391 = tpu.memref_slice %arg3[%dma_wait3A_389, %dma_wait3A_390] : memref<10240x64xf32, #tpu.memory_space<hbm>> -> memref<112x64xf32, #tpu.memory_space<hbm>>
      tpu.wait_dma2 semaphore(%arg24 : memref<!tpu.dma_semaphore, #tpu.memory_space<semaphore_mem>>) src(%dma_wait3A_391 : memref<112x64xf32, #tpu.memory_space<hbm>>) dst(%arg14 : memref<112x64xf32, #tpu.memory_space<vmem>>)
      %run_scoped3A_392 = arith.constant 1 : i32
      "tpu.region"() ({
        %run_scoped3A_421 = tpu.sem_alloc : memref<!tpu.dma_semaphore, #tpu.memory_space<semaphore_mem>>
        %dma_start3A_422 = arith.constant 0 : i32
        %dma_start3A_423 = tpu.memref_slice %arg11[%run_scoped3A_392, %dma_start3A_422] : memref<2x112xi32, #tpu.memory_space<vmem>> -> memref<1x112xi32, #tpu.memory_space<vmem>>
        %dma_start3A_424 = tpu.memref_squeeze %dma_start3A_423 : memref<1x112xi32, #tpu.memory_space<vmem>> -> memref<112xi32, #tpu.memory_space<vmem>>
        %dma_start3A_425 = arith.constant 0 : i32
        %dma_start3A_426 = arith.constant 0 : i32
        %dma_start3A_427 = tpu.memref_slice %arg15[%dma_start3A_425, %dma_start3A_426] : memref<10240x64xf32, #tpu.memory_space<vmem_shared>> -> memref<10240x64xf32, #tpu.memory_space<vmem_shared>>
        tpu.enqueue_indirect_dma source(%arg14 : memref<112x64xf32, #tpu.memory_space<vmem>>) target(%dma_start3A_427 : memref<10240x64xf32, #tpu.memory_space<vmem_shared>>) offsets(%dma_start3A_424 : memref<112xi32, #tpu.memory_space<vmem>>) semaphore(%run_scoped3A_421 : memref<!tpu.dma_semaphore, #tpu.memory_space<semaphore_mem>>) {add = true}
        %dma_wait3A_428 = arith.constant 0 : i32
        %dma_wait3A_429 = tpu.memref_slice %arg11[%run_scoped3A_392, %dma_wait3A_428] : memref<2x112xi32, #tpu.memory_space<vmem>> -> memref<1x112xi32, #tpu.memory_space<vmem>>
        %dma_wait3A_430 = tpu.memref_squeeze %dma_wait3A_429 : memref<1x112xi32, #tpu.memory_space<vmem>> -> memref<112xi32, #tpu.memory_space<vmem>>
        %dma_wait3A_431 = arith.constant 0 : i32
        %dma_wait3A_432 = arith.constant 0 : i32
        %dma_wait3A_433 = tpu.memref_slice %arg15[%dma_wait3A_431, %dma_wait3A_432] : memref<10240x64xf32, #tpu.memory_space<vmem_shared>> -> memref<10240x64xf32, #tpu.memory_space<vmem_shared>>
        tpu.wait_indirect_dma semaphore(%run_scoped3A_421 : memref<!tpu.dma_semaphore, #tpu.memory_space<semaphore_mem>>) src(%arg14 : memref<112x64xf32, #tpu.memory_space<vmem>>) dst(%dma_wait3A_433 : memref<10240x64xf32, #tpu.memory_space<vmem_shared>>)
        tpu.yield
      }) : () -> ()
      %add3A_393 = arith.constant 6 : i32
      %add3A_394 = arith.addi %add3A_385, %add3A_393 : i32
      %rem3A_395 = arith.remsi %add3A_394, %select_n3A : i32
      %add3A_396 = arith.addi %select_n3A_13, %rem3A_395 : i32
      %dma_start3A_397 = arith.constant 0 : i32
      %dma_start3A_398 = arith.constant 0 : i32
      %dma_start3A_399 = tpu.memref_slice %arg2[%add3A_396, %dma_start3A_397, %dma_start3A_398] : memref<2880x2x112xi32, #tpu.memory_space<hbm>> -> memref<1x2x112xi32, #tpu.memory_space<hbm>>
      %dma_start3A_400 = tpu.memref_squeeze %dma_start3A_399 : memref<1x2x112xi32, #tpu.memory_space<hbm>> -> memref<2x112xi32, #tpu.memory_space<hbm>>
      %dma_start3A_401 = arith.constant 0 : i32
      %dma_start3A_402 = arith.constant 0 : i32
      %dma_start3A_403 = tpu.memref_slice %arg2[%add3A_396, %dma_start3A_401, %dma_start3A_402] : memref<2880x2x112xi32, #tpu.memory_space<hbm>> -> memref<1x2x112xi32, #tpu.memory_space<hbm>>
      %dma_start3A_404 = tpu.memref_squeeze %dma_start3A_403 : memref<1x2x112xi32, #tpu.memory_space<hbm>> -> memref<2x112xi32, #tpu.memory_space<hbm>>
      tpu.enqueue_dma source(%dma_start3A_404 : memref<2x112xi32, #tpu.memory_space<hbm>>) target(%arg11 : memref<2x112xi32, #tpu.memory_space<vmem>>) target_semaphore(%arg21 : memref<!tpu.dma_semaphore, #tpu.memory_space<semaphore_mem>>)
      %dma_wait3A_405 = arith.constant 0 : i32
      %dma_wait3A_406 = arith.constant 0 : i32
      %dma_wait3A_407 = arith.constant 0 : i32
      %dma_wait3A_408 = tpu.memref_slice %arg2[%dma_wait3A_405, %dma_wait3A_406, %dma_wait3A_407] : memref<2880x2x112xi32, #tpu.memory_space<hbm>> -> memref<1x2x112xi32, #tpu.memory_space<hbm>>
      %dma_wait3A_409 = tpu.memref_squeeze %dma_wait3A_408 : memref<1x2x112xi32, #tpu.memory_space<hbm>> -> memref<2x112xi32, #tpu.memory_space<hbm>>
      %dma_wait3A_410 = arith.constant 0 : i32
      %dma_wait3A_411 = arith.constant 0 : i32
      %dma_wait3A_412 = tpu.memref_slice %arg2[%dma_wait3A_405, %dma_wait3A_410, %dma_wait3A_411] : memref<2880x2x112xi32, #tpu.memory_space<hbm>> -> memref<1x2x112xi32, #tpu.memory_space<hbm>>
      %dma_wait3A_413 = tpu.memref_squeeze %dma_wait3A_412 : memref<1x2x112xi32, #tpu.memory_space<hbm>> -> memref<2x112xi32, #tpu.memory_space<hbm>>
      tpu.wait_dma2 semaphore(%arg18 : memref<!tpu.dma_semaphore, #tpu.memory_space<semaphore_mem>>) src(%dma_wait3A_413 : memref<2x112xi32, #tpu.memory_space<hbm>>) dst(%arg8 : memref<2x112xi32, #tpu.memory_space<vmem>>)
      %dma_start3A_414 = arith.constant 0 : i32
      %dma_start3A_415 = arith.constant 0 : i32
      %dma_start3A_416 = tpu.memref_slice %arg8[%dma_start3A_414, %dma_start3A_415] : memref<2x112xi32, #tpu.memory_space<vmem>> -> memref<1x112xi32, #tpu.memory_space<vmem>>
      %dma_start3A_417 = tpu.memref_squeeze %dma_start3A_416 : memref<1x112xi32, #tpu.memory_space<vmem>> -> memref<112xi32, #tpu.memory_space<vmem>>
      %dma_start3A_418 = arith.constant 0 : i32
      %dma_start3A_419 = arith.constant 0 : i32
      %dma_start3A_420 = tpu.memref_slice %arg3[%dma_start3A_418, %dma_start3A_419] : memref<10240x64xf32, #tpu.memory_space<hbm>> -> memref<10240x64xf32, #tpu.memory_space<hbm>>
      tpu.enqueue_indirect_dma source(%dma_start3A_420 : memref<10240x64xf32, #tpu.memory_space<hbm>>) target(%arg14 : memref<112x64xf32, #tpu.memory_space<vmem>>) offsets(%dma_start3A_417 : memref<112xi32, #tpu.memory_space<vmem>>) semaphore(%arg24 : memref<!tpu.dma_semaphore, #tpu.memory_space<semaphore_mem>>)
    }
    %while3A_141 = arith.constant 1 : i32
    scf.for %while3A_188 = %while3A_139 to %while3A_135 step %while3A_141  : i32 {
      %mul3A_189 = arith.constant 6 : i32
      %mul3A_190 = arith.muli %while3A_188, %mul3A_189 : i32
      %add3A_191 = arith.constant 0 : i32
      %add3A_192 = arith.addi %mul3A_190, %add3A_191 : i32
      %dma_wait3A_193 = arith.constant 0 : i32
      %dma_wait3A_194 = arith.constant 0 : i32
      %dma_wait3A_195 = tpu.memref_slice %arg3[%dma_wait3A_193, %dma_wait3A_194] : memref<10240x64xf32, #tpu.memory_space<hbm>> -> memref<112x64xf32, #tpu.memory_space<hbm>>
      %dma_wait3A_196 = arith.constant 0 : i32
      %dma_wait3A_197 = arith.constant 0 : i32
      %dma_wait3A_198 = tpu.memref_slice %arg3[%dma_wait3A_196, %dma_wait3A_197] : memref<10240x64xf32, #tpu.memory_space<hbm>> -> memref<112x64xf32, #tpu.memory_space<hbm>>
      tpu.wait_dma2 semaphore(%arg22 : memref<!tpu.dma_semaphore, #tpu.memory_space<semaphore_mem>>) src(%dma_wait3A_198 : memref<112x64xf32, #tpu.memory_space<hbm>>) dst(%arg12 : memref<112x64xf32, #tpu.memory_space<vmem>>)
      %run_scoped3A = arith.constant 1 : i32
      "tpu.region"() ({
        %run_scoped3A_421 = tpu.sem_alloc : memref<!tpu.dma_semaphore, #tpu.memory_space<semaphore_mem>>
        %dma_start3A_422 = arith.constant 0 : i32
        %dma_start3A_423 = tpu.memref_slice %arg6[%run_scoped3A, %dma_start3A_422] : memref<2x112xi32, #tpu.memory_space<vmem>> -> memref<1x112xi32, #tpu.memory_space<vmem>>
        %dma_start3A_424 = tpu.memref_squeeze %dma_start3A_423 : memref<1x112xi32, #tpu.memory_space<vmem>> -> memref<112xi32, #tpu.memory_space<vmem>>
        %dma_start3A_425 = arith.constant 0 : i32
        %dma_start3A_426 = arith.constant 0 : i32
        %dma_start3A_427 = tpu.memref_slice %arg15[%dma_start3A_425, %dma_start3A_426] : memref<10240x64xf32, #tpu.memory_space<vmem_shared>> -> memref<10240x64xf32, #tpu.memory_space<vmem_shared>>
        tpu.enqueue_indirect_dma source(%arg12 : memref<112x64xf32, #tpu.memory_space<vmem>>) target(%dma_start3A_427 : memref<10240x64xf32, #tpu.memory_space<vmem_shared>>) offsets(%dma_start3A_424 : memref<112xi32, #tpu.memory_space<vmem>>) semaphore(%run_scoped3A_421 : memref<!tpu.dma_semaphore, #tpu.memory_space<semaphore_mem>>) {add = true}
        %dma_wait3A_428 = arith.constant 0 : i32
        %dma_wait3A_429 = tpu.memref_slice %arg6[%run_scoped3A, %dma_wait3A_428] : memref<2x112xi32, #tpu.memory_space<vmem>> -> memref<1x112xi32, #tpu.memory_space<vmem>>
        %dma_wait3A_430 = tpu.memref_squeeze %dma_wait3A_429 : memref<1x112xi32, #tpu.memory_space<vmem>> -> memref<112xi32, #tpu.memory_space<vmem>>
        %dma_wait3A_431 = arith.constant 0 : i32
        %dma_wait3A_432 = arith.constant 0 : i32
        %dma_wait3A_433 = tpu.memref_slice %arg15[%dma_wait3A_431, %dma_wait3A_432] : memref<10240x64xf32, #tpu.memory_space<vmem_shared>> -> memref<10240x64xf32, #tpu.memory_space<vmem_shared>>
        tpu.wait_indirect_dma semaphore(%run_scoped3A_421 : memref<!tpu.dma_semaphore, #tpu.memory_space<semaphore_mem>>) src(%arg12 : memref<112x64xf32, #tpu.memory_space<vmem>>) dst(%dma_wait3A_433 : memref<10240x64xf32, #tpu.memory_space<vmem_shared>>)
        tpu.yield
      }) : () -> ()
      %add3A_199 = arith.constant 6 : i32
      %add3A_200 = arith.addi %add3A_192, %add3A_199 : i32
      %rem3A = arith.remsi %add3A_200, %select_n3A : i32
      %add3A_201 = arith.addi %select_n3A_13, %rem3A : i32
      %dma_start3A_202 = arith.constant 0 : i32
      %dma_start3A_203 = arith.constant 0 : i32
      %dma_start3A_204 = tpu.memref_slice %arg2[%add3A_201, %dma_start3A_202, %dma_start3A_203] : memref<2880x2x112xi32, #tpu.memory_space<hbm>> -> memref<1x2x112xi32, #tpu.memory_space<hbm>>
      %dma_start3A_205 = tpu.memref_squeeze %dma_start3A_204 : memref<1x2x112xi32, #tpu.memory_space<hbm>> -> memref<2x112xi32, #tpu.memory_space<hbm>>
      %dma_start3A_206 = arith.constant 0 : i32
      %dma_start3A_207 = arith.constant 0 : i32
      %dma_start3A_208 = tpu.memref_slice %arg2[%add3A_201, %dma_start3A_206, %dma_start3A_207] : memref<2880x2x112xi32, #tpu.memory_space<hbm>> -> memref<1x2x112xi32, #tpu.memory_space<hbm>>
      %dma_start3A_209 = tpu.memref_squeeze %dma_start3A_208 : memref<1x2x112xi32, #tpu.memory_space<hbm>> -> memref<2x112xi32, #tpu.memory_space<hbm>>
      tpu.enqueue_dma source(%dma_start3A_209 : memref<2x112xi32, #tpu.memory_space<hbm>>) target(%arg6 : memref<2x112xi32, #tpu.memory_space<vmem>>) target_semaphore(%arg16 : memref<!tpu.dma_semaphore, #tpu.memory_space<semaphore_mem>>)
      %dma_wait3A_210 = arith.constant 0 : i32
      %dma_wait3A_211 = arith.constant 0 : i32
      %dma_wait3A_212 = arith.constant 0 : i32
      %dma_wait3A_213 = tpu.memref_slice %arg2[%dma_wait3A_210, %dma_wait3A_211, %dma_wait3A_212] : memref<2880x2x112xi32, #tpu.memory_space<hbm>> -> memref<1x2x112xi32, #tpu.memory_space<hbm>>
      %dma_wait3A_214 = tpu.memref_squeeze %dma_wait3A_213 : memref<1x2x112xi32, #tpu.memory_space<hbm>> -> memref<2x112xi32, #tpu.memory_space<hbm>>
      %dma_wait3A_215 = arith.constant 0 : i32
      %dma_wait3A_216 = arith.constant 0 : i32
      %dma_wait3A_217 = tpu.memref_slice %arg2[%dma_wait3A_210, %dma_wait3A_215, %dma_wait3A_216] : memref<2880x2x112xi32, #tpu.memory_space<hbm>> -> memref<1x2x112xi32, #tpu.memory_space<hbm>>
      %dma_wait3A_218 = tpu.memref_squeeze %dma_wait3A_217 : memref<1x2x112xi32, #tpu.memory_space<hbm>> -> memref<2x112xi32, #tpu.memory_space<hbm>>
      tpu.wait_dma2 semaphore(%arg19 : memref<!tpu.dma_semaphore, #tpu.memory_space<semaphore_mem>>) src(%dma_wait3A_218 : memref<2x112xi32, #tpu.memory_space<hbm>>) dst(%arg9 : memref<2x112xi32, #tpu.memory_space<vmem>>)
      %dma_start3A_219 = arith.constant 0 : i32
      %dma_start3A_220 = arith.constant 0 : i32
      %dma_start3A_221 = tpu.memref_slice %arg9[%dma_start3A_219, %dma_start3A_220] : memref<2x112xi32, #tpu.memory_space<vmem>> -> memref<1x112xi32, #tpu.memory_space<vmem>>
      %dma_start3A_222 = tpu.memref_squeeze %dma_start3A_221 : memref<1x112xi32, #tpu.memory_space<vmem>> -> memref<112xi32, #tpu.memory_space<vmem>>
      %dma_start3A_223 = arith.constant 0 : i32
      %dma_start3A_224 = arith.constant 0 : i32
      %dma_start3A_225 = tpu.memref_slice %arg3[%dma_start3A_223, %dma_start3A_224] : memref<10240x64xf32, #tpu.memory_space<hbm>> -> memref<10240x64xf32, #tpu.memory_space<hbm>>
      tpu.enqueue_indirect_dma source(%dma_start3A_225 : memref<10240x64xf32, #tpu.memory_space<hbm>>) target(%arg12 : memref<112x64xf32, #tpu.memory_space<vmem>>) offsets(%dma_start3A_222 : memref<112xi32, #tpu.memory_space<vmem>>) semaphore(%arg22 : memref<!tpu.dma_semaphore, #tpu.memory_space<semaphore_mem>>)
      %mul3A_226 = arith.constant 6 : i32
      %mul3A_227 = arith.muli %while3A_188, %mul3A_226 : i32
      %add3A_228 = arith.constant 1 : i32
      %add3A_229 = arith.addi %mul3A_227, %add3A_228 : i32
      %dma_wait3A_230 = arith.constant 0 : i32
      %dma_wait3A_231 = arith.constant 0 : i32
      %dma_wait3A_232 = tpu.memref_slice %arg3[%dma_wait3A_230, %dma_wait3A_231] : memref<10240x64xf32, #tpu.memory_space<hbm>> -> memref<112x64xf32, #tpu.memory_space<hbm>>
      %dma_wait3A_233 = arith.constant 0 : i32
      %dma_wait3A_234 = arith.constant 0 : i32
      %dma_wait3A_235 = tpu.memref_slice %arg3[%dma_wait3A_233, %dma_wait3A_234] : memref<10240x64xf32, #tpu.memory_space<hbm>> -> memref<112x64xf32, #tpu.memory_space<hbm>>
      tpu.wait_dma2 semaphore(%arg23 : memref<!tpu.dma_semaphore, #tpu.memory_space<semaphore_mem>>) src(%dma_wait3A_235 : memref<112x64xf32, #tpu.memory_space<hbm>>) dst(%arg13 : memref<112x64xf32, #tpu.memory_space<vmem>>)
      %run_scoped3A_236 = arith.constant 1 : i32
      "tpu.region"() ({
        %run_scoped3A_421 = tpu.sem_alloc : memref<!tpu.dma_semaphore, #tpu.memory_space<semaphore_mem>>
        %dma_start3A_422 = arith.constant 0 : i32
        %dma_start3A_423 = tpu.memref_slice %arg7[%run_scoped3A_236, %dma_start3A_422] : memref<2x112xi32, #tpu.memory_space<vmem>> -> memref<1x112xi32, #tpu.memory_space<vmem>>
        %dma_start3A_424 = tpu.memref_squeeze %dma_start3A_423 : memref<1x112xi32, #tpu.memory_space<vmem>> -> memref<112xi32, #tpu.memory_space<vmem>>
        %dma_start3A_425 = arith.constant 0 : i32
        %dma_start3A_426 = arith.constant 0 : i32
        %dma_start3A_427 = tpu.memref_slice %arg15[%dma_start3A_425, %dma_start3A_426] : memref<10240x64xf32, #tpu.memory_space<vmem_shared>> -> memref<10240x64xf32, #tpu.memory_space<vmem_shared>>
        tpu.enqueue_indirect_dma source(%arg13 : memref<112x64xf32, #tpu.memory_space<vmem>>) target(%dma_start3A_427 : memref<10240x64xf32, #tpu.memory_space<vmem_shared>>) offsets(%dma_start3A_424 : memref<112xi32, #tpu.memory_space<vmem>>) semaphore(%run_scoped3A_421 : memref<!tpu.dma_semaphore, #tpu.memory_space<semaphore_mem>>) {add = true}
        %dma_wait3A_428 = arith.constant 0 : i32
        %dma_wait3A_429 = tpu.memref_slice %arg7[%run_scoped3A_236, %dma_wait3A_428] : memref<2x112xi32, #tpu.memory_space<vmem>> -> memref<1x112xi32, #tpu.memory_space<vmem>>
        %dma_wait3A_430 = tpu.memref_squeeze %dma_wait3A_429 : memref<1x112xi32, #tpu.memory_space<vmem>> -> memref<112xi32, #tpu.memory_space<vmem>>
        %dma_wait3A_431 = arith.constant 0 : i32
        %dma_wait3A_432 = arith.constant 0 : i32
        %dma_wait3A_433 = tpu.memref_slice %arg15[%dma_wait3A_431, %dma_wait3A_432] : memref<10240x64xf32, #tpu.memory_space<vmem_shared>> -> memref<10240x64xf32, #tpu.memory_space<vmem_shared>>
        tpu.wait_indirect_dma semaphore(%run_scoped3A_421 : memref<!tpu.dma_semaphore, #tpu.memory_space<semaphore_mem>>) src(%arg13 : memref<112x64xf32, #tpu.memory_space<vmem>>) dst(%dma_wait3A_433 : memref<10240x64xf32, #tpu.memory_space<vmem_shared>>)
        tpu.yield
      }) : () -> ()
      %add3A_237 = arith.constant 6 : i32
      %add3A_238 = arith.addi %add3A_229, %add3A_237 : i32
      %rem3A_239 = arith.remsi %add3A_238, %select_n3A : i32
      %add3A_240 = arith.addi %select_n3A_13, %rem3A_239 : i32
      %dma_start3A_241 = arith.constant 0 : i32
      %dma_start3A_242 = arith.constant 0 : i32
      %dma_start3A_243 = tpu.memref_slice %arg2[%add3A_240, %dma_start3A_241, %dma_start3A_242] : memref<2880x2x112xi32, #tpu.memory_space<hbm>> -> memref<1x2x112xi32, #tpu.memory_space<hbm>>
      %dma_start3A_244 = tpu.memref_squeeze %dma_start3A_243 : memref<1x2x112xi32, #tpu.memory_space<hbm>> -> memref<2x112xi32, #tpu.memory_space<hbm>>
      %dma_start3A_245 = arith.constant 0 : i32
      %dma_start3A_246 = arith.constant 0 : i32
      %dma_start3A_247 = tpu.memref_slice %arg2[%add3A_240, %dma_start3A_245, %dma_start3A_246] : memref<2880x2x112xi32, #tpu.memory_space<hbm>> -> memref<1x2x112xi32, #tpu.memory_space<hbm>>
      %dma_start3A_248 = tpu.memref_squeeze %dma_start3A_247 : memref<1x2x112xi32, #tpu.memory_space<hbm>> -> memref<2x112xi32, #tpu.memory_space<hbm>>
      tpu.enqueue_dma source(%dma_start3A_248 : memref<2x112xi32, #tpu.memory_space<hbm>>) target(%arg7 : memref<2x112xi32, #tpu.memory_space<vmem>>) target_semaphore(%arg17 : memref<!tpu.dma_semaphore, #tpu.memory_space<semaphore_mem>>)
      %dma_wait3A_249 = arith.constant 0 : i32
      %dma_wait3A_250 = arith.constant 0 : i32
      %dma_wait3A_251 = arith.constant 0 : i32
      %dma_wait3A_252 = tpu.memref_slice %arg2[%dma_wait3A_249, %dma_wait3A_250, %dma_wait3A_251] : memref<2880x2x112xi32, #tpu.memory_space<hbm>> -> memref<1x2x112xi32, #tpu.memory_space<hbm>>
      %dma_wait3A_253 = tpu.memref_squeeze %dma_wait3A_252 : memref<1x2x112xi32, #tpu.memory_space<hbm>> -> memref<2x112xi32, #tpu.memory_space<hbm>>
      %dma_wait3A_254 = arith.constant 0 : i32
      %dma_wait3A_255 = arith.constant 0 : i32
      %dma_wait3A_256 = tpu.memref_slice %arg2[%dma_wait3A_249, %dma_wait3A_254, %dma_wait3A_255] : memref<2880x2x112xi32, #tpu.memory_space<hbm>> -> memref<1x2x112xi32, #tpu.memory_space<hbm>>
      %dma_wait3A_257 = tpu.memref_squeeze %dma_wait3A_256 : memref<1x2x112xi32, #tpu.memory_space<hbm>> -> memref<2x112xi32, #tpu.memory_space<hbm>>
      tpu.wait_dma2 semaphore(%arg20 : memref<!tpu.dma_semaphore, #tpu.memory_space<semaphore_mem>>) src(%dma_wait3A_257 : memref<2x112xi32, #tpu.memory_space<hbm>>) dst(%arg10 : memref<2x112xi32, #tpu.memory_space<vmem>>)
      %dma_start3A_258 = arith.constant 0 : i32
      %dma_start3A_259 = arith.constant 0 : i32
      %dma_start3A_260 = tpu.memref_slice %arg10[%dma_start3A_258, %dma_start3A_259] : memref<2x112xi32, #tpu.memory_space<vmem>> -> memref<1x112xi32, #tpu.memory_space<vmem>>
      %dma_start3A_261 = tpu.memref_squeeze %dma_start3A_260 : memref<1x112xi32, #tpu.memory_space<vmem>> -> memref<112xi32, #tpu.memory_space<vmem>>
      %dma_start3A_262 = arith.constant 0 : i32
      %dma_start3A_263 = arith.constant 0 : i32
      %dma_start3A_264 = tpu.memref_slice %arg3[%dma_start3A_262, %dma_start3A_263] : memref<10240x64xf32, #tpu.memory_space<hbm>> -> memref<10240x64xf32, #tpu.memory_space<hbm>>
      tpu.enqueue_indirect_dma source(%dma_start3A_264 : memref<10240x64xf32, #tpu.memory_space<hbm>>) target(%arg13 : memref<112x64xf32, #tpu.memory_space<vmem>>) offsets(%dma_start3A_261 : memref<112xi32, #tpu.memory_space<vmem>>) semaphore(%arg23 : memref<!tpu.dma_semaphore, #tpu.memory_space<semaphore_mem>>)
      %mul3A_265 = arith.constant 6 : i32
      %mul3A_266 = arith.muli %while3A_188, %mul3A_265 : i32
      %add3A_267 = arith.constant 2 : i32
      %add3A_268 = arith.addi %mul3A_266, %add3A_267 : i32
      %dma_wait3A_269 = arith.constant 0 : i32
      %dma_wait3A_270 = arith.constant 0 : i32
      %dma_wait3A_271 = tpu.memref_slice %arg3[%dma_wait3A_269, %dma_wait3A_270] : memref<10240x64xf32, #tpu.memory_space<hbm>> -> memref<112x64xf32, #tpu.memory_space<hbm>>
      %dma_wait3A_272 = arith.constant 0 : i32
      %dma_wait3A_273 = arith.constant 0 : i32
      %dma_wait3A_274 = tpu.memref_slice %arg3[%dma_wait3A_272, %dma_wait3A_273] : memref<10240x64xf32, #tpu.memory_space<hbm>> -> memref<112x64xf32, #tpu.memory_space<hbm>>
      tpu.wait_dma2 semaphore(%arg24 : memref<!tpu.dma_semaphore, #tpu.memory_space<semaphore_mem>>) src(%dma_wait3A_274 : memref<112x64xf32, #tpu.memory_space<hbm>>) dst(%arg14 : memref<112x64xf32, #tpu.memory_space<vmem>>)
      %run_scoped3A_275 = arith.constant 1 : i32
      "tpu.region"() ({
        %run_scoped3A_421 = tpu.sem_alloc : memref<!tpu.dma_semaphore, #tpu.memory_space<semaphore_mem>>
        %dma_start3A_422 = arith.constant 0 : i32
        %dma_start3A_423 = tpu.memref_slice %arg8[%run_scoped3A_275, %dma_start3A_422] : memref<2x112xi32, #tpu.memory_space<vmem>> -> memref<1x112xi32, #tpu.memory_space<vmem>>
        %dma_start3A_424 = tpu.memref_squeeze %dma_start3A_423 : memref<1x112xi32, #tpu.memory_space<vmem>> -> memref<112xi32, #tpu.memory_space<vmem>>
        %dma_start3A_425 = arith.constant 0 : i32
        %dma_start3A_426 = arith.constant 0 : i32
        %dma_start3A_427 = tpu.memref_slice %arg15[%dma_start3A_425, %dma_start3A_426] : memref<10240x64xf32, #tpu.memory_space<vmem_shared>> -> memref<10240x64xf32, #tpu.memory_space<vmem_shared>>
        tpu.enqueue_indirect_dma source(%arg14 : memref<112x64xf32, #tpu.memory_space<vmem>>) target(%dma_start3A_427 : memref<10240x64xf32, #tpu.memory_space<vmem_shared>>) offsets(%dma_start3A_424 : memref<112xi32, #tpu.memory_space<vmem>>) semaphore(%run_scoped3A_421 : memref<!tpu.dma_semaphore, #tpu.memory_space<semaphore_mem>>) {add = true}
        %dma_wait3A_428 = arith.constant 0 : i32
        %dma_wait3A_429 = tpu.memref_slice %arg8[%run_scoped3A_275, %dma_wait3A_428] : memref<2x112xi32, #tpu.memory_space<vmem>> -> memref<1x112xi32, #tpu.memory_space<vmem>>
        %dma_wait3A_430 = tpu.memref_squeeze %dma_wait3A_429 : memref<1x112xi32, #tpu.memory_space<vmem>> -> memref<112xi32, #tpu.memory_space<vmem>>
        %dma_wait3A_431 = arith.constant 0 : i32
        %dma_wait3A_432 = arith.constant 0 : i32
        %dma_wait3A_433 = tpu.memref_slice %arg15[%dma_wait3A_431, %dma_wait3A_432] : memref<10240x64xf32, #tpu.memory_space<vmem_shared>> -> memref<10240x64xf32, #tpu.memory_space<vmem_shared>>
        tpu.wait_indirect_dma semaphore(%run_scoped3A_421 : memref<!tpu.dma_semaphore, #tpu.memory_space<semaphore_mem>>) src(%arg14 : memref<112x64xf32, #tpu.memory_space<vmem>>) dst(%dma_wait3A_433 : memref<10240x64xf32, #tpu.memory_space<vmem_shared>>)
        tpu.yield
      }) : () -> ()
      %add3A_276 = arith.constant 6 : i32
      %add3A_277 = arith.addi %add3A_268, %add3A_276 : i32
      %rem3A_278 = arith.remsi %add3A_277, %select_n3A : i32
      %add3A_279 = arith.addi %select_n3A_13, %rem3A_278 : i32
      %dma_start3A_280 = arith.constant 0 : i32
      %dma_start3A_281 = arith.constant 0 : i32
      %dma_start3A_282 = tpu.memref_slice %arg2[%add3A_279, %dma_start3A_280, %dma_start3A_281] : memref<2880x2x112xi32, #tpu.memory_space<hbm>> -> memref<1x2x112xi32, #tpu.memory_space<hbm>>
      %dma_start3A_283 = tpu.memref_squeeze %dma_start3A_282 : memref<1x2x112xi32, #tpu.memory_space<hbm>> -> memref<2x112xi32, #tpu.memory_space<hbm>>
      %dma_start3A_284 = arith.constant 0 : i32
      %dma_start3A_285 = arith.constant 0 : i32
      %dma_start3A_286 = tpu.memref_slice %arg2[%add3A_279, %dma_start3A_284, %dma_start3A_285] : memref<2880x2x112xi32, #tpu.memory_space<hbm>> -> memref<1x2x112xi32, #tpu.memory_space<hbm>>
      %dma_start3A_287 = tpu.memref_squeeze %dma_start3A_286 : memref<1x2x112xi32, #tpu.memory_space<hbm>> -> memref<2x112xi32, #tpu.memory_space<hbm>>
      tpu.enqueue_dma source(%dma_start3A_287 : memref<2x112xi32, #tpu.memory_space<hbm>>) target(%arg8 : memref<2x112xi32, #tpu.memory_space<vmem>>) target_semaphore(%arg18 : memref<!tpu.dma_semaphore, #tpu.memory_space<semaphore_mem>>)
      %dma_wait3A_288 = arith.constant 0 : i32
      %dma_wait3A_289 = arith.constant 0 : i32
      %dma_wait3A_290 = arith.constant 0 : i32
      %dma_wait3A_291 = tpu.memref_slice %arg2[%dma_wait3A_288, %dma_wait3A_289, %dma_wait3A_290] : memref<2880x2x112xi32, #tpu.memory_space<hbm>> -> memref<1x2x112xi32, #tpu.memory_space<hbm>>
      %dma_wait3A_292 = tpu.memref_squeeze %dma_wait3A_291 : memref<1x2x112xi32, #tpu.memory_space<hbm>> -> memref<2x112xi32, #tpu.memory_space<hbm>>
      %dma_wait3A_293 = arith.constant 0 : i32
      %dma_wait3A_294 = arith.constant 0 : i32
      %dma_wait3A_295 = tpu.memref_slice %arg2[%dma_wait3A_288, %dma_wait3A_293, %dma_wait3A_294] : memref<2880x2x112xi32, #tpu.memory_space<hbm>> -> memref<1x2x112xi32, #tpu.memory_space<hbm>>
      %dma_wait3A_296 = tpu.memref_squeeze %dma_wait3A_295 : memref<1x2x112xi32, #tpu.memory_space<hbm>> -> memref<2x112xi32, #tpu.memory_space<hbm>>
      tpu.wait_dma2 semaphore(%arg21 : memref<!tpu.dma_semaphore, #tpu.memory_space<semaphore_mem>>) src(%dma_wait3A_296 : memref<2x112xi32, #tpu.memory_space<hbm>>) dst(%arg11 : memref<2x112xi32, #tpu.memory_space<vmem>>)
      %dma_start3A_297 = arith.constant 0 : i32
      %dma_start3A_298 = arith.constant 0 : i32
      %dma_start3A_299 = tpu.memref_slice %arg11[%dma_start3A_297, %dma_start3A_298] : memref<2x112xi32, #tpu.memory_space<vmem>> -> memref<1x112xi32, #tpu.memory_space<vmem>>
      %dma_start3A_300 = tpu.memref_squeeze %dma_start3A_299 : memref<1x112xi32, #tpu.memory_space<vmem>> -> memref<112xi32, #tpu.memory_space<vmem>>
      %dma_start3A_301 = arith.constant 0 : i32
      %dma_start3A_302 = arith.constant 0 : i32
      %dma_start3A_303 = tpu.memref_slice %arg3[%dma_start3A_301, %dma_start3A_302] : memref<10240x64xf32, #tpu.memory_space<hbm>> -> memref<10240x64xf32, #tpu.memory_space<hbm>>
      tpu.enqueue_indirect_dma source(%dma_start3A_303 : memref<10240x64xf32, #tpu.memory_space<hbm>>) target(%arg14 : memref<112x64xf32, #tpu.memory_space<vmem>>) offsets(%dma_start3A_300 : memref<112xi32, #tpu.memory_space<vmem>>) semaphore(%arg24 : memref<!tpu.dma_semaphore, #tpu.memory_space<semaphore_mem>>)
      %mul3A_304 = arith.constant 6 : i32
      %mul3A_305 = arith.muli %while3A_188, %mul3A_304 : i32
      %add3A_306 = arith.constant 3 : i32
      %add3A_307 = arith.addi %mul3A_305, %add3A_306 : i32
      %dma_wait3A_308 = arith.constant 0 : i32
      %dma_wait3A_309 = arith.constant 0 : i32
      %dma_wait3A_310 = tpu.memref_slice %arg3[%dma_wait3A_308, %dma_wait3A_309] : memref<10240x64xf32, #tpu.memory_space<hbm>> -> memref<112x64xf32, #tpu.memory_space<hbm>>
      %dma_wait3A_311 = arith.constant 0 : i32
      %dma_wait3A_312 = arith.constant 0 : i32
      %dma_wait3A_313 = tpu.memref_slice %arg3[%dma_wait3A_311, %dma_wait3A_312] : memref<10240x64xf32, #tpu.memory_space<hbm>> -> memref<112x64xf32, #tpu.memory_space<hbm>>
      tpu.wait_dma2 semaphore(%arg22 : memref<!tpu.dma_semaphore, #tpu.memory_space<semaphore_mem>>) src(%dma_wait3A_313 : memref<112x64xf32, #tpu.memory_space<hbm>>) dst(%arg12 : memref<112x64xf32, #tpu.memory_space<vmem>>)
      %run_scoped3A_314 = arith.constant 1 : i32
      "tpu.region"() ({
        %run_scoped3A_421 = tpu.sem_alloc : memref<!tpu.dma_semaphore, #tpu.memory_space<semaphore_mem>>
        %dma_start3A_422 = arith.constant 0 : i32
        %dma_start3A_423 = tpu.memref_slice %arg9[%run_scoped3A_314, %dma_start3A_422] : memref<2x112xi32, #tpu.memory_space<vmem>> -> memref<1x112xi32, #tpu.memory_space<vmem>>
        %dma_start3A_424 = tpu.memref_squeeze %dma_start3A_423 : memref<1x112xi32, #tpu.memory_space<vmem>> -> memref<112xi32, #tpu.memory_space<vmem>>
        %dma_start3A_425 = arith.constant 0 : i32
        %dma_start3A_426 = arith.constant 0 : i32
        %dma_start3A_427 = tpu.memref_slice %arg15[%dma_start3A_425, %dma_start3A_426] : memref<10240x64xf32, #tpu.memory_space<vmem_shared>> -> memref<10240x64xf32, #tpu.memory_space<vmem_shared>>
        tpu.enqueue_indirect_dma source(%arg12 : memref<112x64xf32, #tpu.memory_space<vmem>>) target(%dma_start3A_427 : memref<10240x64xf32, #tpu.memory_space<vmem_shared>>) offsets(%dma_start3A_424 : memref<112xi32, #tpu.memory_space<vmem>>) semaphore(%run_scoped3A_421 : memref<!tpu.dma_semaphore, #tpu.memory_space<semaphore_mem>>) {add = true}
        %dma_wait3A_428 = arith.constant 0 : i32
        %dma_wait3A_429 = tpu.memref_slice %arg9[%run_scoped3A_314, %dma_wait3A_428] : memref<2x112xi32, #tpu.memory_space<vmem>> -> memref<1x112xi32, #tpu.memory_space<vmem>>
        %dma_wait3A_430 = tpu.memref_squeeze %dma_wait3A_429 : memref<1x112xi32, #tpu.memory_space<vmem>> -> memref<112xi32, #tpu.memory_space<vmem>>
        %dma_wait3A_431 = arith.constant 0 : i32
        %dma_wait3A_432 = arith.constant 0 : i32
        %dma_wait3A_433 = tpu.memref_slice %arg15[%dma_wait3A_431, %dma_wait3A_432] : memref<10240x64xf32, #tpu.memory_space<vmem_shared>> -> memref<10240x64xf32, #tpu.memory_space<vmem_shared>>
        tpu.wait_indirect_dma semaphore(%run_scoped3A_421 : memref<!tpu.dma_semaphore, #tpu.memory_space<semaphore_mem>>) src(%arg12 : memref<112x64xf32, #tpu.memory_space<vmem>>) dst(%dma_wait3A_433 : memref<10240x64xf32, #tpu.memory_space<vmem_shared>>)
        tpu.yield
      }) : () -> ()
      %add3A_315 = arith.constant 6 : i32
      %add3A_316 = arith.addi %add3A_307, %add3A_315 : i32
      %rem3A_317 = arith.remsi %add3A_316, %select_n3A : i32
      %add3A_318 = arith.addi %select_n3A_13, %rem3A_317 : i32
      %dma_start3A_319 = arith.constant 0 : i32
      %dma_start3A_320 = arith.constant 0 : i32
      %dma_start3A_321 = tpu.memref_slice %arg2[%add3A_318, %dma_start3A_319, %dma_start3A_320] : memref<2880x2x112xi32, #tpu.memory_space<hbm>> -> memref<1x2x112xi32, #tpu.memory_space<hbm>>
      %dma_start3A_322 = tpu.memref_squeeze %dma_start3A_321 : memref<1x2x112xi32, #tpu.memory_space<hbm>> -> memref<2x112xi32, #tpu.memory_space<hbm>>
      %dma_start3A_323 = arith.constant 0 : i32
      %dma_start3A_324 = arith.constant 0 : i32
      %dma_start3A_325 = tpu.memref_slice %arg2[%add3A_318, %dma_start3A_323, %dma_start3A_324] : memref<2880x2x112xi32, #tpu.memory_space<hbm>> -> memref<1x2x112xi32, #tpu.memory_space<hbm>>
      %dma_start3A_326 = tpu.memref_squeeze %dma_start3A_325 : memref<1x2x112xi32, #tpu.memory_space<hbm>> -> memref<2x112xi32, #tpu.memory_space<hbm>>
      tpu.enqueue_dma source(%dma_start3A_326 : memref<2x112xi32, #tpu.memory_space<hbm>>) target(%arg9 : memref<2x112xi32, #tpu.memory_space<vmem>>) target_semaphore(%arg19 : memref<!tpu.dma_semaphore, #tpu.memory_space<semaphore_mem>>)
      %dma_wait3A_327 = arith.constant 0 : i32
      %dma_wait3A_328 = arith.constant 0 : i32
      %dma_wait3A_329 = arith.constant 0 : i32
      %dma_wait3A_330 = tpu.memref_slice %arg2[%dma_wait3A_327, %dma_wait3A_328, %dma_wait3A_329] : memref<2880x2x112xi32, #tpu.memory_space<hbm>> -> memref<1x2x112xi32, #tpu.memory_space<hbm>>
      %dma_wait3A_331 = tpu.memref_squeeze %dma_wait3A_330 : memref<1x2x112xi32, #tpu.memory_space<hbm>> -> memref<2x112xi32, #tpu.memory_space<hbm>>
      %dma_wait3A_332 = arith.constant 0 : i32
      %dma_wait3A_333 = arith.constant 0 : i32
      %dma_wait3A_334 = tpu.memref_slice %arg2[%dma_wait3A_327, %dma_wait3A_332, %dma_wait3A_333] : memref<2880x2x112xi32, #tpu.memory_space<hbm>> -> memref<1x2x112xi32, #tpu.memory_space<hbm>>
      %dma_wait3A_335 = tpu.memref_squeeze %dma_wait3A_334 : memref<1x2x112xi32, #tpu.memory_space<hbm>> -> memref<2x112xi32, #tpu.memory_space<hbm>>
      tpu.wait_dma2 semaphore(%arg16 : memref<!tpu.dma_semaphore, #tpu.memory_space<semaphore_mem>>) src(%dma_wait3A_335 : memref<2x112xi32, #tpu.memory_space<hbm>>) dst(%arg6 : memref<2x112xi32, #tpu.memory_space<vmem>>)
      %dma_start3A_336 = arith.constant 0 : i32
      %dma_start3A_337 = arith.constant 0 : i32
      %dma_start3A_338 = tpu.memref_slice %arg6[%dma_start3A_336, %dma_start3A_337] : memref<2x112xi32, #tpu.memory_space<vmem>> -> memref<1x112xi32, #tpu.memory_space<vmem>>
      %dma_start3A_339 = tpu.memref_squeeze %dma_start3A_338 : memref<1x112xi32, #tpu.memory_space<vmem>> -> memref<112xi32, #tpu.memory_space<vmem>>
      %dma_start3A_340 = arith.constant 0 : i32
      %dma_start3A_341 = arith.constant 0 : i32
      %dma_start3A_342 = tpu.memref_slice %arg3[%dma_start3A_340, %dma_start3A_341] : memref<10240x64xf32, #tpu.memory_space<hbm>> -> memref<10240x64xf32, #tpu.memory_space<hbm>>
      tpu.enqueue_indirect_dma source(%dma_start3A_342 : memref<10240x64xf32, #tpu.memory_space<hbm>>) target(%arg12 : memref<112x64xf32, #tpu.memory_space<vmem>>) offsets(%dma_start3A_339 : memref<112xi32, #tpu.memory_space<vmem>>) semaphore(%arg22 : memref<!tpu.dma_semaphore, #tpu.memory_space<semaphore_mem>>)
      %mul3A_343 = arith.constant 6 : i32
      %mul3A_344 = arith.muli %while3A_188, %mul3A_343 : i32
      %add3A_345 = arith.constant 4 : i32
      %add3A_346 = arith.addi %mul3A_344, %add3A_345 : i32
      %dma_wait3A_347 = arith.constant 0 : i32
      %dma_wait3A_348 = arith.constant 0 : i32
      %dma_wait3A_349 = tpu.memref_slice %arg3[%dma_wait3A_347, %dma_wait3A_348] : memref<10240x64xf32, #tpu.memory_space<hbm>> -> memref<112x64xf32, #tpu.memory_space<hbm>>
      %dma_wait3A_350 = arith.constant 0 : i32
      %dma_wait3A_351 = arith.constant 0 : i32
      %dma_wait3A_352 = tpu.memref_slice %arg3[%dma_wait3A_350, %dma_wait3A_351] : memref<10240x64xf32, #tpu.memory_space<hbm>> -> memref<112x64xf32, #tpu.memory_space<hbm>>
      tpu.wait_dma2 semaphore(%arg23 : memref<!tpu.dma_semaphore, #tpu.memory_space<semaphore_mem>>) src(%dma_wait3A_352 : memref<112x64xf32, #tpu.memory_space<hbm>>) dst(%arg13 : memref<112x64xf32, #tpu.memory_space<vmem>>)
      %run_scoped3A_353 = arith.constant 1 : i32
      "tpu.region"() ({
        %run_scoped3A_421 = tpu.sem_alloc : memref<!tpu.dma_semaphore, #tpu.memory_space<semaphore_mem>>
        %dma_start3A_422 = arith.constant 0 : i32
        %dma_start3A_423 = tpu.memref_slice %arg10[%run_scoped3A_353, %dma_start3A_422] : memref<2x112xi32, #tpu.memory_space<vmem>> -> memref<1x112xi32, #tpu.memory_space<vmem>>
        %dma_start3A_424 = tpu.memref_squeeze %dma_start3A_423 : memref<1x112xi32, #tpu.memory_space<vmem>> -> memref<112xi32, #tpu.memory_space<vmem>>
        %dma_start3A_425 = arith.constant 0 : i32
        %dma_start3A_426 = arith.constant 0 : i32
        %dma_start3A_427 = tpu.memref_slice %arg15[%dma_start3A_425, %dma_start3A_426] : memref<10240x64xf32, #tpu.memory_space<vmem_shared>> -> memref<10240x64xf32, #tpu.memory_space<vmem_shared>>
        tpu.enqueue_indirect_dma source(%arg13 : memref<112x64xf32, #tpu.memory_space<vmem>>) target(%dma_start3A_427 : memref<10240x64xf32, #tpu.memory_space<vmem_shared>>) offsets(%dma_start3A_424 : memref<112xi32, #tpu.memory_space<vmem>>) semaphore(%run_scoped3A_421 : memref<!tpu.dma_semaphore, #tpu.memory_space<semaphore_mem>>) {add = true}
        %dma_wait3A_428 = arith.constant 0 : i32
        %dma_wait3A_429 = tpu.memref_slice %arg10[%run_scoped3A_353, %dma_wait3A_428] : memref<2x112xi32, #tpu.memory_space<vmem>> -> memref<1x112xi32, #tpu.memory_space<vmem>>
        %dma_wait3A_430 = tpu.memref_squeeze %dma_wait3A_429 : memref<1x112xi32, #tpu.memory_space<vmem>> -> memref<112xi32, #tpu.memory_space<vmem>>
        %dma_wait3A_431 = arith.constant 0 : i32
        %dma_wait3A_432 = arith.constant 0 : i32
        %dma_wait3A_433 = tpu.memref_slice %arg15[%dma_wait3A_431, %dma_wait3A_432] : memref<10240x64xf32, #tpu.memory_space<vmem_shared>> -> memref<10240x64xf32, #tpu.memory_space<vmem_shared>>
        tpu.wait_indirect_dma semaphore(%run_scoped3A_421 : memref<!tpu.dma_semaphore, #tpu.memory_space<semaphore_mem>>) src(%arg13 : memref<112x64xf32, #tpu.memory_space<vmem>>) dst(%dma_wait3A_433 : memref<10240x64xf32, #tpu.memory_space<vmem_shared>>)
        tpu.yield
      }) : () -> ()
      %add3A_354 = arith.constant 6 : i32
      %add3A_355 = arith.addi %add3A_346, %add3A_354 : i32
      %rem3A_356 = arith.remsi %add3A_355, %select_n3A : i32
      %add3A_357 = arith.addi %select_n3A_13, %rem3A_356 : i32
      %dma_start3A_358 = arith.constant 0 : i32
      %dma_start3A_359 = arith.constant 0 : i32
      %dma_start3A_360 = tpu.memref_slice %arg2[%add3A_357, %dma_start3A_358, %dma_start3A_359] : memref<2880x2x112xi32, #tpu.memory_space<hbm>> -> memref<1x2x112xi32, #tpu.memory_space<hbm>>
      %dma_start3A_361 = tpu.memref_squeeze %dma_start3A_360 : memref<1x2x112xi32, #tpu.memory_space<hbm>> -> memref<2x112xi32, #tpu.memory_space<hbm>>
      %dma_start3A_362 = arith.constant 0 : i32
      %dma_start3A_363 = arith.constant 0 : i32
      %dma_start3A_364 = tpu.memref_slice %arg2[%add3A_357, %dma_start3A_362, %dma_start3A_363] : memref<2880x2x112xi32, #tpu.memory_space<hbm>> -> memref<1x2x112xi32, #tpu.memory_space<hbm>>
      %dma_start3A_365 = tpu.memref_squeeze %dma_start3A_364 : memref<1x2x112xi32, #tpu.memory_space<hbm>> -> memref<2x112xi32, #tpu.memory_space<hbm>>
      tpu.enqueue_dma source(%dma_start3A_365 : memref<2x112xi32, #tpu.memory_space<hbm>>) target(%arg10 : memref<2x112xi32, #tpu.memory_space<vmem>>) target_semaphore(%arg20 : memref<!tpu.dma_semaphore, #tpu.memory_space<semaphore_mem>>)
      %dma_wait3A_366 = arith.constant 0 : i32
      %dma_wait3A_367 = arith.constant 0 : i32
      %dma_wait3A_368 = arith.constant 0 : i32
      %dma_wait3A_369 = tpu.memref_slice %arg2[%dma_wait3A_366, %dma_wait3A_367, %dma_wait3A_368] : memref<2880x2x112xi32, #tpu.memory_space<hbm>> -> memref<1x2x112xi32, #tpu.memory_space<hbm>>
      %dma_wait3A_370 = tpu.memref_squeeze %dma_wait3A_369 : memref<1x2x112xi32, #tpu.memory_space<hbm>> -> memref<2x112xi32, #tpu.memory_space<hbm>>
      %dma_wait3A_371 = arith.constant 0 : i32
      %dma_wait3A_372 = arith.constant 0 : i32
      %dma_wait3A_373 = tpu.memref_slice %arg2[%dma_wait3A_366, %dma_wait3A_371, %dma_wait3A_372] : memref<2880x2x112xi32, #tpu.memory_space<hbm>> -> memref<1x2x112xi32, #tpu.memory_space<hbm>>
      %dma_wait3A_374 = tpu.memref_squeeze %dma_wait3A_373 : memref<1x2x112xi32, #tpu.memory_space<hbm>> -> memref<2x112xi32, #tpu.memory_space<hbm>>
      tpu.wait_dma2 semaphore(%arg17 : memref<!tpu.dma_semaphore, #tpu.memory_space<semaphore_mem>>) src(%dma_wait3A_374 : memref<2x112xi32, #tpu.memory_space<hbm>>) dst(%arg7 : memref<2x112xi32, #tpu.memory_space<vmem>>)
      %dma_start3A_375 = arith.constant 0 : i32
      %dma_start3A_376 = arith.constant 0 : i32
      %dma_start3A_377 = tpu.memref_slice %arg7[%dma_start3A_375, %dma_start3A_376] : memref<2x112xi32, #tpu.memory_space<vmem>> -> memref<1x112xi32, #tpu.memory_space<vmem>>
      %dma_start3A_378 = tpu.memref_squeeze %dma_start3A_377 : memref<1x112xi32, #tpu.memory_space<vmem>> -> memref<112xi32, #tpu.memory_space<vmem>>
      %dma_start3A_379 = arith.constant 0 : i32
      %dma_start3A_380 = arith.constant 0 : i32
      %dma_start3A_381 = tpu.memref_slice %arg3[%dma_start3A_379, %dma_start3A_380] : memref<10240x64xf32, #tpu.memory_space<hbm>> -> memref<10240x64xf32, #tpu.memory_space<hbm>>
      tpu.enqueue_indirect_dma source(%dma_start3A_381 : memref<10240x64xf32, #tpu.memory_space<hbm>>) target(%arg13 : memref<112x64xf32, #tpu.memory_space<vmem>>) offsets(%dma_start3A_378 : memref<112xi32, #tpu.memory_space<vmem>>) semaphore(%arg23 : memref<!tpu.dma_semaphore, #tpu.memory_space<semaphore_mem>>)
      %mul3A_382 = arith.constant 6 : i32
      %mul3A_383 = arith.muli %while3A_188, %mul3A_382 : i32
      %add3A_384 = arith.constant 5 : i32
      %add3A_385 = arith.addi %mul3A_383, %add3A_384 : i32
      %dma_wait3A_386 = arith.constant 0 : i32
      %dma_wait3A_387 = arith.constant 0 : i32
      %dma_wait3A_388 = tpu.memref_slice %arg3[%dma_wait3A_386, %dma_wait3A_387] : memref<10240x64xf32, #tpu.memory_space<hbm>> -> memref<112x64xf32, #tpu.memory_space<hbm>>
      %dma_wait3A_389 = arith.constant 0 : i32
      %dma_wait3A_390 = arith.constant 0 : i32
      %dma_wait3A_391 = tpu.memref_slice %arg3[%dma_wait3A_389, %dma_wait3A_390] : memref<10240x64xf32, #tpu.memory_space<hbm>> -> memref<112x64xf32, #tpu.memory_space<hbm>>
      tpu.wait_dma2 semaphore(%arg24 : memref<!tpu.dma_semaphore, #tpu.memory_space<semaphore_mem>>) src(%dma_wait3A_391 : memref<112x64xf32, #tpu.memory_space<hbm>>) dst(%arg14 : memref<112x64xf32, #tpu.memory_space<vmem>>)
      %run_scoped3A_392 = arith.constant 1 : i32
      "tpu.region"() ({
        %run_scoped3A_421 = tpu.sem_alloc : memref<!tpu.dma_semaphore, #tpu.memory_space<semaphore_mem>>
        %dma_start3A_422 = arith.constant 0 : i32
        %dma_start3A_423 = tpu.memref_slice %arg11[%run_scoped3A_392, %dma_start3A_422] : memref<2x112xi32, #tpu.memory_space<vmem>> -> memref<1x112xi32, #tpu.memory_space<vmem>>
        %dma_start3A_424 = tpu.memref_squeeze %dma_start3A_423 : memref<1x112xi32, #tpu.memory_space<vmem>> -> memref<112xi32, #tpu.memory_space<vmem>>
        %dma_start3A_425 = arith.constant 0 : i32
        %dma_start3A_426 = arith.constant 0 : i32
        %dma_start3A_427 = tpu.memref_slice %arg15[%dma_start3A_425, %dma_start3A_426] : memref<10240x64xf32, #tpu.memory_space<vmem_shared>> -> memref<10240x64xf32, #tpu.memory_space<vmem_shared>>
        tpu.enqueue_indirect_dma source(%arg14 : memref<112x64xf32, #tpu.memory_space<vmem>>) target(%dma_start3A_427 : memref<10240x64xf32, #tpu.memory_space<vmem_shared>>) offsets(%dma_start3A_424 : memref<112xi32, #tpu.memory_space<vmem>>) semaphore(%run_scoped3A_421 : memref<!tpu.dma_semaphore, #tpu.memory_space<semaphore_mem>>) {add = true}
        %dma_wait3A_428 = arith.constant 0 : i32
        %dma_wait3A_429 = tpu.memref_slice %arg11[%run_scoped3A_392, %dma_wait3A_428] : memref<2x112xi32, #tpu.memory_space<vmem>> -> memref<1x112xi32, #tpu.memory_space<vmem>>
        %dma_wait3A_430 = tpu.memref_squeeze %dma_wait3A_429 : memref<1x112xi32, #tpu.memory_space<vmem>> -> memref<112xi32, #tpu.memory_space<vmem>>
        %dma_wait3A_431 = arith.constant 0 : i32
        %dma_wait3A_432 = arith.constant 0 : i32
        %dma_wait3A_433 = tpu.memref_slice %arg15[%dma_wait3A_431, %dma_wait3A_432] : memref<10240x64xf32, #tpu.memory_space<vmem_shared>> -> memref<10240x64xf32, #tpu.memory_space<vmem_shared>>
        tpu.wait_indirect_dma semaphore(%run_scoped3A_421 : memref<!tpu.dma_semaphore, #tpu.memory_space<semaphore_mem>>) src(%arg14 : memref<112x64xf32, #tpu.memory_space<vmem>>) dst(%dma_wait3A_433 : memref<10240x64xf32, #tpu.memory_space<vmem_shared>>)
        tpu.yield
      }) : () -> ()
      %add3A_393 = arith.constant 6 : i32
      %add3A_394 = arith.addi %add3A_385, %add3A_393 : i32
      %rem3A_395 = arith.remsi %add3A_394, %select_n3A : i32
      %add3A_396 = arith.addi %select_n3A_13, %rem3A_395 : i32
      %dma_start3A_397 = arith.constant 0 : i32
      %dma_start3A_398 = arith.constant 0 : i32
      %dma_start3A_399 = tpu.memref_slice %arg2[%add3A_396, %dma_start3A_397, %dma_start3A_398] : memref<2880x2x112xi32, #tpu.memory_space<hbm>> -> memref<1x2x112xi32, #tpu.memory_space<hbm>>
      %dma_start3A_400 = tpu.memref_squeeze %dma_start3A_399 : memref<1x2x112xi32, #tpu.memory_space<hbm>> -> memref<2x112xi32, #tpu.memory_space<hbm>>
      %dma_start3A_401 = arith.constant 0 : i32
      %dma_start3A_402 = arith.constant 0 : i32
      %dma_start3A_403 = tpu.memref_slice %arg2[%add3A_396, %dma_start3A_401, %dma_start3A_402] : memref<2880x2x112xi32, #tpu.memory_space<hbm>> -> memref<1x2x112xi32, #tpu.memory_space<hbm>>
      %dma_start3A_404 = tpu.memref_squeeze %dma_start3A_403 : memref<1x2x112xi32, #tpu.memory_space<hbm>> -> memref<2x112xi32, #tpu.memory_space<hbm>>
      tpu.enqueue_dma source(%dma_start3A_404 : memref<2x112xi32, #tpu.memory_space<hbm>>) target(%arg11 : memref<2x112xi32, #tpu.memory_space<vmem>>) target_semaphore(%arg21 : memref<!tpu.dma_semaphore, #tpu.memory_space<semaphore_mem>>)
      %dma_wait3A_405 = arith.constant 0 : i32
      %dma_wait3A_406 = arith.constant 0 : i32
      %dma_wait3A_407 = arith.constant 0 : i32
      %dma_wait3A_408 = tpu.memref_slice %arg2[%dma_wait3A_405, %dma_wait3A_406, %dma_wait3A_407] : memref<2880x2x112xi32, #tpu.memory_space<hbm>> -> memref<1x2x112xi32, #tpu.memory_space<hbm>>
      %dma_wait3A_409 = tpu.memref_squeeze %dma_wait3A_408 : memref<1x2x112xi32, #tpu.memory_space<hbm>> -> memref<2x112xi32, #tpu.memory_space<hbm>>
      %dma_wait3A_410 = arith.constant 0 : i32
      %dma_wait3A_411 = arith.constant 0 : i32
      %dma_wait3A_412 = tpu.memref_slice %arg2[%dma_wait3A_405, %dma_wait3A_410, %dma_wait3A_411] : memref<2880x2x112xi32, #tpu.memory_space<hbm>> -> memref<1x2x112xi32, #tpu.memory_space<hbm>>
      %dma_wait3A_413 = tpu.memref_squeeze %dma_wait3A_412 : memref<1x2x112xi32, #tpu.memory_space<hbm>> -> memref<2x112xi32, #tpu.memory_space<hbm>>
      tpu.wait_dma2 semaphore(%arg18 : memref<!tpu.dma_semaphore, #tpu.memory_space<semaphore_mem>>) src(%dma_wait3A_413 : memref<2x112xi32, #tpu.memory_space<hbm>>) dst(%arg8 : memref<2x112xi32, #tpu.memory_space<vmem>>)
      %dma_start3A_414 = arith.constant 0 : i32
      %dma_start3A_415 = arith.constant 0 : i32
      %dma_start3A_416 = tpu.memref_slice %arg8[%dma_start3A_414, %dma_start3A_415] : memref<2x112xi32, #tpu.memory_space<vmem>> -> memref<1x112xi32, #tpu.memory_space<vmem>>
      %dma_start3A_417 = tpu.memref_squeeze %dma_start3A_416 : memref<1x112xi32, #tpu.memory_space<vmem>> -> memref<112xi32, #tpu.memory_space<vmem>>
      %dma_start3A_418 = arith.constant 0 : i32
      %dma_start3A_419 = arith.constant 0 : i32
      %dma_start3A_420 = tpu.memref_slice %arg3[%dma_start3A_418, %dma_start3A_419] : memref<10240x64xf32, #tpu.memory_space<hbm>> -> memref<10240x64xf32, #tpu.memory_space<hbm>>
      tpu.enqueue_indirect_dma source(%dma_start3A_420 : memref<10240x64xf32, #tpu.memory_space<hbm>>) target(%arg14 : memref<112x64xf32, #tpu.memory_space<vmem>>) offsets(%dma_start3A_417 : memref<112xi32, #tpu.memory_space<vmem>>) semaphore(%arg24 : memref<!tpu.dma_semaphore, #tpu.memory_space<semaphore_mem>>)
    }
    %dma_wait3A_142 = arith.constant 0 : i32
    %dma_wait3A_143 = arith.constant 0 : i32
    %dma_wait3A_144 = tpu.memref_slice %arg3[%dma_wait3A_142, %dma_wait3A_143] : memref<10240x64xf32, #tpu.memory_space<hbm>> -> memref<112x64xf32, #tpu.memory_space<hbm>>
    %dma_wait3A_145 = arith.constant 0 : i32
    %dma_wait3A_146 = arith.constant 0 : i32
    %dma_wait3A_147 = tpu.memref_slice %arg3[%dma_wait3A_145, %dma_wait3A_146] : memref<10240x64xf32, #tpu.memory_space<hbm>> -> memref<112x64xf32, #tpu.memory_space<hbm>>
    tpu.wait_dma2 semaphore(%arg22 : memref<!tpu.dma_semaphore, #tpu.memory_space<semaphore_mem>>) src(%dma_wait3A_147 : memref<112x64xf32, #tpu.memory_space<hbm>>) dst(%arg12 : memref<112x64xf32, #tpu.memory_space<vmem>>)
    %dma_wait3A_148 = arith.constant 0 : i32
    %dma_wait3A_149 = arith.constant 0 : i32
    %dma_wait3A_150 = tpu.memref_slice %arg3[%dma_wait3A_148, %dma_wait3A_149] : memref<10240x64xf32, #tpu.memory_space<hbm>> -> memref<112x64xf32, #tpu.memory_space<hbm>>
    %dma_wait3A_151 = arith.constant 0 : i32
    %dma_wait3A_152 = arith.constant 0 : i32
    %dma_wait3A_153 = tpu.memref_slice %arg3[%dma_wait3A_151, %dma_wait3A_152] : memref<10240x64xf32, #tpu.memory_space<hbm>> -> memref<112x64xf32, #tpu.memory_space<hbm>>
    tpu.wait_dma2 semaphore(%arg23 : memref<!tpu.dma_semaphore, #tpu.memory_space<semaphore_mem>>) src(%dma_wait3A_153 : memref<112x64xf32, #tpu.memory_space<hbm>>) dst(%arg13 : memref<112x64xf32, #tpu.memory_space<vmem>>)
    %dma_wait3A_154 = arith.constant 0 : i32
    %dma_wait3A_155 = arith.constant 0 : i32
    %dma_wait3A_156 = tpu.memref_slice %arg3[%dma_wait3A_154, %dma_wait3A_155] : memref<10240x64xf32, #tpu.memory_space<hbm>> -> memref<112x64xf32, #tpu.memory_space<hbm>>
    %dma_wait3A_157 = arith.constant 0 : i32
    %dma_wait3A_158 = arith.constant 0 : i32
    %dma_wait3A_159 = tpu.memref_slice %arg3[%dma_wait3A_157, %dma_wait3A_158] : memref<10240x64xf32, #tpu.memory_space<hbm>> -> memref<112x64xf32, #tpu.memory_space<hbm>>
    tpu.wait_dma2 semaphore(%arg24 : memref<!tpu.dma_semaphore, #tpu.memory_space<semaphore_mem>>) src(%dma_wait3A_159 : memref<112x64xf32, #tpu.memory_space<hbm>>) dst(%arg14 : memref<112x64xf32, #tpu.memory_space<vmem>>)
    %dma_wait3A_160 = arith.constant 0 : i32
    %dma_wait3A_161 = arith.constant 0 : i32
    %dma_wait3A_162 = arith.constant 0 : i32
    %dma_wait3A_163 = tpu.memref_slice %arg2[%dma_wait3A_160, %dma_wait3A_161, %dma_wait3A_162] : memref<2880x2x112xi32, #tpu.memory_space<hbm>> -> memref<1x2x112xi32, #tpu.memory_space<hbm>>
    %dma_wait3A_164 = tpu.memref_squeeze %dma_wait3A_163 : memref<1x2x112xi32, #tpu.memory_space<hbm>> -> memref<2x112xi32, #tpu.memory_space<hbm>>
    %dma_wait3A_165 = arith.constant 0 : i32
    %dma_wait3A_166 = arith.constant 0 : i32
    %dma_wait3A_167 = tpu.memref_slice %arg2[%dma_wait3A_160, %dma_wait3A_165, %dma_wait3A_166] : memref<2880x2x112xi32, #tpu.memory_space<hbm>> -> memref<1x2x112xi32, #tpu.memory_space<hbm>>
    %dma_wait3A_168 = tpu.memref_squeeze %dma_wait3A_167 : memref<1x2x112xi32, #tpu.memory_space<hbm>> -> memref<2x112xi32, #tpu.memory_space<hbm>>
    tpu.wait_dma2 semaphore(%arg19 : memref<!tpu.dma_semaphore, #tpu.memory_space<semaphore_mem>>) src(%dma_wait3A_168 : memref<2x112xi32, #tpu.memory_space<hbm>>) dst(%arg9 : memref<2x112xi32, #tpu.memory_space<vmem>>)
    %dma_wait3A_169 = arith.constant 0 : i32
    %dma_wait3A_170 = arith.constant 0 : i32
    %dma_wait3A_171 = arith.constant 0 : i32
    %dma_wait3A_172 = tpu.memref_slice %arg2[%dma_wait3A_169, %dma_wait3A_170, %dma_wait3A_171] : memref<2880x2x112xi32, #tpu.memory_space<hbm>> -> memref<1x2x112xi32, #tpu.memory_space<hbm>>
    %dma_wait3A_173 = tpu.memref_squeeze %dma_wait3A_172 : memref<1x2x112xi32, #tpu.memory_space<hbm>> -> memref<2x112xi32, #tpu.memory_space<hbm>>
    %dma_wait3A_174 = arith.constant 0 : i32
    %dma_wait3A_175 = arith.constant 0 : i32
    %dma_wait3A_176 = tpu.memref_slice %arg2[%dma_wait3A_169, %dma_wait3A_174, %dma_wait3A_175] : memref<2880x2x112xi32, #tpu.memory_space<hbm>> -> memref<1x2x112xi32, #tpu.memory_space<hbm>>
    %dma_wait3A_177 = tpu.memref_squeeze %dma_wait3A_176 : memref<1x2x112xi32, #tpu.memory_space<hbm>> -> memref<2x112xi32, #tpu.memory_space<hbm>>
    tpu.wait_dma2 semaphore(%arg20 : memref<!tpu.dma_semaphore, #tpu.memory_space<semaphore_mem>>) src(%dma_wait3A_177 : memref<2x112xi32, #tpu.memory_space<hbm>>) dst(%arg10 : memref<2x112xi32, #tpu.memory_space<vmem>>)
    %dma_wait3A_178 = arith.constant 0 : i32
    %dma_wait3A_179 = arith.constant 0 : i32
    %dma_wait3A_180 = arith.constant 0 : i32
    %dma_wait3A_181 = tpu.memref_slice %arg2[%dma_wait3A_178, %dma_wait3A_179, %dma_wait3A_180] : memref<2880x2x112xi32, #tpu.memory_space<hbm>> -> memref<1x2x112xi32, #tpu.memory_space<hbm>>
    %dma_wait3A_182 = tpu.memref_squeeze %dma_wait3A_181 : memref<1x2x112xi32, #tpu.memory_space<hbm>> -> memref<2x112xi32, #tpu.memory_space<hbm>>
    %dma_wait3A_183 = arith.constant 0 : i32
    %dma_wait3A_184 = arith.constant 0 : i32
    %dma_wait3A_185 = tpu.memref_slice %arg2[%dma_wait3A_178, %dma_wait3A_183, %dma_wait3A_184] : memref<2880x2x112xi32, #tpu.memory_space<hbm>> -> memref<1x2x112xi32, #tpu.memory_space<hbm>>
    %dma_wait3A_186 = tpu.memref_squeeze %dma_wait3A_185 : memref<1x2x112xi32, #tpu.memory_space<hbm>> -> memref<2x112xi32, #tpu.memory_space<hbm>>
    tpu.wait_dma2 semaphore(%arg21 : memref<!tpu.dma_semaphore, #tpu.memory_space<semaphore_mem>>) src(%dma_wait3A_186 : memref<2x112xi32, #tpu.memory_space<hbm>>) dst(%arg11 : memref<2x112xi32, #tpu.memory_space<vmem>>)
    %barrier3A_187 = arith.constant 0 : index
    tpu.barrier barrier_id(%barrier3A_187)
    "tpu.region"() ({
      %run_scoped3A = tpu.sem_alloc : memref<!tpu.dma_semaphore, #tpu.memory_space<semaphore_mem>>
      %dma_start3A_188 = arith.constant 0 : i32
      %dma_start3A_189 = tpu.memref_slice %arg5[%arg0, %mul3A_15, %dma_start3A_188] : memref<2x10240x64xf32, #tpu.memory_space<hbm>> -> memref<1x640x64xf32, #tpu.memory_space<hbm>>
      %dma_start3A_190 = tpu.memref_squeeze %dma_start3A_189 : memref<1x640x64xf32, #tpu.memory_space<hbm>> -> memref<640x64xf32, #tpu.memory_space<hbm>>
      %dma_start3A_191 = arith.constant 0 : i32
      %dma_start3A_192 = tpu.memref_slice %arg15[%mul3A_15, %dma_start3A_191] : memref<10240x64xf32, #tpu.memory_space<vmem_shared>> -> memref<640x64xf32, #tpu.memory_space<vmem_shared>>
      tpu.enqueue_dma source(%dma_start3A_192 : memref<640x64xf32, #tpu.memory_space<vmem_shared>>) target(%dma_start3A_190 : memref<640x64xf32, #tpu.memory_space<hbm>>) target_semaphore(%run_scoped3A : memref<!tpu.dma_semaphore, #tpu.memory_space<semaphore_mem>>)
      %dma_wait3A_193 = arith.constant 0 : i32
      %dma_wait3A_194 = tpu.memref_slice %arg5[%arg0, %mul3A_15, %dma_wait3A_193] : memref<2x10240x64xf32, #tpu.memory_space<hbm>> -> memref<1x640x64xf32, #tpu.memory_space<hbm>>
      %dma_wait3A_195 = tpu.memref_squeeze %dma_wait3A_194 : memref<1x640x64xf32, #tpu.memory_space<hbm>> -> memref<640x64xf32, #tpu.memory_space<hbm>>
      %dma_wait3A_196 = arith.constant 0 : i32
      %dma_wait3A_197 = tpu.memref_slice %arg15[%mul3A_15, %dma_wait3A_196] : memref<10240x64xf32, #tpu.memory_space<vmem_shared>> -> memref<640x64xf32, #tpu.memory_space<vmem_shared>>
      tpu.wait_dma2 semaphore(%run_scoped3A : memref<!tpu.dma_semaphore, #tpu.memory_space<semaphore_mem>>) src(%dma_wait3A_197 : memref<640x64xf32, #tpu.memory_space<vmem_shared>>) dst(%dma_wait3A_195 : memref<640x64xf32, #tpu.memory_space<hbm>>)
      tpu.yield
    }) : () -> ()
    return
  }
}

module attributes {stable_mosaic.version = 14 : i64} {
  func.func @body(%arg0: i32, %arg1: memref<1024x128xf32, #tpu.memory_space<vmem>>, %arg2: memref<128x128xf32, #tpu.memory_space<vmem>>, %arg3: memref<1024x128xf32, #tpu.memory_space<vmem>>) attributes {dimension_semantics = [#tpu.dimension_semantics<arbitrary>], iteration_bounds = array<i64: 10>, scalar_prefetch = 0 : i64, scratch_operands = 0 : i64, tpu.core_type = #tpu.core_type<tc>, window_params = [{transform_indices = @transform_0, window_bounds = array<i64: 1024, 128>}, {pipeline_mode = #tpu.pipeline_mode<synchronous>, transform_indices = @transform_1, window_bounds = array<i64: 128, 128>}, {transform_indices = @transform_2, window_bounds = array<i64: 1024, 128>}]} {
    %get3A = arith.constant 0 : index
    %get3A_0 = arith.constant 0 : index
    %get3A_1 = vector.load %arg1[%get3A, %get3A_0] : memref<1024x128xf32, #tpu.memory_space<vmem>>, vector<1024x128xf32>
    %get3A_2 = arith.constant 0 : index
    %get3A_3 = arith.constant 0 : index
    %get3A_4 = vector.load %arg2[%get3A_2, %get3A_3] : memref<128x128xf32, #tpu.memory_space<vmem>>, vector<128x128xf32>
    %dot_general3A = arith.constant dense<0.000000e+00> : vector<1024x128xf32>
    %dot_general3A_5 = tpu.matmul %get3A_1, %get3A_4, %dot_general3A {dimension_numbers = #tpu.dot_dimension_numbers<[1], [0], [0], [1], [0, 0, 1, 1], [], []>, transpose_lhs_hint = false} : vector<1024x128xf32>, vector<128x128xf32>, vector<1024x128xf32> -> vector<1024x128xf32>
    %swap3A = arith.constant 0 : index
    %swap3A_6 = arith.constant 0 : index
    %swap3A_7 = vector.load %arg3[%swap3A, %swap3A_6] : memref<1024x128xf32, #tpu.memory_space<vmem>>, vector<1024x128xf32>
    tpu.vector_store %arg3[%swap3A, %swap3A_6], %dot_general3A_5 {strides = array<i32>} : memref<1024x128xf32, #tpu.memory_space<vmem>>, vector<1024x128xf32>,
    return
  }
  func.func @transform_0(%arg0: i32) -> (i32, i32) {
    %c0_i32 = arith.constant 0 : i32
    %c0_i32_0 = arith.constant 0 : i32
    return %arg0, %c0_i32 : i32, i32
  }
  func.func @transform_1(%arg0: i32) -> (i32, i32) {
    %c0_i32 = arith.constant 0 : i32
    %c0_i32_0 = arith.constant 0 : i32
    %c0_i32_1 = arith.constant 0 : i32
    return %c0_i32, %c0_i32_0 : i32, i32
  }
  func.func @transform_2(%arg0: i32) -> (i32, i32) {
    %c0_i32 = arith.constant 0 : i32
    %c0_i32_0 = arith.constant 0 : i32
    return %arg0, %c0_i32 : i32, i32
  }
}

module attributes {stable_mosaic.version = 14 : i64} {
  func.func @body(%arg0: i32, %arg1: memref<1024x16xf32, #tpu.memory_space<vmem>>, %arg2: memref<1024x16xf32, #tpu.memory_space<vmem>>, %arg3: memref<1024x128xf32, #tpu.memory_space<vmem>>, %arg4: memref<1024x128xf32, #tpu.memory_space<vmem>>) attributes {dimension_semantics = [#tpu.dimension_semantics<arbitrary>], iteration_bounds = array<i64: 10>, scalar_prefetch = 0 : i64, scratch_operands = 0 : i64, tpu.core_type = #tpu.core_type<tc>, window_params = [{transform_indices = @transform_0, window_bounds = array<i64: 1024, 16>}, {transform_indices = @transform_1, window_bounds = array<i64: 1024, 16>}, {transform_indices = @transform_2, window_bounds = array<i64: 1024, 128>}, {transform_indices = @transform_3, window_bounds = array<i64: 1024, 128>}]} {
    %get3A = arith.constant 0 : index
    %get3A_0 = arith.constant 0 : index
    %get3A_1 = vector.load %arg1[%get3A, %get3A_0] : memref<1024x16xf32, #tpu.memory_space<vmem>>, vector<1024x16xf32>
    %get3A_2 = arith.constant 0 : index
    %get3A_3 = arith.constant 0 : index
    %get3A_4 = vector.load %arg2[%get3A_2, %get3A_3] : memref<1024x16xf32, #tpu.memory_space<vmem>>, vector<1024x16xf32>
    %slice3A = vector.extract_strided_slice %get3A_1 {offsets = [0, 0], sizes = [1024, 1], strides = [1, 1]} : vector<1024x16xf32> to vector<1024x1xf32>
    %slice3A_5 = vector.extract_strided_slice %get3A_4 {offsets = [0, 0], sizes = [1024, 1], strides = [1, 1]} : vector<1024x16xf32> to vector<1024x1xf32>
    %add3A = arith.addf %slice3A, %slice3A_5 : vector<1024x1xf32>
    %add3A_6 = arith.constant 1.000000e+00 : f32
    %add3A_7 = vector.broadcast %add3A_6 : f32 to vector<1024x1xf32>
    %add3A_8 = arith.addf %add3A, %add3A_7 : vector<1024x1xf32>
    %rsqrt3A = math.rsqrt %add3A_8 : vector<1024x1xf32>
    %get3A_9 = arith.constant 0 : index
    %get3A_10 = arith.constant 0 : index
    %get3A_11 = vector.load %arg3[%get3A_9, %get3A_10] : memref<1024x128xf32, #tpu.memory_space<vmem>>, vector<1024x128xf32>
    %mul3A = vector.broadcast %rsqrt3A : vector<1024x1xf32> to vector<1024x128xf32>
    %mul3A_12 = arith.mulf %mul3A, %get3A_11 : vector<1024x128xf32>
    %swap3A = arith.constant 0 : index
    %swap3A_13 = arith.constant 0 : index
    %swap3A_14 = vector.load %arg4[%swap3A, %swap3A_13] : memref<1024x128xf32, #tpu.memory_space<vmem>>, vector<1024x128xf32>
    tpu.vector_store %arg4[%swap3A, %swap3A_13], %mul3A_12 {strides = array<i32>} : memref<1024x128xf32, #tpu.memory_space<vmem>>, vector<1024x128xf32>,
    return
  }
  func.func @transform_0(%arg0: i32) -> (i32, i32) {
    %c0_i32 = arith.constant 0 : i32
    %c0_i32_0 = arith.constant 0 : i32
    return %arg0, %c0_i32 : i32, i32
  }
  func.func @transform_1(%arg0: i32) -> (i32, i32) {
    %c0_i32 = arith.constant 0 : i32
    %c0_i32_0 = arith.constant 0 : i32
    return %arg0, %c0_i32 : i32, i32
  }
  func.func @transform_2(%arg0: i32) -> (i32, i32) {
    %c0_i32 = arith.constant 0 : i32
    %c0_i32_0 = arith.constant 0 : i32
    return %arg0, %c0_i32 : i32, i32
  }
  func.func @transform_3(%arg0: i32) -> (i32, i32) {
    %c0_i32 = arith.constant 0 : i32
    %c0_i32_0 = arith.constant 0 : i32
    return %arg0, %c0_i32 : i32, i32
  }
}

module attributes {stable_mosaic.version = 14 : i64} {
  func.func @body(%arg0: i32, %arg1: memref<1x1024x128xf32, #tpu.memory_space<vmem>>, %arg2: memref<1x1024x128xf32, #tpu.memory_space<vmem>>, %arg3: memref<1024x16xf32, #tpu.memory_space<vmem>>, %arg4: memref<1024x16xf32, #tpu.memory_space<vmem>>, %arg5: memref<1024x128xf32, #tpu.memory_space<vmem>>, %arg6: memref<1x128xf32, #tpu.memory_space<vmem>>, %arg7: memref<128x64xf32, #tpu.memory_space<vmem>>, %arg8: memref<1024x64xf32, #tpu.memory_space<vmem>>) attributes {dimension_semantics = [#tpu.dimension_semantics<arbitrary>], iteration_bounds = array<i64: 10>, scalar_prefetch = 0 : i64, scratch_operands = 0 : i64, tpu.core_type = #tpu.core_type<tc>, window_params = [{transform_indices = @transform_0, window_bounds = array<i64: 1, 1024, 128>}, {transform_indices = @transform_1, window_bounds = array<i64: 1, 1024, 128>}, {transform_indices = @transform_2, window_bounds = array<i64: 1024, 16>}, {transform_indices = @transform_3, window_bounds = array<i64: 1024, 16>}, {transform_indices = @transform_4, window_bounds = array<i64: 1024, 128>}, {pipeline_mode = #tpu.pipeline_mode<synchronous>, transform_indices = @transform_5, window_bounds = array<i64: 1, 128>}, {pipeline_mode = #tpu.pipeline_mode<synchronous>, transform_indices = @transform_6, window_bounds = array<i64: 128, 64>}, {transform_indices = @transform_7, window_bounds = array<i64: 1024, 64>}]} {
    %get3A = arith.constant 0 : index
    %get3A_0 = arith.constant 0 : index
    %get3A_1 = vector.load %arg3[%get3A, %get3A_0] : memref<1024x16xf32, #tpu.memory_space<vmem>>, vector<1024x16xf32>
    %get3A_2 = arith.constant 0 : index
    %get3A_3 = arith.constant 0 : index
    %get3A_4 = vector.load %arg4[%get3A_2, %get3A_3] : memref<1024x16xf32, #tpu.memory_space<vmem>>, vector<1024x16xf32>
    %slice3A = vector.extract_strided_slice %get3A_1 {offsets = [0, 0], sizes = [1024, 1], strides = [1, 1]} : vector<1024x16xf32> to vector<1024x1xf32>
    %slice3A_5 = vector.extract_strided_slice %get3A_4 {offsets = [0, 0], sizes = [1024, 1], strides = [1, 1]} : vector<1024x16xf32> to vector<1024x1xf32>
    %add3A = arith.addf %slice3A, %slice3A_5 : vector<1024x1xf32>
    %add3A_6 = arith.constant 1.000000e+00 : f32
    %add3A_7 = vector.broadcast %add3A_6 : f32 to vector<1024x1xf32>
    %add3A_8 = arith.addf %add3A, %add3A_7 : vector<1024x1xf32>
    %rsqrt3A = math.rsqrt %add3A_8 : vector<1024x1xf32>
    %get3A_9 = arith.constant 0 : index
    %get3A_10 = arith.constant 0 : index
    %get3A_11 = arith.constant 0 : index
    %get3A_12 = vector.load %arg1[%get3A_9, %get3A_10, %get3A_11] : memref<1x1024x128xf32, #tpu.memory_space<vmem>>, vector<1x1024x128xf32>
    %get3A_13 = vector.shape_cast %get3A_12 : vector<1x1024x128xf32> to vector<1024x128xf32>
    %get3A_14 = arith.constant 0 : index
    %get3A_15 = arith.constant 0 : index
    %get3A_16 = arith.constant 0 : index
    %get3A_17 = vector.load %arg2[%get3A_14, %get3A_15, %get3A_16] : memref<1x1024x128xf32, #tpu.memory_space<vmem>>, vector<1x1024x128xf32>
    %get3A_18 = vector.shape_cast %get3A_17 : vector<1x1024x128xf32> to vector<1024x128xf32>
    %add3A_19 = arith.addf %get3A_13, %get3A_18 : vector<1024x128xf32>
    %get3A_20 = arith.constant 0 : index
    %get3A_21 = arith.constant 0 : index
    %get3A_22 = vector.load %arg5[%get3A_20, %get3A_21] : memref<1024x128xf32, #tpu.memory_space<vmem>>, vector<1024x128xf32>
    %add3A_23 = arith.addf %add3A_19, %get3A_22 : vector<1024x128xf32>
    %mul3A = vector.broadcast %rsqrt3A : vector<1024x1xf32> to vector<1024x128xf32>
    %mul3A_24 = arith.mulf %mul3A, %add3A_23 : vector<1024x128xf32>
    %get3A_25 = arith.constant 0 : index
    %get3A_26 = arith.constant 0 : index
    %get3A_27 = vector.load %arg6[%get3A_25, %get3A_26] : memref<1x128xf32, #tpu.memory_space<vmem>>, vector<1x128xf32>
    %add3A_28 = vector.broadcast %get3A_27 : vector<1x128xf32> to vector<1024x128xf32>
    %add3A_29 = arith.addf %mul3A_24, %add3A_28 : vector<1024x128xf32>
    %max3A = arith.constant 0.000000e+00 : f32
    %max3A_30 = vector.broadcast %max3A : f32 to vector<1024x128xf32>
    %max3A_31 = arith.maximumf %add3A_29, %max3A_30 : vector<1024x128xf32>
    %get3A_32 = arith.constant 0 : index
    %get3A_33 = arith.constant 0 : index
    %get3A_34 = vector.load %arg7[%get3A_32, %get3A_33] : memref<128x64xf32, #tpu.memory_space<vmem>>, vector<128x64xf32>
    %dot_general3A = arith.constant dense<0.000000e+00> : vector<1024x64xf32>
    %dot_general3A_35 = tpu.matmul %max3A_31, %get3A_34, %dot_general3A {dimension_numbers = #tpu.dot_dimension_numbers<[1], [0], [0], [1], [0, 0, 1, 1], [], []>, transpose_lhs_hint = false} : vector<1024x128xf32>, vector<128x64xf32>, vector<1024x64xf32> -> vector<1024x64xf32>
    %mul3A_36 = vector.broadcast %rsqrt3A : vector<1024x1xf32> to vector<1024x64xf32>
    %mul3A_37 = arith.mulf %mul3A_36, %dot_general3A_35 : vector<1024x64xf32>
    %swap3A = arith.constant 0 : index
    %swap3A_38 = arith.constant 0 : index
    %swap3A_39 = vector.load %arg8[%swap3A, %swap3A_38] : memref<1024x64xf32, #tpu.memory_space<vmem>>, vector<1024x64xf32>
    tpu.vector_store %arg8[%swap3A, %swap3A_38], %mul3A_37 {strides = array<i32>} : memref<1024x64xf32, #tpu.memory_space<vmem>>, vector<1024x64xf32>,
    return
  }
  func.func @transform_0(%arg0: i32) -> (i32, i32, i32) {
    %c0_i32 = arith.constant 0 : i32
    %c0_i32_0 = arith.constant 0 : i32
    %c0_i32_1 = arith.constant 0 : i32
    return %c0_i32, %arg0, %c0_i32_0 : i32, i32, i32
  }
  func.func @transform_1(%arg0: i32) -> (i32, i32, i32) {
    %c1_i32 = arith.constant 1 : i32
    %c0_i32 = arith.constant 0 : i32
    %c0_i32_0 = arith.constant 0 : i32
    return %c1_i32, %arg0, %c0_i32 : i32, i32, i32
  }
  func.func @transform_2(%arg0: i32) -> (i32, i32) {
    %c0_i32 = arith.constant 0 : i32
    %c0_i32_0 = arith.constant 0 : i32
    return %arg0, %c0_i32 : i32, i32
  }
  func.func @transform_3(%arg0: i32) -> (i32, i32) {
    %c0_i32 = arith.constant 0 : i32
    %c0_i32_0 = arith.constant 0 : i32
    return %arg0, %c0_i32 : i32, i32
  }
  func.func @transform_4(%arg0: i32) -> (i32, i32) {
    %c0_i32 = arith.constant 0 : i32
    %c0_i32_0 = arith.constant 0 : i32
    return %arg0, %c0_i32 : i32, i32
  }
  func.func @transform_5(%arg0: i32) -> (i32, i32) {
    %c0_i32 = arith.constant 0 : i32
    %c0_i32_0 = arith.constant 0 : i32
    %c0_i32_1 = arith.constant 0 : i32
    return %c0_i32, %c0_i32_0 : i32, i32
  }
  func.func @transform_6(%arg0: i32) -> (i32, i32) {
    %c0_i32 = arith.constant 0 : i32
    %c0_i32_0 = arith.constant 0 : i32
    %c0_i32_1 = arith.constant 0 : i32
    return %c0_i32, %c0_i32_0 : i32, i32
  }
  func.func @transform_7(%arg0: i32) -> (i32, i32) {
    %c0_i32 = arith.constant 0 : i32
    %c0_i32_0 = arith.constant 0 : i32
    return %arg0, %c0_i32 : i32, i32
  }
}

module attributes {stable_mosaic.version = 14 : i64} {
  func.func @body(%arg0: i32, %arg1: memref<1x1024x64xf32, #tpu.memory_space<vmem>>, %arg2: memref<1x1024x64xf32, #tpu.memory_space<vmem>>, %arg3: memref<1024x16xf32, #tpu.memory_space<vmem>>, %arg4: memref<1024x16xf32, #tpu.memory_space<vmem>>, %arg5: memref<1024x64xf32, #tpu.memory_space<vmem>>, %arg6: memref<1x64xf32, #tpu.memory_space<vmem>>, %arg7: memref<1024x64xf32, #tpu.memory_space<vmem>>) attributes {dimension_semantics = [#tpu.dimension_semantics<arbitrary>], iteration_bounds = array<i64: 10>, scalar_prefetch = 0 : i64, scratch_operands = 0 : i64, tpu.core_type = #tpu.core_type<tc>, window_params = [{transform_indices = @transform_0, window_bounds = array<i64: 1, 1024, 64>}, {transform_indices = @transform_1, window_bounds = array<i64: 1, 1024, 64>}, {transform_indices = @transform_2, window_bounds = array<i64: 1024, 16>}, {transform_indices = @transform_3, window_bounds = array<i64: 1024, 16>}, {transform_indices = @transform_4, window_bounds = array<i64: 1024, 64>}, {pipeline_mode = #tpu.pipeline_mode<synchronous>, transform_indices = @transform_5, window_bounds = array<i64: 1, 64>}, {transform_indices = @transform_6, window_bounds = array<i64: 1024, 64>}]} {
    %get3A = arith.constant 0 : index
    %get3A_0 = arith.constant 0 : index
    %get3A_1 = vector.load %arg3[%get3A, %get3A_0] : memref<1024x16xf32, #tpu.memory_space<vmem>>, vector<1024x16xf32>
    %get3A_2 = arith.constant 0 : index
    %get3A_3 = arith.constant 0 : index
    %get3A_4 = vector.load %arg4[%get3A_2, %get3A_3] : memref<1024x16xf32, #tpu.memory_space<vmem>>, vector<1024x16xf32>
    %slice3A = vector.extract_strided_slice %get3A_1 {offsets = [0, 0], sizes = [1024, 1], strides = [1, 1]} : vector<1024x16xf32> to vector<1024x1xf32>
    %slice3A_5 = vector.extract_strided_slice %get3A_4 {offsets = [0, 0], sizes = [1024, 1], strides = [1, 1]} : vector<1024x16xf32> to vector<1024x1xf32>
    %add3A = arith.addf %slice3A, %slice3A_5 : vector<1024x1xf32>
    %add3A_6 = arith.constant 1.000000e+00 : f32
    %add3A_7 = vector.broadcast %add3A_6 : f32 to vector<1024x1xf32>
    %add3A_8 = arith.addf %add3A, %add3A_7 : vector<1024x1xf32>
    %rsqrt3A = math.rsqrt %add3A_8 : vector<1024x1xf32>
    %get3A_9 = arith.constant 0 : index
    %get3A_10 = arith.constant 0 : index
    %get3A_11 = arith.constant 0 : index
    %get3A_12 = vector.load %arg1[%get3A_9, %get3A_10, %get3A_11] : memref<1x1024x64xf32, #tpu.memory_space<vmem>>, vector<1x1024x64xf32>
    %get3A_13 = vector.shape_cast %get3A_12 : vector<1x1024x64xf32> to vector<1024x64xf32>
    %get3A_14 = arith.constant 0 : index
    %get3A_15 = arith.constant 0 : index
    %get3A_16 = arith.constant 0 : index
    %get3A_17 = vector.load %arg2[%get3A_14, %get3A_15, %get3A_16] : memref<1x1024x64xf32, #tpu.memory_space<vmem>>, vector<1x1024x64xf32>
    %get3A_18 = vector.shape_cast %get3A_17 : vector<1x1024x64xf32> to vector<1024x64xf32>
    %add3A_19 = arith.addf %get3A_13, %get3A_18 : vector<1024x64xf32>
    %get3A_20 = arith.constant 0 : index
    %get3A_21 = arith.constant 0 : index
    %get3A_22 = vector.load %arg5[%get3A_20, %get3A_21] : memref<1024x64xf32, #tpu.memory_space<vmem>>, vector<1024x64xf32>
    %add3A_23 = arith.addf %add3A_19, %get3A_22 : vector<1024x64xf32>
    %mul3A = vector.broadcast %rsqrt3A : vector<1024x1xf32> to vector<1024x64xf32>
    %mul3A_24 = arith.mulf %mul3A, %add3A_23 : vector<1024x64xf32>
    %get3A_25 = arith.constant 0 : index
    %get3A_26 = arith.constant 0 : index
    %get3A_27 = vector.load %arg6[%get3A_25, %get3A_26] : memref<1x64xf32, #tpu.memory_space<vmem>>, vector<1x64xf32>
    %add3A_28 = vector.broadcast %get3A_27 : vector<1x64xf32> to vector<1024x64xf32>
    %add3A_29 = arith.addf %mul3A_24, %add3A_28 : vector<1024x64xf32>
    %logistic3A = arith.negf %add3A_29 : vector<1024x64xf32>
    %logistic3A_30 = math.exp %logistic3A : vector<1024x64xf32>
    %logistic3A_31 = arith.constant 1.000000e+00 : f32
    %logistic3A_32 = vector.broadcast %logistic3A_31 : f32 to vector<1024x64xf32>
    %logistic3A_33 = arith.addf %logistic3A_32, %logistic3A_30 : vector<1024x64xf32>
    %logistic3A_34 = arith.divf %logistic3A_32, %logistic3A_33 : vector<1024x64xf32>
    %swap3A = arith.constant 0 : index
    %swap3A_35 = arith.constant 0 : index
    %swap3A_36 = vector.load %arg7[%swap3A, %swap3A_35] : memref<1024x64xf32, #tpu.memory_space<vmem>>, vector<1024x64xf32>
    tpu.vector_store %arg7[%swap3A, %swap3A_35], %logistic3A_34 {strides = array<i32>} : memref<1024x64xf32, #tpu.memory_space<vmem>>, vector<1024x64xf32>,
    return
  }
  func.func @transform_0(%arg0: i32) -> (i32, i32, i32) {
    %c0_i32 = arith.constant 0 : i32
    %c0_i32_0 = arith.constant 0 : i32
    %c0_i32_1 = arith.constant 0 : i32
    return %c0_i32, %arg0, %c0_i32_0 : i32, i32, i32
  }
  func.func @transform_1(%arg0: i32) -> (i32, i32, i32) {
    %c1_i32 = arith.constant 1 : i32
    %c0_i32 = arith.constant 0 : i32
    %c0_i32_0 = arith.constant 0 : i32
    return %c1_i32, %arg0, %c0_i32 : i32, i32, i32
  }
  func.func @transform_2(%arg0: i32) -> (i32, i32) {
    %c0_i32 = arith.constant 0 : i32
    %c0_i32_0 = arith.constant 0 : i32
    return %arg0, %c0_i32 : i32, i32
  }
  func.func @transform_3(%arg0: i32) -> (i32, i32) {
    %c0_i32 = arith.constant 0 : i32
    %c0_i32_0 = arith.constant 0 : i32
    return %arg0, %c0_i32 : i32, i32
  }
  func.func @transform_4(%arg0: i32) -> (i32, i32) {
    %c0_i32 = arith.constant 0 : i32
    %c0_i32_0 = arith.constant 0 : i32
    return %arg0, %c0_i32 : i32, i32
  }
  func.func @transform_5(%arg0: i32) -> (i32, i32) {
    %c0_i32 = arith.constant 0 : i32
    %c0_i32_0 = arith.constant 0 : i32
    %c0_i32_1 = arith.constant 0 : i32
    return %c0_i32, %c0_i32_0 : i32, i32
  }
  func.func @transform_6(%arg0: i32) -> (i32, i32) {
    %c0_i32 = arith.constant 0 : i32
    %c0_i32_0 = arith.constant 0 : i32
    return %arg0, %c0_i32 : i32, i32
  }
}

</mosaic_0001>

<sc_bundles>
// kernel: kernel.12.cloned.1.call-start
scs
__scs_entry_jumppad:
0x0: {  	(pc) =	sbr.rel $0x88, $3  }
0x1: {  	(tag) =	ssettag $0x0;
	lr =	simm.s32 $0x1  }
0x2: {  	[smem:$0x3F9B] =	sst lr;
	_ =	strace $0xD0000000  }
0x3: {  	_ = 	snop  }
0x4: {  	_ = 	snop  }
0x5: {  	_ = 	snop  }
0x6: {  	_ = 	snop  }
0x7: {  	_ = 	snop  }
__scs_overlays_trampoline_lowered:
0x8: {  	[smem:$0x3FAA] =	sst s0  }
0x9: {  	[smem:$0x3FAB] =	sst s1  }
0xa: {  	[smem:$0x3FAC] =	sst s2  }
0xb: {  	[smem:$0x3FAD] =	sst s3  }
0xc: {  	[smem:$0x3FAE] =	sst s4  }
0xd: {  	[smem:$0x3FAF] =	sst s5  }
0xe: {  	[smem:$0x3FB0] =	sst s6  }
0xf: {  	[smem:$0x3FB1] =	sst s7  }
0x10: {  	[smem:$0x3FB2] =	sst s8  }
0x11: {  	[smem:$0x3FB3] =	sst s9;
	s0 =	simm.s32 @!p0 $0x0  }
0x12: {  	s1 =	sld [smem:$0x3F99];
	s0 =	simm.s32 @p0 $0x1  }
0x13: {  	[smem:$0x3FB4] =	sst s0;
	s0 =	simm.s32 @!p1 $0x0  }
0x14: {  	s2 =	sld [smem:$0x3F98];
	s0 =	simm.s32 @p1 $0x1  }
0x15: {  	[smem:$0x3FB5] =	sst s0;
	s0 =	simm.s32 @!p2 $0x0  }
0x16: {  	s3 =	sld [smem:$0x3FDB];
	s0 =	simm.s32 @p2 $0x1  }
0x17: {  	s4 =	simm.s32 $0x1BF5;
	[smem:$0x3FB7] =	sst s0  }
0x18: {  	s0 =	sld [smem:$0x3F9A];
	_ =	swait.ge [sflag:s4], $0x0  }
0x19: {  	s7 =	sld [smem:$0x3F9B]  }
0x1a: {  	s8 =	sadd.s32 $0xFFFFE003, lr  }
0x1b: {  	s9 =	sadd.s32 $0xFFFFFEF7, lr;
	s5 =	simm.s32 $0xFFFFFFFF;
	p2 =	slt.u32 s8, $0xFFFFF086  }
0x1c: {  	p1 =	slt.u32 s9, $0xF7A;
	s5 =	simm.s32 @!p2 $0x0  }
0x1d: {  	s5 =	simm.s32 @p1 $0x1;
	p0 =	seq.s32 s7, s2  }
0x1e: {  	s7 =	smul.u32 @!p0 $0xF7A, s2;
	p2 =	seq.s32 @!p0 s5, $0x0  }
0x1f: {  	s9 =	smul.u32 $0xF7A, s1;
	s8 =	simm.s32 @!p0 $0x1BF5;
	p2 =	por !p2, p0  }
0x20: {  	[sflag:s8] =	ssyncset.s32 @!p0 $0xFFFFF086;
	s6 =	sadd.s32 @!p0 s3, s7;
	s7 =	simm.s32 @!p0 $0x108  }
0x21: {  	s3 =	sadd.s32 s3, s9;
	s6 =	sadd.s32 @!p0 $0x88, s6;
	s7 =	simm.s32 @p2 $0x1082  }
0x22: {  	[simem:s7], [sflag:s8] =	dma.local @!p0 [hbm:s6], $0xF7A  }
0x23: {  	s9 =	sor.u32 $0xD0000000, s2;
	s6 =	simm.s32 $0x108;
	_ =	swait.ge @!p0 [sflag:s8], $0x0  }
0x24: {  	s3 =	sadd.s32 $0x88, s3;
	s6 =	simm.s32 @!p1 $0x1082;
	[sflag:s4] =	ssyncset.s32 $0xFFFFF086  }
0x25: {  	[simem:s6], [sflag:s4] =	dma.local [hbm:s3], $0xF7A  }
0x26: {  	[smem:$0x3F9B] =	sst s1;
	(tag) =	ssettag s2;
	_ =	strace s9  }
0x27: {  	s1 =	sld [smem:$0x3FAB]  }
0x28: {  	s2 =	sld [smem:$0x3FAC]  }
0x29: {  	s4 =	sld [smem:$0x3FAE]  }
0x2a: {  	p0 =	seq.s32 s5, $0x0;
	s5 =	sld [smem:$0x3FAF]  }
0x2b: {  	s6 =	sld [smem:$0x3FB0]  }
0x2c: {  	s7 =	sld [smem:$0x3FB1]  }
0x2d: {  	s3 =	simm.s32 $0x108;
	s8 =	sld [smem:$0x3FB2]  }
0x2e: {  	s3 =	simm.s32 @!p0 $0x1082;
	s9 =	sld [smem:$0x3FB3]  }
0x2f: {  	lr =	sadd.s32 s0, s3;
	s0 =	sld [smem:$0x3FAA]  }
0x30: {  	s3 =	sld [smem:$0x3FAD]  }
0x31: {  	[smem:$0x3FB6] =	sst s10  }
0x32: {  	s10 =	sld [smem:$0x3FB4];
	_ =	sdelay $0x3  }
0x33: {  	p0 =	seq.s32 s10, $0x1;
	s10 =	sld [smem:$0x3FB6];
	_ =	sdelay $0x3  }
0x34: {  	[smem:$0x3FB6] =	sst s10  }
0x35: {  	s10 =	sld [smem:$0x3FB5];
	_ =	sdelay $0x3  }
0x36: {  	p1 =	seq.s32 s10, $0x1;
	s10 =	sld [smem:$0x3FB6];
	_ =	sdelay $0x3  }
0x37: {  	[smem:$0x3FB6] =	sst s10  }
0x38: {  	s10 =	sld [smem:$0x3FB7]  }
0x39: {  	_ = 	snop;
	(pc) =	sbr.ind lr, $3  }
0x3a: {  	_ = 	snop  }
0x3b: {  	_ = 	snop  }
0x3c: {  	p2 =	seq.s32 s10, $0x1;
	s10 =	sld [smem:$0x3FB6]  }
0x3d: {  	_ =	shalt  }
0x3e: {  	_ =	shalt  }
0x3f: {  	_ =	shalt  }
0x40: {  	_ =	shalt  }
0x41: {  	_ =	shalt  }
0x42: {  	_ =	shalt  }
0x43: {  	_ =	shalt  }
0x44: {  	_ =	shalt  }
0x45: {  	_ =	shalt  }
0x46: {  	_ =	shalt  }
0x47: {  	_ =	shalt  }
0x48: {  	_ =	shalt  }
0x49: {  	_ =	shalt  }
0x4a: {  	_ =	shalt  }
0x4b: {  	_ =	shalt  }
0x4c: {  	_ =	shalt  }
0x4d: {  	_ =	shalt  }
0x4e: {  	_ =	shalt  }
0x4f: {  	_ =	shalt  }
0x50: {  	_ =	shalt  }
0x51: {  	_ =	shalt  }
0x52: {  	_ =	shalt  }
0x53: {  	_ =	shalt  }
0x54: {  	_ =	shalt  }
0x55: {  	_ =	shalt  }
0x56: {  	_ =	shalt  }
0x57: {  	_ =	shalt  }
0x58: {  	_ =	shalt  }
0x59: {  	_ =	shalt  }
0x5a: {  	_ =	shalt  }
0x5b: {  	_ =	shalt  }
0x5c: {  	_ =	shalt  }
0x5d: {  	_ =	shalt  }
0x5e: {  	_ =	shalt  }
0x5f: {  	_ =	shalt  }
0x60: {  	_ =	shalt  }
0x61: {  	_ =	shalt  }
0x62: {  	_ =	shalt  }
0x63: {  	_ =	shalt  }
0x64: {  	_ =	shalt  }
0x65: {  	_ =	shalt  }
0x66: {  	_ =	shalt  }
0x67: {  	_ =	shalt  }
0x68: {  	_ =	shalt  }
0x69: {  	_ =	shalt  }
0x6a: {  	_ =	shalt  }
0x6b: {  	_ =	shalt  }
0x6c: {  	_ =	shalt  }
0x6d: {  	_ =	shalt  }
0x6e: {  	_ =	shalt  }
0x6f: {  	_ =	shalt  }
0x70: {  	_ =	shalt  }
0x71: {  	_ =	shalt  }
0x72: {  	_ =	shalt  }
0x73: {  	_ =	shalt  }
0x74: {  	_ =	shalt  }
0x75: {  	_ =	shalt  }
0x76: {  	_ =	shalt  }
0x77: {  	_ =	shalt  }
0x78: {  	_ =	shalt  }
0x79: {  	_ =	shalt  }
0x7a: {  	_ =	shalt  }
0x7b: {  	_ =	shalt  }
0x7c: {  	_ =	shalt  }
0x7d: {  	_ =	shalt  }
0x7e: {  	_ =	shalt  }
0x7f: {  	_ =	shalt  }
0x80: {  	_ =	shalt  }
0x81: {  	_ =	shalt  }
0x82: {  	_ =	shalt  }
0x83: {  	_ =	shalt  }
0x84: {  	_ =	shalt  }
0x85: {  	_ =	shalt  }
0x86: {  	_ =	shalt  }
0x87: {  	_ =	shalt  }
.Lfunc_end0:
.L_simem_size_0:
called_computation.1_lowered:
.L_overlay_start_0:
0x88: {  	s2 =	sld [smem:$0x3FD9]  }
0x89: {  	s3 =	sld [smem:$0x3FFE];
	_ =	sdelay $0x1  }
0x8a: {  	s1 =	srdreg.scid  }
0x8b: {  	s0 =	sand.u32 $0x1, s1  }
0x8c: {  	s17 =	sshll.u32 s0, $0xA;
	s2 =	sadd.s32 s3, s2  }
0x8d: {  	s2 =	sadd.s32 s2, s17  }
0x8e: {  	[smem:$0x3FC2] =	sst s2  }
0x8f: {  	_ = 	snop  }
0x90: {  	s2 =	sld [smem:$0x3FD0];
	(tm) =	ssettm $0x1  }
0x91: {  	s18 =	sld [smem:$0x3FFB];
	_ =	sdelay $0x3  }
0x92: {  	_ =	strace s18  }
0x93: {  	s3 =	sld [smem:$0x3FFC];
	_ =	sdelay $0x3  }
0x94: {  	_ =	strace s3  }
0x95: {  	s3 =	sld [smem:$0x3FFD];
	_ =	sdelay $0x3  }
0x96: {  	_ =	strace s3  }
0x97: {  	_ =	strace $0x8FFFFFFF  }
0x98: {  	s19 =	sld [smem:$0x3FDB];
	_ =	sdelay $0x1  }
0x99: {  	s4 =	simm.s32 $_scs_section_size  }
0x9a: {  	s5 =	simm.s32 $_size__tile_overlayer_lowered;
	s6 =	simm.s32 $_tile_overlayer_lowered  }
0x9b: {  	s22 =	simm.s32 $0x1BFF;
	s21 =	sshll.u32 s6, $0x1;
	s3 =	sadd.s32 s4, s19  }
0x9c: {  	s7 =	simm.s32 $0x0;
	s20 =	sshll.u32 s5, $0x1;
	s5 =	sadd.s32 s21, s3  }
0x9d: {  	[timem:s7], [sflag:s22] =	dma.local [hbm:s5], s20  }
0x9e: {  	_ =	swait.ge [sflag:s22], s20  }
0x9f: {  	s4 =	ssub.s32 $0x0, s20;
	[sflag:s22] =	ssyncset.done $0x0  }
0xa0: {  	[sflag:s22] =	ssyncadd.s32 s4;
	_ =	sdelay $0x1  }
0xa1: {  	s23 =	simm.s32 $0x1B8B  }
0xa2: {  	_ =	swait.ge [sflag:s23], $0x1  }
0xa3: {  	[sflag:s23] =	ssyncset.done $0x0  }
0xa4: {  	s25 =	simm.s32 $0x1B8E;
	s24 =	sld [smem:$0x3FFE];
	[sflag:s23] =	ssyncadd.s32 $0xFFFFFFFF  }
0xa5: {  	s26 =	simm.s32 $execute0_lowered;
	[smem:$0x3FD2] =	sst s25  }
0xa6: {  	s5 =	sshll.u32 s26, $0x1;
	_ =	strace $0x80000049;
	[dreg:$0x1] =	wrdreg $0xFFFFFFFF  }
0xa7: {  	s28 =	simm.s32 $_size_execute0_lowered;
	s3 =	sadd.s32 s3, s5;
	[dreg:$0x0] =	wrdreg $0x0  }
0xa8: {  	s5 =	sshll.u32 s28, $0x1;
	[dreg:$0x2] =	wrdreg s3  }
0xa9: {  	[dreg:$0x3] =	wrdreg s5  }
0xaa: {  	[dreg:$0x4] =	wrdreg $0xC0  }
0xab: {  	_ =	task [dreg:s7], $0x5FFFF  }
0xac: {  	[dreg:$0x1] =	wrdreg $0xFFFFFFFF  }
0xad: {  	[dreg:$0x0] =	wrdreg $0x60  }
0xae: {  	[dreg:$0x2] =	wrdreg s2  }
0xaf: {  	[dreg:$0x3] =	wrdreg s24  }
0xb0: {  	[dreg:$0x4] =	wrdreg $0xAD400  }
0xb1: {  	[dreg:$0x5] =	wrdreg $0x9  }
0xb2: {  	_ =	task.clear_ibuf [dreg:s7], $0x6FFFF;
	_ =	strace $0x90000049  }
0xb3: {  	s29 =	simm.s32 $0x9;
	_ =	strace $0x8000004B  }
0xb4: {  	_ =	swait.ge [sflag:s29], $0x1  }
0xb5: {  	[sflag:s29] =	ssyncadd.s32 $0xFFFFFFFF  }
0xb6: {  	_ =	strace $0x9000004B  }
0xb7: {  	_ =	sfence  }
0xb8: {  	s30 =	sld [smem:$0x0];
	_ =	sdelay $0x2  }
0xb9: {  	s31 =	sshll.u32 s1, $0xD;
	s1 =	sshrl.u32 s1, $0x2  }
0xba: {  	s3 =	sand.u32 $0x4000, s31;
	s1 =	sadd.s32 s1, s30  }
0xbb: {  	s0 =	sor.u32 s3, s0;
	s1 =	sshll.u32 s1, $0x11  }
0xbc: {  	s0 =	sor.u32 s1, s0  }
0xbd: {  	s0 =	sadd.s32 $0x8F2B, s0  }
0xbe: {  	[sflag:s0] =	ssyncadd.remote.s32 $0x1  }
0xbf: {  	_ =	sfence.sel $0xFFFF  }
0xc0: {  	[dreg:$0x0] =	wrdreg $0xFFFFFFFF;
	(pc) =	sbr.abs _section_cstart, $3  }
0xc1: {  	[dreg:$0x1] =	wrdreg $0xFFFFFFFF  }
0xc2: {  	_ =	task.clear_ibuf [dreg:s7], $0x2FFFF;
	_ =	strace $0x9FFFFFFF  }
0xc3: {  	(tm) =	ssettm $0x7FFFFFFF  }
tec
execute0_lowered:
.L_overlay_start_1:
0x0: {  	(tag) =	ssettag $0x1  }
0x1: {  	s1 =	rddreg [dreg:$0x0]  }
0x2: {  	s0 =	rddreg [dreg:$0x1]  }
0x3: {  	s3 =	rddreg [dreg:$0x2]  }
0x4: {  	s2 =	srdreg.scid;
	s9 =	stileid.u32  }
0x5: {  	s4 =	simm.s32 $0x0;
	s22 =	simm.s32 $0x150;
	s23 =	simm.s32 $0x230  }
0x6: {  	s28 =	simm.s32 $0x380;
	s29 =	simm.s32 $0x460;
	s6 =	smul.u32 $0x14000, s9  }
0x7: {  	s30 =	simm.s32 $0x1;
	s31 =	simm.s32 $0x70;
	s8 =	smul.u32 $0x5A, s9  }
0x8: {  	s2 =	sand.u32 $0x1, s2;
	[smem:$0x7FF] =	sst s4;
	s9 =	smul.u32 $0x50000, s9  }
0x9: {  	s5 =	sadd.s32 $0x2200, s0;
	s10 =	sadd.s32 $0x2A200, s0;
	s7 =	smul.u32 $0x140000, s2  }
0xa: {  	_ =	strace $0x8000004A;
	[dreg:$0x9] =	wrdreg s10;
	p0 =	seq.s32 s2, $0x0  }
0xb: {  	s2 =	ssub.s32 $0x2, s2;
	[dreg:$0x4] =	wrdreg s22;
	s22 =	simm.s32 $0x540  }
0xc: {  	[dreg:$0x5] =	wrdreg s23;
	s23 =	simm.s32 $0xA;
	s10 =	simm.s32 $0x7  }
0xd: {  	s24 =	sshrl.u32 s9, $0x2;
	s25 =	sshrl.u32 s2, $0x1;
	s17 =	sadd.s32 s6, s3  }
0xe: {  	s26 =	sadd.s32 s24, s3;
	s24 =	simm.s32 $0x310;
	[dreg:$0xa] =	wrdreg s17  }
0xf: {  	s2 =	ssub.s32 s2, s25;
	s25 =	simm.s32 $0x3F0;
	[dreg:$0x6] =	wrdreg s24  }
0x10: {  	s7 =	sadd.s32 s6, s7;
	s9 =	sadd.s32 $0x7000, s26;
	[dreg:$0x7] =	wrdreg s25  }
0x11: {  	s7 =	sshrl.u32 s7, $0x3;
	s14 =	sadd.s32 $0xE000, s26;
	[dreg:$0xc] =	wrdreg s9  }
0x12: {  	s15 =	sadd.s32 $0x11800, s26;
	s2 =	smax.u32 s2, $0x1;
	[dreg:$0xe] =	wrdreg s14  }
0x13: {  	s24 =	simm.s32 $0xE0;
	s25 =	simm.s32 $0x1C0;
	[dreg:$0xf] =	wrdreg s15  }
0x14: {  	s0 =	sadd.s32 s7, s0;
	s7 =	sadd.s32 $0x5A0, s8;
	[dreg:$0x17] =	wrdreg s2  }
0x15: {  	s2 =	simm.s32 $0x3D40;
	s14 =	simm.s32 $0x9;
	s7 =	smov.u32 @p0 s8  }
0x16: {  	s15 =	simm.s32 $0x6;
	s8 =	sadd.s32 $0x3800, s26;
	s11 =	smul.u32 $0xE0, s7  }
0x17: {  	s0 =	sadd.s32 $0x2AA00, s0;
	[dreg:$0xb] =	wrdreg s8;
	s12 =	smul.u32 $0x1C, s7  }
0x18: {  	s8 =	sadd.s32 $0xA800, s26;
	[dreg:$0x16] =	wrdreg s0;
	s26 =	simm.s32 $0x4D0  }
0x19: {  	s0 =	simm.s32 $0x2;
	[dreg:$0xd] =	wrdreg s8;
	s13 =	sshrl.u32 s11, $0x3  }
0x1a: {  	[dreg:$0x8] =	wrdreg s26;
	s6 =	sadd.s32 s1, s12;
	s9 =	sadd.s32 s1, s13  }
0x1b: {  	s26 =	simm.s32 $0x2A0;
	[dreg:$0x10] =	wrdreg s6;
	s16 =	sadd.s32 $0x1C, s9  }
0x1c: {  	s11 =	simm.s32 $0x4;
	s18 =	sadd.s32 $0x38, s9;
	[dreg:$0x11] =	wrdreg s16  }
0x1d: {  	s12 =	simm.s32 $0x8;
	s19 =	sadd.s32 $0x54, s9;
	[dreg:$0x12] =	wrdreg s18  }
0x1e: {  	s6 =	simm.s32 $0x3;
	s20 =	sadd.s32 $0x70, s9;
	[dreg:$0x13] =	wrdreg s19  }
0x1f: {  	s13 =	simm.s32 $0x5;
	s21 =	sadd.s32 $0x8C, s9;
	[dreg:$0x14] =	wrdreg s20  }
0x20: {  	s9 =	simm.s32 $0x7540;
	[dreg:$0x15] =	wrdreg s21;
	s16 =	simm.s32 $0x0  }
.LBB2_1:
0x21: {  	[dreg:$0x18] =	wrdreg s16  }
0x22: {  	s8 =	rddreg [dreg:$0x9]  }
0x23: {  	[tilespmem:s22], [sflag:$0xA] =	stream.linear.gather [hbm4b:s8+s4], $0x3800, $0x38;
	[tilespmem:$0x1ED40] =	vst v63  }
0x24: {  	_ =	swait.ge [sflag:s23], $0x3800  }
0x25: {  	[sflag:s23] =	ssyncset.done $0x0  }
0x26: {  	[sflag:s23] =	ssyncadd.s32 $0xFFFFC800  }
0x27: {  	[spmem:s17] =	stream.linear.scatter [tilespmem:s22], [sflag:$0xA], $0x3800, $0x38;
	[tilespmem:$0x1ED40] =	vst v63  }
0x28: {  	_ =	swait.ge [sflag:s23], $0x3800  }
0x29: {  	[sflag:s23] =	ssyncset.done $0x0  }
0x2a: {  	s19 =	rddreg [dreg:$0xb];
	[sflag:s23] =	ssyncadd.s32 $0xFFFFC800  }
0x2b: {  	[spmem:s19] =	stream.linear.scatter [tilespmem:s22], [sflag:$0xA], $0x3800, $0x38;
	[tilespmem:$0x1ED40] =	vst v63  }
0x2c: {  	_ =	swait.ge [sflag:s23], $0x3800  }
0x2d: {  	[sflag:s23] =	ssyncset.done $0x0  }
0x2e: {  	s20 =	rddreg [dreg:$0xc];
	[sflag:s23] =	ssyncadd.s32 $0xFFFFC800  }
0x2f: {  	[spmem:s20] =	stream.linear.scatter [tilespmem:s22], [sflag:$0xA], $0x3800, $0x38;
	[tilespmem:$0x1ED40] =	vst v63  }
0x30: {  	_ =	swait.ge [sflag:s23], $0x3800  }
0x31: {  	[sflag:s23] =	ssyncset.done $0x0  }
0x32: {  	s21 =	rddreg [dreg:$0xd];
	[sflag:s23] =	ssyncadd.s32 $0xFFFFC800  }
0x33: {  	[spmem:s21] =	stream.linear.scatter [tilespmem:s22], [sflag:$0xA], $0x3800, $0x38;
	[tilespmem:$0x1ED40] =	vst v63  }
0x34: {  	_ =	swait.ge [sflag:s23], $0x3800  }
0x35: {  	[sflag:s23] =	ssyncset.done $0x0  }
0x36: {  	s16 =	rddreg [dreg:$0xe];
	[sflag:s23] =	ssyncadd.s32 $0xFFFFC800  }
0x37: {  	[spmem:s16] =	stream.linear.scatter [tilespmem:s22], [sflag:$0xA], $0x3800, $0x38;
	[tilespmem:$0x1ED40] =	vst v63  }
0x38: {  	_ =	swait.ge [sflag:s23], $0x3800  }
0x39: {  	[sflag:s23] =	ssyncset.done $0x0  }
0x3a: {  	s17 =	rddreg [dreg:$0xf];
	[sflag:s23] =	ssyncadd.s32 $0xFFFFC800  }
0x3b: {  	[spmem:s17] =	stream.linear.scatter [tilespmem:s22], [sflag:$0xA], $0x2800, $0x38;
	[tilespmem:$0x1ED40] =	vst v63  }
0x3c: {  	_ =	swait.ge [sflag:s23], $0x2800  }
0x3d: {  	[sflag:s23] =	ssyncset.done $0x0  }
0x3e: {  	[sflag:s23] =	ssyncadd.s32 $0xFFFFD800  }
0x3f: {  	[bflag:$0x0] =	sbarrier.arrive $0xFFFF  }
0x40: {  	s18 =	rddreg [dreg:$0x10]  }
0x41: {  	[tilespmem:s4], [sflag:$0x1] =	stream.linear.gather [hbm4b:s18+s4], $0xE0, $0x38;
	[tilespmem:$0x1ED40] =	vst v63  }
0x42: {  	s19 =	rddreg [dreg:$0x11]  }
0x43: {  	[tilespmem:s24], [sflag:$0x2] =	stream.linear.gather [hbm4b:s19+s4], $0xE0, $0x38;
	[tilespmem:$0x1ED40] =	vst v63  }
0x44: {  	s20 =	rddreg [dreg:$0x12]  }
0x45: {  	[tilespmem:s25], [sflag:$0x3] =	stream.linear.gather [hbm4b:s20+s4], $0xE0, $0x38;
	[tilespmem:$0x1ED40] =	vst v63  }
0x46: {  	s21 =	rddreg [dreg:$0x13]  }
0x47: {  	[tilespmem:s26], [sflag:$0x4] =	stream.linear.gather [hbm4b:s21+s4], $0xE0, $0x38;
	[tilespmem:$0x1ED40] =	vst v63  }
0x48: {  	s16 =	rddreg [dreg:$0x14]  }
0x49: {  	[tilespmem:s28], [sflag:$0x5] =	stream.linear.gather [hbm4b:s16+s4], $0xE0, $0x38;
	[tilespmem:$0x1ED40] =	vst v63  }
0x4a: {  	s17 =	rddreg [dreg:$0x15]  }
0x4b: {  	[tilespmem:s29], [sflag:$0x6] =	stream.linear.gather [hbm4b:s17+s4], $0xE0, $0x38;
	[tilespmem:$0x1ED40] =	vst v63  }
0x4c: {  	_ =	swait.ge [sflag:s30], $0xE0  }
0x4d: {  	[sflag:s30] =	ssyncset.done $0x0  }
0x4e: {  	[sflag:s30] =	ssyncadd.s32 $0xFFFFFF20  }
0x4f: {  	[tilespmem:s22], [sflag:$0x7] =	stream.indirect.gather [hbm4b:s5+s31], $0x80, s4, s31, $0xb8;
	[tilespmem:$0x1ED40] =	vst v63  }
0x50: {  	_ =	swait.ge [sflag:s0], $0xE0  }
0x51: {  	[sflag:s0] =	ssyncset.done $0x0  }
0x52: {  	[sflag:s0] =	ssyncadd.s32 $0xFFFFFF20  }
0x53: {  	[tilespmem:s2], [sflag:$0x8] =	stream.indirect.gather [hbm4b:s5+s31], $0x80, s24, s31, $0xb8;
	[tilespmem:$0x1ED40] =	vst v63  }
0x54: {  	_ =	swait.ge [sflag:s6], $0xE0  }
0x55: {  	[sflag:s6] =	ssyncset.done $0x0  }
0x56: {  	[sflag:s6] =	ssyncadd.s32 $0xFFFFFF20  }
0x57: {  	[tilespmem:s9], [sflag:$0x9] =	stream.indirect.gather [hbm4b:s5+s31], $0x80, s25, s31, $0xb8;
	[tilespmem:$0x1ED40] =	vst v63  }
0x58: {  	p0 =	por $0x0, $0x0;
	s17 =	simm.s32 $0x6;
	_ =	swait.ge [sflag:s10], $0x3800  }
0x59: {  	s17 =	simm.s32 @p0 $0x0;
	[sflag:s10] =	ssyncset.done $0x0  }
0x5a: {  	s17 =	sadd.s32 s7, s17;
	[sflag:s10] =	ssyncadd.s32 $0xFFFFC800  }
0x5b: {  	[spmem:s3] =	stream.indirect.scatter.add.f32 [tilespmem:s22], [sflag:$0xA], $0x80, s31, s31, $0xb8;
	[tilespmem:$0x1ED40] =	vst v63  }
0x5c: {  	s17 =	smul.u32 $0x1C, s17;
	_ =	swait.ge [sflag:s23], $0x3800  }
0x5d: {  	[sflag:s23] =	ssyncset.done $0x0  }
0x5e: {  	s17 =	sadd.s32 s1, s17;
	[sflag:s23] =	ssyncadd.s32 $0xFFFFC800  }
0x5f: {  	[tilespmem:s4], [sflag:$0x1] =	stream.linear.gather [hbm4b:s17+s4], $0xE0, $0x38;
	[tilespmem:$0x1ED40] =	vst v63  }
0x60: {  	_ =	swait.ge [sflag:s11], $0xE0  }
0x61: {  	[sflag:s11] =	ssyncset.done $0x0  }
0x62: {  	[sflag:s11] =	ssyncadd.s32 $0xFFFFFF20  }
0x63: {  	[tilespmem:s22], [sflag:$0x7] =	stream.indirect.gather [hbm4b:s5+s31], $0x80, s26, s31, $0xb8;
	[tilespmem:$0x1ED40] =	vst v63  }
0x64: {  	s17 =	simm.s32 $0x7;
	_ =	swait.ge [sflag:s12], $0x3800  }
0x65: {  	s17 =	simm.s32 @p0 $0x1;
	[sflag:s12] =	ssyncset.done $0x0  }
0x66: {  	s17 =	sadd.s32 s7, s17;
	s18 =	rddreg [dreg:$0x4];
	[sflag:s12] =	ssyncadd.s32 $0xFFFFC800  }
0x67: {  	[spmem:s3] =	stream.indirect.scatter.add.f32 [tilespmem:s2], [sflag:$0xA], $0x80, s18, s31, $0xb8;
	[tilespmem:$0x1ED40] =	vst v63  }
0x68: {  	s17 =	smul.u32 $0x1C, s17;
	_ =	swait.ge [sflag:s23], $0x3800  }
0x69: {  	[sflag:s23] =	ssyncset.done $0x0  }
0x6a: {  	s17 =	sadd.s32 s1, s17;
	[sflag:s23] =	ssyncadd.s32 $0xFFFFC800  }
0x6b: {  	[tilespmem:s24], [sflag:$0x2] =	stream.linear.gather [hbm4b:s17+s4], $0xE0, $0x38;
	[tilespmem:$0x1ED40] =	vst v63  }
0x6c: {  	_ =	swait.ge [sflag:s13], $0xE0  }
0x6d: {  	[sflag:s13] =	ssyncset.done $0x0  }
0x6e: {  	[sflag:s13] =	ssyncadd.s32 $0xFFFFFF20  }
0x6f: {  	[tilespmem:s2], [sflag:$0x8] =	stream.indirect.gather [hbm4b:s5+s31], $0x80, s28, s31, $0xb8;
	[tilespmem:$0x1ED40] =	vst v63  }
0x70: {  	s17 =	simm.s32 $0x8;
	_ =	swait.ge [sflag:s14], $0x3800  }
0x71: {  	s17 =	simm.s32 @p0 $0x2;
	[sflag:s14] =	ssyncset.done $0x0  }
0x72: {  	s17 =	sadd.s32 s7, s17;
	s19 =	rddreg [dreg:$0x5];
	[sflag:s14] =	ssyncadd.s32 $0xFFFFC800  }
0x73: {  	[spmem:s3] =	stream.indirect.scatter.add.f32 [tilespmem:s9], [sflag:$0xA], $0x80, s19, s31, $0xb8;
	[tilespmem:$0x1ED40] =	vst v63  }
0x74: {  	s17 =	smul.u32 $0x1C, s17;
	_ =	swait.ge [sflag:s23], $0x3800  }
0x75: {  	[sflag:s23] =	ssyncset.done $0x0  }
0x76: {  	s17 =	sadd.s32 s1, s17;
	[sflag:s23] =	ssyncadd.s32 $0xFFFFC800  }
0x77: {  	[tilespmem:s25], [sflag:$0x3] =	stream.linear.gather [hbm4b:s17+s4], $0xE0, $0x38;
	[tilespmem:$0x1ED40] =	vst v63  }
0x78: {  	_ =	swait.ge [sflag:s15], $0xE0  }
0x79: {  	[sflag:s15] =	ssyncset.done $0x0  }
0x7a: {  	[sflag:s15] =	ssyncadd.s32 $0xFFFFFF20  }
0x7b: {  	[tilespmem:s9], [sflag:$0x9] =	stream.indirect.gather [hbm4b:s5+s31], $0x80, s29, s31, $0xb8;
	[tilespmem:$0x1ED40] =	vst v63  }
0x7c: {  	s17 =	simm.s32 $0x9;
	_ =	swait.ge [sflag:s10], $0x3800  }
0x7d: {  	s17 =	simm.s32 @p0 $0x3;
	[sflag:s10] =	ssyncset.done $0x0  }
0x7e: {  	s17 =	sadd.s32 s7, s17;
	s20 =	rddreg [dreg:$0x6];
	[sflag:s10] =	ssyncadd.s32 $0xFFFFC800  }
0x7f: {  	[spmem:s3] =	stream.indirect.scatter.add.f32 [tilespmem:s22], [sflag:$0xA], $0x80, s20, s31, $0xb8;
	[tilespmem:$0x1ED40] =	vst v63  }
0x80: {  	s17 =	smul.u32 $0x1C, s17;
	_ =	swait.ge [sflag:s23], $0x3800  }
0x81: {  	[sflag:s23] =	ssyncset.done $0x0  }
0x82: {  	s17 =	sadd.s32 s1, s17;
	[sflag:s23] =	ssyncadd.s32 $0xFFFFC800  }
0x83: {  	[tilespmem:s26], [sflag:$0x4] =	stream.linear.gather [hbm4b:s17+s4], $0xE0, $0x38;
	[tilespmem:$0x1ED40] =	vst v63  }
0x84: {  	_ =	swait.ge [sflag:s30], $0xE0  }
0x85: {  	[sflag:s30] =	ssyncset.done $0x0  }
0x86: {  	[sflag:s30] =	ssyncadd.s32 $0xFFFFFF20  }
0x87: {  	[tilespmem:s22], [sflag:$0x7] =	stream.indirect.gather [hbm4b:s5+s31], $0x80, s4, s31, $0xb8;
	[tilespmem:$0x1ED40] =	vst v63  }
0x88: {  	s17 =	simm.s32 $0xA;
	_ =	swait.ge [sflag:s12], $0x3800  }
0x89: {  	s17 =	simm.s32 @p0 $0x4;
	[sflag:s12] =	ssyncset.done $0x0  }
0x8a: {  	s17 =	sadd.s32 s7, s17;
	s21 =	rddreg [dreg:$0x7];
	[sflag:s12] =	ssyncadd.s32 $0xFFFFC800  }
0x8b: {  	[spmem:s3] =	stream.indirect.scatter.add.f32 [tilespmem:s2], [sflag:$0xA], $0x80, s21, s31, $0xb8;
	[tilespmem:$0x1ED40] =	vst v63  }
0x8c: {  	s17 =	smul.u32 $0x1C, s17;
	_ =	swait.ge [sflag:s23], $0x3800  }
0x8d: {  	[sflag:s23] =	ssyncset.done $0x0  }
0x8e: {  	s17 =	sadd.s32 s1, s17;
	[sflag:s23] =	ssyncadd.s32 $0xFFFFC800  }
0x8f: {  	[tilespmem:s28], [sflag:$0x5] =	stream.linear.gather [hbm4b:s17+s4], $0xE0, $0x38;
	[tilespmem:$0x1ED40] =	vst v63  }
0x90: {  	_ =	swait.ge [sflag:s0], $0xE0  }
0x91: {  	[sflag:s0] =	ssyncset.done $0x0  }
0x92: {  	[sflag:s0] =	ssyncadd.s32 $0xFFFFFF20  }
0x93: {  	[tilespmem:s2], [sflag:$0x8] =	stream.indirect.gather [hbm4b:s5+s31], $0x80, s24, s31, $0xb8;
	[tilespmem:$0x1ED40] =	vst v63  }
0x94: {  	s17 =	simm.s32 $0xB;
	_ =	swait.ge [sflag:s14], $0x3800  }
0x95: {  	s17 =	simm.s32 @p0 $0x5;
	[sflag:s14] =	ssyncset.done $0x0  }
0x96: {  	s17 =	sadd.s32 s7, s17;
	s24 =	rddreg [dreg:$0x8];
	[sflag:s14] =	ssyncadd.s32 $0xFFFFC800  }
0x97: {  	[spmem:s3] =	stream.indirect.scatter.add.f32 [tilespmem:s9], [sflag:$0xA], $0x80, s24, s31, $0xb8;
	[tilespmem:$0x1ED40] =	vst v63  }
0x98: {  	s17 =	smul.u32 $0x1C, s17;
	_ =	swait.ge [sflag:s23], $0x3800  }
0x99: {  	[sflag:s23] =	ssyncset.done $0x0  }
0x9a: {  	s18 =	simm.s32 $0x11;
	s17 =	sadd.s32 s1, s17;
	[sflag:s23] =	ssyncadd.s32 $0xFFFFC800  }
0x9b: {  	[tilespmem:s29], [sflag:$0x6] =	stream.linear.gather [hbm4b:s17+s4], $0xE0, $0x38;
	[tilespmem:$0x1ED40] =	vst v63  }
.LBB2_2:
0x9c: {  	_ =	swait.ge [sflag:s6], $0xE0  }
0x9d: {  	[sflag:s6] =	ssyncset.done $0x0  }
0x9e: {  	s8 =	smov.u32 s18;
	[sflag:s6] =	ssyncadd.s32 $0xFFFFFF20  }
0x9f: {  	[tilespmem:s9], [sflag:$0x9] =	stream.indirect.gather [hbm4b:s5+s31], $0x80, s25, s31, $0xb8;
	[tilespmem:$0x1ED40] =	vst v63  }
0xa0: {  	s16 =	sadd.s32 $0xFFFFFFFB, s8;
	p1 =	seq.s32 s8, $0x5F;
	_ =	swait.ge [sflag:s10], $0x3800  }
0xa1: {  	s16 =	simm.s32 @p1 $0x0;
	[sflag:s10] =	ssyncset.done $0x0  }
0xa2: {  	s16 =	sadd.s32 s7, s16;
	[sflag:s10] =	ssyncadd.s32 $0xFFFFC800  }
0xa3: {  	[spmem:s3] =	stream.indirect.scatter.add.f32 [tilespmem:s22], [sflag:$0xA], $0x80, s31, s31, $0xb8;
	[tilespmem:$0x1ED40] =	vst v63  }
0xa4: {  	s16 =	smul.u32 $0x1C, s16;
	_ =	swait.ge [sflag:s23], $0x3800  }
0xa5: {  	[sflag:s23] =	ssyncset.done $0x0  }
0xa6: {  	s16 =	sadd.s32 s1, s16;
	[sflag:s23] =	ssyncadd.s32 $0xFFFFC800  }
0xa7: {  	[tilespmem:s4], [sflag:$0x1] =	stream.linear.gather [hbm4b:s16+s4], $0xE0, $0x38;
	[tilespmem:$0x1ED40] =	vst v63  }
0xa8: {  	_ =	swait.ge [sflag:s11], $0xE0  }
0xa9: {  	s19 =	sadd.s32 $0xFFFFFFFF, s18;
	[sflag:s11] =	ssyncset.done $0x0  }
0xaa: {  	s21 =	sadd.s32 $0xFFFFFFFD, s8;
	s20 =	sadd.s32 $0xFFFFFFFE, s8;
	[sflag:s11] =	ssyncadd.s32 $0xFFFFFF20  }
0xab: {  	[tilespmem:s22], [sflag:$0x7] =	stream.indirect.gather [hbm4b:s5+s31], $0x80, s26, s31, $0xb8;
	[tilespmem:$0x1ED40] =	vst v63  }
0xac: {  	s24 =	smov.u32 s8;
	s8 =	sadd.s32 $0xFFFFFFFC, s8;
	_ =	swait.ge [sflag:s12], $0x3800  }
0xad: {  	s17 =	sadd.s32 $0x6, s18;
	s8 =	simm.s32 @p1 $0x1;
	[sflag:s12] =	ssyncset.done $0x0  }
0xae: {  	s8 =	sadd.s32 s7, s8;
	s16 =	rddreg [dreg:$0x4];
	[sflag:s12] =	ssyncadd.s32 $0xFFFFC800  }
0xaf: {  	[spmem:s3] =	stream.indirect.scatter.add.f32 [tilespmem:s2], [sflag:$0xA], $0x80, s16, s31, $0xb8;
	[tilespmem:$0x1ED40] =	vst v63  }
0xb0: {  	s24 =	simm.s32 @p1 $0x5;
	s8 =	smul.u32 $0x1C, s8;
	_ =	swait.ge [sflag:s23], $0x3800  }
0xb1: {  	p0 =	sne.s32 s18, $0x5F;
	s18 =	sadd.s32 s7, s24;
	[sflag:s23] =	ssyncset.done $0x0  }
0xb2: {  	s24 =	simm.s32 $0xE0;
	s8 =	sadd.s32 s1, s8;
	[sflag:s23] =	ssyncadd.s32 $0xFFFFC800  }
0xb3: {  	[tilespmem:s24], [sflag:$0x2] =	stream.linear.gather [hbm4b:s8+s4], $0xE0, $0x38;
	[tilespmem:$0x1ED40] =	vst v63  }
0xb4: {  	_ =	swait.ge [sflag:s13], $0xE0  }
0xb5: {  	[sflag:s13] =	ssyncset.done $0x0  }
0xb6: {  	[sflag:s13] =	ssyncadd.s32 $0xFFFFFF20  }
0xb7: {  	[tilespmem:s2], [sflag:$0x8] =	stream.indirect.gather [hbm4b:s5+s31], $0x80, s28, s31, $0xb8;
	[tilespmem:$0x1ED40] =	vst v63  }
0xb8: {  	_ =	swait.ge [sflag:s14], $0x3800  }
0xb9: {  	s21 =	simm.s32 @p1 $0x2;
	[sflag:s14] =	ssyncset.done $0x0  }
0xba: {  	s16 =	sadd.s32 s7, s21;
	s21 =	rddreg [dreg:$0x5];
	[sflag:s14] =	ssyncadd.s32 $0xFFFFC800  }
0xbb: {  	[spmem:s3] =	stream.indirect.scatter.add.f32 [tilespmem:s9], [sflag:$0xA], $0x80, s21, s31, $0xb8;
	[tilespmem:$0x1ED40] =	vst v63  }
0xbc: {  	s8 =	smul.u32 $0x1C, s16;
	_ =	swait.ge [sflag:s23], $0x3800  }
0xbd: {  	[sflag:s23] =	ssyncset.done $0x0  }
0xbe: {  	s8 =	sadd.s32 s1, s8;
	[sflag:s23] =	ssyncadd.s32 $0xFFFFC800  }
0xbf: {  	[tilespmem:s25], [sflag:$0x3] =	stream.linear.gather [hbm4b:s8+s4], $0xE0, $0x38;
	[tilespmem:$0x1ED40] =	vst v63  }
0xc0: {  	_ =	swait.ge [sflag:s15], $0xE0  }
0xc1: {  	[sflag:s15] =	ssyncset.done $0x0  }
0xc2: {  	[sflag:s15] =	ssyncadd.s32 $0xFFFFFF20  }
0xc3: {  	[tilespmem:s9], [sflag:$0x9] =	stream.indirect.gather [hbm4b:s5+s31], $0x80, s29, s31, $0xb8;
	[tilespmem:$0x1ED40] =	vst v63  }
0xc4: {  	_ =	swait.ge [sflag:s10], $0x3800  }
0xc5: {  	s20 =	simm.s32 @p1 $0x3;
	[sflag:s10] =	ssyncset.done $0x0  }
0xc6: {  	s20 =	sadd.s32 s7, s20;
	s16 =	rddreg [dreg:$0x6];
	[sflag:s10] =	ssyncadd.s32 $0xFFFFC800  }
0xc7: {  	[spmem:s3] =	stream.indirect.scatter.add.f32 [tilespmem:s22], [sflag:$0xA], $0x80, s16, s31, $0xb8;
	[tilespmem:$0x1ED40] =	vst v63  }
0xc8: {  	s21 =	smul.u32 $0x1C, s20;
	_ =	swait.ge [sflag:s23], $0x3800  }
0xc9: {  	[sflag:s23] =	ssyncset.done $0x0  }
0xca: {  	s16 =	sadd.s32 s1, s21;
	[sflag:s23] =	ssyncadd.s32 $0xFFFFC800  }
0xcb: {  	[tilespmem:s26], [sflag:$0x4] =	stream.linear.gather [hbm4b:s16+s4], $0xE0, $0x38;
	[tilespmem:$0x1ED40] =	vst v63  }
0xcc: {  	_ =	swait.ge [sflag:s30], $0xE0  }
0xcd: {  	[sflag:s30] =	ssyncset.done $0x0  }
0xce: {  	[sflag:s30] =	ssyncadd.s32 $0xFFFFFF20  }
0xcf: {  	[tilespmem:s22], [sflag:$0x7] =	stream.indirect.gather [hbm4b:s5+s31], $0x80, s4, s31, $0xb8;
	[tilespmem:$0x1ED40] =	vst v63  }
0xd0: {  	_ =	swait.ge [sflag:s12], $0x3800  }
0xd1: {  	s19 =	simm.s32 @p1 $0x4;
	[sflag:s12] =	ssyncset.done $0x0  }
0xd2: {  	s19 =	sadd.s32 s7, s19;
	s20 =	rddreg [dreg:$0x7];
	[sflag:s12] =	ssyncadd.s32 $0xFFFFC800  }
0xd3: {  	[spmem:s3] =	stream.indirect.scatter.add.f32 [tilespmem:s2], [sflag:$0xA], $0x80, s20, s31, $0xb8;
	[tilespmem:$0x1ED40] =	vst v63  }
0xd4: {  	s21 =	smul.u32 $0x1C, s19;
	_ =	swait.ge [sflag:s23], $0x3800  }
0xd5: {  	[sflag:s23] =	ssyncset.done $0x0  }
0xd6: {  	s16 =	sadd.s32 s1, s21;
	[sflag:s23] =	ssyncadd.s32 $0xFFFFC800  }
0xd7: {  	[tilespmem:s28], [sflag:$0x5] =	stream.linear.gather [hbm4b:s16+s4], $0xE0, $0x38;
	[tilespmem:$0x1ED40] =	vst v63  }
0xd8: {  	_ =	swait.ge [sflag:s0], $0xE0  }
0xd9: {  	[sflag:s0] =	ssyncset.done $0x0  }
0xda: {  	[sflag:s0] =	ssyncadd.s32 $0xFFFFFF20  }
0xdb: {  	[tilespmem:s2], [sflag:$0x8] =	stream.indirect.gather [hbm4b:s5+s31], $0x80, s24, s31, $0xb8;
	[tilespmem:$0x1ED40] =	vst v63  }
0xdc: {  	_ =	swait.ge [sflag:s14], $0x3800  }
0xdd: {  	[sflag:s14] =	ssyncset.done $0x0  }
0xde: {  	s19 =	rddreg [dreg:$0x8];
	[sflag:s14] =	ssyncadd.s32 $0xFFFFC800  }
0xdf: {  	[spmem:s3] =	stream.indirect.scatter.add.f32 [tilespmem:s9], [sflag:$0xA], $0x80, s19, s31, $0xb8;
	[tilespmem:$0x1ED40] =	vst v63  }
.Ltmp0:
0xe0: {  	_ = 	snop;
	(pc) =	sbr.rel @p0 .LBB2_2-.Ltmp0, $4  }
0xe1: {  	s20 =	smul.u32 $0x1C, s18;
	_ =	swait.ge [sflag:s23], $0x3800  }
0xe2: {  	[sflag:s23] =	ssyncset.done $0x0  }
0xe3: {  	s18 =	smov.u32 s17;
	s21 =	sadd.s32 s1, s20;
	[sflag:s23] =	ssyncadd.s32 $0xFFFFC800  }
0xe4: {  	[tilespmem:s29], [sflag:$0x6] =	stream.linear.gather [hbm4b:s21+s4], $0xE0, $0x38;
	[tilespmem:$0x1ED40] =	vst v63  }
0xe5: {  	_ =	swait.ge [sflag:s6], $0xE0  }
0xe6: {  	[sflag:s6] =	ssyncset.done $0x0  }
0xe7: {  	[sflag:s6] =	ssyncadd.s32 $0xFFFFFF20  }
0xe8: {  	[tilespmem:s9], [sflag:$0x9] =	stream.indirect.gather [hbm4b:s5+s31], $0x80, s25, s31, $0xb8;
	[tilespmem:$0x1ED40] =	vst v63  }
0xe9: {  	_ =	swait.ge [sflag:s10], $0x3800  }
0xea: {  	[sflag:s10] =	ssyncset.done $0x0  }
0xeb: {  	[sflag:s10] =	ssyncadd.s32 $0xFFFFC800  }
0xec: {  	_ =	swait.ge [sflag:s12], $0x3800  }
0xed: {  	[sflag:s12] =	ssyncset.done $0x0  }
0xee: {  	[sflag:s12] =	ssyncadd.s32 $0xFFFFC800  }
0xef: {  	_ =	swait.ge [sflag:s14], $0x3800  }
0xf0: {  	[sflag:s14] =	ssyncset.done $0x0  }
0xf1: {  	[sflag:s14] =	ssyncadd.s32 $0xFFFFC800  }
0xf2: {  	_ =	swait.ge [sflag:s11], $0xE0  }
0xf3: {  	[sflag:s11] =	ssyncset.done $0x0  }
0xf4: {  	[sflag:s11] =	ssyncadd.s32 $0xFFFFFF20  }
0xf5: {  	_ =	swait.ge [sflag:s13], $0xE0  }
0xf6: {  	[sflag:s13] =	ssyncset.done $0x0  }
0xf7: {  	[sflag:s13] =	ssyncadd.s32 $0xFFFFFF20  }
0xf8: {  	_ =	swait.ge [sflag:s15], $0xE0  }
0xf9: {  	[sflag:s15] =	ssyncset.done $0x0  }
0xfa: {  	[sflag:s15] =	ssyncadd.s32 $0xFFFFFF20  }
0xfb: {  	s8 =	stileid.u32;
	[bflag:$0x0] =	sbarrier.arrive $0xFFFF  }
0xfc: {  	s8 =	sshll.u32 s8, $0x6;
	s17 =	rddreg [dreg:$0xa]  }
0xfd: {  	s8 =	sor.u32 $0x1C0A, s8;
	s18 =	rddreg [dreg:$0x16];
	s16 =	sshrl.u32 s17, $0x3  }
0xfe: {  	[hbm:s18], [sflag:s8] =	dma.local [spmem:s16], $0x2800  }
0xff: {  	_ =	swait.ge [sflag:s23], $0x2800  }
0x100: {  	s20 =	rddreg [dreg:$0x18]  }
0x101: {  	s21 =	rddreg [dreg:$0x17];
	s16 =	sadd.s32 $0x1, s20  }
0x102: {  	p0 =	sne.s32 s16, s21  }
.Ltmp1:
0x103: {  	_ = 	snop;
	(pc) =	sbr.rel @p0 .LBB2_1-.Ltmp1, $3  }
0x104: {  	_ =	sdelay $0x1  }
0x105: {  	[sflag:s23] =	ssyncset.done $0x0  }
0x106: {  	[sflag:s23] =	ssyncadd.s32 $0xFFFFD800  }
0x107: {  	_ =	sfence.sel $0x180000  }
0x108: {  	[bflag:$0x0] =	sbarrier.arrive $0xFFFF  }
0x109: {  	_ =	strace $0x9000004A  }
0x10a: {  	s0 =	stileid.u32;
	[bflag:$0x2] =	sbarrier.arrive $0xFFFF  }
0x10b: {  	p0 =	sne.s32 s0, $0x0;
	s0 =	rddreg [dreg:$0x3]  }
0x10c: {  	s0 =	sadd.s32 @!p0 $0x100000, s0  }
0x10d: {  	[sflag:s0] =	ssyncadd.tile.s32 @!p0 $0x1;
	_ =	shalt  }
.Lfunc_end2:
_tile_overlayer_lowered:
.L_overlay_start_2:
0x10e: {  	(tag) =	ssettag $0x2  }
0x10f: {  	s0 =	rddreg [dreg:$0x0];
	s2 =	stileid.u32  }
0x110: {  	s1 =	rddreg [dreg:$0x1];
	p0 =	sne.s32 s2, $0x0  }
0x111: {  	s3 =	rddreg [dreg:$0x2];
	[bflag:$0x3] =	sbarrier.arrive $0xFFFF;
	s2 =	simm.s32 @!p0 $0x1C0A  }
0x112: {  	[timem:s3], [sflag:s2] =	dma.local @!p0 [hbm:s0], s1  }
0x113: {  	s0 =	simm.s32 @!p0 $0xA  }
0x114: {  	_ =	swait.ge @!p0 [sflag:s0], s1  }
0x115: {  	s1 =	ssub.s32 @!p0 $0x0, s1;
	[sflag:s0] =	ssyncset.done @!p0 $0x0  }
0x116: {  	[sflag:s0] =	ssyncadd.s32 @!p0 s1  }
0x117: {  	[bflag:$0x3] =	sbarrier.arrive $0xFFFF  }
0x118: {  	_ =	shalt  }

// kernel: kernel.15.cloned.1.call-start
scs
__scs_entry_jumppad:
0x0: {  	(pc) =	sbr.rel $0x88, $3  }
0x1: {  	(tag) =	ssettag $0x0;
	lr =	simm.s32 $0x1  }
0x2: {  	[smem:$0x3F9B] =	sst lr;
	_ =	strace $0xD0000000  }
0x3: {  	_ = 	snop  }
0x4: {  	_ = 	snop  }
0x5: {  	_ = 	snop  }
0x6: {  	_ = 	snop  }
0x7: {  	_ = 	snop  }
__scs_overlays_trampoline_lowered:
0x8: {  	[smem:$0x3FAA] =	sst s0  }
0x9: {  	[smem:$0x3FAB] =	sst s1  }
0xa: {  	[smem:$0x3FAC] =	sst s2  }
0xb: {  	[smem:$0x3FAD] =	sst s3  }
0xc: {  	[smem:$0x3FAE] =	sst s4  }
0xd: {  	[smem:$0x3FAF] =	sst s5  }
0xe: {  	[smem:$0x3FB0] =	sst s6  }
0xf: {  	[smem:$0x3FB1] =	sst s7  }
0x10: {  	[smem:$0x3FB2] =	sst s8  }
0x11: {  	[smem:$0x3FB3] =	sst s9;
	s0 =	simm.s32 @!p0 $0x0  }
0x12: {  	s1 =	sld [smem:$0x3F99];
	s0 =	simm.s32 @p0 $0x1  }
0x13: {  	[smem:$0x3FB4] =	sst s0;
	s0 =	simm.s32 @!p1 $0x0  }
0x14: {  	s2 =	sld [smem:$0x3F98];
	s0 =	simm.s32 @p1 $0x1  }
0x15: {  	[smem:$0x3FB5] =	sst s0;
	s0 =	simm.s32 @!p2 $0x0  }
0x16: {  	s3 =	sld [smem:$0x3FDB];
	s0 =	simm.s32 @p2 $0x1  }
0x17: {  	s4 =	simm.s32 $0x1BF5;
	[smem:$0x3FB7] =	sst s0  }
0x18: {  	s0 =	sld [smem:$0x3F9A];
	_ =	swait.ge [sflag:s4], $0x0  }
0x19: {  	s7 =	sld [smem:$0x3F9B]  }
0x1a: {  	s8 =	sadd.s32 $0xFFFFE003, lr  }
0x1b: {  	s9 =	sadd.s32 $0xFFFFFEF7, lr;
	s5 =	simm.s32 $0xFFFFFFFF;
	p2 =	slt.u32 s8, $0xFFFFF086  }
0x1c: {  	p1 =	slt.u32 s9, $0xF7A;
	s5 =	simm.s32 @!p2 $0x0  }
0x1d: {  	s5 =	simm.s32 @p1 $0x1;
	p0 =	seq.s32 s7, s2  }
0x1e: {  	s7 =	smul.u32 @!p0 $0xF7A, s2;
	p2 =	seq.s32 @!p0 s5, $0x0  }
0x1f: {  	s9 =	smul.u32 $0xF7A, s1;
	s8 =	simm.s32 @!p0 $0x1BF5;
	p2 =	por !p2, p0  }
0x20: {  	[sflag:s8] =	ssyncset.s32 @!p0 $0xFFFFF086;
	s6 =	sadd.s32 @!p0 s3, s7;
	s7 =	simm.s32 @!p0 $0x108  }
0x21: {  	s3 =	sadd.s32 s3, s9;
	s6 =	sadd.s32 @!p0 $0x88, s6;
	s7 =	simm.s32 @p2 $0x1082  }
0x22: {  	[simem:s7], [sflag:s8] =	dma.local @!p0 [hbm:s6], $0xF7A  }
0x23: {  	s9 =	sor.u32 $0xD0000000, s2;
	s6 =	simm.s32 $0x108;
	_ =	swait.ge @!p0 [sflag:s8], $0x0  }
0x24: {  	s3 =	sadd.s32 $0x88, s3;
	s6 =	simm.s32 @!p1 $0x1082;
	[sflag:s4] =	ssyncset.s32 $0xFFFFF086  }
0x25: {  	[simem:s6], [sflag:s4] =	dma.local [hbm:s3], $0xF7A  }
0x26: {  	[smem:$0x3F9B] =	sst s1;
	(tag) =	ssettag s2;
	_ =	strace s9  }
0x27: {  	s1 =	sld [smem:$0x3FAB]  }
0x28: {  	s2 =	sld [smem:$0x3FAC]  }
0x29: {  	s4 =	sld [smem:$0x3FAE]  }
0x2a: {  	p0 =	seq.s32 s5, $0x0;
	s5 =	sld [smem:$0x3FAF]  }
0x2b: {  	s6 =	sld [smem:$0x3FB0]  }
0x2c: {  	s7 =	sld [smem:$0x3FB1]  }
0x2d: {  	s3 =	simm.s32 $0x108;
	s8 =	sld [smem:$0x3FB2]  }
0x2e: {  	s3 =	simm.s32 @!p0 $0x1082;
	s9 =	sld [smem:$0x3FB3]  }
0x2f: {  	lr =	sadd.s32 s0, s3;
	s0 =	sld [smem:$0x3FAA]  }
0x30: {  	s3 =	sld [smem:$0x3FAD]  }
0x31: {  	[smem:$0x3FB6] =	sst s10  }
0x32: {  	s10 =	sld [smem:$0x3FB4];
	_ =	sdelay $0x3  }
0x33: {  	p0 =	seq.s32 s10, $0x1;
	s10 =	sld [smem:$0x3FB6];
	_ =	sdelay $0x3  }
0x34: {  	[smem:$0x3FB6] =	sst s10  }
0x35: {  	s10 =	sld [smem:$0x3FB5];
	_ =	sdelay $0x3  }
0x36: {  	p1 =	seq.s32 s10, $0x1;
	s10 =	sld [smem:$0x3FB6];
	_ =	sdelay $0x3  }
0x37: {  	[smem:$0x3FB6] =	sst s10  }
0x38: {  	s10 =	sld [smem:$0x3FB7]  }
0x39: {  	_ = 	snop;
	(pc) =	sbr.ind lr, $3  }
0x3a: {  	_ = 	snop  }
0x3b: {  	_ = 	snop  }
0x3c: {  	p2 =	seq.s32 s10, $0x1;
	s10 =	sld [smem:$0x3FB6]  }
0x3d: {  	_ =	shalt  }
0x3e: {  	_ =	shalt  }
0x3f: {  	_ =	shalt  }
0x40: {  	_ =	shalt  }
0x41: {  	_ =	shalt  }
0x42: {  	_ =	shalt  }
0x43: {  	_ =	shalt  }
0x44: {  	_ =	shalt  }
0x45: {  	_ =	shalt  }
0x46: {  	_ =	shalt  }
0x47: {  	_ =	shalt  }
0x48: {  	_ =	shalt  }
0x49: {  	_ =	shalt  }
0x4a: {  	_ =	shalt  }
0x4b: {  	_ =	shalt  }
0x4c: {  	_ =	shalt  }
0x4d: {  	_ =	shalt  }
0x4e: {  	_ =	shalt  }
0x4f: {  	_ =	shalt  }
0x50: {  	_ =	shalt  }
0x51: {  	_ =	shalt  }
0x52: {  	_ =	shalt  }
0x53: {  	_ =	shalt  }
0x54: {  	_ =	shalt  }
0x55: {  	_ =	shalt  }
0x56: {  	_ =	shalt  }
0x57: {  	_ =	shalt  }
0x58: {  	_ =	shalt  }
0x59: {  	_ =	shalt  }
0x5a: {  	_ =	shalt  }
0x5b: {  	_ =	shalt  }
0x5c: {  	_ =	shalt  }
0x5d: {  	_ =	shalt  }
0x5e: {  	_ =	shalt  }
0x5f: {  	_ =	shalt  }
0x60: {  	_ =	shalt  }
0x61: {  	_ =	shalt  }
0x62: {  	_ =	shalt  }
0x63: {  	_ =	shalt  }
0x64: {  	_ =	shalt  }
0x65: {  	_ =	shalt  }
0x66: {  	_ =	shalt  }
0x67: {  	_ =	shalt  }
0x68: {  	_ =	shalt  }
0x69: {  	_ =	shalt  }
0x6a: {  	_ =	shalt  }
0x6b: {  	_ =	shalt  }
0x6c: {  	_ =	shalt  }
0x6d: {  	_ =	shalt  }
0x6e: {  	_ =	shalt  }
0x6f: {  	_ =	shalt  }
0x70: {  	_ =	shalt  }
0x71: {  	_ =	shalt  }
0x72: {  	_ =	shalt  }
0x73: {  	_ =	shalt  }
0x74: {  	_ =	shalt  }
0x75: {  	_ =	shalt  }
0x76: {  	_ =	shalt  }
0x77: {  	_ =	shalt  }
0x78: {  	_ =	shalt  }
0x79: {  	_ =	shalt  }
0x7a: {  	_ =	shalt  }
0x7b: {  	_ =	shalt  }
0x7c: {  	_ =	shalt  }
0x7d: {  	_ =	shalt  }
0x7e: {  	_ =	shalt  }
0x7f: {  	_ =	shalt  }
0x80: {  	_ =	shalt  }
0x81: {  	_ =	shalt  }
0x82: {  	_ =	shalt  }
0x83: {  	_ =	shalt  }
0x84: {  	_ =	shalt  }
0x85: {  	_ =	shalt  }
0x86: {  	_ =	shalt  }
0x87: {  	_ =	shalt  }
.Lfunc_end0:
.L_simem_size_0:
called_computation.2_lowered:
.L_overlay_start_0:
0x88: {  	s2 =	sld [smem:$0x3FD9]  }
0x89: {  	s3 =	sld [smem:$0x3FFE];
	_ =	sdelay $0x1  }
0x8a: {  	s1 =	srdreg.scid  }
0x8b: {  	s0 =	sand.u32 $0x1, s1  }
0x8c: {  	s17 =	sshll.u32 s0, $0xA;
	s2 =	sadd.s32 s3, s2  }
0x8d: {  	s2 =	sadd.s32 s2, s17  }
0x8e: {  	[smem:$0x3FC2] =	sst s2  }
0x8f: {  	_ = 	snop  }
0x90: {  	s2 =	sld [smem:$0x3FD0];
	(tm) =	ssettm $0x1  }
0x91: {  	s18 =	sld [smem:$0x3FFB];
	_ =	sdelay $0x3  }
0x92: {  	_ =	strace s18  }
0x93: {  	s3 =	sld [smem:$0x3FFC];
	_ =	sdelay $0x3  }
0x94: {  	_ =	strace s3  }
0x95: {  	s3 =	sld [smem:$0x3FFD];
	_ =	sdelay $0x3  }
0x96: {  	_ =	strace s3  }
0x97: {  	_ =	strace $0x8FFFFFFF  }
0x98: {  	s19 =	sld [smem:$0x3FDB];
	_ =	sdelay $0x1  }
0x99: {  	s4 =	simm.s32 $_scs_section_size  }
0x9a: {  	s5 =	simm.s32 $_size__tile_overlayer_lowered;
	s6 =	simm.s32 $_tile_overlayer_lowered  }
0x9b: {  	s22 =	simm.s32 $0x1BFF;
	s21 =	sshll.u32 s6, $0x1;
	s3 =	sadd.s32 s4, s19  }
0x9c: {  	s7 =	simm.s32 $0x0;
	s20 =	sshll.u32 s5, $0x1;
	s5 =	sadd.s32 s21, s3  }
0x9d: {  	[timem:s7], [sflag:s22] =	dma.local [hbm:s5], s20  }
0x9e: {  	_ =	swait.ge [sflag:s22], s20  }
0x9f: {  	s4 =	ssub.s32 $0x0, s20;
	[sflag:s22] =	ssyncset.done $0x0  }
0xa0: {  	[sflag:s22] =	ssyncadd.s32 s4;
	_ =	sdelay $0x1  }
0xa1: {  	s23 =	simm.s32 $0x1B8B  }
0xa2: {  	_ =	swait.ge [sflag:s23], $0x1  }
0xa3: {  	[sflag:s23] =	ssyncset.done $0x0  }
0xa4: {  	s25 =	simm.s32 $0x1B8E;
	s24 =	sld [smem:$0x3FFE];
	[sflag:s23] =	ssyncadd.s32 $0xFFFFFFFF  }
0xa5: {  	s26 =	simm.s32 $execute0_lowered;
	[smem:$0x3FD2] =	sst s25  }
0xa6: {  	s5 =	sshll.u32 s26, $0x1;
	_ =	strace $0x8000004C;
	[dreg:$0x1] =	wrdreg $0xFFFFFFFF  }
0xa7: {  	s28 =	simm.s32 $_size_execute0_lowered;
	s3 =	sadd.s32 s3, s5;
	[dreg:$0x0] =	wrdreg $0x0  }
0xa8: {  	s5 =	sshll.u32 s28, $0x1;
	[dreg:$0x2] =	wrdreg s3  }
0xa9: {  	[dreg:$0x3] =	wrdreg s5  }
0xaa: {  	[dreg:$0x4] =	wrdreg $0xC0  }
0xab: {  	_ =	task [dreg:s7], $0x5FFFF  }
0xac: {  	[dreg:$0x1] =	wrdreg $0xFFFFFFFF  }
0xad: {  	[dreg:$0x0] =	wrdreg $0x60  }
0xae: {  	[dreg:$0x2] =	wrdreg s2  }
0xaf: {  	[dreg:$0x3] =	wrdreg s24  }
0xb0: {  	[dreg:$0x4] =	wrdreg $0x59400  }
0xb1: {  	[dreg:$0x5] =	wrdreg $0x9  }
0xb2: {  	_ =	task.clear_ibuf [dreg:s7], $0x6FFFF;
	_ =	strace $0x9000004C  }
0xb3: {  	s29 =	simm.s32 $0x9;
	_ =	strace $0x8000004E  }
0xb4: {  	_ =	swait.ge [sflag:s29], $0x1  }
0xb5: {  	[sflag:s29] =	ssyncadd.s32 $0xFFFFFFFF  }
0xb6: {  	_ =	strace $0x9000004E  }
0xb7: {  	_ =	sfence  }
0xb8: {  	s30 =	sld [smem:$0x0];
	_ =	sdelay $0x2  }
0xb9: {  	s31 =	sshll.u32 s1, $0xD;
	s1 =	sshrl.u32 s1, $0x2  }
0xba: {  	s3 =	sand.u32 $0x4000, s31;
	s1 =	sadd.s32 s1, s30  }
0xbb: {  	s0 =	sor.u32 s3, s0;
	s1 =	sshll.u32 s1, $0x11  }
0xbc: {  	s0 =	sor.u32 s1, s0  }
0xbd: {  	s0 =	sadd.s32 $0x8F2B, s0  }
0xbe: {  	[sflag:s0] =	ssyncadd.remote.s32 $0x1  }
0xbf: {  	_ =	sfence.sel $0xFFFF  }
0xc0: {  	[dreg:$0x0] =	wrdreg $0xFFFFFFFF;
	(pc) =	sbr.abs _section_cstart, $3  }
0xc1: {  	[dreg:$0x1] =	wrdreg $0xFFFFFFFF  }
0xc2: {  	_ =	task.clear_ibuf [dreg:s7], $0x2FFFF;
	_ =	strace $0x9FFFFFFF  }
0xc3: {  	(tm) =	ssettm $0x7FFFFFFF  }
tec
execute0_lowered:
.L_overlay_start_1:
0x0: {  	(tag) =	ssettag $0x1  }
0x1: {  	s1 =	rddreg [dreg:$0x0]  }
0x2: {  	s0 =	rddreg [dreg:$0x1]  }
0x3: {  	s3 =	rddreg [dreg:$0x2]  }
0x4: {  	s2 =	srdreg.scid;
	s9 =	stileid.u32  }
0x5: {  	s4 =	simm.s32 $0x0;
	s22 =	simm.s32 $0x150;
	s23 =	simm.s32 $0x230  }
0x6: {  	s28 =	simm.s32 $0x380;
	s29 =	simm.s32 $0x460;
	s6 =	smul.u32 $0xA000, s9  }
0x7: {  	s30 =	simm.s32 $0x1;
	s31 =	simm.s32 $0x70;
	s8 =	smul.u32 $0x5A, s9  }
0x8: {  	s2 =	sand.u32 $0x1, s2;
	[smem:$0x7FF] =	sst s4;
	s9 =	smul.u32 $0x28000, s9  }
0x9: {  	s5 =	sadd.s32 $0x2200, s0;
	s10 =	sadd.s32 $0x16200, s0;
	s7 =	smul.u32 $0xA0000, s2  }
0xa: {  	_ =	strace $0x8000004D;
	[dreg:$0x9] =	wrdreg s10;
	p0 =	seq.s32 s2, $0x0  }
0xb: {  	s2 =	ssub.s32 $0x2, s2;
	[dreg:$0x4] =	wrdreg s22;
	s22 =	simm.s32 $0x540  }
0xc: {  	[dreg:$0x5] =	wrdreg s23;
	s23 =	simm.s32 $0xA;
	s10 =	simm.s32 $0x7  }
0xd: {  	s24 =	sshrl.u32 s9, $0x2;
	s25 =	sshrl.u32 s2, $0x1;
	s17 =	sadd.s32 s6, s3  }
0xe: {  	s26 =	sadd.s32 s24, s3;
	s24 =	simm.s32 $0x310;
	[dreg:$0xa] =	wrdreg s17  }
0xf: {  	s2 =	ssub.s32 s2, s25;
	s25 =	simm.s32 $0x3F0;
	[dreg:$0x6] =	wrdreg s24  }
0x10: {  	s7 =	sadd.s32 s6, s7;
	s9 =	sadd.s32 $0x3800, s26;
	[dreg:$0x7] =	wrdreg s25  }
0x11: {  	s7 =	sshrl.u32 s7, $0x3;
	s14 =	sadd.s32 $0x7000, s26;
	[dreg:$0xc] =	wrdreg s9  }
0x12: {  	s15 =	sadd.s32 $0x8C00, s26;
	s2 =	smax.u32 s2, $0x1;
	[dreg:$0xe] =	wrdreg s14  }
0x13: {  	s24 =	simm.s32 $0xE0;
	s25 =	simm.s32 $0x1C0;
	[dreg:$0xf] =	wrdreg s15  }
0x14: {  	s0 =	sadd.s32 s7, s0;
	s7 =	sadd.s32 $0x5A0, s8;
	[dreg:$0x17] =	wrdreg s2  }
0x15: {  	s2 =	simm.s32 $0x2140;
	s14 =	simm.s32 $0x9;
	s7 =	smov.u32 @p0 s8  }
0x16: {  	s15 =	simm.s32 $0x6;
	s8 =	sadd.s32 $0x1C00, s26;
	s11 =	smul.u32 $0xE0, s7  }
0x17: {  	s0 =	sadd.s32 $0x16600, s0;
	[dreg:$0xb] =	wrdreg s8;
	s12 =	smul.u32 $0x1C, s7  }
0x18: {  	s8 =	sadd.s32 $0x5400, s26;
	[dreg:$0x16] =	wrdreg s0;
	s26 =	simm.s32 $0x4D0  }
0x19: {  	s0 =	simm.s32 $0x2;
	[dreg:$0xd] =	wrdreg s8;
	s13 =	sshrl.u32 s11, $0x3  }
0x1a: {  	[dreg:$0x8] =	wrdreg s26;
	s6 =	sadd.s32 s1, s12;
	s9 =	sadd.s32 s1, s13  }
0x1b: {  	s26 =	simm.s32 $0x2A0;
	[dreg:$0x10] =	wrdreg s6;
	s16 =	sadd.s32 $0x1C, s9  }
0x1c: {  	s11 =	simm.s32 $0x4;
	s18 =	sadd.s32 $0x38, s9;
	[dreg:$0x11] =	wrdreg s16  }
0x1d: {  	s12 =	simm.s32 $0x8;
	s19 =	sadd.s32 $0x54, s9;
	[dreg:$0x12] =	wrdreg s18  }
0x1e: {  	s6 =	simm.s32 $0x3;
	s20 =	sadd.s32 $0x70, s9;
	[dreg:$0x13] =	wrdreg s19  }
0x1f: {  	s13 =	simm.s32 $0x5;
	s21 =	sadd.s32 $0x8C, s9;
	[dreg:$0x14] =	wrdreg s20  }
0x20: {  	s9 =	simm.s32 $0x3D40;
	[dreg:$0x15] =	wrdreg s21;
	s16 =	simm.s32 $0x0  }
.LBB2_1:
0x21: {  	[dreg:$0x18] =	wrdreg s16  }
0x22: {  	s8 =	rddreg [dreg:$0x9]  }
0x23: {  	[tilespmem:s22], [sflag:$0xA] =	stream.linear.gather [hbm4b:s8+s4], $0x1C00, $0x38;
	[tilespmem:$0xF940] =	vst v63  }
0x24: {  	_ =	swait.ge [sflag:s23], $0x1C00  }
0x25: {  	[sflag:s23] =	ssyncset.done $0x0  }
0x26: {  	[sflag:s23] =	ssyncadd.s32 $0xFFFFE400  }
0x27: {  	[spmem:s17] =	stream.linear.scatter [tilespmem:s22], [sflag:$0xA], $0x1C00, $0x38;
	[tilespmem:$0xF940] =	vst v63  }
0x28: {  	_ =	swait.ge [sflag:s23], $0x1C00  }
0x29: {  	[sflag:s23] =	ssyncset.done $0x0  }
0x2a: {  	s19 =	rddreg [dreg:$0xb];
	[sflag:s23] =	ssyncadd.s32 $0xFFFFE400  }
0x2b: {  	[spmem:s19] =	stream.linear.scatter [tilespmem:s22], [sflag:$0xA], $0x1C00, $0x38;
	[tilespmem:$0xF940] =	vst v63  }
0x2c: {  	_ =	swait.ge [sflag:s23], $0x1C00  }
0x2d: {  	[sflag:s23] =	ssyncset.done $0x0  }
0x2e: {  	s20 =	rddreg [dreg:$0xc];
	[sflag:s23] =	ssyncadd.s32 $0xFFFFE400  }
0x2f: {  	[spmem:s20] =	stream.linear.scatter [tilespmem:s22], [sflag:$0xA], $0x1C00, $0x38;
	[tilespmem:$0xF940] =	vst v63  }
0x30: {  	_ =	swait.ge [sflag:s23], $0x1C00  }
0x31: {  	[sflag:s23] =	ssyncset.done $0x0  }
0x32: {  	s21 =	rddreg [dreg:$0xd];
	[sflag:s23] =	ssyncadd.s32 $0xFFFFE400  }
0x33: {  	[spmem:s21] =	stream.linear.scatter [tilespmem:s22], [sflag:$0xA], $0x1C00, $0x38;
	[tilespmem:$0xF940] =	vst v63  }
0x34: {  	_ =	swait.ge [sflag:s23], $0x1C00  }
0x35: {  	[sflag:s23] =	ssyncset.done $0x0  }
0x36: {  	s16 =	rddreg [dreg:$0xe];
	[sflag:s23] =	ssyncadd.s32 $0xFFFFE400  }
0x37: {  	[spmem:s16] =	stream.linear.scatter [tilespmem:s22], [sflag:$0xA], $0x1C00, $0x38;
	[tilespmem:$0xF940] =	vst v63  }
0x38: {  	_ =	swait.ge [sflag:s23], $0x1C00  }
0x39: {  	[sflag:s23] =	ssyncset.done $0x0  }
0x3a: {  	s17 =	rddreg [dreg:$0xf];
	[sflag:s23] =	ssyncadd.s32 $0xFFFFE400  }
0x3b: {  	[spmem:s17] =	stream.linear.scatter [tilespmem:s22], [sflag:$0xA], $0x1400, $0x38;
	[tilespmem:$0xF940] =	vst v63  }
0x3c: {  	_ =	swait.ge [sflag:s23], $0x1400  }
0x3d: {  	[sflag:s23] =	ssyncset.done $0x0  }
0x3e: {  	[sflag:s23] =	ssyncadd.s32 $0xFFFFEC00  }
0x3f: {  	[bflag:$0x0] =	sbarrier.arrive $0xFFFF  }
0x40: {  	s18 =	rddreg [dreg:$0x10]  }
0x41: {  	[tilespmem:s4], [sflag:$0x1] =	stream.linear.gather [hbm4b:s18+s4], $0xE0, $0x38;
	[tilespmem:$0xF940] =	vst v63  }
0x42: {  	s19 =	rddreg [dreg:$0x11]  }
0x43: {  	[tilespmem:s24], [sflag:$0x2] =	stream.linear.gather [hbm4b:s19+s4], $0xE0, $0x38;
	[tilespmem:$0xF940] =	vst v63  }
0x44: {  	s20 =	rddreg [dreg:$0x12]  }
0x45: {  	[tilespmem:s25], [sflag:$0x3] =	stream.linear.gather [hbm4b:s20+s4], $0xE0, $0x38;
	[tilespmem:$0xF940] =	vst v63  }
0x46: {  	s21 =	rddreg [dreg:$0x13]  }
0x47: {  	[tilespmem:s26], [sflag:$0x4] =	stream.linear.gather [hbm4b:s21+s4], $0xE0, $0x38;
	[tilespmem:$0xF940] =	vst v63  }
0x48: {  	s16 =	rddreg [dreg:$0x14]  }
0x49: {  	[tilespmem:s28], [sflag:$0x5] =	stream.linear.gather [hbm4b:s16+s4], $0xE0, $0x38;
	[tilespmem:$0xF940] =	vst v63  }
0x4a: {  	s17 =	rddreg [dreg:$0x15]  }
0x4b: {  	[tilespmem:s29], [sflag:$0x6] =	stream.linear.gather [hbm4b:s17+s4], $0xE0, $0x38;
	[tilespmem:$0xF940] =	vst v63  }
0x4c: {  	_ =	swait.ge [sflag:s30], $0xE0  }
0x4d: {  	[sflag:s30] =	ssyncset.done $0x0  }
0x4e: {  	[sflag:s30] =	ssyncadd.s32 $0xFFFFFF20  }
0x4f: {  	[tilespmem:s22], [sflag:$0x7] =	stream.indirect.gather [hbm4b:s5+s31], $0x40, s4, s31, $0xb8;
	[tilespmem:$0xF940] =	vst v63  }
0x50: {  	_ =	swait.ge [sflag:s0], $0xE0  }
0x51: {  	[sflag:s0] =	ssyncset.done $0x0  }
0x52: {  	[sflag:s0] =	ssyncadd.s32 $0xFFFFFF20  }
0x53: {  	[tilespmem:s2], [sflag:$0x8] =	stream.indirect.gather [hbm4b:s5+s31], $0x40, s24, s31, $0xb8;
	[tilespmem:$0xF940] =	vst v63  }
0x54: {  	_ =	swait.ge [sflag:s6], $0xE0  }
0x55: {  	[sflag:s6] =	ssyncset.done $0x0  }
0x56: {  	[sflag:s6] =	ssyncadd.s32 $0xFFFFFF20  }
0x57: {  	[tilespmem:s9], [sflag:$0x9] =	stream.indirect.gather [hbm4b:s5+s31], $0x40, s25, s31, $0xb8;
	[tilespmem:$0xF940] =	vst v63  }
0x58: {  	p0 =	por $0x0, $0x0;
	s17 =	simm.s32 $0x6;
	_ =	swait.ge [sflag:s10], $0x1C00  }
0x59: {  	s17 =	simm.s32 @p0 $0x0;
	[sflag:s10] =	ssyncset.done $0x0  }
0x5a: {  	s17 =	sadd.s32 s7, s17;
	[sflag:s10] =	ssyncadd.s32 $0xFFFFE400  }
0x5b: {  	[spmem:s3] =	stream.indirect.scatter.add.f32 [tilespmem:s22], [sflag:$0xA], $0x40, s31, s31, $0xb8;
	[tilespmem:$0xF940] =	vst v63  }
0x5c: {  	s17 =	smul.u32 $0x1C, s17;
	_ =	swait.ge [sflag:s23], $0x1C00  }
0x5d: {  	[sflag:s23] =	ssyncset.done $0x0  }
0x5e: {  	s17 =	sadd.s32 s1, s17;
	[sflag:s23] =	ssyncadd.s32 $0xFFFFE400  }
0x5f: {  	[tilespmem:s4], [sflag:$0x1] =	stream.linear.gather [hbm4b:s17+s4], $0xE0, $0x38;
	[tilespmem:$0xF940] =	vst v63  }
0x60: {  	_ =	swait.ge [sflag:s11], $0xE0  }
0x61: {  	[sflag:s11] =	ssyncset.done $0x0  }
0x62: {  	[sflag:s11] =	ssyncadd.s32 $0xFFFFFF20  }
0x63: {  	[tilespmem:s22], [sflag:$0x7] =	stream.indirect.gather [hbm4b:s5+s31], $0x40, s26, s31, $0xb8;
	[tilespmem:$0xF940] =	vst v63  }
0x64: {  	s17 =	simm.s32 $0x7;
	_ =	swait.ge [sflag:s12], $0x1C00  }
0x65: {  	s17 =	simm.s32 @p0 $0x1;
	[sflag:s12] =	ssyncset.done $0x0  }
0x66: {  	s17 =	sadd.s32 s7, s17;
	s18 =	rddreg [dreg:$0x4];
	[sflag:s12] =	ssyncadd.s32 $0xFFFFE400  }
0x67: {  	[spmem:s3] =	stream.indirect.scatter.add.f32 [tilespmem:s2], [sflag:$0xA], $0x40, s18, s31, $0xb8;
	[tilespmem:$0xF940] =	vst v63  }
0x68: {  	s17 =	smul.u32 $0x1C, s17;
	_ =	swait.ge [sflag:s23], $0x1C00  }
0x69: {  	[sflag:s23] =	ssyncset.done $0x0  }
0x6a: {  	s17 =	sadd.s32 s1, s17;
	[sflag:s23] =	ssyncadd.s32 $0xFFFFE400  }
0x6b: {  	[tilespmem:s24], [sflag:$0x2] =	stream.linear.gather [hbm4b:s17+s4], $0xE0, $0x38;
	[tilespmem:$0xF940] =	vst v63  }
0x6c: {  	_ =	swait.ge [sflag:s13], $0xE0  }
0x6d: {  	[sflag:s13] =	ssyncset.done $0x0  }
0x6e: {  	[sflag:s13] =	ssyncadd.s32 $0xFFFFFF20  }
0x6f: {  	[tilespmem:s2], [sflag:$0x8] =	stream.indirect.gather [hbm4b:s5+s31], $0x40, s28, s31, $0xb8;
	[tilespmem:$0xF940] =	vst v63  }
0x70: {  	s17 =	simm.s32 $0x8;
	_ =	swait.ge [sflag:s14], $0x1C00  }
0x71: {  	s17 =	simm.s32 @p0 $0x2;
	[sflag:s14] =	ssyncset.done $0x0  }
0x72: {  	s17 =	sadd.s32 s7, s17;
	s19 =	rddreg [dreg:$0x5];
	[sflag:s14] =	ssyncadd.s32 $0xFFFFE400  }
0x73: {  	[spmem:s3] =	stream.indirect.scatter.add.f32 [tilespmem:s9], [sflag:$0xA], $0x40, s19, s31, $0xb8;
	[tilespmem:$0xF940] =	vst v63  }
0x74: {  	s17 =	smul.u32 $0x1C, s17;
	_ =	swait.ge [sflag:s23], $0x1C00  }
0x75: {  	[sflag:s23] =	ssyncset.done $0x0  }
0x76: {  	s17 =	sadd.s32 s1, s17;
	[sflag:s23] =	ssyncadd.s32 $0xFFFFE400  }
0x77: {  	[tilespmem:s25], [sflag:$0x3] =	stream.linear.gather [hbm4b:s17+s4], $0xE0, $0x38;
	[tilespmem:$0xF940] =	vst v63  }
0x78: {  	_ =	swait.ge [sflag:s15], $0xE0  }
0x79: {  	[sflag:s15] =	ssyncset.done $0x0  }
0x7a: {  	[sflag:s15] =	ssyncadd.s32 $0xFFFFFF20  }
0x7b: {  	[tilespmem:s9], [sflag:$0x9] =	stream.indirect.gather [hbm4b:s5+s31], $0x40, s29, s31, $0xb8;
	[tilespmem:$0xF940] =	vst v63  }
0x7c: {  	s17 =	simm.s32 $0x9;
	_ =	swait.ge [sflag:s10], $0x1C00  }
0x7d: {  	s17 =	simm.s32 @p0 $0x3;
	[sflag:s10] =	ssyncset.done $0x0  }
0x7e: {  	s17 =	sadd.s32 s7, s17;
	s20 =	rddreg [dreg:$0x6];
	[sflag:s10] =	ssyncadd.s32 $0xFFFFE400  }
0x7f: {  	[spmem:s3] =	stream.indirect.scatter.add.f32 [tilespmem:s22], [sflag:$0xA], $0x40, s20, s31, $0xb8;
	[tilespmem:$0xF940] =	vst v63  }
0x80: {  	s17 =	smul.u32 $0x1C, s17;
	_ =	swait.ge [sflag:s23], $0x1C00  }
0x81: {  	[sflag:s23] =	ssyncset.done $0x0  }
0x82: {  	s17 =	sadd.s32 s1, s17;
	[sflag:s23] =	ssyncadd.s32 $0xFFFFE400  }
0x83: {  	[tilespmem:s26], [sflag:$0x4] =	stream.linear.gather [hbm4b:s17+s4], $0xE0, $0x38;
	[tilespmem:$0xF940] =	vst v63  }
0x84: {  	_ =	swait.ge [sflag:s30], $0xE0  }
0x85: {  	[sflag:s30] =	ssyncset.done $0x0  }
0x86: {  	[sflag:s30] =	ssyncadd.s32 $0xFFFFFF20  }
0x87: {  	[tilespmem:s22], [sflag:$0x7] =	stream.indirect.gather [hbm4b:s5+s31], $0x40, s4, s31, $0xb8;
	[tilespmem:$0xF940] =	vst v63  }
0x88: {  	s17 =	simm.s32 $0xA;
	_ =	swait.ge [sflag:s12], $0x1C00  }
0x89: {  	s17 =	simm.s32 @p0 $0x4;
	[sflag:s12] =	ssyncset.done $0x0  }
0x8a: {  	s17 =	sadd.s32 s7, s17;
	s21 =	rddreg [dreg:$0x7];
	[sflag:s12] =	ssyncadd.s32 $0xFFFFE400  }
0x8b: {  	[spmem:s3] =	stream.indirect.scatter.add.f32 [tilespmem:s2], [sflag:$0xA], $0x40, s21, s31, $0xb8;
	[tilespmem:$0xF940] =	vst v63  }
0x8c: {  	s17 =	smul.u32 $0x1C, s17;
	_ =	swait.ge [sflag:s23], $0x1C00  }
0x8d: {  	[sflag:s23] =	ssyncset.done $0x0  }
0x8e: {  	s17 =	sadd.s32 s1, s17;
	[sflag:s23] =	ssyncadd.s32 $0xFFFFE400  }
0x8f: {  	[tilespmem:s28], [sflag:$0x5] =	stream.linear.gather [hbm4b:s17+s4], $0xE0, $0x38;
	[tilespmem:$0xF940] =	vst v63  }
0x90: {  	_ =	swait.ge [sflag:s0], $0xE0  }
0x91: {  	[sflag:s0] =	ssyncset.done $0x0  }
0x92: {  	[sflag:s0] =	ssyncadd.s32 $0xFFFFFF20  }
0x93: {  	[tilespmem:s2], [sflag:$0x8] =	stream.indirect.gather [hbm4b:s5+s31], $0x40, s24, s31, $0xb8;
	[tilespmem:$0xF940] =	vst v63  }
0x94: {  	s17 =	simm.s32 $0xB;
	_ =	swait.ge [sflag:s14], $0x1C00  }
0x95: {  	s17 =	simm.s32 @p0 $0x5;
	[sflag:s14] =	ssyncset.done $0x0  }
0x96: {  	s17 =	sadd.s32 s7, s17;
	s24 =	rddreg [dreg:$0x8];
	[sflag:s14] =	ssyncadd.s32 $0xFFFFE400  }
0x97: {  	[spmem:s3] =	stream.indirect.scatter.add.f32 [tilespmem:s9], [sflag:$0xA], $0x40, s24, s31, $0xb8;
	[tilespmem:$0xF940] =	vst v63  }
0x98: {  	s17 =	smul.u32 $0x1C, s17;
	_ =	swait.ge [sflag:s23], $0x1C00  }
0x99: {  	[sflag:s23] =	ssyncset.done $0x0  }
0x9a: {  	s18 =	simm.s32 $0x11;
	s17 =	sadd.s32 s1, s17;
	[sflag:s23] =	ssyncadd.s32 $0xFFFFE400  }
0x9b: {  	[tilespmem:s29], [sflag:$0x6] =	stream.linear.gather [hbm4b:s17+s4], $0xE0, $0x38;
	[tilespmem:$0xF940] =	vst v63  }
.LBB2_2:
0x9c: {  	_ =	swait.ge [sflag:s6], $0xE0  }
0x9d: {  	[sflag:s6] =	ssyncset.done $0x0  }
0x9e: {  	s8 =	smov.u32 s18;
	[sflag:s6] =	ssyncadd.s32 $0xFFFFFF20  }
0x9f: {  	[tilespmem:s9], [sflag:$0x9] =	stream.indirect.gather [hbm4b:s5+s31], $0x40, s25, s31, $0xb8;
	[tilespmem:$0xF940] =	vst v63  }
0xa0: {  	s16 =	sadd.s32 $0xFFFFFFFB, s8;
	p1 =	seq.s32 s8, $0x5F;
	_ =	swait.ge [sflag:s10], $0x1C00  }
0xa1: {  	s16 =	simm.s32 @p1 $0x0;
	[sflag:s10] =	ssyncset.done $0x0  }
0xa2: {  	s16 =	sadd.s32 s7, s16;
	[sflag:s10] =	ssyncadd.s32 $0xFFFFE400  }
0xa3: {  	[spmem:s3] =	stream.indirect.scatter.add.f32 [tilespmem:s22], [sflag:$0xA], $0x40, s31, s31, $0xb8;
	[tilespmem:$0xF940] =	vst v63  }
0xa4: {  	s16 =	smul.u32 $0x1C, s16;
	_ =	swait.ge [sflag:s23], $0x1C00  }
0xa5: {  	[sflag:s23] =	ssyncset.done $0x0  }
0xa6: {  	s16 =	sadd.s32 s1, s16;
	[sflag:s23] =	ssyncadd.s32 $0xFFFFE400  }
0xa7: {  	[tilespmem:s4], [sflag:$0x1] =	stream.linear.gather [hbm4b:s16+s4], $0xE0, $0x38;
	[tilespmem:$0xF940] =	vst v63  }
0xa8: {  	_ =	swait.ge [sflag:s11], $0xE0  }
0xa9: {  	s19 =	sadd.s32 $0xFFFFFFFF, s18;
	[sflag:s11] =	ssyncset.done $0x0  }
0xaa: {  	s21 =	sadd.s32 $0xFFFFFFFD, s8;
	s20 =	sadd.s32 $0xFFFFFFFE, s8;
	[sflag:s11] =	ssyncadd.s32 $0xFFFFFF20  }
0xab: {  	[tilespmem:s22], [sflag:$0x7] =	stream.indirect.gather [hbm4b:s5+s31], $0x40, s26, s31, $0xb8;
	[tilespmem:$0xF940] =	vst v63  }
0xac: {  	s24 =	smov.u32 s8;
	s8 =	sadd.s32 $0xFFFFFFFC, s8;
	_ =	swait.ge [sflag:s12], $0x1C00  }
0xad: {  	s17 =	sadd.s32 $0x6, s18;
	s8 =	simm.s32 @p1 $0x1;
	[sflag:s12] =	ssyncset.done $0x0  }
0xae: {  	s8 =	sadd.s32 s7, s8;
	s16 =	rddreg [dreg:$0x4];
	[sflag:s12] =	ssyncadd.s32 $0xFFFFE400  }
0xaf: {  	[spmem:s3] =	stream.indirect.scatter.add.f32 [tilespmem:s2], [sflag:$0xA], $0x40, s16, s31, $0xb8;
	[tilespmem:$0xF940] =	vst v63  }
0xb0: {  	s24 =	simm.s32 @p1 $0x5;
	s8 =	smul.u32 $0x1C, s8;
	_ =	swait.ge [sflag:s23], $0x1C00  }
0xb1: {  	p0 =	sne.s32 s18, $0x5F;
	s18 =	sadd.s32 s7, s24;
	[sflag:s23] =	ssyncset.done $0x0  }
0xb2: {  	s24 =	simm.s32 $0xE0;
	s8 =	sadd.s32 s1, s8;
	[sflag:s23] =	ssyncadd.s32 $0xFFFFE400  }
0xb3: {  	[tilespmem:s24], [sflag:$0x2] =	stream.linear.gather [hbm4b:s8+s4], $0xE0, $0x38;
	[tilespmem:$0xF940] =	vst v63  }
0xb4: {  	_ =	swait.ge [sflag:s13], $0xE0  }
0xb5: {  	[sflag:s13] =	ssyncset.done $0x0  }
0xb6: {  	[sflag:s13] =	ssyncadd.s32 $0xFFFFFF20  }
0xb7: {  	[tilespmem:s2], [sflag:$0x8] =	stream.indirect.gather [hbm4b:s5+s31], $0x40, s28, s31, $0xb8;
	[tilespmem:$0xF940] =	vst v63  }
0xb8: {  	_ =	swait.ge [sflag:s14], $0x1C00  }
0xb9: {  	s21 =	simm.s32 @p1 $0x2;
	[sflag:s14] =	ssyncset.done $0x0  }
0xba: {  	s16 =	sadd.s32 s7, s21;
	s21 =	rddreg [dreg:$0x5];
	[sflag:s14] =	ssyncadd.s32 $0xFFFFE400  }
0xbb: {  	[spmem:s3] =	stream.indirect.scatter.add.f32 [tilespmem:s9], [sflag:$0xA], $0x40, s21, s31, $0xb8;
	[tilespmem:$0xF940] =	vst v63  }
0xbc: {  	s8 =	smul.u32 $0x1C, s16;
	_ =	swait.ge [sflag:s23], $0x1C00  }
0xbd: {  	[sflag:s23] =	ssyncset.done $0x0  }
0xbe: {  	s8 =	sadd.s32 s1, s8;
	[sflag:s23] =	ssyncadd.s32 $0xFFFFE400  }
0xbf: {  	[tilespmem:s25], [sflag:$0x3] =	stream.linear.gather [hbm4b:s8+s4], $0xE0, $0x38;
	[tilespmem:$0xF940] =	vst v63  }
0xc0: {  	_ =	swait.ge [sflag:s15], $0xE0  }
0xc1: {  	[sflag:s15] =	ssyncset.done $0x0  }
0xc2: {  	[sflag:s15] =	ssyncadd.s32 $0xFFFFFF20  }
0xc3: {  	[tilespmem:s9], [sflag:$0x9] =	stream.indirect.gather [hbm4b:s5+s31], $0x40, s29, s31, $0xb8;
	[tilespmem:$0xF940] =	vst v63  }
0xc4: {  	_ =	swait.ge [sflag:s10], $0x1C00  }
0xc5: {  	s20 =	simm.s32 @p1 $0x3;
	[sflag:s10] =	ssyncset.done $0x0  }
0xc6: {  	s20 =	sadd.s32 s7, s20;
	s16 =	rddreg [dreg:$0x6];
	[sflag:s10] =	ssyncadd.s32 $0xFFFFE400  }
0xc7: {  	[spmem:s3] =	stream.indirect.scatter.add.f32 [tilespmem:s22], [sflag:$0xA], $0x40, s16, s31, $0xb8;
	[tilespmem:$0xF940] =	vst v63  }
0xc8: {  	s21 =	smul.u32 $0x1C, s20;
	_ =	swait.ge [sflag:s23], $0x1C00  }
0xc9: {  	[sflag:s23] =	ssyncset.done $0x0  }
0xca: {  	s16 =	sadd.s32 s1, s21;
	[sflag:s23] =	ssyncadd.s32 $0xFFFFE400  }
0xcb: {  	[tilespmem:s26], [sflag:$0x4] =	stream.linear.gather [hbm4b:s16+s4], $0xE0, $0x38;
	[tilespmem:$0xF940] =	vst v63  }
0xcc: {  	_ =	swait.ge [sflag:s30], $0xE0  }
0xcd: {  	[sflag:s30] =	ssyncset.done $0x0  }
0xce: {  	[sflag:s30] =	ssyncadd.s32 $0xFFFFFF20  }
0xcf: {  	[tilespmem:s22], [sflag:$0x7] =	stream.indirect.gather [hbm4b:s5+s31], $0x40, s4, s31, $0xb8;
	[tilespmem:$0xF940] =	vst v63  }
0xd0: {  	_ =	swait.ge [sflag:s12], $0x1C00  }
0xd1: {  	s19 =	simm.s32 @p1 $0x4;
	[sflag:s12] =	ssyncset.done $0x0  }
0xd2: {  	s19 =	sadd.s32 s7, s19;
	s20 =	rddreg [dreg:$0x7];
	[sflag:s12] =	ssyncadd.s32 $0xFFFFE400  }
0xd3: {  	[spmem:s3] =	stream.indirect.scatter.add.f32 [tilespmem:s2], [sflag:$0xA], $0x40, s20, s31, $0xb8;
	[tilespmem:$0xF940] =	vst v63  }
0xd4: {  	s21 =	smul.u32 $0x1C, s19;
	_ =	swait.ge [sflag:s23], $0x1C00  }
0xd5: {  	[sflag:s23] =	ssyncset.done $0x0  }
0xd6: {  	s16 =	sadd.s32 s1, s21;
	[sflag:s23] =	ssyncadd.s32 $0xFFFFE400  }
0xd7: {  	[tilespmem:s28], [sflag:$0x5] =	stream.linear.gather [hbm4b:s16+s4], $0xE0, $0x38;
	[tilespmem:$0xF940] =	vst v63  }
0xd8: {  	_ =	swait.ge [sflag:s0], $0xE0  }
0xd9: {  	[sflag:s0] =	ssyncset.done $0x0  }
0xda: {  	[sflag:s0] =	ssyncadd.s32 $0xFFFFFF20  }
0xdb: {  	[tilespmem:s2], [sflag:$0x8] =	stream.indirect.gather [hbm4b:s5+s31], $0x40, s24, s31, $0xb8;
	[tilespmem:$0xF940] =	vst v63  }
0xdc: {  	_ =	swait.ge [sflag:s14], $0x1C00  }
0xdd: {  	[sflag:s14] =	ssyncset.done $0x0  }
0xde: {  	s19 =	rddreg [dreg:$0x8];
	[sflag:s14] =	ssyncadd.s32 $0xFFFFE400  }
0xdf: {  	[spmem:s3] =	stream.indirect.scatter.add.f32 [tilespmem:s9], [sflag:$0xA], $0x40, s19, s31, $0xb8;
	[tilespmem:$0xF940] =	vst v63  }
.Ltmp0:
0xe0: {  	_ = 	snop;
	(pc) =	sbr.rel @p0 .LBB2_2-.Ltmp0, $4  }
0xe1: {  	s20 =	smul.u32 $0x1C, s18;
	_ =	swait.ge [sflag:s23], $0x1C00  }
0xe2: {  	[sflag:s23] =	ssyncset.done $0x0  }
0xe3: {  	s18 =	smov.u32 s17;
	s21 =	sadd.s32 s1, s20;
	[sflag:s23] =	ssyncadd.s32 $0xFFFFE400  }
0xe4: {  	[tilespmem:s29], [sflag:$0x6] =	stream.linear.gather [hbm4b:s21+s4], $0xE0, $0x38;
	[tilespmem:$0xF940] =	vst v63  }
0xe5: {  	_ =	swait.ge [sflag:s6], $0xE0  }
0xe6: {  	[sflag:s6] =	ssyncset.done $0x0  }
0xe7: {  	[sflag:s6] =	ssyncadd.s32 $0xFFFFFF20  }
0xe8: {  	[tilespmem:s9], [sflag:$0x9] =	stream.indirect.gather [hbm4b:s5+s31], $0x40, s25, s31, $0xb8;
	[tilespmem:$0xF940] =	vst v63  }
0xe9: {  	_ =	swait.ge [sflag:s10], $0x1C00  }
0xea: {  	[sflag:s10] =	ssyncset.done $0x0  }
0xeb: {  	[sflag:s10] =	ssyncadd.s32 $0xFFFFE400  }
0xec: {  	_ =	swait.ge [sflag:s12], $0x1C00  }
0xed: {  	[sflag:s12] =	ssyncset.done $0x0  }
0xee: {  	[sflag:s12] =	ssyncadd.s32 $0xFFFFE400  }
0xef: {  	_ =	swait.ge [sflag:s14], $0x1C00  }
0xf0: {  	[sflag:s14] =	ssyncset.done $0x0  }
0xf1: {  	[sflag:s14] =	ssyncadd.s32 $0xFFFFE400  }
0xf2: {  	_ =	swait.ge [sflag:s11], $0xE0  }
0xf3: {  	[sflag:s11] =	ssyncset.done $0x0  }
0xf4: {  	[sflag:s11] =	ssyncadd.s32 $0xFFFFFF20  }
0xf5: {  	_ =	swait.ge [sflag:s13], $0xE0  }
0xf6: {  	[sflag:s13] =	ssyncset.done $0x0  }
0xf7: {  	[sflag:s13] =	ssyncadd.s32 $0xFFFFFF20  }
0xf8: {  	_ =	swait.ge [sflag:s15], $0xE0  }
0xf9: {  	[sflag:s15] =	ssyncset.done $0x0  }
0xfa: {  	[sflag:s15] =	ssyncadd.s32 $0xFFFFFF20  }
0xfb: {  	s8 =	stileid.u32;
	[bflag:$0x0] =	sbarrier.arrive $0xFFFF  }
0xfc: {  	s8 =	sshll.u32 s8, $0x6;
	s17 =	rddreg [dreg:$0xa]  }
0xfd: {  	s8 =	sor.u32 $0x1C0A, s8;
	s18 =	rddreg [dreg:$0x16];
	s16 =	sshrl.u32 s17, $0x3  }
0xfe: {  	[hbm:s18], [sflag:s8] =	dma.local [spmem:s16], $0x1400  }
0xff: {  	_ =	swait.ge [sflag:s23], $0x1400  }
0x100: {  	s20 =	rddreg [dreg:$0x18]  }
0x101: {  	s21 =	rddreg [dreg:$0x17];
	s16 =	sadd.s32 $0x1, s20  }
0x102: {  	p0 =	sne.s32 s16, s21  }
.Ltmp1:
0x103: {  	_ = 	snop;
	(pc) =	sbr.rel @p0 .LBB2_1-.Ltmp1, $3  }
0x104: {  	_ =	sdelay $0x1  }
0x105: {  	[sflag:s23] =	ssyncset.done $0x0  }
0x106: {  	[sflag:s23] =	ssyncadd.s32 $0xFFFFEC00  }
0x107: {  	_ =	sfence.sel $0x180000  }
0x108: {  	[bflag:$0x0] =	sbarrier.arrive $0xFFFF  }
0x109: {  	_ =	strace $0x9000004D  }
0x10a: {  	s0 =	stileid.u32;
	[bflag:$0x2] =	sbarrier.arrive $0xFFFF  }
0x10b: {  	p0 =	sne.s32 s0, $0x0;
	s0 =	rddreg [dreg:$0x3]  }
0x10c: {  	s0 =	sadd.s32 @!p0 $0x100000, s0  }
0x10d: {  	[sflag:s0] =	ssyncadd.tile.s32 @!p0 $0x1;
	_ =	shalt  }
.Lfunc_end2:
_tile_overlayer_lowered:
.L_overlay_start_2:
0x10e: {  	(tag) =	ssettag $0x2  }
0x10f: {  	s0 =	rddreg [dreg:$0x0];
	s2 =	stileid.u32  }
0x110: {  	s1 =	rddreg [dreg:$0x1];
	p0 =	sne.s32 s2, $0x0  }
0x111: {  	s3 =	rddreg [dreg:$0x2];
	[bflag:$0x3] =	sbarrier.arrive $0xFFFF;
	s2 =	simm.s32 @!p0 $0x1C0A  }
0x112: {  	[timem:s3], [sflag:s2] =	dma.local @!p0 [hbm:s0], s1  }
0x113: {  	s0 =	simm.s32 @!p0 $0xA  }
0x114: {  	_ =	swait.ge @!p0 [sflag:s0], s1  }
0x115: {  	s1 =	ssub.s32 @!p0 $0x0, s1;
	[sflag:s0] =	ssyncset.done @!p0 $0x0  }
0x116: {  	[sflag:s0] =	ssyncadd.s32 @!p0 s1  }
0x117: {  	[bflag:$0x3] =	sbarrier.arrive $0xFFFF  }
0x118: {  	_ =	shalt  }

// kernel: kernel.9.cloned.1.call-start
scs
__scs_entry_jumppad:
0x0: {  	(pc) =	sbr.rel $0x88, $3  }
0x1: {  	(tag) =	ssettag $0x0;
	lr =	simm.s32 $0x1  }
0x2: {  	[smem:$0x3F9B] =	sst lr;
	_ =	strace $0xD0000000  }
0x3: {  	_ = 	snop  }
0x4: {  	_ = 	snop  }
0x5: {  	_ = 	snop  }
0x6: {  	_ = 	snop  }
0x7: {  	_ = 	snop  }
__scs_overlays_trampoline_lowered:
0x8: {  	[smem:$0x3FAA] =	sst s0  }
0x9: {  	[smem:$0x3FAB] =	sst s1  }
0xa: {  	[smem:$0x3FAC] =	sst s2  }
0xb: {  	[smem:$0x3FAD] =	sst s3  }
0xc: {  	[smem:$0x3FAE] =	sst s4  }
0xd: {  	[smem:$0x3FAF] =	sst s5  }
0xe: {  	[smem:$0x3FB0] =	sst s6  }
0xf: {  	[smem:$0x3FB1] =	sst s7  }
0x10: {  	[smem:$0x3FB2] =	sst s8  }
0x11: {  	[smem:$0x3FB3] =	sst s9;
	s0 =	simm.s32 @!p0 $0x0  }
0x12: {  	s1 =	sld [smem:$0x3F99];
	s0 =	simm.s32 @p0 $0x1  }
0x13: {  	[smem:$0x3FB4] =	sst s0;
	s0 =	simm.s32 @!p1 $0x0  }
0x14: {  	s2 =	sld [smem:$0x3F98];
	s0 =	simm.s32 @p1 $0x1  }
0x15: {  	[smem:$0x3FB5] =	sst s0;
	s0 =	simm.s32 @!p2 $0x0  }
0x16: {  	s3 =	sld [smem:$0x3FDB];
	s0 =	simm.s32 @p2 $0x1  }
0x17: {  	s4 =	simm.s32 $0x1BF5;
	[smem:$0x3FB7] =	sst s0  }
0x18: {  	s0 =	sld [smem:$0x3F9A];
	_ =	swait.ge [sflag:s4], $0x0  }
0x19: {  	s7 =	sld [smem:$0x3F9B]  }
0x1a: {  	s8 =	sadd.s32 $0xFFFFE003, lr  }
0x1b: {  	s9 =	sadd.s32 $0xFFFFFEF7, lr;
	s5 =	simm.s32 $0xFFFFFFFF;
	p2 =	slt.u32 s8, $0xFFFFF086  }
0x1c: {  	p1 =	slt.u32 s9, $0xF7A;
	s5 =	simm.s32 @!p2 $0x0  }
0x1d: {  	s5 =	simm.s32 @p1 $0x1;
	p0 =	seq.s32 s7, s2  }
0x1e: {  	s7 =	smul.u32 @!p0 $0xF7A, s2;
	p2 =	seq.s32 @!p0 s5, $0x0  }
0x1f: {  	s9 =	smul.u32 $0xF7A, s1;
	s8 =	simm.s32 @!p0 $0x1BF5;
	p2 =	por !p2, p0  }
0x20: {  	[sflag:s8] =	ssyncset.s32 @!p0 $0xFFFFF086;
	s6 =	sadd.s32 @!p0 s3, s7;
	s7 =	simm.s32 @!p0 $0x108  }
0x21: {  	s3 =	sadd.s32 s3, s9;
	s6 =	sadd.s32 @!p0 $0x88, s6;
	s7 =	simm.s32 @p2 $0x1082  }
0x22: {  	[simem:s7], [sflag:s8] =	dma.local @!p0 [hbm:s6], $0xF7A  }
0x23: {  	s9 =	sor.u32 $0xD0000000, s2;
	s6 =	simm.s32 $0x108;
	_ =	swait.ge @!p0 [sflag:s8], $0x0  }
0x24: {  	s3 =	sadd.s32 $0x88, s3;
	s6 =	simm.s32 @!p1 $0x1082;
	[sflag:s4] =	ssyncset.s32 $0xFFFFF086  }
0x25: {  	[simem:s6], [sflag:s4] =	dma.local [hbm:s3], $0xF7A  }
0x26: {  	[smem:$0x3F9B] =	sst s1;
	(tag) =	ssettag s2;
	_ =	strace s9  }
0x27: {  	s1 =	sld [smem:$0x3FAB]  }
0x28: {  	s2 =	sld [smem:$0x3FAC]  }
0x29: {  	s4 =	sld [smem:$0x3FAE]  }
0x2a: {  	p0 =	seq.s32 s5, $0x0;
	s5 =	sld [smem:$0x3FAF]  }
0x2b: {  	s6 =	sld [smem:$0x3FB0]  }
0x2c: {  	s7 =	sld [smem:$0x3FB1]  }
0x2d: {  	s3 =	simm.s32 $0x108;
	s8 =	sld [smem:$0x3FB2]  }
0x2e: {  	s3 =	simm.s32 @!p0 $0x1082;
	s9 =	sld [smem:$0x3FB3]  }
0x2f: {  	lr =	sadd.s32 s0, s3;
	s0 =	sld [smem:$0x3FAA]  }
0x30: {  	s3 =	sld [smem:$0x3FAD]  }
0x31: {  	[smem:$0x3FB6] =	sst s10  }
0x32: {  	s10 =	sld [smem:$0x3FB4];
	_ =	sdelay $0x3  }
0x33: {  	p0 =	seq.s32 s10, $0x1;
	s10 =	sld [smem:$0x3FB6];
	_ =	sdelay $0x3  }
0x34: {  	[smem:$0x3FB6] =	sst s10  }
0x35: {  	s10 =	sld [smem:$0x3FB5];
	_ =	sdelay $0x3  }
0x36: {  	p1 =	seq.s32 s10, $0x1;
	s10 =	sld [smem:$0x3FB6];
	_ =	sdelay $0x3  }
0x37: {  	[smem:$0x3FB6] =	sst s10  }
0x38: {  	s10 =	sld [smem:$0x3FB7]  }
0x39: {  	_ = 	snop;
	(pc) =	sbr.ind lr, $3  }
0x3a: {  	_ = 	snop  }
0x3b: {  	_ = 	snop  }
0x3c: {  	p2 =	seq.s32 s10, $0x1;
	s10 =	sld [smem:$0x3FB6]  }
0x3d: {  	_ =	shalt  }
0x3e: {  	_ =	shalt  }
0x3f: {  	_ =	shalt  }
0x40: {  	_ =	shalt  }
0x41: {  	_ =	shalt  }
0x42: {  	_ =	shalt  }
0x43: {  	_ =	shalt  }
0x44: {  	_ =	shalt  }
0x45: {  	_ =	shalt  }
0x46: {  	_ =	shalt  }
0x47: {  	_ =	shalt  }
0x48: {  	_ =	shalt  }
0x49: {  	_ =	shalt  }
0x4a: {  	_ =	shalt  }
0x4b: {  	_ =	shalt  }
0x4c: {  	_ =	shalt  }
0x4d: {  	_ =	shalt  }
0x4e: {  	_ =	shalt  }
0x4f: {  	_ =	shalt  }
0x50: {  	_ =	shalt  }
0x51: {  	_ =	shalt  }
0x52: {  	_ =	shalt  }
0x53: {  	_ =	shalt  }
0x54: {  	_ =	shalt  }
0x55: {  	_ =	shalt  }
0x56: {  	_ =	shalt  }
0x57: {  	_ =	shalt  }
0x58: {  	_ =	shalt  }
0x59: {  	_ =	shalt  }
0x5a: {  	_ =	shalt  }
0x5b: {  	_ =	shalt  }
0x5c: {  	_ =	shalt  }
0x5d: {  	_ =	shalt  }
0x5e: {  	_ =	shalt  }
0x5f: {  	_ =	shalt  }
0x60: {  	_ =	shalt  }
0x61: {  	_ =	shalt  }
0x62: {  	_ =	shalt  }
0x63: {  	_ =	shalt  }
0x64: {  	_ =	shalt  }
0x65: {  	_ =	shalt  }
0x66: {  	_ =	shalt  }
0x67: {  	_ =	shalt  }
0x68: {  	_ =	shalt  }
0x69: {  	_ =	shalt  }
0x6a: {  	_ =	shalt  }
0x6b: {  	_ =	shalt  }
0x6c: {  	_ =	shalt  }
0x6d: {  	_ =	shalt  }
0x6e: {  	_ =	shalt  }
0x6f: {  	_ =	shalt  }
0x70: {  	_ =	shalt  }
0x71: {  	_ =	shalt  }
0x72: {  	_ =	shalt  }
0x73: {  	_ =	shalt  }
0x74: {  	_ =	shalt  }
0x75: {  	_ =	shalt  }
0x76: {  	_ =	shalt  }
0x77: {  	_ =	shalt  }
0x78: {  	_ =	shalt  }
0x79: {  	_ =	shalt  }
0x7a: {  	_ =	shalt  }
0x7b: {  	_ =	shalt  }
0x7c: {  	_ =	shalt  }
0x7d: {  	_ =	shalt  }
0x7e: {  	_ =	shalt  }
0x7f: {  	_ =	shalt  }
0x80: {  	_ =	shalt  }
0x81: {  	_ =	shalt  }
0x82: {  	_ =	shalt  }
0x83: {  	_ =	shalt  }
0x84: {  	_ =	shalt  }
0x85: {  	_ =	shalt  }
0x86: {  	_ =	shalt  }
0x87: {  	_ =	shalt  }
.Lfunc_end0:
.L_simem_size_0:
called_computation_lowered:
.L_overlay_start_0:
0x88: {  	s2 =	sld [smem:$0x3FD9]  }
0x89: {  	s3 =	sld [smem:$0x3FFE];
	_ =	sdelay $0x1  }
0x8a: {  	s1 =	srdreg.scid  }
0x8b: {  	s0 =	sand.u32 $0x1, s1  }
0x8c: {  	s17 =	sshll.u32 s0, $0xA;
	s2 =	sadd.s32 s3, s2  }
0x8d: {  	s2 =	sadd.s32 s2, s17  }
0x8e: {  	[smem:$0x3FC2] =	sst s2  }
0x8f: {  	_ = 	snop  }
0x90: {  	s2 =	sld [smem:$0x3FD0];
	(tm) =	ssettm $0x1  }
0x91: {  	s18 =	sld [smem:$0x3FFB];
	_ =	sdelay $0x3  }
0x92: {  	_ =	strace s18  }
0x93: {  	s3 =	sld [smem:$0x3FFC];
	_ =	sdelay $0x3  }
0x94: {  	_ =	strace s3  }
0x95: {  	s3 =	sld [smem:$0x3FFD];
	_ =	sdelay $0x3  }
0x96: {  	_ =	strace s3  }
0x97: {  	_ =	strace $0x8FFFFFFF  }
0x98: {  	s19 =	sld [smem:$0x3FDB];
	_ =	sdelay $0x1  }
0x99: {  	s4 =	simm.s32 $_scs_section_size  }
0x9a: {  	s5 =	simm.s32 $_size__tile_overlayer_lowered;
	s6 =	simm.s32 $_tile_overlayer_lowered  }
0x9b: {  	s22 =	simm.s32 $0x1BFF;
	s21 =	sshll.u32 s6, $0x1;
	s3 =	sadd.s32 s4, s19  }
0x9c: {  	s7 =	simm.s32 $0x0;
	s20 =	sshll.u32 s5, $0x1;
	s5 =	sadd.s32 s21, s3  }
0x9d: {  	[timem:s7], [sflag:s22] =	dma.local [hbm:s5], s20  }
0x9e: {  	_ =	swait.ge [sflag:s22], s20  }
0x9f: {  	s4 =	ssub.s32 $0x0, s20;
	[sflag:s22] =	ssyncset.done $0x0  }
0xa0: {  	[sflag:s22] =	ssyncadd.s32 s4;
	_ =	sdelay $0x1  }
0xa1: {  	s23 =	simm.s32 $0x1B8B  }
0xa2: {  	_ =	swait.ge [sflag:s23], $0x1  }
0xa3: {  	[sflag:s23] =	ssyncset.done $0x0  }
0xa4: {  	s25 =	simm.s32 $0x1B8E;
	s24 =	sld [smem:$0x3FFE];
	[sflag:s23] =	ssyncadd.s32 $0xFFFFFFFF  }
0xa5: {  	s26 =	simm.s32 $execute0_lowered;
	[smem:$0x3FD2] =	sst s25  }
0xa6: {  	s5 =	sshll.u32 s26, $0x1;
	_ =	strace $0x80000046;
	[dreg:$0x1] =	wrdreg $0xFFFFFFFF  }
0xa7: {  	s28 =	simm.s32 $_size_execute0_lowered;
	s3 =	sadd.s32 s3, s5;
	[dreg:$0x0] =	wrdreg $0x0  }
0xa8: {  	s5 =	sshll.u32 s28, $0x1;
	[dreg:$0x2] =	wrdreg s3  }
0xa9: {  	[dreg:$0x3] =	wrdreg s5  }
0xaa: {  	[dreg:$0x4] =	wrdreg $0xC0  }
0xab: {  	_ =	task [dreg:s7], $0x5FFFF  }
0xac: {  	[dreg:$0x1] =	wrdreg $0xFFFFFFFF  }
0xad: {  	[dreg:$0x0] =	wrdreg $0x60  }
0xae: {  	[dreg:$0x2] =	wrdreg s2  }
0xaf: {  	[dreg:$0x3] =	wrdreg s24  }
0xb0: {  	[dreg:$0x4] =	wrdreg $0x5CC00  }
0xb1: {  	[dreg:$0x5] =	wrdreg $0x9  }
0xb2: {  	_ =	task.clear_ibuf [dreg:s7], $0x6FFFF;
	_ =	strace $0x90000046  }
0xb3: {  	s29 =	simm.s32 $0x9;
	_ =	strace $0x80000048  }
0xb4: {  	_ =	swait.ge [sflag:s29], $0x1  }
0xb5: {  	[sflag:s29] =	ssyncadd.s32 $0xFFFFFFFF  }
0xb6: {  	_ =	strace $0x90000048  }
0xb7: {  	_ =	sfence  }
0xb8: {  	s30 =	sld [smem:$0x0];
	_ =	sdelay $0x2  }
0xb9: {  	s31 =	sshll.u32 s1, $0xD;
	s1 =	sshrl.u32 s1, $0x2  }
0xba: {  	s3 =	sand.u32 $0x4000, s31;
	s1 =	sadd.s32 s1, s30  }
0xbb: {  	s0 =	sor.u32 s3, s0;
	s1 =	sshll.u32 s1, $0x11  }
0xbc: {  	s0 =	sor.u32 s1, s0  }
0xbd: {  	s0 =	sadd.s32 $0x8F2B, s0  }
0xbe: {  	[sflag:s0] =	ssyncadd.remote.s32 $0x1  }
0xbf: {  	_ =	sfence.sel $0xFFFF  }
0xc0: {  	[dreg:$0x0] =	wrdreg $0xFFFFFFFF;
	(pc) =	sbr.abs _section_cstart, $3  }
0xc1: {  	[dreg:$0x1] =	wrdreg $0xFFFFFFFF  }
0xc2: {  	_ =	task.clear_ibuf [dreg:s7], $0x2FFFF;
	_ =	strace $0x9FFFFFFF  }
0xc3: {  	(tm) =	ssettm $0x7FFFFFFF  }
tec
execute0_lowered:
.L_overlay_start_1:
0x0: {  	(tag) =	ssettag $0x1  }
0x1: {  	s6 =	rddreg [dreg:$0x0]  }
0x2: {  	s7 =	rddreg [dreg:$0x1]  }
0x3: {  	s2 =	rddreg [dreg:$0x2]  }
0x4: {  	s0 =	rddreg [dreg:$0x3]  }
0x5: {  	s4 =	srdreg.scid;
	s1 =	stileid.u32;
	s3 =	simm.s32 $0x0  }
0x6: {  	s16 =	simm.s32 $0x1;
	s17 =	simm.s32 $0x55C0;
	s18 =	simm.s32 $0x70  }
0x7: {  	s21 =	simm.s32 $0x0;
	s8 =	sand.u32 $0x1, s4;
	s9 =	smul.u32 $0x2800, s1  }
0x8: {  	[smem:$0x7FF] =	sst s3;
	s4 =	sadd.s32 $0x2400, s7;
	s12 =	smul.u32 $0xA000, s1  }
0x9: {  	s5 =	sadd.s32 $0x2200, s7;
	s19 =	sshll.u32 s1, $0x6;
	s10 =	smul.u32 $0x28000, s8  }
0xa: {  	_ =	strace $0x80000047;
	s11 =	sshll.u32 s8, $0x4;
	s8 =	ssub.s32 $0x2, s8  }
0xb: {  	s19 =	sor.u32 $0x1C01, s19;
	s11 =	sor.u32 s1, s11;
	s13 =	sshrl.u32 s8, $0x1  }
0xc: {  	s31 =	sshrl.u32 s12, $0x2;
	s10 =	sadd.s32 s9, s10;
	s11 =	smul.u32 $0x9D8, s11  }
0xd: {  	s15 =	ssub.s32 s8, s13;
	s12 =	sadd.s32 s31, s2;
	s10 =	sshrl.u32 s10, $0x3  }
0xe: {  	s8 =	sadd.s32 $0x700, s12;
	s14 =	sadd.s32 s10, s7;
	s6 =	sadd.s32 s6, s11  }
0xf: {  	s7 =	sadd.s32 s9, s2;
	s9 =	sadd.s32 $0xE00, s12;
	s10 =	sadd.s32 $0x1500, s12  }
0x10: {  	s11 =	sadd.s32 $0x1C00, s12;
	s12 =	sadd.s32 $0x2300, s12;
	s13 =	sadd.s32 $0x2600, s14  }
0x11: {  	s14 =	smax.u32 s15, $0x1;
	s15 =	simm.s32 $0x4EC0;
	s20 =	sshrl.u32 s7, $0x3  }
.LBB2_1:
0x12: {  	[tilespmem:s15], [sflag:$0x1] =	stream.linear.gather [hbm4b:s4+s3], $0x700, $0x38;
	[tilespmem:$0x84C0] =	vst v63  }
0x13: {  	_ =	swait.ge [sflag:s16], $0x700  }
0x14: {  	[sflag:s16] =	ssyncset.done $0x0  }
0x15: {  	[sflag:s16] =	ssyncadd.s32 $0xFFFFF900  }
0x16: {  	[tilespmem:s17], [sflag:$0x1] =	stream.linear.gather [hbm4b:s5+s3], $0x700, $0x38;
	[tilespmem:$0x84C0] =	vst v63  }
0x17: {  	_ =	swait.ge [sflag:s16], $0x700  }
0x18: {  	[sflag:s16] =	ssyncset.done $0x0  }
0x19: {  	[sflag:s16] =	ssyncadd.s32 $0xFFFFF900  }
0x1a: {  	[tilespmem:s3], [sflag:$0x1] =	stream.linear.gather [hbm4b:s6+s3], $0x4EC0, $0x38;
	[tilespmem:$0x84C0] =	vst v63  }
0x1b: {  	_ =	swait.ge [sflag:s16], $0x4EC0  }
0x1c: {  	[sflag:s16] =	ssyncset.done $0x0  }
0x1d: {  	[sflag:s16] =	ssyncadd.s32 $0xFFFFB140  }
0x1e: {  	[spmem:s7] =	stream.linear.scatter [tilespmem:s17], [sflag:$0x1], $0x700, $0x38;
	[tilespmem:$0x84C0] =	vst v63  }
0x1f: {  	_ =	swait.ge [sflag:s16], $0x700  }
0x20: {  	[sflag:s16] =	ssyncset.done $0x0  }
0x21: {  	[sflag:s16] =	ssyncadd.s32 $0xFFFFF900  }
0x22: {  	[spmem:s8] =	stream.linear.scatter [tilespmem:s17], [sflag:$0x1], $0x700, $0x38;
	[tilespmem:$0x84C0] =	vst v63  }
0x23: {  	_ =	swait.ge [sflag:s16], $0x700  }
0x24: {  	[sflag:s16] =	ssyncset.done $0x0  }
0x25: {  	[sflag:s16] =	ssyncadd.s32 $0xFFFFF900  }
0x26: {  	[spmem:s9] =	stream.linear.scatter [tilespmem:s17], [sflag:$0x1], $0x700, $0x38;
	[tilespmem:$0x84C0] =	vst v63  }
0x27: {  	_ =	swait.ge [sflag:s16], $0x700  }
0x28: {  	[sflag:s16] =	ssyncset.done $0x0  }
0x29: {  	[sflag:s16] =	ssyncadd.s32 $0xFFFFF900  }
0x2a: {  	[spmem:s10] =	stream.linear.scatter [tilespmem:s17], [sflag:$0x1], $0x700, $0x38;
	[tilespmem:$0x84C0] =	vst v63  }
0x2b: {  	_ =	swait.ge [sflag:s16], $0x700  }
0x2c: {  	[sflag:s16] =	ssyncset.done $0x0  }
0x2d: {  	[sflag:s16] =	ssyncadd.s32 $0xFFFFF900  }
0x2e: {  	[spmem:s11] =	stream.linear.scatter [tilespmem:s17], [sflag:$0x1], $0x700, $0x38;
	[tilespmem:$0x84C0] =	vst v63  }
0x2f: {  	_ =	swait.ge [sflag:s16], $0x700  }
0x30: {  	[sflag:s16] =	ssyncset.done $0x0  }
0x31: {  	[sflag:s16] =	ssyncadd.s32 $0xFFFFF900  }
0x32: {  	[spmem:s12] =	stream.linear.scatter [tilespmem:s17], [sflag:$0x1], $0x500, $0x38;
	[tilespmem:$0x84C0] =	vst v63  }
0x33: {  	_ =	swait.ge [sflag:s16], $0x500  }
0x34: {  	[sflag:s16] =	ssyncset.done $0x0  }
0x35: {  	[sflag:s16] =	ssyncadd.s32 $0xFFFFFB00  }
0x36: {  	s22 =	simm.s32 $0x70;
	[bflag:$0x0] =	sbarrier.arrive $0xFFFF  }
0x37: {  	[spmem:s2] =	stream.indirect.scatter.add.f32 [tilespmem:s15], [sflag:$0x1], $0x10, s22, s18, $0xb8;
	[tilespmem:$0x84C0] =	vst v63  }
0x38: {  	_ =	swait.ge [sflag:s16], $0x700  }
0x39: {  	s22 =	simm.s32 $0x540;
	[sflag:s16] =	ssyncset.done $0x0  }
.LBB2_2:
0x3a: {  	s23 =	sshra.s32 s22, $0x2;
	[sflag:s16] =	ssyncadd.s32 $0xFFFFF900;
	p0 =	sne.s32 s22, $0x13940  }
0x3b: {  	[spmem:s2] =	stream.indirect.scatter.add.f32 [tilespmem:s15], [sflag:$0x1], $0x10, s23, s18, $0xb8;
	[tilespmem:$0x84C0] =	vst v63  }
.Ltmp0:
0x3c: {  	_ = 	snop;
	(pc) =	sbr.rel @p0 .LBB2_2-.Ltmp0, $4  }
0x3d: {  	_ = 	snop  }
0x3e: {  	s22 =	sadd.s32 $0x380, s22  }
0x3f: {  	_ =	swait.ge [sflag:s16], $0x700  }
0x40: {  	[sflag:s16] =	ssyncset.done $0x0  }
0x41: {  	s21 =	sadd.s32 $0x1, s21  }
0x42: {  	[sflag:s16] =	ssyncadd.s32 $0xFFFFF900;
	p0 =	sne.s32 s21, s14  }
.Ltmp1:
0x43: {  	[bflag:$0x0] =	sbarrier.arrive $0xFFFF;
	(pc) =	sbr.rel @p0 .LBB2_1-.Ltmp1, $4  }
0x44: {  	[hbm:s13], [sflag:s19] =	dma.local [spmem:s20], $0x500  }
0x45: {  	_ =	swait.ge [sflag:s16], $0x500  }
0x46: {  	[sflag:s16] =	ssyncset.done $0x0  }
0x47: {  	[sflag:s16] =	ssyncadd.s32 $0xFFFFFB00  }
0x48: {  	_ =	sfence.sel $0x180000  }
0x49: {  	[bflag:$0x0] =	sbarrier.arrive $0xFFFF  }
0x4a: {  	p0 =	sne.s32 s1, $0x0;
	_ =	strace $0x90000047  }
0x4b: {  	s0 =	sadd.s32 @!p0 $0x100000, s0;
	[bflag:$0x2] =	sbarrier.arrive $0xFFFF  }
0x4c: {  	[sflag:s0] =	ssyncadd.tile.s32 @!p0 $0x1;
	_ =	shalt  }
.Lfunc_end2:
_tile_overlayer_lowered:
.L_overlay_start_2:
0x4d: {  	(tag) =	ssettag $0x2  }
0x4e: {  	s0 =	rddreg [dreg:$0x0];
	s2 =	stileid.u32  }
0x4f: {  	s1 =	rddreg [dreg:$0x1];
	p0 =	sne.s32 s2, $0x0  }
0x50: {  	s3 =	rddreg [dreg:$0x2];
	[bflag:$0x3] =	sbarrier.arrive $0xFFFF;
	s2 =	simm.s32 @!p0 $0x1C01  }
0x51: {  	[timem:s3], [sflag:s2] =	dma.local @!p0 [hbm:s0], s1  }
0x52: {  	s0 =	simm.s32 @!p0 $0x1  }
0x53: {  	_ =	swait.ge @!p0 [sflag:s0], s1  }
0x54: {  	s1 =	ssub.s32 @!p0 $0x0, s1;
	[sflag:s0] =	ssyncset.done @!p0 $0x0  }
0x55: {  	[sflag:s0] =	ssyncadd.s32 @!p0 s1  }
0x56: {  	[bflag:$0x3] =	sbarrier.arrive $0xFFFF  }
0x57: {  	_ =	shalt  }

</sc_bundles>
